<compile_context>
chip_gen: v7x
topology: tpu7x:2x2x1
jax: 0.10.2.dev20260603
libtpu: 0.0.44.dev20260713+nightly
codegen_flags: <defaults>
</compile_context>

<pallas_src>
import jax
import jax.numpy as jnp
from jax import lax
from jax.experimental import pallas as pl
from jax.experimental.pallas import tpu as pltpu
from jax.experimental.pallas import tpu_sc as plsc

N = 10000
E = 320000
C = 128
HC = C // 2
KS = 5
KT = KS * KS
AW = 80

NC = 2
NS = 16
EPT = E // NS
KB = 80
SBE = 4000
NBLK = SBE // KB
NSB = EPT // SBE
RPT = N // NS


def _mm_body(x_ref, wlo_ref, whi_ref, o_ref):
    ylo = jnp.dot(x_ref[...], wlo_ref[0], preferred_element_type=jnp.float32)
    yhi = jnp.dot(x_ref[...], whi_ref[0], preferred_element_type=jnp.float32)
    blo = lax.bitcast_convert_type(ylo, jnp.int32)
    bhi = lax.bitcast_convert_type(yhi, jnp.int32)
    rlo = lax.shift_right_logical(blo + 0x8000, 16)
    rhi = (bhi + 0x8000) & jnp.int32(-65536)
    o_ref[...] = (rhi | rlo)[None]


NQ = 24


def _klo(q):
    return jnp.where(q < 12, 2 * q, 2 * q - 23)


def _make_table(x, weight):
    out = pl.pallas_call(
        _mm_body,
        grid=(NQ,),
        in_specs=[
            pl.BlockSpec((N, C), lambda q: (0, 0)),
            pl.BlockSpec((1, C, C), lambda q: (_klo(q), 0, 0)),
            pl.BlockSpec((1, C, C), lambda q: (_klo(q) + 1, 0, 0)),
        ],
        out_specs=pl.BlockSpec((1, N, C), lambda q: (q, 0, 0)),
        out_shape=jax.ShapeDtypeStruct((NQ, N, C), jnp.int32),
    )(x, weight, weight)
    return out.reshape(NQ * N * 2, HC)


def _sc_body(tab, ps_t, edge_index, zrows, xrb, out_h,
             ps_v, col_v, dst_v, g_v, b_v, rows_v, msg_v, acc_v, xr_v, agg,
             gsem0, gsem1, ssem0, ssem1):
    cid = lax.axis_index("c")
    sid = lax.axis_index("s")
    base = sid * EPT

    pltpu.sync_copy(zrows, agg.at[pl.ds(sid * RPT, RPT)])
    plsc.subcore_barrier()

    lane = lax.iota(jnp.int32, 16)
    onevec = (1 - jnp.minimum(lane, 1)).astype(jnp.float32)

    def _msg_init(e, carry):
        msg_v[0, e, pl.ds(HC, 16)] = onevec
        msg_v[1, e, pl.ds(HC, 16)] = onevec
        return carry

    lax.fori_loop(0, KB, _msg_init, 0)

    def _basis(j, buf):
        off = j * KB
        for t in range(KB // 16):
            sl = pl.ds(off + t * 16, 16)
            dsl = pl.ds(t * 16, 16)
            p0 = ps_v[0, sl]
            p1 = ps_v[1, sl]
            c = col_v[sl]
            v0 = p0 * float(KS - 1)
            v1 = p1 * float(KS - 1)
            i0 = jnp.minimum(v0.astype(jnp.int32), KS - 2)
            i1 = jnp.minimum(v1.astype(jnp.int32), KS - 2)
            f0 = v0 - i0.astype(jnp.float32)
            f1 = v1 - i1.astype(jnp.float32)
            k0 = i1 * KS + i0
            k2 = k0 + KS
            par0 = k0 & 1
            j0 = lax.shift_right_logical(k0, 1)
            par2 = k2 & 1
            j2 = lax.shift_right_logical(k2, 1)
            cb = c * 2 + cid
            g_v[buf, 0, dsl] = (par0 * 12 + j0) * (2 * N) + cb
            g_v[buf, 1, dsl] = (par2 * 12 + j2) * (2 * N) + cb
            e0 = 1.0 - f0
            e1 = 1.0 - f1
            b01 = plsc.pack(e0 * e1, f0 * e1,
                            format=plsc.PackFormat.INTERLEAVED)
            b23 = plsc.pack(e0 * f1, f0 * f1,
                            format=plsc.PackFormat.INTERLEAVED)
            b_v[buf, 0, dsl] = plsc.bitcast(b01, jnp.int32)
            b_v[buf, 1, dsl] = plsc.bitcast(b23, jnp.int32)

    sems = (gsem0, gsem1)
    ssems = (ssem0, ssem1)

    def _fire(buf):
        for s in range(2):
            pltpu.async_copy(tab.at[g_v.at[buf, s]],
                             rows_v.at[buf, pl.ds(s * KB, KB)], sems[buf])

    def _wait(buf):
        for s in range(2):
            pltpu.make_async_copy(tab.at[g_v.at[buf, s]],
                                  rows_v.at[buf, pl.ds(s * KB, KB)],
                                  sems[buf]).wait()

    def _compute_block(j, buf):
        @pl.when(j >= 2)
        def _drain():
            pltpu.make_async_copy(msg_v.at[buf],
                                  agg.at[dst_v.at[pl.ds(0, KB)]],
                                  ssems[buf]).wait()

        @plsc.parallel_loop(0, KB, step=1, unroll=2)
        def _edge(e):
            zi = jnp.zeros((16,), jnp.int32)
            b01 = plsc.bitcast(zi + b_v[buf, 0, pl.ds(e, 16)][0],
                               jnp.bfloat16)
            b23 = plsc.bitcast(zi + b_v[buf, 1, pl.ds(e, 16)][0],
                               jnp.bfloat16)
            for cc in range(HC // 16):
                sl = pl.ds(cc * 16, 16)
                w0 = plsc.bitcast(rows_v[buf, e, sl], jnp.bfloat16)
                w1 = plsc.bitcast(rows_v[buf, KB + e, sl], jnp.bfloat16)
                t = w0 * b01 + w1 * b23
                lo, hi = plsc.unpack(t, format=plsc.PackFormat.INTERLEAVED)
                msg_v[buf, e, sl] = lo + hi
        pltpu.async_copy(msg_v.at[buf], agg.at[dst_v.at[pl.ds(j * KB, KB)]],
                         ssems[buf], add=True)

    def _sb_body(sb, carry):
        sb_base = base + sb * SBE
        pltpu.sync_copy(ps_t.at[:, pl.ds(sb_base, SBE)], ps_v)
        pltpu.sync_copy(edge_index.at[1, pl.ds(sb_base, SBE)], col_v)
        pltpu.sync_copy(edge_index.at[0, pl.ds(sb_base, SBE)], dst_v)

        _basis(0, 0)
        _fire(0)

        def _pair_body(m, carry2):
            j = 2 * m
            _basis(j + 1, 1)
            _fire(1)
            _wait(0)
            _compute_block(j, 0)

            @pl.when(j + 2 < NBLK)
            def _prefetch0():
                _basis(j + 2, 0)
                _fire(0)

            _wait(1)
            _compute_block(j + 1, 1)
            return carry2

        lax.fori_loop(0, NBLK // 2, _pair_body, 0)
        if NBLK % 2 == 1:
            _wait(0)
            _compute_block(NBLK - 1, 0)
        pltpu.make_async_copy(msg_v.at[0], agg.at[dst_v.at[pl.ds(0, KB)]],
                              ssems[0]).wait()
        pltpu.make_async_copy(msg_v.at[1], agg.at[dst_v.at[pl.ds(0, KB)]],
                              ssems[1]).wait()
        return carry

    lax.fori_loop(0, NSB, _sb_body, 0)

    plsc.subcore_barrier()

    CH = 125
    for q in range(RPT // CH):
        r0 = sid * RPT + q * CH
        pltpu.sync_copy(agg.at[pl.ds(r0, CH)], acc_v)
        pltpu.sync_copy(xrb.at[pl.ds(r0, CH), pl.ds(cid * HC, HC)], xr_v)

        @plsc.parallel_loop(0, CH, step=1, unroll=2)
        def _row(r):
            degs = acc_v[r, pl.ds(HC, 16)][0]
            degv = jnp.maximum(jnp.zeros((16,), jnp.float32) + degs, 1.0)
            inv = jnp.full((16,), 1.0, jnp.float32) / degv
            for cc in range(HC // 16):
                sl = pl.ds(cc * 16, 16)
                acc_v[r, sl] = acc_v[r, sl] * inv + xr_v[r, sl]

        pltpu.sync_copy(acc_v.at[:, pl.ds(0, HC)],
                        out_h.at[pl.ds(r0, CH), pl.ds(cid * HC, HC)])


def _run_sc(tab, ps_t, edge_index, zrows, xrb):
    mesh = plsc.VectorSubcoreMesh(core_axis_name="c", subcore_axis_name="s")
    f = pl.kernel(
        _sc_body,
        out_type=jax.ShapeDtypeStruct((N, C), jnp.float32),
        mesh=mesh,
        compiler_params=pltpu.CompilerParams(use_tc_tiling_on_sc=False,
                                             needs_layout_passes=False),
        scratch_types=[
            pltpu.VMEM((2, SBE), jnp.float32),
            pltpu.VMEM((SBE,), jnp.int32),
            pltpu.VMEM((SBE,), jnp.int32),
            pltpu.VMEM((2, 2, KB), jnp.int32),
            pltpu.VMEM((2, 2, KB + 16), jnp.int32),
            pltpu.VMEM((2, 2 * KB, HC), jnp.int32),
            pltpu.VMEM((2, KB, AW), jnp.float32),
            pltpu.VMEM((125, AW), jnp.float32),
            pltpu.VMEM((125, HC), jnp.float32),
            pltpu.VMEM_SHARED((N, AW), jnp.float32),
            pltpu.SemaphoreType.DMA,
            pltpu.SemaphoreType.DMA,
            pltpu.SemaphoreType.DMA,
            pltpu.SemaphoreType.DMA,
        ],
    )
    return f(tab, ps_t, edge_index, zrows, xrb)


def _xr_body(x_ref, root_ref, bias_ref, o_ref):
    o_ref[...] = (jnp.dot(x_ref[...], root_ref[...],
                          preferred_element_type=jnp.float32)
                  + bias_ref[...])


def _root_transform(x, root, bias2d):
    return pl.pallas_call(
        _xr_body,
        grid=(1,),
        in_specs=[
            pl.BlockSpec((N, C), lambda i: (0, 0)),
            pl.BlockSpec((C, C), lambda i: (0, 0)),
            pl.BlockSpec((1, C), lambda i: (0, 0)),
        ],
        out_specs=pl.BlockSpec((N, C), lambda i: (0, 0)),
        out_shape=jax.ShapeDtypeStruct((N, C), jnp.float32),
    )(x, root, bias2d)


def kernel(x, edge_index, pseudo, weight, root, bias):
    tab = _make_table(x, weight)
    zrows = jnp.zeros((RPT, AW), jnp.float32)
    xrb = _root_transform(x, root, bias.reshape(1, C))
    return _run_sc(tab, pseudo.T, edge_index, zrows, xrb)

# --- scband reference (transcript-rebuilt; emitter-appended) ---
"""Pipeline reference for scband-spline-conv-63402307223591 (READ-ONLY COPY).

The authoritative reference and input builder live on the scoring server;
editing this copy changes nothing except your own understanding.
"""

import jax, jax.numpy as jnp
import numpy as np

N = 10000
E = 320000
IN_C = 128
OUT_C = 128
DIM = 2
KS = 5
K_TOTAL = KS ** DIM
DEGREE = 1
IS_OPEN = 1


def setup_inputs(seed: int = 0) -> dict:
    key = jax.random.key(seed)
    k1, k2, k3, k4, k5, k6 = jax.random.split(key, 6)
    x = jax.random.normal(k1, (N, IN_C), dtype=jnp.float32)
    edge_index = jax.random.randint(k2, (2, E), 0, N, dtype=jnp.int32)
    pseudo = jax.random.uniform(k3, (E, DIM), dtype=jnp.float32)
    bound = 1.0 / np.sqrt(IN_C * K_TOTAL)
    weight = jax.random.uniform(k4, (K_TOTAL, IN_C, OUT_C), minval=-bound, maxval=bound, dtype=jnp.float32)
    root = jax.random.uniform(k5, (IN_C, OUT_C), minval=-bound, maxval=bound, dtype=jnp.float32)
    bias = jax.random.uniform(k6, (OUT_C,), minval=-bound, maxval=bound, dtype=jnp.float32)
    return {"x": x, "edge_index": edge_index, "pseudo": pseudo,
            "weight": weight, "root": root, "bias": bias}


def _spline_basis(pseudo):
    # Linear (degree=1) open B-spline basis, following torch-spline-conv semantics.
    ks_f = jnp.full((DIM,), float(KS), dtype=pseudo.dtype)
    is_open_f = jnp.full((DIM,), float(IS_OPEN), dtype=pseudo.dtype)
    v = pseudo * (ks_f - DEGREE * is_open_f)          # [E, DIM]
    frac = v - jnp.floor(v)                           # [E, DIM]
    vf = jnp.floor(v).astype(jnp.int32)               # [E, DIM]
    S = (DEGREE + 1) ** DIM
    # k_mod for dim d is (s // (degree+1)^d) % (degree+1); dim 0 least significant
    bits = (jnp.arange(S)[:, None] // ((DEGREE + 1) ** jnp.arange(DIM))[None, :]) % (DEGREE + 1)  # [S, DIM]
    b = jnp.prod(jnp.where(bits[None, :, :] == 1, frac[:, None, :], 1.0 - frac[:, None, :]), axis=-1)  # [E, S]
    ks_i = jnp.full((DIM,), KS, dtype=jnp.int32)
    offsets = jnp.concatenate([jnp.ones((1,), jnp.int32), jnp.cumprod(ks_i)[:-1]])  # dim 0 least significant
    wi = jnp.sum(((vf[:, None, :] + bits[None, :, :].astype(jnp.int32)) % ks_i) * offsets[None, None, :], axis=-1)  # [E, S]
    return b, wi


def reference(x, edge_index, pseudo, weight, root, bias):
    row = edge_index[0]  # target nodes (scatter destination)
    col = edge_index[1]  # source nodes (gather)
    b, wi = _spline_basis(pseudo)                      # [E,S], [E,S]
    # x_src @ W[wi] == (x @ W)[src, wi]; precompute per-node per-kernel transform
    xw = jnp.einsum('ni,kio->nko', x, weight)          # [N, K_TOTAL, OUT_C]
    S = b.shape[1]
    msg = jnp.zeros((pseudo.shape[0], OUT_C), dtype=x.dtype)
    for s in range(S):
        msg = msg + b[:, s:s + 1] * xw[col, wi[:, s]]  # gather [E, OUT_C]
    agg = jnp.zeros((N, OUT_C), dtype=x.dtype).at[row].add(msg)
    deg = jnp.zeros((N,), dtype=x.dtype).at[row].add(1.0)
    out = agg / jnp.clip(deg, 1.0, None)[:, None]      # norm=True
    out = out + x @ root + bias                        # root_weight + bias
    return out

if __name__ == "__main__":
    import jax
    _d = setup_inputs()
    print(jax.jit(kernel)(*tuple(_d.values())))

</pallas_src>

<mosaic_0001>
#map = affine_map<(d0, d1) -> (0, 0)>
module attributes {stable_mosaic.version = 14 : i64} {
  func.func @_sc_body(%arg0: i32, %arg1: i32, %arg2: memref<480000x64xi32, #tpu.memory_space<hbm>>, %arg3: memref<2x320000xf32, #tpu.memory_space<hbm>>, %arg4: memref<2x320000xi32, #tpu.memory_space<hbm>>, %arg5: memref<625x80xf32, #tpu.memory_space<hbm>>, %arg6: memref<10000x128xf32, #tpu.memory_space<hbm>>, %arg7: memref<10000x128xf32, #tpu.memory_space<hbm>>, %arg8: memref<2x4000xf32, #tpu.memory_space<vmem>>, %arg9: memref<4000xi32, #tpu.memory_space<vmem>>, %arg10: memref<4000xi32, #tpu.memory_space<vmem>>, %arg11: memref<2x2x80xi32, #tpu.memory_space<vmem>>, %arg12: memref<2x2x96xi32, #tpu.memory_space<vmem>>, %arg13: memref<2x160x64xi32, #tpu.memory_space<vmem>>, %arg14: memref<2x80x80xf32, #tpu.memory_space<vmem>>, %arg15: memref<125x80xf32, #tpu.memory_space<vmem>>, %arg16: memref<125x64xf32, #tpu.memory_space<vmem>>, %arg17: memref<10000x80xf32, #tpu.memory_space<vmem_shared>>, %arg18: memref<!tpu.dma_semaphore, #tpu.memory_space<semaphore_mem>>, %arg19: memref<!tpu.dma_semaphore, #tpu.memory_space<semaphore_mem>>, %arg20: memref<!tpu.dma_semaphore, #tpu.memory_space<semaphore_mem>>, %arg21: memref<!tpu.dma_semaphore, #tpu.memory_space<semaphore_mem>>) attributes {dimension_semantics = [#tpu.dimension_semantics<core_parallel>, #tpu.dimension_semantics<subcore_parallel>], iteration_bounds = array<i64: 2, 16>, scalar_prefetch = 0 : i64, scratch_operands = 14 : i64, tpu.core_type = #tpu.core_type<sc_vector_subcore>, window_params = [{transform_indices = #map}, {transform_indices = #map}, {transform_indices = #map}, {transform_indices = #map}, {transform_indices = #map}, {transform_indices = #map}]} {
    %mul3A = arith.constant 20000 : i32
    %mul3A_0 = arith.muli %arg1, %mul3A : i32
    %mul3A_1 = arith.constant 625 : i32
    %mul3A_2 = arith.muli %arg1, %mul3A_1 : i32
    "tpu.region"() ({
      %run_scoped3A = tpu.sem_alloc : memref<!tpu.dma_semaphore, #tpu.memory_space<semaphore_mem>>
      %dma_start3A = arith.constant 0 : i32
      %dma_start3A_72 = tpu.memref_slice %arg17[%mul3A_2, %dma_start3A] : memref<10000x80xf32, #tpu.memory_space<vmem_shared>> -> memref<625x80xf32, #tpu.memory_space<vmem_shared>>
      tpu.enqueue_dma source(%arg5 : memref<625x80xf32, #tpu.memory_space<hbm>>) target(%dma_start3A_72 : memref<625x80xf32, #tpu.memory_space<vmem_shared>>) target_semaphore(%run_scoped3A : memref<!tpu.dma_semaphore, #tpu.memory_space<semaphore_mem>>)
      %dma_wait3A = arith.constant 0 : i32
      %dma_wait3A_73 = tpu.memref_slice %arg17[%mul3A_2, %dma_wait3A] : memref<10000x80xf32, #tpu.memory_space<vmem_shared>> -> memref<625x80xf32, #tpu.memory_space<vmem_shared>>
      tpu.wait_dma2 semaphore(%run_scoped3A : memref<!tpu.dma_semaphore, #tpu.memory_space<semaphore_mem>>) src(%arg5 : memref<625x80xf32, #tpu.memory_space<hbm>>) dst(%dma_wait3A_73 : memref<625x80xf32, #tpu.memory_space<vmem_shared>>)
      tpu.yield
    }) : () -> ()
    %barrier3A = arith.constant 0 : index
    tpu.barrier barrier_id(%barrier3A)
    %iota3A = tpu.iota {dimensions = array<i32: 0>} : vector<16xi32>
    %min3A = arith.constant 1 : i32
    %min3A_3 = vector.broadcast %min3A : i32 to vector<16xi32>
    %min3A_4 = arith.minsi %iota3A, %min3A_3 : vector<16xi32>
    %sub3A = arith.constant 1 : i32
    %sub3A_5 = vector.broadcast %sub3A : i32 to vector<16xi32>
    %sub3A_6 = arith.subi %sub3A_5, %min3A_4 : vector<16xi32>
    %convert_element_type3A = arith.sitofp %sub3A_6 : vector<16xi32> to vector<16xf32>
    %scan3A = arith.constant 0 : i32
    %scan3A_7 = arith.constant 0 : i32
    %scan3A_8 = arith.constant 80 : i32
    %scan3A_9 = arith.addi %scan3A_7, %scan3A_8 : i32
    %scan3A_10 = arith.constant 1 : i32
    scf.for %scan3A_72 = %scan3A_7 to %scan3A_9 step %scan3A_10  : i32 {
      %swap3A = arith.constant 0 : i32
      %swap3A_73 = arith.index_cast %swap3A : i32 to index
      %swap3A_74 = arith.index_cast %scan3A_72 : i32 to index
      %swap3A_75 = arith.constant 64 : index
      %swap3A_76 = tpu.vector_load %arg14[%swap3A_73, %swap3A_74, %swap3A_75] {strides = array<i32>} : memref<2x80x80xf32, #tpu.memory_space<vmem>>, vector<16xf32>,
      tpu.vector_store %arg14[%swap3A_73, %swap3A_74, %swap3A_75], %convert_element_type3A {strides = array<i32>} : memref<2x80x80xf32, #tpu.memory_space<vmem>>, vector<16xf32>,
      %swap3A_77 = arith.constant 1 : i32
      %swap3A_78 = arith.index_cast %swap3A_77 : i32 to index
      %swap3A_79 = arith.index_cast %scan3A_72 : i32 to index
      %swap3A_80 = arith.constant 64 : index
      %swap3A_81 = tpu.vector_load %arg14[%swap3A_78, %swap3A_79, %swap3A_80] {strides = array<i32>} : memref<2x80x80xf32, #tpu.memory_space<vmem>>, vector<16xf32>,
      tpu.vector_store %arg14[%swap3A_78, %swap3A_79, %swap3A_80], %convert_element_type3A {strides = array<i32>} : memref<2x80x80xf32, #tpu.memory_space<vmem>>, vector<16xf32>,
    }
    %scan3A_11 = arith.constant 80 : i32
    %scan3A_12 = arith.constant 0 : i32
    %scan3A_13 = arith.constant 0 : i32
    %scan3A_14 = arith.constant 5 : i32
    %scan3A_15 = arith.addi %scan3A_13, %scan3A_14 : i32
    %scan3A_16 = arith.constant 1 : i32
    scf.for %scan3A_72 = %scan3A_13 to %scan3A_15 step %scan3A_16  : i32 {
      %mul3A_73 = arith.constant 4000 : i32
      %mul3A_74 = arith.muli %scan3A_72, %mul3A_73 : i32
      %add3A_75 = arith.addi %mul3A_0, %mul3A_74 : i32
      "tpu.region"() ({
        %run_scoped3A_651 = tpu.sem_alloc : memref<!tpu.dma_semaphore, #tpu.memory_space<semaphore_mem>>
        %dma_start3A_652 = arith.constant 0 : i32
        %dma_start3A_653 = tpu.memref_slice %arg3[%dma_start3A_652, %add3A_75] : memref<2x320000xf32, #tpu.memory_space<hbm>> -> memref<2x4000xf32, #tpu.memory_space<hbm>>
        %dma_start3A_654 = arith.constant 0 : i32
        %dma_start3A_655 = tpu.memref_slice %arg3[%dma_start3A_654, %add3A_75] : memref<2x320000xf32, #tpu.memory_space<hbm>> -> memref<2x4000xf32, #tpu.memory_space<hbm>>
        tpu.enqueue_dma source(%dma_start3A_655 : memref<2x4000xf32, #tpu.memory_space<hbm>>) target(%arg8 : memref<2x4000xf32, #tpu.memory_space<vmem>>) target_semaphore(%run_scoped3A_651 : memref<!tpu.dma_semaphore, #tpu.memory_space<semaphore_mem>>)
        %dma_wait3A_656 = arith.constant 0 : i32
        %dma_wait3A_657 = tpu.memref_slice %arg3[%dma_wait3A_656, %add3A_75] : memref<2x320000xf32, #tpu.memory_space<hbm>> -> memref<2x4000xf32, #tpu.memory_space<hbm>>
        %dma_wait3A_658 = arith.constant 0 : i32
        %dma_wait3A_659 = tpu.memref_slice %arg3[%dma_wait3A_658, %add3A_75] : memref<2x320000xf32, #tpu.memory_space<hbm>> -> memref<2x4000xf32, #tpu.memory_space<hbm>>
        tpu.wait_dma2 semaphore(%run_scoped3A_651 : memref<!tpu.dma_semaphore, #tpu.memory_space<semaphore_mem>>) src(%dma_wait3A_659 : memref<2x4000xf32, #tpu.memory_space<hbm>>) dst(%arg8 : memref<2x4000xf32, #tpu.memory_space<vmem>>)
        tpu.yield
      }) : () -> ()
      %run_scoped3A = arith.constant 1 : i32
      "tpu.region"() ({
        %run_scoped3A_651 = tpu.sem_alloc : memref<!tpu.dma_semaphore, #tpu.memory_space<semaphore_mem>>
        %dma_start3A_652 = tpu.memref_slice %arg4[%run_scoped3A, %add3A_75] : memref<2x320000xi32, #tpu.memory_space<hbm>> -> memref<1x4000xi32, #tpu.memory_space<hbm>>
        %dma_start3A_653 = tpu.memref_squeeze %dma_start3A_652 : memref<1x4000xi32, #tpu.memory_space<hbm>> -> memref<4000xi32, #tpu.memory_space<hbm>>
        %dma_start3A_654 = tpu.memref_slice %arg4[%run_scoped3A, %add3A_75] : memref<2x320000xi32, #tpu.memory_space<hbm>> -> memref<1x4000xi32, #tpu.memory_space<hbm>>
        %dma_start3A_655 = tpu.memref_squeeze %dma_start3A_654 : memref<1x4000xi32, #tpu.memory_space<hbm>> -> memref<4000xi32, #tpu.memory_space<hbm>>
        tpu.enqueue_dma source(%dma_start3A_655 : memref<4000xi32, #tpu.memory_space<hbm>>) target(%arg9 : memref<4000xi32, #tpu.memory_space<vmem>>) target_semaphore(%run_scoped3A_651 : memref<!tpu.dma_semaphore, #tpu.memory_space<semaphore_mem>>)
        %dma_wait3A_656 = tpu.memref_slice %arg4[%run_scoped3A, %add3A_75] : memref<2x320000xi32, #tpu.memory_space<hbm>> -> memref<1x4000xi32, #tpu.memory_space<hbm>>
        %dma_wait3A_657 = tpu.memref_squeeze %dma_wait3A_656 : memref<1x4000xi32, #tpu.memory_space<hbm>> -> memref<4000xi32, #tpu.memory_space<hbm>>
        %dma_wait3A_658 = tpu.memref_slice %arg4[%run_scoped3A, %add3A_75] : memref<2x320000xi32, #tpu.memory_space<hbm>> -> memref<1x4000xi32, #tpu.memory_space<hbm>>
        %dma_wait3A_659 = tpu.memref_squeeze %dma_wait3A_658 : memref<1x4000xi32, #tpu.memory_space<hbm>> -> memref<4000xi32, #tpu.memory_space<hbm>>
        tpu.wait_dma2 semaphore(%run_scoped3A_651 : memref<!tpu.dma_semaphore, #tpu.memory_space<semaphore_mem>>) src(%dma_wait3A_659 : memref<4000xi32, #tpu.memory_space<hbm>>) dst(%arg9 : memref<4000xi32, #tpu.memory_space<vmem>>)
        tpu.yield
      }) : () -> ()
      %run_scoped3A_76 = arith.constant 0 : i32
      "tpu.region"() ({
        %run_scoped3A_651 = tpu.sem_alloc : memref<!tpu.dma_semaphore, #tpu.memory_space<semaphore_mem>>
        %dma_start3A_652 = tpu.memref_slice %arg4[%run_scoped3A_76, %add3A_75] : memref<2x320000xi32, #tpu.memory_space<hbm>> -> memref<1x4000xi32, #tpu.memory_space<hbm>>
        %dma_start3A_653 = tpu.memref_squeeze %dma_start3A_652 : memref<1x4000xi32, #tpu.memory_space<hbm>> -> memref<4000xi32, #tpu.memory_space<hbm>>
        %dma_start3A_654 = tpu.memref_slice %arg4[%run_scoped3A_76, %add3A_75] : memref<2x320000xi32, #tpu.memory_space<hbm>> -> memref<1x4000xi32, #tpu.memory_space<hbm>>
        %dma_start3A_655 = tpu.memref_squeeze %dma_start3A_654 : memref<1x4000xi32, #tpu.memory_space<hbm>> -> memref<4000xi32, #tpu.memory_space<hbm>>
        tpu.enqueue_dma source(%dma_start3A_655 : memref<4000xi32, #tpu.memory_space<hbm>>) target(%arg10 : memref<4000xi32, #tpu.memory_space<vmem>>) target_semaphore(%run_scoped3A_651 : memref<!tpu.dma_semaphore, #tpu.memory_space<semaphore_mem>>)
        %dma_wait3A_656 = tpu.memref_slice %arg4[%run_scoped3A_76, %add3A_75] : memref<2x320000xi32, #tpu.memory_space<hbm>> -> memref<1x4000xi32, #tpu.memory_space<hbm>>
        %dma_wait3A_657 = tpu.memref_squeeze %dma_wait3A_656 : memref<1x4000xi32, #tpu.memory_space<hbm>> -> memref<4000xi32, #tpu.memory_space<hbm>>
        %dma_wait3A_658 = tpu.memref_slice %arg4[%run_scoped3A_76, %add3A_75] : memref<2x320000xi32, #tpu.memory_space<hbm>> -> memref<1x4000xi32, #tpu.memory_space<hbm>>
        %dma_wait3A_659 = tpu.memref_squeeze %dma_wait3A_658 : memref<1x4000xi32, #tpu.memory_space<hbm>> -> memref<4000xi32, #tpu.memory_space<hbm>>
        tpu.wait_dma2 semaphore(%run_scoped3A_651 : memref<!tpu.dma_semaphore, #tpu.memory_space<semaphore_mem>>) src(%dma_wait3A_659 : memref<4000xi32, #tpu.memory_space<hbm>>) dst(%arg10 : memref<4000xi32, #tpu.memory_space<vmem>>)
        tpu.yield
      }) : () -> ()
      %get3A = arith.constant 0 : i32
      %get3A_77 = arith.index_cast %get3A : i32 to index
      %get3A_78 = arith.constant 0 : index
      %get3A_79 = tpu.vector_load %arg8[%get3A_77, %get3A_78] {strides = array<i32>} : memref<2x4000xf32, #tpu.memory_space<vmem>>, vector<16xf32>,
      %get3A_80 = arith.constant 1 : i32
      %get3A_81 = arith.index_cast %get3A_80 : i32 to index
      %get3A_82 = arith.constant 0 : index
      %get3A_83 = tpu.vector_load %arg8[%get3A_81, %get3A_82] {strides = array<i32>} : memref<2x4000xf32, #tpu.memory_space<vmem>>, vector<16xf32>,
      %get3A_84 = arith.constant 0 : index
      %get3A_85 = tpu.vector_load %arg9[%get3A_84] {strides = array<i32>} : memref<4000xi32, #tpu.memory_space<vmem>>, vector<16xi32>,
      %mul3A_86 = arith.constant 4.000000e+00 : f32
      %mul3A_87 = vector.broadcast %mul3A_86 : f32 to vector<16xf32>
      %mul3A_88 = arith.mulf %get3A_79, %mul3A_87 : vector<16xf32>
      %mul3A_89 = arith.constant 4.000000e+00 : f32
      %mul3A_90 = vector.broadcast %mul3A_89 : f32 to vector<16xf32>
      %mul3A_91 = arith.mulf %get3A_83, %mul3A_90 : vector<16xf32>
      %convert_element_type3A_92 = arith.fptosi %mul3A_88 : vector<16xf32> to vector<16xi32>
      %min3A_93 = arith.constant 3 : i32
      %min3A_94 = vector.broadcast %min3A_93 : i32 to vector<16xi32>
      %min3A_95 = arith.minsi %convert_element_type3A_92, %min3A_94 : vector<16xi32>
      %convert_element_type3A_96 = arith.fptosi %mul3A_91 : vector<16xf32> to vector<16xi32>
      %min3A_97 = arith.constant 3 : i32
      %min3A_98 = vector.broadcast %min3A_97 : i32 to vector<16xi32>
      %min3A_99 = arith.minsi %convert_element_type3A_96, %min3A_98 : vector<16xi32>
      %convert_element_type3A_100 = arith.sitofp %min3A_95 : vector<16xi32> to vector<16xf32>
      %sub3A_101 = arith.subf %mul3A_88, %convert_element_type3A_100 : vector<16xf32>
      %convert_element_type3A_102 = arith.sitofp %min3A_99 : vector<16xi32> to vector<16xf32>
      %sub3A_103 = arith.subf %mul3A_91, %convert_element_type3A_102 : vector<16xf32>
      %mul3A_104 = arith.constant 5 : i32
      %mul3A_105 = vector.broadcast %mul3A_104 : i32 to vector<16xi32>
      %mul3A_106 = arith.muli %min3A_99, %mul3A_105 : vector<16xi32>
      %add3A_107 = arith.addi %mul3A_106, %min3A_95 : vector<16xi32>
      %add3A_108 = arith.constant 5 : i32
      %add3A_109 = vector.broadcast %add3A_108 : i32 to vector<16xi32>
      %add3A_110 = arith.addi %add3A_107, %add3A_109 : vector<16xi32>
      %and3A = arith.constant 1 : i32
      %and3A_111 = vector.broadcast %and3A : i32 to vector<16xi32>
      %and3A_112 = arith.andi %add3A_107, %and3A_111 : vector<16xi32>
      %shift_right_logical3A = arith.constant 1 : i32
      %shift_right_logical3A_113 = vector.broadcast %shift_right_logical3A : i32 to vector<16xi32>
      %shift_right_logical3A_114 = arith.shrui %add3A_107, %shift_right_logical3A_113 : vector<16xi32>
      %and3A_115 = arith.constant 1 : i32
      %and3A_116 = vector.broadcast %and3A_115 : i32 to vector<16xi32>
      %and3A_117 = arith.andi %add3A_110, %and3A_116 : vector<16xi32>
      %shift_right_logical3A_118 = arith.constant 1 : i32
      %shift_right_logical3A_119 = vector.broadcast %shift_right_logical3A_118 : i32 to vector<16xi32>
      %shift_right_logical3A_120 = arith.shrui %add3A_110, %shift_right_logical3A_119 : vector<16xi32>
      %mul3A_121 = arith.constant 2 : i32
      %mul3A_122 = vector.broadcast %mul3A_121 : i32 to vector<16xi32>
      %mul3A_123 = arith.muli %get3A_85, %mul3A_122 : vector<16xi32>
      %add3A_124 = vector.broadcast %arg0 : i32 to vector<16xi32>
      %add3A_125 = arith.addi %mul3A_123, %add3A_124 : vector<16xi32>
      %mul3A_126 = arith.constant 12 : i32
      %mul3A_127 = vector.broadcast %mul3A_126 : i32 to vector<16xi32>
      %mul3A_128 = arith.muli %and3A_112, %mul3A_127 : vector<16xi32>
      %add3A_129 = arith.addi %mul3A_128, %shift_right_logical3A_114 : vector<16xi32>
      %mul3A_130 = arith.constant 20000 : i32
      %mul3A_131 = vector.broadcast %mul3A_130 : i32 to vector<16xi32>
      %mul3A_132 = arith.muli %add3A_129, %mul3A_131 : vector<16xi32>
      %add3A_133 = arith.addi %mul3A_132, %add3A_125 : vector<16xi32>
      %swap3A = arith.constant 0 : i32
      %swap3A_134 = arith.constant 0 : i32
      %swap3A_135 = arith.index_cast %swap3A : i32 to index
      %swap3A_136 = arith.index_cast %swap3A_134 : i32 to index
      %swap3A_137 = arith.constant 0 : index
      %swap3A_138 = tpu.vector_load %arg11[%swap3A_135, %swap3A_136, %swap3A_137] {strides = array<i32>} : memref<2x2x80xi32, #tpu.memory_space<vmem>>, vector<16xi32>,
      tpu.vector_store %arg11[%swap3A_135, %swap3A_136, %swap3A_137], %add3A_133 {strides = array<i32>} : memref<2x2x80xi32, #tpu.memory_space<vmem>>, vector<16xi32>,
      %mul3A_139 = arith.constant 12 : i32
      %mul3A_140 = vector.broadcast %mul3A_139 : i32 to vector<16xi32>
      %mul3A_141 = arith.muli %and3A_117, %mul3A_140 : vector<16xi32>
      %add3A_142 = arith.addi %mul3A_141, %shift_right_logical3A_120 : vector<16xi32>
      %mul3A_143 = arith.constant 20000 : i32
      %mul3A_144 = vector.broadcast %mul3A_143 : i32 to vector<16xi32>
      %mul3A_145 = arith.muli %add3A_142, %mul3A_144 : vector<16xi32>
      %add3A_146 = arith.addi %mul3A_145, %add3A_125 : vector<16xi32>
      %swap3A_147 = arith.constant 0 : i32
      %swap3A_148 = arith.constant 1 : i32
      %swap3A_149 = arith.index_cast %swap3A_147 : i32 to index
      %swap3A_150 = arith.index_cast %swap3A_148 : i32 to index
      %swap3A_151 = arith.constant 0 : index
      %swap3A_152 = tpu.vector_load %arg11[%swap3A_149, %swap3A_150, %swap3A_151] {strides = array<i32>} : memref<2x2x80xi32, #tpu.memory_space<vmem>>, vector<16xi32>,
      tpu.vector_store %arg11[%swap3A_149, %swap3A_150, %swap3A_151], %add3A_146 {strides = array<i32>} : memref<2x2x80xi32, #tpu.memory_space<vmem>>, vector<16xi32>,
      %sub3A_153 = arith.constant 1.000000e+00 : f32
      %sub3A_154 = vector.broadcast %sub3A_153 : f32 to vector<16xf32>
      %sub3A_155 = arith.subf %sub3A_154, %sub3A_101 : vector<16xf32>
      %sub3A_156 = arith.constant 1.000000e+00 : f32
      %sub3A_157 = vector.broadcast %sub3A_156 : f32 to vector<16xf32>
      %sub3A_158 = arith.subf %sub3A_157, %sub3A_103 : vector<16xf32>
      %mul3A_159 = arith.mulf %sub3A_155, %sub3A_158 : vector<16xf32>
      %mul3A_160 = arith.mulf %sub3A_101, %sub3A_158 : vector<16xf32>
      %pack3A = tpu.pack_subelements %mul3A_159, %mul3A_160 {pack_format = #tpu.pack_format<interleaved>, positions = array<i32: 0, 1>} : vector<16xf32>, vector<16xf32> -> vector<32xbf16>
      %mul3A_161 = arith.mulf %sub3A_155, %sub3A_103 : vector<16xf32>
      %mul3A_162 = arith.mulf %sub3A_101, %sub3A_103 : vector<16xf32>
      %pack3A_163 = tpu.pack_subelements %mul3A_161, %mul3A_162 {pack_format = #tpu.pack_format<interleaved>, positions = array<i32: 0, 1>} : vector<16xf32>, vector<16xf32> -> vector<32xbf16>
      %bitcast3A = vector.bitcast %pack3A : vector<32xbf16> to vector<16xi32>
      %swap3A_164 = arith.constant 0 : i32
      %swap3A_165 = arith.constant 0 : i32
      %swap3A_166 = arith.index_cast %swap3A_164 : i32 to index
      %swap3A_167 = arith.index_cast %swap3A_165 : i32 to index
      %swap3A_168 = arith.constant 0 : index
      %swap3A_169 = tpu.vector_load %arg12[%swap3A_166, %swap3A_167, %swap3A_168] {strides = array<i32>} : memref<2x2x96xi32, #tpu.memory_space<vmem>>, vector<16xi32>,
      tpu.vector_store %arg12[%swap3A_166, %swap3A_167, %swap3A_168], %bitcast3A {strides = array<i32>} : memref<2x2x96xi32, #tpu.memory_space<vmem>>, vector<16xi32>,
      %bitcast3A_170 = vector.bitcast %pack3A_163 : vector<32xbf16> to vector<16xi32>
      %swap3A_171 = arith.constant 0 : i32
      %swap3A_172 = arith.constant 1 : i32
      %swap3A_173 = arith.index_cast %swap3A_171 : i32 to index
      %swap3A_174 = arith.index_cast %swap3A_172 : i32 to index
      %swap3A_175 = arith.constant 0 : index
      %swap3A_176 = tpu.vector_load %arg12[%swap3A_173, %swap3A_174, %swap3A_175] {strides = array<i32>} : memref<2x2x96xi32, #tpu.memory_space<vmem>>, vector<16xi32>,
      tpu.vector_store %arg12[%swap3A_173, %swap3A_174, %swap3A_175], %bitcast3A_170 {strides = array<i32>} : memref<2x2x96xi32, #tpu.memory_space<vmem>>, vector<16xi32>,
      %get3A_177 = arith.constant 0 : i32
      %get3A_178 = arith.index_cast %get3A_177 : i32 to index
      %get3A_179 = arith.constant 16 : index
      %get3A_180 = tpu.vector_load %arg8[%get3A_178, %get3A_179] {strides = array<i32>} : memref<2x4000xf32, #tpu.memory_space<vmem>>, vector<16xf32>,
      %get3A_181 = arith.constant 1 : i32
      %get3A_182 = arith.index_cast %get3A_181 : i32 to index
      %get3A_183 = arith.constant 16 : index
      %get3A_184 = tpu.vector_load %arg8[%get3A_182, %get3A_183] {strides = array<i32>} : memref<2x4000xf32, #tpu.memory_space<vmem>>, vector<16xf32>,
      %get3A_185 = arith.constant 16 : index
      %get3A_186 = tpu.vector_load %arg9[%get3A_185] {strides = array<i32>} : memref<4000xi32, #tpu.memory_space<vmem>>, vector<16xi32>,
      %mul3A_187 = arith.constant 4.000000e+00 : f32
      %mul3A_188 = vector.broadcast %mul3A_187 : f32 to vector<16xf32>
      %mul3A_189 = arith.mulf %get3A_180, %mul3A_188 : vector<16xf32>
      %mul3A_190 = arith.constant 4.000000e+00 : f32
      %mul3A_191 = vector.broadcast %mul3A_190 : f32 to vector<16xf32>
      %mul3A_192 = arith.mulf %get3A_184, %mul3A_191 : vector<16xf32>
      %convert_element_type3A_193 = arith.fptosi %mul3A_189 : vector<16xf32> to vector<16xi32>
      %min3A_194 = arith.constant 3 : i32
      %min3A_195 = vector.broadcast %min3A_194 : i32 to vector<16xi32>
      %min3A_196 = arith.minsi %convert_element_type3A_193, %min3A_195 : vector<16xi32>
      %convert_element_type3A_197 = arith.fptosi %mul3A_192 : vector<16xf32> to vector<16xi32>
      %min3A_198 = arith.constant 3 : i32
      %min3A_199 = vector.broadcast %min3A_198 : i32 to vector<16xi32>
      %min3A_200 = arith.minsi %convert_element_type3A_197, %min3A_199 : vector<16xi32>
      %convert_element_type3A_201 = arith.sitofp %min3A_196 : vector<16xi32> to vector<16xf32>
      %sub3A_202 = arith.subf %mul3A_189, %convert_element_type3A_201 : vector<16xf32>
      %convert_element_type3A_203 = arith.sitofp %min3A_200 : vector<16xi32> to vector<16xf32>
      %sub3A_204 = arith.subf %mul3A_192, %convert_element_type3A_203 : vector<16xf32>
      %mul3A_205 = arith.constant 5 : i32
      %mul3A_206 = vector.broadcast %mul3A_205 : i32 to vector<16xi32>
      %mul3A_207 = arith.muli %min3A_200, %mul3A_206 : vector<16xi32>
      %add3A_208 = arith.addi %mul3A_207, %min3A_196 : vector<16xi32>
      %add3A_209 = arith.constant 5 : i32
      %add3A_210 = vector.broadcast %add3A_209 : i32 to vector<16xi32>
      %add3A_211 = arith.addi %add3A_208, %add3A_210 : vector<16xi32>
      %and3A_212 = arith.constant 1 : i32
      %and3A_213 = vector.broadcast %and3A_212 : i32 to vector<16xi32>
      %and3A_214 = arith.andi %add3A_208, %and3A_213 : vector<16xi32>
      %shift_right_logical3A_215 = arith.constant 1 : i32
      %shift_right_logical3A_216 = vector.broadcast %shift_right_logical3A_215 : i32 to vector<16xi32>
      %shift_right_logical3A_217 = arith.shrui %add3A_208, %shift_right_logical3A_216 : vector<16xi32>
      %and3A_218 = arith.constant 1 : i32
      %and3A_219 = vector.broadcast %and3A_218 : i32 to vector<16xi32>
      %and3A_220 = arith.andi %add3A_211, %and3A_219 : vector<16xi32>
      %shift_right_logical3A_221 = arith.constant 1 : i32
      %shift_right_logical3A_222 = vector.broadcast %shift_right_logical3A_221 : i32 to vector<16xi32>
      %shift_right_logical3A_223 = arith.shrui %add3A_211, %shift_right_logical3A_222 : vector<16xi32>
      %mul3A_224 = arith.constant 2 : i32
      %mul3A_225 = vector.broadcast %mul3A_224 : i32 to vector<16xi32>
      %mul3A_226 = arith.muli %get3A_186, %mul3A_225 : vector<16xi32>
      %add3A_227 = vector.broadcast %arg0 : i32 to vector<16xi32>
      %add3A_228 = arith.addi %mul3A_226, %add3A_227 : vector<16xi32>
      %mul3A_229 = arith.constant 12 : i32
      %mul3A_230 = vector.broadcast %mul3A_229 : i32 to vector<16xi32>
      %mul3A_231 = arith.muli %and3A_214, %mul3A_230 : vector<16xi32>
      %add3A_232 = arith.addi %mul3A_231, %shift_right_logical3A_217 : vector<16xi32>
      %mul3A_233 = arith.constant 20000 : i32
      %mul3A_234 = vector.broadcast %mul3A_233 : i32 to vector<16xi32>
      %mul3A_235 = arith.muli %add3A_232, %mul3A_234 : vector<16xi32>
      %add3A_236 = arith.addi %mul3A_235, %add3A_228 : vector<16xi32>
      %swap3A_237 = arith.constant 0 : i32
      %swap3A_238 = arith.constant 0 : i32
      %swap3A_239 = arith.index_cast %swap3A_237 : i32 to index
      %swap3A_240 = arith.index_cast %swap3A_238 : i32 to index
      %swap3A_241 = arith.constant 16 : index
      %swap3A_242 = tpu.vector_load %arg11[%swap3A_239, %swap3A_240, %swap3A_241] {strides = array<i32>} : memref<2x2x80xi32, #tpu.memory_space<vmem>>, vector<16xi32>,
      tpu.vector_store %arg11[%swap3A_239, %swap3A_240, %swap3A_241], %add3A_236 {strides = array<i32>} : memref<2x2x80xi32, #tpu.memory_space<vmem>>, vector<16xi32>,
      %mul3A_243 = arith.constant 12 : i32
      %mul3A_244 = vector.broadcast %mul3A_243 : i32 to vector<16xi32>
      %mul3A_245 = arith.muli %and3A_220, %mul3A_244 : vector<16xi32>
      %add3A_246 = arith.addi %mul3A_245, %shift_right_logical3A_223 : vector<16xi32>
      %mul3A_247 = arith.constant 20000 : i32
      %mul3A_248 = vector.broadcast %mul3A_247 : i32 to vector<16xi32>
      %mul3A_249 = arith.muli %add3A_246, %mul3A_248 : vector<16xi32>
      %add3A_250 = arith.addi %mul3A_249, %add3A_228 : vector<16xi32>
      %swap3A_251 = arith.constant 0 : i32
      %swap3A_252 = arith.constant 1 : i32
      %swap3A_253 = arith.index_cast %swap3A_251 : i32 to index
      %swap3A_254 = arith.index_cast %swap3A_252 : i32 to index
      %swap3A_255 = arith.constant 16 : index
      %swap3A_256 = tpu.vector_load %arg11[%swap3A_253, %swap3A_254, %swap3A_255] {strides = array<i32>} : memref<2x2x80xi32, #tpu.memory_space<vmem>>, vector<16xi32>,
      tpu.vector_store %arg11[%swap3A_253, %swap3A_254, %swap3A_255], %add3A_250 {strides = array<i32>} : memref<2x2x80xi32, #tpu.memory_space<vmem>>, vector<16xi32>,
      %sub3A_257 = arith.constant 1.000000e+00 : f32
      %sub3A_258 = vector.broadcast %sub3A_257 : f32 to vector<16xf32>
      %sub3A_259 = arith.subf %sub3A_258, %sub3A_202 : vector<16xf32>
      %sub3A_260 = arith.constant 1.000000e+00 : f32
      %sub3A_261 = vector.broadcast %sub3A_260 : f32 to vector<16xf32>
      %sub3A_262 = arith.subf %sub3A_261, %sub3A_204 : vector<16xf32>
      %mul3A_263 = arith.mulf %sub3A_259, %sub3A_262 : vector<16xf32>
      %mul3A_264 = arith.mulf %sub3A_202, %sub3A_262 : vector<16xf32>
      %pack3A_265 = tpu.pack_subelements %mul3A_263, %mul3A_264 {pack_format = #tpu.pack_format<interleaved>, positions = array<i32: 0, 1>} : vector<16xf32>, vector<16xf32> -> vector<32xbf16>
      %mul3A_266 = arith.mulf %sub3A_259, %sub3A_204 : vector<16xf32>
      %mul3A_267 = arith.mulf %sub3A_202, %sub3A_204 : vector<16xf32>
      %pack3A_268 = tpu.pack_subelements %mul3A_266, %mul3A_267 {pack_format = #tpu.pack_format<interleaved>, positions = array<i32: 0, 1>} : vector<16xf32>, vector<16xf32> -> vector<32xbf16>
      %bitcast3A_269 = vector.bitcast %pack3A_265 : vector<32xbf16> to vector<16xi32>
      %swap3A_270 = arith.constant 0 : i32
      %swap3A_271 = arith.constant 0 : i32
      %swap3A_272 = arith.index_cast %swap3A_270 : i32 to index
      %swap3A_273 = arith.index_cast %swap3A_271 : i32 to index
      %swap3A_274 = arith.constant 16 : index
      %swap3A_275 = tpu.vector_load %arg12[%swap3A_272, %swap3A_273, %swap3A_274] {strides = array<i32>} : memref<2x2x96xi32, #tpu.memory_space<vmem>>, vector<16xi32>,
      tpu.vector_store %arg12[%swap3A_272, %swap3A_273, %swap3A_274], %bitcast3A_269 {strides = array<i32>} : memref<2x2x96xi32, #tpu.memory_space<vmem>>, vector<16xi32>,
      %bitcast3A_276 = vector.bitcast %pack3A_268 : vector<32xbf16> to vector<16xi32>
      %swap3A_277 = arith.constant 0 : i32
      %swap3A_278 = arith.constant 1 : i32
      %swap3A_279 = arith.index_cast %swap3A_277 : i32 to index
      %swap3A_280 = arith.index_cast %swap3A_278 : i32 to index
      %swap3A_281 = arith.constant 16 : index
      %swap3A_282 = tpu.vector_load %arg12[%swap3A_279, %swap3A_280, %swap3A_281] {strides = array<i32>} : memref<2x2x96xi32, #tpu.memory_space<vmem>>, vector<16xi32>,
      tpu.vector_store %arg12[%swap3A_279, %swap3A_280, %swap3A_281], %bitcast3A_276 {strides = array<i32>} : memref<2x2x96xi32, #tpu.memory_space<vmem>>, vector<16xi32>,
      %get3A_283 = arith.constant 0 : i32
      %get3A_284 = arith.index_cast %get3A_283 : i32 to index
      %get3A_285 = arith.constant 32 : index
      %get3A_286 = tpu.vector_load %arg8[%get3A_284, %get3A_285] {strides = array<i32>} : memref<2x4000xf32, #tpu.memory_space<vmem>>, vector<16xf32>,
      %get3A_287 = arith.constant 1 : i32
      %get3A_288 = arith.index_cast %get3A_287 : i32 to index
      %get3A_289 = arith.constant 32 : index
      %get3A_290 = tpu.vector_load %arg8[%get3A_288, %get3A_289] {strides = array<i32>} : memref<2x4000xf32, #tpu.memory_space<vmem>>, vector<16xf32>,
      %get3A_291 = arith.constant 32 : index
      %get3A_292 = tpu.vector_load %arg9[%get3A_291] {strides = array<i32>} : memref<4000xi32, #tpu.memory_space<vmem>>, vector<16xi32>,
      %mul3A_293 = arith.constant 4.000000e+00 : f32
      %mul3A_294 = vector.broadcast %mul3A_293 : f32 to vector<16xf32>
      %mul3A_295 = arith.mulf %get3A_286, %mul3A_294 : vector<16xf32>
      %mul3A_296 = arith.constant 4.000000e+00 : f32
      %mul3A_297 = vector.broadcast %mul3A_296 : f32 to vector<16xf32>
      %mul3A_298 = arith.mulf %get3A_290, %mul3A_297 : vector<16xf32>
      %convert_element_type3A_299 = arith.fptosi %mul3A_295 : vector<16xf32> to vector<16xi32>
      %min3A_300 = arith.constant 3 : i32
      %min3A_301 = vector.broadcast %min3A_300 : i32 to vector<16xi32>
      %min3A_302 = arith.minsi %convert_element_type3A_299, %min3A_301 : vector<16xi32>
      %convert_element_type3A_303 = arith.fptosi %mul3A_298 : vector<16xf32> to vector<16xi32>
      %min3A_304 = arith.constant 3 : i32
      %min3A_305 = vector.broadcast %min3A_304 : i32 to vector<16xi32>
      %min3A_306 = arith.minsi %convert_element_type3A_303, %min3A_305 : vector<16xi32>
      %convert_element_type3A_307 = arith.sitofp %min3A_302 : vector<16xi32> to vector<16xf32>
      %sub3A_308 = arith.subf %mul3A_295, %convert_element_type3A_307 : vector<16xf32>
      %convert_element_type3A_309 = arith.sitofp %min3A_306 : vector<16xi32> to vector<16xf32>
      %sub3A_310 = arith.subf %mul3A_298, %convert_element_type3A_309 : vector<16xf32>
      %mul3A_311 = arith.constant 5 : i32
      %mul3A_312 = vector.broadcast %mul3A_311 : i32 to vector<16xi32>
      %mul3A_313 = arith.muli %min3A_306, %mul3A_312 : vector<16xi32>
      %add3A_314 = arith.addi %mul3A_313, %min3A_302 : vector<16xi32>
      %add3A_315 = arith.constant 5 : i32
      %add3A_316 = vector.broadcast %add3A_315 : i32 to vector<16xi32>
      %add3A_317 = arith.addi %add3A_314, %add3A_316 : vector<16xi32>
      %and3A_318 = arith.constant 1 : i32
      %and3A_319 = vector.broadcast %and3A_318 : i32 to vector<16xi32>
      %and3A_320 = arith.andi %add3A_314, %and3A_319 : vector<16xi32>
      %shift_right_logical3A_321 = arith.constant 1 : i32
      %shift_right_logical3A_322 = vector.broadcast %shift_right_logical3A_321 : i32 to vector<16xi32>
      %shift_right_logical3A_323 = arith.shrui %add3A_314, %shift_right_logical3A_322 : vector<16xi32>
      %and3A_324 = arith.constant 1 : i32
      %and3A_325 = vector.broadcast %and3A_324 : i32 to vector<16xi32>
      %and3A_326 = arith.andi %add3A_317, %and3A_325 : vector<16xi32>
      %shift_right_logical3A_327 = arith.constant 1 : i32
      %shift_right_logical3A_328 = vector.broadcast %shift_right_logical3A_327 : i32 to vector<16xi32>
      %shift_right_logical3A_329 = arith.shrui %add3A_317, %shift_right_logical3A_328 : vector<16xi32>
      %mul3A_330 = arith.constant 2 : i32
      %mul3A_331 = vector.broadcast %mul3A_330 : i32 to vector<16xi32>
      %mul3A_332 = arith.muli %get3A_292, %mul3A_331 : vector<16xi32>
      %add3A_333 = vector.broadcast %arg0 : i32 to vector<16xi32>
      %add3A_334 = arith.addi %mul3A_332, %add3A_333 : vector<16xi32>
      %mul3A_335 = arith.constant 12 : i32
      %mul3A_336 = vector.broadcast %mul3A_335 : i32 to vector<16xi32>
      %mul3A_337 = arith.muli %and3A_320, %mul3A_336 : vector<16xi32>
      %add3A_338 = arith.addi %mul3A_337, %shift_right_logical3A_323 : vector<16xi32>
      %mul3A_339 = arith.constant 20000 : i32
      %mul3A_340 = vector.broadcast %mul3A_339 : i32 to vector<16xi32>
      %mul3A_341 = arith.muli %add3A_338, %mul3A_340 : vector<16xi32>
      %add3A_342 = arith.addi %mul3A_341, %add3A_334 : vector<16xi32>
      %swap3A_343 = arith.constant 0 : i32
      %swap3A_344 = arith.constant 0 : i32
      %swap3A_345 = arith.index_cast %swap3A_343 : i32 to index
      %swap3A_346 = arith.index_cast %swap3A_344 : i32 to index
      %swap3A_347 = arith.constant 32 : index
      %swap3A_348 = tpu.vector_load %arg11[%swap3A_345, %swap3A_346, %swap3A_347] {strides = array<i32>} : memref<2x2x80xi32, #tpu.memory_space<vmem>>, vector<16xi32>,
      tpu.vector_store %arg11[%swap3A_345, %swap3A_346, %swap3A_347], %add3A_342 {strides = array<i32>} : memref<2x2x80xi32, #tpu.memory_space<vmem>>, vector<16xi32>,
      %mul3A_349 = arith.constant 12 : i32
      %mul3A_350 = vector.broadcast %mul3A_349 : i32 to vector<16xi32>
      %mul3A_351 = arith.muli %and3A_326, %mul3A_350 : vector<16xi32>
      %add3A_352 = arith.addi %mul3A_351, %shift_right_logical3A_329 : vector<16xi32>
      %mul3A_353 = arith.constant 20000 : i32
      %mul3A_354 = vector.broadcast %mul3A_353 : i32 to vector<16xi32>
      %mul3A_355 = arith.muli %add3A_352, %mul3A_354 : vector<16xi32>
      %add3A_356 = arith.addi %mul3A_355, %add3A_334 : vector<16xi32>
      %swap3A_357 = arith.constant 0 : i32
      %swap3A_358 = arith.constant 1 : i32
      %swap3A_359 = arith.index_cast %swap3A_357 : i32 to index
      %swap3A_360 = arith.index_cast %swap3A_358 : i32 to index
      %swap3A_361 = arith.constant 32 : index
      %swap3A_362 = tpu.vector_load %arg11[%swap3A_359, %swap3A_360, %swap3A_361] {strides = array<i32>} : memref<2x2x80xi32, #tpu.memory_space<vmem>>, vector<16xi32>,
      tpu.vector_store %arg11[%swap3A_359, %swap3A_360, %swap3A_361], %add3A_356 {strides = array<i32>} : memref<2x2x80xi32, #tpu.memory_space<vmem>>, vector<16xi32>,
      %sub3A_363 = arith.constant 1.000000e+00 : f32
      %sub3A_364 = vector.broadcast %sub3A_363 : f32 to vector<16xf32>
      %sub3A_365 = arith.subf %sub3A_364, %sub3A_308 : vector<16xf32>
      %sub3A_366 = arith.constant 1.000000e+00 : f32
      %sub3A_367 = vector.broadcast %sub3A_366 : f32 to vector<16xf32>
      %sub3A_368 = arith.subf %sub3A_367, %sub3A_310 : vector<16xf32>
      %mul3A_369 = arith.mulf %sub3A_365, %sub3A_368 : vector<16xf32>
      %mul3A_370 = arith.mulf %sub3A_308, %sub3A_368 : vector<16xf32>
      %pack3A_371 = tpu.pack_subelements %mul3A_369, %mul3A_370 {pack_format = #tpu.pack_format<interleaved>, positions = array<i32: 0, 1>} : vector<16xf32>, vector<16xf32> -> vector<32xbf16>
      %mul3A_372 = arith.mulf %sub3A_365, %sub3A_310 : vector<16xf32>
      %mul3A_373 = arith.mulf %sub3A_308, %sub3A_310 : vector<16xf32>
      %pack3A_374 = tpu.pack_subelements %mul3A_372, %mul3A_373 {pack_format = #tpu.pack_format<interleaved>, positions = array<i32: 0, 1>} : vector<16xf32>, vector<16xf32> -> vector<32xbf16>
      %bitcast3A_375 = vector.bitcast %pack3A_371 : vector<32xbf16> to vector<16xi32>
      %swap3A_376 = arith.constant 0 : i32
      %swap3A_377 = arith.constant 0 : i32
      %swap3A_378 = arith.index_cast %swap3A_376 : i32 to index
      %swap3A_379 = arith.index_cast %swap3A_377 : i32 to index
      %swap3A_380 = arith.constant 32 : index
      %swap3A_381 = tpu.vector_load %arg12[%swap3A_378, %swap3A_379, %swap3A_380] {strides = array<i32>} : memref<2x2x96xi32, #tpu.memory_space<vmem>>, vector<16xi32>,
      tpu.vector_store %arg12[%swap3A_378, %swap3A_379, %swap3A_380], %bitcast3A_375 {strides = array<i32>} : memref<2x2x96xi32, #tpu.memory_space<vmem>>, vector<16xi32>,
      %bitcast3A_382 = vector.bitcast %pack3A_374 : vector<32xbf16> to vector<16xi32>
      %swap3A_383 = arith.constant 0 : i32
      %swap3A_384 = arith.constant 1 : i32
      %swap3A_385 = arith.index_cast %swap3A_383 : i32 to index
      %swap3A_386 = arith.index_cast %swap3A_384 : i32 to index
      %swap3A_387 = arith.constant 32 : index
      %swap3A_388 = tpu.vector_load %arg12[%swap3A_385, %swap3A_386, %swap3A_387] {strides = array<i32>} : memref<2x2x96xi32, #tpu.memory_space<vmem>>, vector<16xi32>,
      tpu.vector_store %arg12[%swap3A_385, %swap3A_386, %swap3A_387], %bitcast3A_382 {strides = array<i32>} : memref<2x2x96xi32, #tpu.memory_space<vmem>>, vector<16xi32>,
      %get3A_389 = arith.constant 0 : i32
      %get3A_390 = arith.index_cast %get3A_389 : i32 to index
      %get3A_391 = arith.constant 48 : index
      %get3A_392 = tpu.vector_load %arg8[%get3A_390, %get3A_391] {strides = array<i32>} : memref<2x4000xf32, #tpu.memory_space<vmem>>, vector<16xf32>,
      %get3A_393 = arith.constant 1 : i32
      %get3A_394 = arith.index_cast %get3A_393 : i32 to index
      %get3A_395 = arith.constant 48 : index
      %get3A_396 = tpu.vector_load %arg8[%get3A_394, %get3A_395] {strides = array<i32>} : memref<2x4000xf32, #tpu.memory_space<vmem>>, vector<16xf32>,
      %get3A_397 = arith.constant 48 : index
      %get3A_398 = tpu.vector_load %arg9[%get3A_397] {strides = array<i32>} : memref<4000xi32, #tpu.memory_space<vmem>>, vector<16xi32>,
      %mul3A_399 = arith.constant 4.000000e+00 : f32
      %mul3A_400 = vector.broadcast %mul3A_399 : f32 to vector<16xf32>
      %mul3A_401 = arith.mulf %get3A_392, %mul3A_400 : vector<16xf32>
      %mul3A_402 = arith.constant 4.000000e+00 : f32
      %mul3A_403 = vector.broadcast %mul3A_402 : f32 to vector<16xf32>
      %mul3A_404 = arith.mulf %get3A_396, %mul3A_403 : vector<16xf32>
      %convert_element_type3A_405 = arith.fptosi %mul3A_401 : vector<16xf32> to vector<16xi32>
      %min3A_406 = arith.constant 3 : i32
      %min3A_407 = vector.broadcast %min3A_406 : i32 to vector<16xi32>
      %min3A_408 = arith.minsi %convert_element_type3A_405, %min3A_407 : vector<16xi32>
      %convert_element_type3A_409 = arith.fptosi %mul3A_404 : vector<16xf32> to vector<16xi32>
      %min3A_410 = arith.constant 3 : i32
      %min3A_411 = vector.broadcast %min3A_410 : i32 to vector<16xi32>
      %min3A_412 = arith.minsi %convert_element_type3A_409, %min3A_411 : vector<16xi32>
      %convert_element_type3A_413 = arith.sitofp %min3A_408 : vector<16xi32> to vector<16xf32>
      %sub3A_414 = arith.subf %mul3A_401, %convert_element_type3A_413 : vector<16xf32>
      %convert_element_type3A_415 = arith.sitofp %min3A_412 : vector<16xi32> to vector<16xf32>
      %sub3A_416 = arith.subf %mul3A_404, %convert_element_type3A_415 : vector<16xf32>
      %mul3A_417 = arith.constant 5 : i32
      %mul3A_418 = vector.broadcast %mul3A_417 : i32 to vector<16xi32>
      %mul3A_419 = arith.muli %min3A_412, %mul3A_418 : vector<16xi32>
      %add3A_420 = arith.addi %mul3A_419, %min3A_408 : vector<16xi32>
      %add3A_421 = arith.constant 5 : i32
      %add3A_422 = vector.broadcast %add3A_421 : i32 to vector<16xi32>
      %add3A_423 = arith.addi %add3A_420, %add3A_422 : vector<16xi32>
      %and3A_424 = arith.constant 1 : i32
      %and3A_425 = vector.broadcast %and3A_424 : i32 to vector<16xi32>
      %and3A_426 = arith.andi %add3A_420, %and3A_425 : vector<16xi32>
      %shift_right_logical3A_427 = arith.constant 1 : i32
      %shift_right_logical3A_428 = vector.broadcast %shift_right_logical3A_427 : i32 to vector<16xi32>
      %shift_right_logical3A_429 = arith.shrui %add3A_420, %shift_right_logical3A_428 : vector<16xi32>
      %and3A_430 = arith.constant 1 : i32
      %and3A_431 = vector.broadcast %and3A_430 : i32 to vector<16xi32>
      %and3A_432 = arith.andi %add3A_423, %and3A_431 : vector<16xi32>
      %shift_right_logical3A_433 = arith.constant 1 : i32
      %shift_right_logical3A_434 = vector.broadcast %shift_right_logical3A_433 : i32 to vector<16xi32>
      %shift_right_logical3A_435 = arith.shrui %add3A_423, %shift_right_logical3A_434 : vector<16xi32>
      %mul3A_436 = arith.constant 2 : i32
      %mul3A_437 = vector.broadcast %mul3A_436 : i32 to vector<16xi32>
      %mul3A_438 = arith.muli %get3A_398, %mul3A_437 : vector<16xi32>
      %add3A_439 = vector.broadcast %arg0 : i32 to vector<16xi32>
      %add3A_440 = arith.addi %mul3A_438, %add3A_439 : vector<16xi32>
      %mul3A_441 = arith.constant 12 : i32
      %mul3A_442 = vector.broadcast %mul3A_441 : i32 to vector<16xi32>
      %mul3A_443 = arith.muli %and3A_426, %mul3A_442 : vector<16xi32>
      %add3A_444 = arith.addi %mul3A_443, %shift_right_logical3A_429 : vector<16xi32>
      %mul3A_445 = arith.constant 20000 : i32
      %mul3A_446 = vector.broadcast %mul3A_445 : i32 to vector<16xi32>
      %mul3A_447 = arith.muli %add3A_444, %mul3A_446 : vector<16xi32>
      %add3A_448 = arith.addi %mul3A_447, %add3A_440 : vector<16xi32>
      %swap3A_449 = arith.constant 0 : i32
      %swap3A_450 = arith.constant 0 : i32
      %swap3A_451 = arith.index_cast %swap3A_449 : i32 to index
      %swap3A_452 = arith.index_cast %swap3A_450 : i32 to index
      %swap3A_453 = arith.constant 48 : index
      %swap3A_454 = tpu.vector_load %arg11[%swap3A_451, %swap3A_452, %swap3A_453] {strides = array<i32>} : memref<2x2x80xi32, #tpu.memory_space<vmem>>, vector<16xi32>,
      tpu.vector_store %arg11[%swap3A_451, %swap3A_452, %swap3A_453], %add3A_448 {strides = array<i32>} : memref<2x2x80xi32, #tpu.memory_space<vmem>>, vector<16xi32>,
      %mul3A_455 = arith.constant 12 : i32
      %mul3A_456 = vector.broadcast %mul3A_455 : i32 to vector<16xi32>
      %mul3A_457 = arith.muli %and3A_432, %mul3A_456 : vector<16xi32>
      %add3A_458 = arith.addi %mul3A_457, %shift_right_logical3A_435 : vector<16xi32>
      %mul3A_459 = arith.constant 20000 : i32
      %mul3A_460 = vector.broadcast %mul3A_459 : i32 to vector<16xi32>
      %mul3A_461 = arith.muli %add3A_458, %mul3A_460 : vector<16xi32>
      %add3A_462 = arith.addi %mul3A_461, %add3A_440 : vector<16xi32>
      %swap3A_463 = arith.constant 0 : i32
      %swap3A_464 = arith.constant 1 : i32
      %swap3A_465 = arith.index_cast %swap3A_463 : i32 to index
      %swap3A_466 = arith.index_cast %swap3A_464 : i32 to index
      %swap3A_467 = arith.constant 48 : index
      %swap3A_468 = tpu.vector_load %arg11[%swap3A_465, %swap3A_466, %swap3A_467] {strides = array<i32>} : memref<2x2x80xi32, #tpu.memory_space<vmem>>, vector<16xi32>,
      tpu.vector_store %arg11[%swap3A_465, %swap3A_466, %swap3A_467], %add3A_462 {strides = array<i32>} : memref<2x2x80xi32, #tpu.memory_space<vmem>>, vector<16xi32>,
      %sub3A_469 = arith.constant 1.000000e+00 : f32
      %sub3A_470 = vector.broadcast %sub3A_469 : f32 to vector<16xf32>
      %sub3A_471 = arith.subf %sub3A_470, %sub3A_414 : vector<16xf32>
      %sub3A_472 = arith.constant 1.000000e+00 : f32
      %sub3A_473 = vector.broadcast %sub3A_472 : f32 to vector<16xf32>
      %sub3A_474 = arith.subf %sub3A_473, %sub3A_416 : vector<16xf32>
      %mul3A_475 = arith.mulf %sub3A_471, %sub3A_474 : vector<16xf32>
      %mul3A_476 = arith.mulf %sub3A_414, %sub3A_474 : vector<16xf32>
      %pack3A_477 = tpu.pack_subelements %mul3A_475, %mul3A_476 {pack_format = #tpu.pack_format<interleaved>, positions = array<i32: 0, 1>} : vector<16xf32>, vector<16xf32> -> vector<32xbf16>
      %mul3A_478 = arith.mulf %sub3A_471, %sub3A_416 : vector<16xf32>
      %mul3A_479 = arith.mulf %sub3A_414, %sub3A_416 : vector<16xf32>
      %pack3A_480 = tpu.pack_subelements %mul3A_478, %mul3A_479 {pack_format = #tpu.pack_format<interleaved>, positions = array<i32: 0, 1>} : vector<16xf32>, vector<16xf32> -> vector<32xbf16>
      %bitcast3A_481 = vector.bitcast %pack3A_477 : vector<32xbf16> to vector<16xi32>
      %swap3A_482 = arith.constant 0 : i32
      %swap3A_483 = arith.constant 0 : i32
      %swap3A_484 = arith.index_cast %swap3A_482 : i32 to index
      %swap3A_485 = arith.index_cast %swap3A_483 : i32 to index
      %swap3A_486 = arith.constant 48 : index
      %swap3A_487 = tpu.vector_load %arg12[%swap3A_484, %swap3A_485, %swap3A_486] {strides = array<i32>} : memref<2x2x96xi32, #tpu.memory_space<vmem>>, vector<16xi32>,
      tpu.vector_store %arg12[%swap3A_484, %swap3A_485, %swap3A_486], %bitcast3A_481 {strides = array<i32>} : memref<2x2x96xi32, #tpu.memory_space<vmem>>, vector<16xi32>,
      %bitcast3A_488 = vector.bitcast %pack3A_480 : vector<32xbf16> to vector<16xi32>
      %swap3A_489 = arith.constant 0 : i32
      %swap3A_490 = arith.constant 1 : i32
      %swap3A_491 = arith.index_cast %swap3A_489 : i32 to index
      %swap3A_492 = arith.index_cast %swap3A_490 : i32 to index
      %swap3A_493 = arith.constant 48 : index
      %swap3A_494 = tpu.vector_load %arg12[%swap3A_491, %swap3A_492, %swap3A_493] {strides = array<i32>} : memref<2x2x96xi32, #tpu.memory_space<vmem>>, vector<16xi32>,
      tpu.vector_store %arg12[%swap3A_491, %swap3A_492, %swap3A_493], %bitcast3A_488 {strides = array<i32>} : memref<2x2x96xi32, #tpu.memory_space<vmem>>, vector<16xi32>,
      %get3A_495 = arith.constant 0 : i32
      %get3A_496 = arith.index_cast %get3A_495 : i32 to index
      %get3A_497 = arith.constant 64 : index
      %get3A_498 = tpu.vector_load %arg8[%get3A_496, %get3A_497] {strides = array<i32>} : memref<2x4000xf32, #tpu.memory_space<vmem>>, vector<16xf32>,
      %get3A_499 = arith.constant 1 : i32
      %get3A_500 = arith.index_cast %get3A_499 : i32 to index
      %get3A_501 = arith.constant 64 : index
      %get3A_502 = tpu.vector_load %arg8[%get3A_500, %get3A_501] {strides = array<i32>} : memref<2x4000xf32, #tpu.memory_space<vmem>>, vector<16xf32>,
      %get3A_503 = arith.constant 64 : index
      %get3A_504 = tpu.vector_load %arg9[%get3A_503] {strides = array<i32>} : memref<4000xi32, #tpu.memory_space<vmem>>, vector<16xi32>,
      %mul3A_505 = arith.constant 4.000000e+00 : f32
      %mul3A_506 = vector.broadcast %mul3A_505 : f32 to vector<16xf32>
      %mul3A_507 = arith.mulf %get3A_498, %mul3A_506 : vector<16xf32>
      %mul3A_508 = arith.constant 4.000000e+00 : f32
      %mul3A_509 = vector.broadcast %mul3A_508 : f32 to vector<16xf32>
      %mul3A_510 = arith.mulf %get3A_502, %mul3A_509 : vector<16xf32>
      %convert_element_type3A_511 = arith.fptosi %mul3A_507 : vector<16xf32> to vector<16xi32>
      %min3A_512 = arith.constant 3 : i32
      %min3A_513 = vector.broadcast %min3A_512 : i32 to vector<16xi32>
      %min3A_514 = arith.minsi %convert_element_type3A_511, %min3A_513 : vector<16xi32>
      %convert_element_type3A_515 = arith.fptosi %mul3A_510 : vector<16xf32> to vector<16xi32>
      %min3A_516 = arith.constant 3 : i32
      %min3A_517 = vector.broadcast %min3A_516 : i32 to vector<16xi32>
      %min3A_518 = arith.minsi %convert_element_type3A_515, %min3A_517 : vector<16xi32>
      %convert_element_type3A_519 = arith.sitofp %min3A_514 : vector<16xi32> to vector<16xf32>
      %sub3A_520 = arith.subf %mul3A_507, %convert_element_type3A_519 : vector<16xf32>
      %convert_element_type3A_521 = arith.sitofp %min3A_518 : vector<16xi32> to vector<16xf32>
      %sub3A_522 = arith.subf %mul3A_510, %convert_element_type3A_521 : vector<16xf32>
      %mul3A_523 = arith.constant 5 : i32
      %mul3A_524 = vector.broadcast %mul3A_523 : i32 to vector<16xi32>
      %mul3A_525 = arith.muli %min3A_518, %mul3A_524 : vector<16xi32>
      %add3A_526 = arith.addi %mul3A_525, %min3A_514 : vector<16xi32>
      %add3A_527 = arith.constant 5 : i32
      %add3A_528 = vector.broadcast %add3A_527 : i32 to vector<16xi32>
      %add3A_529 = arith.addi %add3A_526, %add3A_528 : vector<16xi32>
      %and3A_530 = arith.constant 1 : i32
      %and3A_531 = vector.broadcast %and3A_530 : i32 to vector<16xi32>
      %and3A_532 = arith.andi %add3A_526, %and3A_531 : vector<16xi32>
      %shift_right_logical3A_533 = arith.constant 1 : i32
      %shift_right_logical3A_534 = vector.broadcast %shift_right_logical3A_533 : i32 to vector<16xi32>
      %shift_right_logical3A_535 = arith.shrui %add3A_526, %shift_right_logical3A_534 : vector<16xi32>
      %and3A_536 = arith.constant 1 : i32
      %and3A_537 = vector.broadcast %and3A_536 : i32 to vector<16xi32>
      %and3A_538 = arith.andi %add3A_529, %and3A_537 : vector<16xi32>
      %shift_right_logical3A_539 = arith.constant 1 : i32
      %shift_right_logical3A_540 = vector.broadcast %shift_right_logical3A_539 : i32 to vector<16xi32>
      %shift_right_logical3A_541 = arith.shrui %add3A_529, %shift_right_logical3A_540 : vector<16xi32>
      %mul3A_542 = arith.constant 2 : i32
      %mul3A_543 = vector.broadcast %mul3A_542 : i32 to vector<16xi32>
      %mul3A_544 = arith.muli %get3A_504, %mul3A_543 : vector<16xi32>
      %add3A_545 = vector.broadcast %arg0 : i32 to vector<16xi32>
      %add3A_546 = arith.addi %mul3A_544, %add3A_545 : vector<16xi32>
      %mul3A_547 = arith.constant 12 : i32
      %mul3A_548 = vector.broadcast %mul3A_547 : i32 to vector<16xi32>
      %mul3A_549 = arith.muli %and3A_532, %mul3A_548 : vector<16xi32>
      %add3A_550 = arith.addi %mul3A_549, %shift_right_logical3A_535 : vector<16xi32>
      %mul3A_551 = arith.constant 20000 : i32
      %mul3A_552 = vector.broadcast %mul3A_551 : i32 to vector<16xi32>
      %mul3A_553 = arith.muli %add3A_550, %mul3A_552 : vector<16xi32>
      %add3A_554 = arith.addi %mul3A_553, %add3A_546 : vector<16xi32>
      %swap3A_555 = arith.constant 0 : i32
      %swap3A_556 = arith.constant 0 : i32
      %swap3A_557 = arith.index_cast %swap3A_555 : i32 to index
      %swap3A_558 = arith.index_cast %swap3A_556 : i32 to index
      %swap3A_559 = arith.constant 64 : index
      %swap3A_560 = tpu.vector_load %arg11[%swap3A_557, %swap3A_558, %swap3A_559] {strides = array<i32>} : memref<2x2x80xi32, #tpu.memory_space<vmem>>, vector<16xi32>,
      tpu.vector_store %arg11[%swap3A_557, %swap3A_558, %swap3A_559], %add3A_554 {strides = array<i32>} : memref<2x2x80xi32, #tpu.memory_space<vmem>>, vector<16xi32>,
      %mul3A_561 = arith.constant 12 : i32
      %mul3A_562 = vector.broadcast %mul3A_561 : i32 to vector<16xi32>
      %mul3A_563 = arith.muli %and3A_538, %mul3A_562 : vector<16xi32>
      %add3A_564 = arith.addi %mul3A_563, %shift_right_logical3A_541 : vector<16xi32>
      %mul3A_565 = arith.constant 20000 : i32
      %mul3A_566 = vector.broadcast %mul3A_565 : i32 to vector<16xi32>
      %mul3A_567 = arith.muli %add3A_564, %mul3A_566 : vector<16xi32>
      %add3A_568 = arith.addi %mul3A_567, %add3A_546 : vector<16xi32>
      %swap3A_569 = arith.constant 0 : i32
      %swap3A_570 = arith.constant 1 : i32
      %swap3A_571 = arith.index_cast %swap3A_569 : i32 to index
      %swap3A_572 = arith.index_cast %swap3A_570 : i32 to index
      %swap3A_573 = arith.constant 64 : index
      %swap3A_574 = tpu.vector_load %arg11[%swap3A_571, %swap3A_572, %swap3A_573] {strides = array<i32>} : memref<2x2x80xi32, #tpu.memory_space<vmem>>, vector<16xi32>,
      tpu.vector_store %arg11[%swap3A_571, %swap3A_572, %swap3A_573], %add3A_568 {strides = array<i32>} : memref<2x2x80xi32, #tpu.memory_space<vmem>>, vector<16xi32>,
      %sub3A_575 = arith.constant 1.000000e+00 : f32
      %sub3A_576 = vector.broadcast %sub3A_575 : f32 to vector<16xf32>
      %sub3A_577 = arith.subf %sub3A_576, %sub3A_520 : vector<16xf32>
      %sub3A_578 = arith.constant 1.000000e+00 : f32
      %sub3A_579 = vector.broadcast %sub3A_578 : f32 to vector<16xf32>
      %sub3A_580 = arith.subf %sub3A_579, %sub3A_522 : vector<16xf32>
      %mul3A_581 = arith.mulf %sub3A_577, %sub3A_580 : vector<16xf32>
      %mul3A_582 = arith.mulf %sub3A_520, %sub3A_580 : vector<16xf32>
      %pack3A_583 = tpu.pack_subelements %mul3A_581, %mul3A_582 {pack_format = #tpu.pack_format<interleaved>, positions = array<i32: 0, 1>} : vector<16xf32>, vector<16xf32> -> vector<32xbf16>
      %mul3A_584 = arith.mulf %sub3A_577, %sub3A_522 : vector<16xf32>
      %mul3A_585 = arith.mulf %sub3A_520, %sub3A_522 : vector<16xf32>
      %pack3A_586 = tpu.pack_subelements %mul3A_584, %mul3A_585 {pack_format = #tpu.pack_format<interleaved>, positions = array<i32: 0, 1>} : vector<16xf32>, vector<16xf32> -> vector<32xbf16>
      %bitcast3A_587 = vector.bitcast %pack3A_583 : vector<32xbf16> to vector<16xi32>
      %swap3A_588 = arith.constant 0 : i32
      %swap3A_589 = arith.constant 0 : i32
      %swap3A_590 = arith.index_cast %swap3A_588 : i32 to index
      %swap3A_591 = arith.index_cast %swap3A_589 : i32 to index
      %swap3A_592 = arith.constant 64 : index
      %swap3A_593 = tpu.vector_load %arg12[%swap3A_590, %swap3A_591, %swap3A_592] {strides = array<i32>} : memref<2x2x96xi32, #tpu.memory_space<vmem>>, vector<16xi32>,
      tpu.vector_store %arg12[%swap3A_590, %swap3A_591, %swap3A_592], %bitcast3A_587 {strides = array<i32>} : memref<2x2x96xi32, #tpu.memory_space<vmem>>, vector<16xi32>,
      %bitcast3A_594 = vector.bitcast %pack3A_586 : vector<32xbf16> to vector<16xi32>
      %swap3A_595 = arith.constant 0 : i32
      %swap3A_596 = arith.constant 1 : i32
      %swap3A_597 = arith.index_cast %swap3A_595 : i32 to index
      %swap3A_598 = arith.index_cast %swap3A_596 : i32 to index
      %swap3A_599 = arith.constant 64 : index
      %swap3A_600 = tpu.vector_load %arg12[%swap3A_597, %swap3A_598, %swap3A_599] {strides = array<i32>} : memref<2x2x96xi32, #tpu.memory_space<vmem>>, vector<16xi32>,
      tpu.vector_store %arg12[%swap3A_597, %swap3A_598, %swap3A_599], %bitcast3A_594 {strides = array<i32>} : memref<2x2x96xi32, #tpu.memory_space<vmem>>, vector<16xi32>,
      %dma_start3A = arith.constant 0 : i32
      %dma_start3A_601 = arith.constant 0 : i32
      %dma_start3A_602 = arith.constant 0 : i32
      %dma_start3A_603 = arith.constant 0 : i32
      %dma_start3A_604 = arith.constant 0 : i32
      %dma_start3A_605 = tpu.memref_slice %arg13[%dma_start3A_602, %dma_start3A_603, %dma_start3A_604] : memref<2x160x64xi32, #tpu.memory_space<vmem>> -> memref<1x80x64xi32, #tpu.memory_space<vmem>>
      %dma_start3A_606 = tpu.memref_squeeze %dma_start3A_605 : memref<1x80x64xi32, #tpu.memory_space<vmem>> -> memref<80x64xi32, #tpu.memory_space<vmem>>
      %dma_start3A_607 = arith.constant 0 : i32
      %dma_start3A_608 = tpu.memref_slice %arg11[%dma_start3A, %dma_start3A_601, %dma_start3A_607] : memref<2x2x80xi32, #tpu.memory_space<vmem>> -> memref<1x1x80xi32, #tpu.memory_space<vmem>>
      %dma_start3A_609 = tpu.memref_squeeze %dma_start3A_608 : memref<1x1x80xi32, #tpu.memory_space<vmem>> -> memref<80xi32, #tpu.memory_space<vmem>>
      %dma_start3A_610 = arith.constant 0 : i32
      %dma_start3A_611 = arith.constant 0 : i32
      %dma_start3A_612 = tpu.memref_slice %arg2[%dma_start3A_610, %dma_start3A_611] : memref<480000x64xi32, #tpu.memory_space<hbm>> -> memref<480000x64xi32, #tpu.memory_space<hbm>>
      tpu.enqueue_indirect_dma source(%dma_start3A_612 : memref<480000x64xi32, #tpu.memory_space<hbm>>) target(%dma_start3A_606 : memref<80x64xi32, #tpu.memory_space<vmem>>) offsets(%dma_start3A_609 : memref<80xi32, #tpu.memory_space<vmem>>) semaphore(%arg18 : memref<!tpu.dma_semaphore, #tpu.memory_space<semaphore_mem>>)
      %dma_start3A_613 = arith.constant 0 : i32
      %dma_start3A_614 = arith.constant 1 : i32
      %dma_start3A_615 = arith.constant 0 : i32
      %dma_start3A_616 = arith.constant 80 : i32
      %dma_start3A_617 = arith.constant 0 : i32
      %dma_start3A_618 = tpu.memref_slice %arg13[%dma_start3A_615, %dma_start3A_616, %dma_start3A_617] : memref<2x160x64xi32, #tpu.memory_space<vmem>> -> memref<1x80x64xi32, #tpu.memory_space<vmem>>
      %dma_start3A_619 = tpu.memref_squeeze %dma_start3A_618 : memref<1x80x64xi32, #tpu.memory_space<vmem>> -> memref<80x64xi32, #tpu.memory_space<vmem>>
      %dma_start3A_620 = arith.constant 0 : i32
      %dma_start3A_621 = tpu.memref_slice %arg11[%dma_start3A_613, %dma_start3A_614, %dma_start3A_620] : memref<2x2x80xi32, #tpu.memory_space<vmem>> -> memref<1x1x80xi32, #tpu.memory_space<vmem>>
      %dma_start3A_622 = tpu.memref_squeeze %dma_start3A_621 : memref<1x1x80xi32, #tpu.memory_space<vmem>> -> memref<80xi32, #tpu.memory_space<vmem>>
      %dma_start3A_623 = arith.constant 0 : i32
      %dma_start3A_624 = arith.constant 0 : i32
      %dma_start3A_625 = tpu.memref_slice %arg2[%dma_start3A_623, %dma_start3A_624] : memref<480000x64xi32, #tpu.memory_space<hbm>> -> memref<480000x64xi32, #tpu.memory_space<hbm>>
      tpu.enqueue_indirect_dma source(%dma_start3A_625 : memref<480000x64xi32, #tpu.memory_space<hbm>>) target(%dma_start3A_619 : memref<80x64xi32, #tpu.memory_space<vmem>>) offsets(%dma_start3A_622 : memref<80xi32, #tpu.memory_space<vmem>>) semaphore(%arg18 : memref<!tpu.dma_semaphore, #tpu.memory_space<semaphore_mem>>)
      %scan3A_626 = arith.constant 0 : i32
      %scan3A_627 = arith.constant 0 : i32
      %scan3A_628 = arith.constant 25 : i32
      %scan3A_629 = arith.addi %scan3A_627, %scan3A_628 : i32
      %scan3A_630 = arith.constant 1 : i32
      scf.for %scan3A_651 = %scan3A_627 to %scan3A_629 step %scan3A_630  : i32 {
        %mul3A_652 = arith.constant 2 : i32
        %mul3A_653 = arith.muli %mul3A_652, %scan3A_651 : i32
        %add3A_654 = arith.constant 1 : i32
        %add3A_655 = arith.addi %mul3A_653, %add3A_654 : i32
        %mul3A_656 = arith.constant 80 : i32
        %mul3A_657 = arith.muli %add3A_655, %mul3A_656 : i32
        %add3A_658 = arith.constant 0 : i32
        %add3A_659 = arith.addi %mul3A_657, %add3A_658 : i32
        %get3A_660 = arith.constant 0 : i32
        %get3A_661 = arith.index_cast %get3A_660 : i32 to index
        %get3A_662 = arith.index_cast %add3A_659 : i32 to index
        %get3A_663 = tpu.vector_load %arg8[%get3A_661, %get3A_662] {strides = array<i32>} : memref<2x4000xf32, #tpu.memory_space<vmem>>, vector<16xf32>,
        %get3A_664 = arith.constant 1 : i32
        %get3A_665 = arith.index_cast %get3A_664 : i32 to index
        %get3A_666 = arith.index_cast %add3A_659 : i32 to index
        %get3A_667 = tpu.vector_load %arg8[%get3A_665, %get3A_666] {strides = array<i32>} : memref<2x4000xf32, #tpu.memory_space<vmem>>, vector<16xf32>,
        %get3A_668 = arith.index_cast %add3A_659 : i32 to index
        %get3A_669 = tpu.vector_load %arg9[%get3A_668] {strides = array<i32>} : memref<4000xi32, #tpu.memory_space<vmem>>, vector<16xi32>,
        %mul3A_670 = arith.constant 4.000000e+00 : f32
        %mul3A_671 = vector.broadcast %mul3A_670 : f32 to vector<16xf32>
        %mul3A_672 = arith.mulf %get3A_663, %mul3A_671 : vector<16xf32>
        %mul3A_673 = arith.constant 4.000000e+00 : f32
        %mul3A_674 = vector.broadcast %mul3A_673 : f32 to vector<16xf32>
        %mul3A_675 = arith.mulf %get3A_667, %mul3A_674 : vector<16xf32>
        %convert_element_type3A_676 = arith.fptosi %mul3A_672 : vector<16xf32> to vector<16xi32>
        %min3A_677 = arith.constant 3 : i32
        %min3A_678 = vector.broadcast %min3A_677 : i32 to vector<16xi32>
        %min3A_679 = arith.minsi %convert_element_type3A_676, %min3A_678 : vector<16xi32>
        %convert_element_type3A_680 = arith.fptosi %mul3A_675 : vector<16xf32> to vector<16xi32>
        %min3A_681 = arith.constant 3 : i32
        %min3A_682 = vector.broadcast %min3A_681 : i32 to vector<16xi32>
        %min3A_683 = arith.minsi %convert_element_type3A_680, %min3A_682 : vector<16xi32>
        %convert_element_type3A_684 = arith.sitofp %min3A_679 : vector<16xi32> to vector<16xf32>
        %sub3A_685 = arith.subf %mul3A_672, %convert_element_type3A_684 : vector<16xf32>
        %convert_element_type3A_686 = arith.sitofp %min3A_683 : vector<16xi32> to vector<16xf32>
        %sub3A_687 = arith.subf %mul3A_675, %convert_element_type3A_686 : vector<16xf32>
        %mul3A_688 = arith.constant 5 : i32
        %mul3A_689 = vector.broadcast %mul3A_688 : i32 to vector<16xi32>
        %mul3A_690 = arith.muli %min3A_683, %mul3A_689 : vector<16xi32>
        %add3A_691 = arith.addi %mul3A_690, %min3A_679 : vector<16xi32>
        %add3A_692 = arith.constant 5 : i32
        %add3A_693 = vector.broadcast %add3A_692 : i32 to vector<16xi32>
        %add3A_694 = arith.addi %add3A_691, %add3A_693 : vector<16xi32>
        %and3A_695 = arith.constant 1 : i32
        %and3A_696 = vector.broadcast %and3A_695 : i32 to vector<16xi32>
        %and3A_697 = arith.andi %add3A_691, %and3A_696 : vector<16xi32>
        %shift_right_logical3A_698 = arith.constant 1 : i32
        %shift_right_logical3A_699 = vector.broadcast %shift_right_logical3A_698 : i32 to vector<16xi32>
        %shift_right_logical3A_700 = arith.shrui %add3A_691, %shift_right_logical3A_699 : vector<16xi32>
        %and3A_701 = arith.constant 1 : i32
        %and3A_702 = vector.broadcast %and3A_701 : i32 to vector<16xi32>
        %and3A_703 = arith.andi %add3A_694, %and3A_702 : vector<16xi32>
        %shift_right_logical3A_704 = arith.constant 1 : i32
        %shift_right_logical3A_705 = vector.broadcast %shift_right_logical3A_704 : i32 to vector<16xi32>
        %shift_right_logical3A_706 = arith.shrui %add3A_694, %shift_right_logical3A_705 : vector<16xi32>
        %mul3A_707 = arith.constant 2 : i32
        %mul3A_708 = vector.broadcast %mul3A_707 : i32 to vector<16xi32>
        %mul3A_709 = arith.muli %get3A_669, %mul3A_708 : vector<16xi32>
        %add3A_710 = vector.broadcast %arg0 : i32 to vector<16xi32>
        %add3A_711 = arith.addi %mul3A_709, %add3A_710 : vector<16xi32>
        %mul3A_712 = arith.constant 12 : i32
        %mul3A_713 = vector.broadcast %mul3A_712 : i32 to vector<16xi32>
        %mul3A_714 = arith.muli %and3A_697, %mul3A_713 : vector<16xi32>
        %add3A_715 = arith.addi %mul3A_714, %shift_right_logical3A_700 : vector<16xi32>
        %mul3A_716 = arith.constant 20000 : i32
        %mul3A_717 = vector.broadcast %mul3A_716 : i32 to vector<16xi32>
        %mul3A_718 = arith.muli %add3A_715, %mul3A_717 : vector<16xi32>
        %add3A_719 = arith.addi %mul3A_718, %add3A_711 : vector<16xi32>
        %swap3A_720 = arith.constant 1 : i32
        %swap3A_721 = arith.constant 0 : i32
        %swap3A_722 = arith.index_cast %swap3A_720 : i32 to index
        %swap3A_723 = arith.index_cast %swap3A_721 : i32 to index
        %swap3A_724 = arith.constant 0 : index
        %swap3A_725 = tpu.vector_load %arg11[%swap3A_722, %swap3A_723, %swap3A_724] {strides = array<i32>} : memref<2x2x80xi32, #tpu.memory_space<vmem>>, vector<16xi32>,
        tpu.vector_store %arg11[%swap3A_722, %swap3A_723, %swap3A_724], %add3A_719 {strides = array<i32>} : memref<2x2x80xi32, #tpu.memory_space<vmem>>, vector<16xi32>,
        %mul3A_726 = arith.constant 12 : i32
        %mul3A_727 = vector.broadcast %mul3A_726 : i32 to vector<16xi32>
        %mul3A_728 = arith.muli %and3A_703, %mul3A_727 : vector<16xi32>
        %add3A_729 = arith.addi %mul3A_728, %shift_right_logical3A_706 : vector<16xi32>
        %mul3A_730 = arith.constant 20000 : i32
        %mul3A_731 = vector.broadcast %mul3A_730 : i32 to vector<16xi32>
        %mul3A_732 = arith.muli %add3A_729, %mul3A_731 : vector<16xi32>
        %add3A_733 = arith.addi %mul3A_732, %add3A_711 : vector<16xi32>
        %swap3A_734 = arith.constant 1 : i32
        %swap3A_735 = arith.constant 1 : i32
        %swap3A_736 = arith.index_cast %swap3A_734 : i32 to index
        %swap3A_737 = arith.index_cast %swap3A_735 : i32 to index
        %swap3A_738 = arith.constant 0 : index
        %swap3A_739 = tpu.vector_load %arg11[%swap3A_736, %swap3A_737, %swap3A_738] {strides = array<i32>} : memref<2x2x80xi32, #tpu.memory_space<vmem>>, vector<16xi32>,
        tpu.vector_store %arg11[%swap3A_736, %swap3A_737, %swap3A_738], %add3A_733 {strides = array<i32>} : memref<2x2x80xi32, #tpu.memory_space<vmem>>, vector<16xi32>,
        %sub3A_740 = arith.constant 1.000000e+00 : f32
        %sub3A_741 = vector.broadcast %sub3A_740 : f32 to vector<16xf32>
        %sub3A_742 = arith.subf %sub3A_741, %sub3A_685 : vector<16xf32>
        %sub3A_743 = arith.constant 1.000000e+00 : f32
        %sub3A_744 = vector.broadcast %sub3A_743 : f32 to vector<16xf32>
        %sub3A_745 = arith.subf %sub3A_744, %sub3A_687 : vector<16xf32>
        %mul3A_746 = arith.mulf %sub3A_742, %sub3A_745 : vector<16xf32>
        %mul3A_747 = arith.mulf %sub3A_685, %sub3A_745 : vector<16xf32>
        %pack3A_748 = tpu.pack_subelements %mul3A_746, %mul3A_747 {pack_format = #tpu.pack_format<interleaved>, positions = array<i32: 0, 1>} : vector<16xf32>, vector<16xf32> -> vector<32xbf16>
        %mul3A_749 = arith.mulf %sub3A_742, %sub3A_687 : vector<16xf32>
        %mul3A_750 = arith.mulf %sub3A_685, %sub3A_687 : vector<16xf32>
        %pack3A_751 = tpu.pack_subelements %mul3A_749, %mul3A_750 {pack_format = #tpu.pack_format<interleaved>, positions = array<i32: 0, 1>} : vector<16xf32>, vector<16xf32> -> vector<32xbf16>
        %bitcast3A_752 = vector.bitcast %pack3A_748 : vector<32xbf16> to vector<16xi32>
        %swap3A_753 = arith.constant 1 : i32
        %swap3A_754 = arith.constant 0 : i32
        %swap3A_755 = arith.index_cast %swap3A_753 : i32 to index
        %swap3A_756 = arith.index_cast %swap3A_754 : i32 to index
        %swap3A_757 = arith.constant 0 : index
        %swap3A_758 = tpu.vector_load %arg12[%swap3A_755, %swap3A_756, %swap3A_757] {strides = array<i32>} : memref<2x2x96xi32, #tpu.memory_space<vmem>>, vector<16xi32>,
        tpu.vector_store %arg12[%swap3A_755, %swap3A_756, %swap3A_757], %bitcast3A_752 {strides = array<i32>} : memref<2x2x96xi32, #tpu.memory_space<vmem>>, vector<16xi32>,
        %bitcast3A_759 = vector.bitcast %pack3A_751 : vector<32xbf16> to vector<16xi32>
        %swap3A_760 = arith.constant 1 : i32
        %swap3A_761 = arith.constant 1 : i32
        %swap3A_762 = arith.index_cast %swap3A_760 : i32 to index
        %swap3A_763 = arith.index_cast %swap3A_761 : i32 to index
        %swap3A_764 = arith.constant 0 : index
        %swap3A_765 = tpu.vector_load %arg12[%swap3A_762, %swap3A_763, %swap3A_764] {strides = array<i32>} : memref<2x2x96xi32, #tpu.memory_space<vmem>>, vector<16xi32>,
        tpu.vector_store %arg12[%swap3A_762, %swap3A_763, %swap3A_764], %bitcast3A_759 {strides = array<i32>} : memref<2x2x96xi32, #tpu.memory_space<vmem>>, vector<16xi32>,
        %add3A_766 = arith.constant 16 : i32
        %add3A_767 = arith.addi %mul3A_657, %add3A_766 : i32
        %get3A_768 = arith.constant 0 : i32
        %get3A_769 = arith.index_cast %get3A_768 : i32 to index
        %get3A_770 = arith.index_cast %add3A_767 : i32 to index
        %get3A_771 = tpu.vector_load %arg8[%get3A_769, %get3A_770] {strides = array<i32>} : memref<2x4000xf32, #tpu.memory_space<vmem>>, vector<16xf32>,
        %get3A_772 = arith.constant 1 : i32
        %get3A_773 = arith.index_cast %get3A_772 : i32 to index
        %get3A_774 = arith.index_cast %add3A_767 : i32 to index
        %get3A_775 = tpu.vector_load %arg8[%get3A_773, %get3A_774] {strides = array<i32>} : memref<2x4000xf32, #tpu.memory_space<vmem>>, vector<16xf32>,
        %get3A_776 = arith.index_cast %add3A_767 : i32 to index
        %get3A_777 = tpu.vector_load %arg9[%get3A_776] {strides = array<i32>} : memref<4000xi32, #tpu.memory_space<vmem>>, vector<16xi32>,
        %mul3A_778 = arith.constant 4.000000e+00 : f32
        %mul3A_779 = vector.broadcast %mul3A_778 : f32 to vector<16xf32>
        %mul3A_780 = arith.mulf %get3A_771, %mul3A_779 : vector<16xf32>
        %mul3A_781 = arith.constant 4.000000e+00 : f32
        %mul3A_782 = vector.broadcast %mul3A_781 : f32 to vector<16xf32>
        %mul3A_783 = arith.mulf %get3A_775, %mul3A_782 : vector<16xf32>
        %convert_element_type3A_784 = arith.fptosi %mul3A_780 : vector<16xf32> to vector<16xi32>
        %min3A_785 = arith.constant 3 : i32
        %min3A_786 = vector.broadcast %min3A_785 : i32 to vector<16xi32>
        %min3A_787 = arith.minsi %convert_element_type3A_784, %min3A_786 : vector<16xi32>
        %convert_element_type3A_788 = arith.fptosi %mul3A_783 : vector<16xf32> to vector<16xi32>
        %min3A_789 = arith.constant 3 : i32
        %min3A_790 = vector.broadcast %min3A_789 : i32 to vector<16xi32>
        %min3A_791 = arith.minsi %convert_element_type3A_788, %min3A_790 : vector<16xi32>
        %convert_element_type3A_792 = arith.sitofp %min3A_787 : vector<16xi32> to vector<16xf32>
        %sub3A_793 = arith.subf %mul3A_780, %convert_element_type3A_792 : vector<16xf32>
        %convert_element_type3A_794 = arith.sitofp %min3A_791 : vector<16xi32> to vector<16xf32>
        %sub3A_795 = arith.subf %mul3A_783, %convert_element_type3A_794 : vector<16xf32>
        %mul3A_796 = arith.constant 5 : i32
        %mul3A_797 = vector.broadcast %mul3A_796 : i32 to vector<16xi32>
        %mul3A_798 = arith.muli %min3A_791, %mul3A_797 : vector<16xi32>
        %add3A_799 = arith.addi %mul3A_798, %min3A_787 : vector<16xi32>
        %add3A_800 = arith.constant 5 : i32
        %add3A_801 = vector.broadcast %add3A_800 : i32 to vector<16xi32>
        %add3A_802 = arith.addi %add3A_799, %add3A_801 : vector<16xi32>
        %and3A_803 = arith.constant 1 : i32
        %and3A_804 = vector.broadcast %and3A_803 : i32 to vector<16xi32>
        %and3A_805 = arith.andi %add3A_799, %and3A_804 : vector<16xi32>
        %shift_right_logical3A_806 = arith.constant 1 : i32
        %shift_right_logical3A_807 = vector.broadcast %shift_right_logical3A_806 : i32 to vector<16xi32>
        %shift_right_logical3A_808 = arith.shrui %add3A_799, %shift_right_logical3A_807 : vector<16xi32>
        %and3A_809 = arith.constant 1 : i32
        %and3A_810 = vector.broadcast %and3A_809 : i32 to vector<16xi32>
        %and3A_811 = arith.andi %add3A_802, %and3A_810 : vector<16xi32>
        %shift_right_logical3A_812 = arith.constant 1 : i32
        %shift_right_logical3A_813 = vector.broadcast %shift_right_logical3A_812 : i32 to vector<16xi32>
        %shift_right_logical3A_814 = arith.shrui %add3A_802, %shift_right_logical3A_813 : vector<16xi32>
        %mul3A_815 = arith.constant 2 : i32
        %mul3A_816 = vector.broadcast %mul3A_815 : i32 to vector<16xi32>
        %mul3A_817 = arith.muli %get3A_777, %mul3A_816 : vector<16xi32>
        %add3A_818 = vector.broadcast %arg0 : i32 to vector<16xi32>
        %add3A_819 = arith.addi %mul3A_817, %add3A_818 : vector<16xi32>
        %mul3A_820 = arith.constant 12 : i32
        %mul3A_821 = vector.broadcast %mul3A_820 : i32 to vector<16xi32>
        %mul3A_822 = arith.muli %and3A_805, %mul3A_821 : vector<16xi32>
        %add3A_823 = arith.addi %mul3A_822, %shift_right_logical3A_808 : vector<16xi32>
        %mul3A_824 = arith.constant 20000 : i32
        %mul3A_825 = vector.broadcast %mul3A_824 : i32 to vector<16xi32>
        %mul3A_826 = arith.muli %add3A_823, %mul3A_825 : vector<16xi32>
        %add3A_827 = arith.addi %mul3A_826, %add3A_819 : vector<16xi32>
        %swap3A_828 = arith.constant 1 : i32
        %swap3A_829 = arith.constant 0 : i32
        %swap3A_830 = arith.index_cast %swap3A_828 : i32 to index
        %swap3A_831 = arith.index_cast %swap3A_829 : i32 to index
        %swap3A_832 = arith.constant 16 : index
        %swap3A_833 = tpu.vector_load %arg11[%swap3A_830, %swap3A_831, %swap3A_832] {strides = array<i32>} : memref<2x2x80xi32, #tpu.memory_space<vmem>>, vector<16xi32>,
        tpu.vector_store %arg11[%swap3A_830, %swap3A_831, %swap3A_832], %add3A_827 {strides = array<i32>} : memref<2x2x80xi32, #tpu.memory_space<vmem>>, vector<16xi32>,
        %mul3A_834 = arith.constant 12 : i32
        %mul3A_835 = vector.broadcast %mul3A_834 : i32 to vector<16xi32>
        %mul3A_836 = arith.muli %and3A_811, %mul3A_835 : vector<16xi32>
        %add3A_837 = arith.addi %mul3A_836, %shift_right_logical3A_814 : vector<16xi32>
        %mul3A_838 = arith.constant 20000 : i32
        %mul3A_839 = vector.broadcast %mul3A_838 : i32 to vector<16xi32>
        %mul3A_840 = arith.muli %add3A_837, %mul3A_839 : vector<16xi32>
        %add3A_841 = arith.addi %mul3A_840, %add3A_819 : vector<16xi32>
        %swap3A_842 = arith.constant 1 : i32
        %swap3A_843 = arith.constant 1 : i32
        %swap3A_844 = arith.index_cast %swap3A_842 : i32 to index
        %swap3A_845 = arith.index_cast %swap3A_843 : i32 to index
        %swap3A_846 = arith.constant 16 : index
        %swap3A_847 = tpu.vector_load %arg11[%swap3A_844, %swap3A_845, %swap3A_846] {strides = array<i32>} : memref<2x2x80xi32, #tpu.memory_space<vmem>>, vector<16xi32>,
        tpu.vector_store %arg11[%swap3A_844, %swap3A_845, %swap3A_846], %add3A_841 {strides = array<i32>} : memref<2x2x80xi32, #tpu.memory_space<vmem>>, vector<16xi32>,
        %sub3A_848 = arith.constant 1.000000e+00 : f32
        %sub3A_849 = vector.broadcast %sub3A_848 : f32 to vector<16xf32>
        %sub3A_850 = arith.subf %sub3A_849, %sub3A_793 : vector<16xf32>
        %sub3A_851 = arith.constant 1.000000e+00 : f32
        %sub3A_852 = vector.broadcast %sub3A_851 : f32 to vector<16xf32>
        %sub3A_853 = arith.subf %sub3A_852, %sub3A_795 : vector<16xf32>
        %mul3A_854 = arith.mulf %sub3A_850, %sub3A_853 : vector<16xf32>
        %mul3A_855 = arith.mulf %sub3A_793, %sub3A_853 : vector<16xf32>
        %pack3A_856 = tpu.pack_subelements %mul3A_854, %mul3A_855 {pack_format = #tpu.pack_format<interleaved>, positions = array<i32: 0, 1>} : vector<16xf32>, vector<16xf32> -> vector<32xbf16>
        %mul3A_857 = arith.mulf %sub3A_850, %sub3A_795 : vector<16xf32>
        %mul3A_858 = arith.mulf %sub3A_793, %sub3A_795 : vector<16xf32>
        %pack3A_859 = tpu.pack_subelements %mul3A_857, %mul3A_858 {pack_format = #tpu.pack_format<interleaved>, positions = array<i32: 0, 1>} : vector<16xf32>, vector<16xf32> -> vector<32xbf16>
        %bitcast3A_860 = vector.bitcast %pack3A_856 : vector<32xbf16> to vector<16xi32>
        %swap3A_861 = arith.constant 1 : i32
        %swap3A_862 = arith.constant 0 : i32
        %swap3A_863 = arith.index_cast %swap3A_861 : i32 to index
        %swap3A_864 = arith.index_cast %swap3A_862 : i32 to index
        %swap3A_865 = arith.constant 16 : index
        %swap3A_866 = tpu.vector_load %arg12[%swap3A_863, %swap3A_864, %swap3A_865] {strides = array<i32>} : memref<2x2x96xi32, #tpu.memory_space<vmem>>, vector<16xi32>,
        tpu.vector_store %arg12[%swap3A_863, %swap3A_864, %swap3A_865], %bitcast3A_860 {strides = array<i32>} : memref<2x2x96xi32, #tpu.memory_space<vmem>>, vector<16xi32>,
        %bitcast3A_867 = vector.bitcast %pack3A_859 : vector<32xbf16> to vector<16xi32>
        %swap3A_868 = arith.constant 1 : i32
        %swap3A_869 = arith.constant 1 : i32
        %swap3A_870 = arith.index_cast %swap3A_868 : i32 to index
        %swap3A_871 = arith.index_cast %swap3A_869 : i32 to index
        %swap3A_872 = arith.constant 16 : index
        %swap3A_873 = tpu.vector_load %arg12[%swap3A_870, %swap3A_871, %swap3A_872] {strides = array<i32>} : memref<2x2x96xi32, #tpu.memory_space<vmem>>, vector<16xi32>,
        tpu.vector_store %arg12[%swap3A_870, %swap3A_871, %swap3A_872], %bitcast3A_867 {strides = array<i32>} : memref<2x2x96xi32, #tpu.memory_space<vmem>>, vector<16xi32>,
        %add3A_874 = arith.constant 32 : i32
        %add3A_875 = arith.addi %mul3A_657, %add3A_874 : i32
        %get3A_876 = arith.constant 0 : i32
        %get3A_877 = arith.index_cast %get3A_876 : i32 to index
        %get3A_878 = arith.index_cast %add3A_875 : i32 to index
        %get3A_879 = tpu.vector_load %arg8[%get3A_877, %get3A_878] {strides = array<i32>} : memref<2x4000xf32, #tpu.memory_space<vmem>>, vector<16xf32>,
        %get3A_880 = arith.constant 1 : i32
        %get3A_881 = arith.index_cast %get3A_880 : i32 to index
        %get3A_882 = arith.index_cast %add3A_875 : i32 to index
        %get3A_883 = tpu.vector_load %arg8[%get3A_881, %get3A_882] {strides = array<i32>} : memref<2x4000xf32, #tpu.memory_space<vmem>>, vector<16xf32>,
        %get3A_884 = arith.index_cast %add3A_875 : i32 to index
        %get3A_885 = tpu.vector_load %arg9[%get3A_884] {strides = array<i32>} : memref<4000xi32, #tpu.memory_space<vmem>>, vector<16xi32>,
        %mul3A_886 = arith.constant 4.000000e+00 : f32
        %mul3A_887 = vector.broadcast %mul3A_886 : f32 to vector<16xf32>
        %mul3A_888 = arith.mulf %get3A_879, %mul3A_887 : vector<16xf32>
        %mul3A_889 = arith.constant 4.000000e+00 : f32
        %mul3A_890 = vector.broadcast %mul3A_889 : f32 to vector<16xf32>
        %mul3A_891 = arith.mulf %get3A_883, %mul3A_890 : vector<16xf32>
        %convert_element_type3A_892 = arith.fptosi %mul3A_888 : vector<16xf32> to vector<16xi32>
        %min3A_893 = arith.constant 3 : i32
        %min3A_894 = vector.broadcast %min3A_893 : i32 to vector<16xi32>
        %min3A_895 = arith.minsi %convert_element_type3A_892, %min3A_894 : vector<16xi32>
        %convert_element_type3A_896 = arith.fptosi %mul3A_891 : vector<16xf32> to vector<16xi32>
        %min3A_897 = arith.constant 3 : i32
        %min3A_898 = vector.broadcast %min3A_897 : i32 to vector<16xi32>
        %min3A_899 = arith.minsi %convert_element_type3A_896, %min3A_898 : vector<16xi32>
        %convert_element_type3A_900 = arith.sitofp %min3A_895 : vector<16xi32> to vector<16xf32>
        %sub3A_901 = arith.subf %mul3A_888, %convert_element_type3A_900 : vector<16xf32>
        %convert_element_type3A_902 = arith.sitofp %min3A_899 : vector<16xi32> to vector<16xf32>
        %sub3A_903 = arith.subf %mul3A_891, %convert_element_type3A_902 : vector<16xf32>
        %mul3A_904 = arith.constant 5 : i32
        %mul3A_905 = vector.broadcast %mul3A_904 : i32 to vector<16xi32>
        %mul3A_906 = arith.muli %min3A_899, %mul3A_905 : vector<16xi32>
        %add3A_907 = arith.addi %mul3A_906, %min3A_895 : vector<16xi32>
        %add3A_908 = arith.constant 5 : i32
        %add3A_909 = vector.broadcast %add3A_908 : i32 to vector<16xi32>
        %add3A_910 = arith.addi %add3A_907, %add3A_909 : vector<16xi32>
        %and3A_911 = arith.constant 1 : i32
        %and3A_912 = vector.broadcast %and3A_911 : i32 to vector<16xi32>
        %and3A_913 = arith.andi %add3A_907, %and3A_912 : vector<16xi32>
        %shift_right_logical3A_914 = arith.constant 1 : i32
        %shift_right_logical3A_915 = vector.broadcast %shift_right_logical3A_914 : i32 to vector<16xi32>
        %shift_right_logical3A_916 = arith.shrui %add3A_907, %shift_right_logical3A_915 : vector<16xi32>
        %and3A_917 = arith.constant 1 : i32
        %and3A_918 = vector.broadcast %and3A_917 : i32 to vector<16xi32>
        %and3A_919 = arith.andi %add3A_910, %and3A_918 : vector<16xi32>
        %shift_right_logical3A_920 = arith.constant 1 : i32
        %shift_right_logical3A_921 = vector.broadcast %shift_right_logical3A_920 : i32 to vector<16xi32>
        %shift_right_logical3A_922 = arith.shrui %add3A_910, %shift_right_logical3A_921 : vector<16xi32>
        %mul3A_923 = arith.constant 2 : i32
        %mul3A_924 = vector.broadcast %mul3A_923 : i32 to vector<16xi32>
        %mul3A_925 = arith.muli %get3A_885, %mul3A_924 : vector<16xi32>
        %add3A_926 = vector.broadcast %arg0 : i32 to vector<16xi32>
        %add3A_927 = arith.addi %mul3A_925, %add3A_926 : vector<16xi32>
        %mul3A_928 = arith.constant 12 : i32
        %mul3A_929 = vector.broadcast %mul3A_928 : i32 to vector<16xi32>
        %mul3A_930 = arith.muli %and3A_913, %mul3A_929 : vector<16xi32>
        %add3A_931 = arith.addi %mul3A_930, %shift_right_logical3A_916 : vector<16xi32>
        %mul3A_932 = arith.constant 20000 : i32
        %mul3A_933 = vector.broadcast %mul3A_932 : i32 to vector<16xi32>
        %mul3A_934 = arith.muli %add3A_931, %mul3A_933 : vector<16xi32>
        %add3A_935 = arith.addi %mul3A_934, %add3A_927 : vector<16xi32>
        %swap3A_936 = arith.constant 1 : i32
        %swap3A_937 = arith.constant 0 : i32
        %swap3A_938 = arith.index_cast %swap3A_936 : i32 to index
        %swap3A_939 = arith.index_cast %swap3A_937 : i32 to index
        %swap3A_940 = arith.constant 32 : index
        %swap3A_941 = tpu.vector_load %arg11[%swap3A_938, %swap3A_939, %swap3A_940] {strides = array<i32>} : memref<2x2x80xi32, #tpu.memory_space<vmem>>, vector<16xi32>,
        tpu.vector_store %arg11[%swap3A_938, %swap3A_939, %swap3A_940], %add3A_935 {strides = array<i32>} : memref<2x2x80xi32, #tpu.memory_space<vmem>>, vector<16xi32>,
        %mul3A_942 = arith.constant 12 : i32
        %mul3A_943 = vector.broadcast %mul3A_942 : i32 to vector<16xi32>
        %mul3A_944 = arith.muli %and3A_919, %mul3A_943 : vector<16xi32>
        %add3A_945 = arith.addi %mul3A_944, %shift_right_logical3A_922 : vector<16xi32>
        %mul3A_946 = arith.constant 20000 : i32
        %mul3A_947 = vector.broadcast %mul3A_946 : i32 to vector<16xi32>
        %mul3A_948 = arith.muli %add3A_945, %mul3A_947 : vector<16xi32>
        %add3A_949 = arith.addi %mul3A_948, %add3A_927 : vector<16xi32>
        %swap3A_950 = arith.constant 1 : i32
        %swap3A_951 = arith.constant 1 : i32
        %swap3A_952 = arith.index_cast %swap3A_950 : i32 to index
        %swap3A_953 = arith.index_cast %swap3A_951 : i32 to index
        %swap3A_954 = arith.constant 32 : index
        %swap3A_955 = tpu.vector_load %arg11[%swap3A_952, %swap3A_953, %swap3A_954] {strides = array<i32>} : memref<2x2x80xi32, #tpu.memory_space<vmem>>, vector<16xi32>,
        tpu.vector_store %arg11[%swap3A_952, %swap3A_953, %swap3A_954], %add3A_949 {strides = array<i32>} : memref<2x2x80xi32, #tpu.memory_space<vmem>>, vector<16xi32>,
        %sub3A_956 = arith.constant 1.000000e+00 : f32
        %sub3A_957 = vector.broadcast %sub3A_956 : f32 to vector<16xf32>
        %sub3A_958 = arith.subf %sub3A_957, %sub3A_901 : vector<16xf32>
        %sub3A_959 = arith.constant 1.000000e+00 : f32
        %sub3A_960 = vector.broadcast %sub3A_959 : f32 to vector<16xf32>
        %sub3A_961 = arith.subf %sub3A_960, %sub3A_903 : vector<16xf32>
        %mul3A_962 = arith.mulf %sub3A_958, %sub3A_961 : vector<16xf32>
        %mul3A_963 = arith.mulf %sub3A_901, %sub3A_961 : vector<16xf32>
        %pack3A_964 = tpu.pack_subelements %mul3A_962, %mul3A_963 {pack_format = #tpu.pack_format<interleaved>, positions = array<i32: 0, 1>} : vector<16xf32>, vector<16xf32> -> vector<32xbf16>
        %mul3A_965 = arith.mulf %sub3A_958, %sub3A_903 : vector<16xf32>
        %mul3A_966 = arith.mulf %sub3A_901, %sub3A_903 : vector<16xf32>
        %pack3A_967 = tpu.pack_subelements %mul3A_965, %mul3A_966 {pack_format = #tpu.pack_format<interleaved>, positions = array<i32: 0, 1>} : vector<16xf32>, vector<16xf32> -> vector<32xbf16>
        %bitcast3A_968 = vector.bitcast %pack3A_964 : vector<32xbf16> to vector<16xi32>
        %swap3A_969 = arith.constant 1 : i32
        %swap3A_970 = arith.constant 0 : i32
        %swap3A_971 = arith.index_cast %swap3A_969 : i32 to index
        %swap3A_972 = arith.index_cast %swap3A_970 : i32 to index
        %swap3A_973 = arith.constant 32 : index
        %swap3A_974 = tpu.vector_load %arg12[%swap3A_971, %swap3A_972, %swap3A_973] {strides = array<i32>} : memref<2x2x96xi32, #tpu.memory_space<vmem>>, vector<16xi32>,
        tpu.vector_store %arg12[%swap3A_971, %swap3A_972, %swap3A_973], %bitcast3A_968 {strides = array<i32>} : memref<2x2x96xi32, #tpu.memory_space<vmem>>, vector<16xi32>,
        %bitcast3A_975 = vector.bitcast %pack3A_967 : vector<32xbf16> to vector<16xi32>
        %swap3A_976 = arith.constant 1 : i32
        %swap3A_977 = arith.constant 1 : i32
        %swap3A_978 = arith.index_cast %swap3A_976 : i32 to index
        %swap3A_979 = arith.index_cast %swap3A_977 : i32 to index
        %swap3A_980 = arith.constant 32 : index
        %swap3A_981 = tpu.vector_load %arg12[%swap3A_978, %swap3A_979, %swap3A_980] {strides = array<i32>} : memref<2x2x96xi32, #tpu.memory_space<vmem>>, vector<16xi32>,
        tpu.vector_store %arg12[%swap3A_978, %swap3A_979, %swap3A_980], %bitcast3A_975 {strides = array<i32>} : memref<2x2x96xi32, #tpu.memory_space<vmem>>, vector<16xi32>,
        %add3A_982 = arith.constant 48 : i32
        %add3A_983 = arith.addi %mul3A_657, %add3A_982 : i32
        %get3A_984 = arith.constant 0 : i32
        %get3A_985 = arith.index_cast %get3A_984 : i32 to index
        %get3A_986 = arith.index_cast %add3A_983 : i32 to index
        %get3A_987 = tpu.vector_load %arg8[%get3A_985, %get3A_986] {strides = array<i32>} : memref<2x4000xf32, #tpu.memory_space<vmem>>, vector<16xf32>,
        %get3A_988 = arith.constant 1 : i32
        %get3A_989 = arith.index_cast %get3A_988 : i32 to index
        %get3A_990 = arith.index_cast %add3A_983 : i32 to index
        %get3A_991 = tpu.vector_load %arg8[%get3A_989, %get3A_990] {strides = array<i32>} : memref<2x4000xf32, #tpu.memory_space<vmem>>, vector<16xf32>,
        %get3A_992 = arith.index_cast %add3A_983 : i32 to index
        %get3A_993 = tpu.vector_load %arg9[%get3A_992] {strides = array<i32>} : memref<4000xi32, #tpu.memory_space<vmem>>, vector<16xi32>,
        %mul3A_994 = arith.constant 4.000000e+00 : f32
        %mul3A_995 = vector.broadcast %mul3A_994 : f32 to vector<16xf32>
        %mul3A_996 = arith.mulf %get3A_987, %mul3A_995 : vector<16xf32>
        %mul3A_997 = arith.constant 4.000000e+00 : f32
        %mul3A_998 = vector.broadcast %mul3A_997 : f32 to vector<16xf32>
        %mul3A_999 = arith.mulf %get3A_991, %mul3A_998 : vector<16xf32>
        %convert_element_type3A_1000 = arith.fptosi %mul3A_996 : vector<16xf32> to vector<16xi32>
        %min3A_1001 = arith.constant 3 : i32
        %min3A_1002 = vector.broadcast %min3A_1001 : i32 to vector<16xi32>
        %min3A_1003 = arith.minsi %convert_element_type3A_1000, %min3A_1002 : vector<16xi32>
        %convert_element_type3A_1004 = arith.fptosi %mul3A_999 : vector<16xf32> to vector<16xi32>
        %min3A_1005 = arith.constant 3 : i32
        %min3A_1006 = vector.broadcast %min3A_1005 : i32 to vector<16xi32>
        %min3A_1007 = arith.minsi %convert_element_type3A_1004, %min3A_1006 : vector<16xi32>
        %convert_element_type3A_1008 = arith.sitofp %min3A_1003 : vector<16xi32> to vector<16xf32>
        %sub3A_1009 = arith.subf %mul3A_996, %convert_element_type3A_1008 : vector<16xf32>
        %convert_element_type3A_1010 = arith.sitofp %min3A_1007 : vector<16xi32> to vector<16xf32>
        %sub3A_1011 = arith.subf %mul3A_999, %convert_element_type3A_1010 : vector<16xf32>
        %mul3A_1012 = arith.constant 5 : i32
        %mul3A_1013 = vector.broadcast %mul3A_1012 : i32 to vector<16xi32>
        %mul3A_1014 = arith.muli %min3A_1007, %mul3A_1013 : vector<16xi32>
        %add3A_1015 = arith.addi %mul3A_1014, %min3A_1003 : vector<16xi32>
        %add3A_1016 = arith.constant 5 : i32
        %add3A_1017 = vector.broadcast %add3A_1016 : i32 to vector<16xi32>
        %add3A_1018 = arith.addi %add3A_1015, %add3A_1017 : vector<16xi32>
        %and3A_1019 = arith.constant 1 : i32
        %and3A_1020 = vector.broadcast %and3A_1019 : i32 to vector<16xi32>
        %and3A_1021 = arith.andi %add3A_1015, %and3A_1020 : vector<16xi32>
        %shift_right_logical3A_1022 = arith.constant 1 : i32
        %shift_right_logical3A_1023 = vector.broadcast %shift_right_logical3A_1022 : i32 to vector<16xi32>
        %shift_right_logical3A_1024 = arith.shrui %add3A_1015, %shift_right_logical3A_1023 : vector<16xi32>
        %and3A_1025 = arith.constant 1 : i32
        %and3A_1026 = vector.broadcast %and3A_1025 : i32 to vector<16xi32>
        %and3A_1027 = arith.andi %add3A_1018, %and3A_1026 : vector<16xi32>
        %shift_right_logical3A_1028 = arith.constant 1 : i32
        %shift_right_logical3A_1029 = vector.broadcast %shift_right_logical3A_1028 : i32 to vector<16xi32>
        %shift_right_logical3A_1030 = arith.shrui %add3A_1018, %shift_right_logical3A_1029 : vector<16xi32>
        %mul3A_1031 = arith.constant 2 : i32
        %mul3A_1032 = vector.broadcast %mul3A_1031 : i32 to vector<16xi32>
        %mul3A_1033 = arith.muli %get3A_993, %mul3A_1032 : vector<16xi32>
        %add3A_1034 = vector.broadcast %arg0 : i32 to vector<16xi32>
        %add3A_1035 = arith.addi %mul3A_1033, %add3A_1034 : vector<16xi32>
        %mul3A_1036 = arith.constant 12 : i32
        %mul3A_1037 = vector.broadcast %mul3A_1036 : i32 to vector<16xi32>
        %mul3A_1038 = arith.muli %and3A_1021, %mul3A_1037 : vector<16xi32>
        %add3A_1039 = arith.addi %mul3A_1038, %shift_right_logical3A_1024 : vector<16xi32>
        %mul3A_1040 = arith.constant 20000 : i32
        %mul3A_1041 = vector.broadcast %mul3A_1040 : i32 to vector<16xi32>
        %mul3A_1042 = arith.muli %add3A_1039, %mul3A_1041 : vector<16xi32>
        %add3A_1043 = arith.addi %mul3A_1042, %add3A_1035 : vector<16xi32>
        %swap3A_1044 = arith.constant 1 : i32
        %swap3A_1045 = arith.constant 0 : i32
        %swap3A_1046 = arith.index_cast %swap3A_1044 : i32 to index
        %swap3A_1047 = arith.index_cast %swap3A_1045 : i32 to index
        %swap3A_1048 = arith.constant 48 : index
        %swap3A_1049 = tpu.vector_load %arg11[%swap3A_1046, %swap3A_1047, %swap3A_1048] {strides = array<i32>} : memref<2x2x80xi32, #tpu.memory_space<vmem>>, vector<16xi32>,
        tpu.vector_store %arg11[%swap3A_1046, %swap3A_1047, %swap3A_1048], %add3A_1043 {strides = array<i32>} : memref<2x2x80xi32, #tpu.memory_space<vmem>>, vector<16xi32>,
        %mul3A_1050 = arith.constant 12 : i32
        %mul3A_1051 = vector.broadcast %mul3A_1050 : i32 to vector<16xi32>
        %mul3A_1052 = arith.muli %and3A_1027, %mul3A_1051 : vector<16xi32>
        %add3A_1053 = arith.addi %mul3A_1052, %shift_right_logical3A_1030 : vector<16xi32>
        %mul3A_1054 = arith.constant 20000 : i32
        %mul3A_1055 = vector.broadcast %mul3A_1054 : i32 to vector<16xi32>
        %mul3A_1056 = arith.muli %add3A_1053, %mul3A_1055 : vector<16xi32>
        %add3A_1057 = arith.addi %mul3A_1056, %add3A_1035 : vector<16xi32>
        %swap3A_1058 = arith.constant 1 : i32
        %swap3A_1059 = arith.constant 1 : i32
        %swap3A_1060 = arith.index_cast %swap3A_1058 : i32 to index
        %swap3A_1061 = arith.index_cast %swap3A_1059 : i32 to index
        %swap3A_1062 = arith.constant 48 : index
        %swap3A_1063 = tpu.vector_load %arg11[%swap3A_1060, %swap3A_1061, %swap3A_1062] {strides = array<i32>} : memref<2x2x80xi32, #tpu.memory_space<vmem>>, vector<16xi32>,
        tpu.vector_store %arg11[%swap3A_1060, %swap3A_1061, %swap3A_1062], %add3A_1057 {strides = array<i32>} : memref<2x2x80xi32, #tpu.memory_space<vmem>>, vector<16xi32>,
        %sub3A_1064 = arith.constant 1.000000e+00 : f32
        %sub3A_1065 = vector.broadcast %sub3A_1064 : f32 to vector<16xf32>
        %sub3A_1066 = arith.subf %sub3A_1065, %sub3A_1009 : vector<16xf32>
        %sub3A_1067 = arith.constant 1.000000e+00 : f32
        %sub3A_1068 = vector.broadcast %sub3A_1067 : f32 to vector<16xf32>
        %sub3A_1069 = arith.subf %sub3A_1068, %sub3A_1011 : vector<16xf32>
        %mul3A_1070 = arith.mulf %sub3A_1066, %sub3A_1069 : vector<16xf32>
        %mul3A_1071 = arith.mulf %sub3A_1009, %sub3A_1069 : vector<16xf32>
        %pack3A_1072 = tpu.pack_subelements %mul3A_1070, %mul3A_1071 {pack_format = #tpu.pack_format<interleaved>, positions = array<i32: 0, 1>} : vector<16xf32>, vector<16xf32> -> vector<32xbf16>
        %mul3A_1073 = arith.mulf %sub3A_1066, %sub3A_1011 : vector<16xf32>
        %mul3A_1074 = arith.mulf %sub3A_1009, %sub3A_1011 : vector<16xf32>
        %pack3A_1075 = tpu.pack_subelements %mul3A_1073, %mul3A_1074 {pack_format = #tpu.pack_format<interleaved>, positions = array<i32: 0, 1>} : vector<16xf32>, vector<16xf32> -> vector<32xbf16>
        %bitcast3A_1076 = vector.bitcast %pack3A_1072 : vector<32xbf16> to vector<16xi32>
        %swap3A_1077 = arith.constant 1 : i32
        %swap3A_1078 = arith.constant 0 : i32
        %swap3A_1079 = arith.index_cast %swap3A_1077 : i32 to index
        %swap3A_1080 = arith.index_cast %swap3A_1078 : i32 to index
        %swap3A_1081 = arith.constant 48 : index
        %swap3A_1082 = tpu.vector_load %arg12[%swap3A_1079, %swap3A_1080, %swap3A_1081] {strides = array<i32>} : memref<2x2x96xi32, #tpu.memory_space<vmem>>, vector<16xi32>,
        tpu.vector_store %arg12[%swap3A_1079, %swap3A_1080, %swap3A_1081], %bitcast3A_1076 {strides = array<i32>} : memref<2x2x96xi32, #tpu.memory_space<vmem>>, vector<16xi32>,
        %bitcast3A_1083 = vector.bitcast %pack3A_1075 : vector<32xbf16> to vector<16xi32>
        %swap3A_1084 = arith.constant 1 : i32
        %swap3A_1085 = arith.constant 1 : i32
        %swap3A_1086 = arith.index_cast %swap3A_1084 : i32 to index
        %swap3A_1087 = arith.index_cast %swap3A_1085 : i32 to index
        %swap3A_1088 = arith.constant 48 : index
        %swap3A_1089 = tpu.vector_load %arg12[%swap3A_1086, %swap3A_1087, %swap3A_1088] {strides = array<i32>} : memref<2x2x96xi32, #tpu.memory_space<vmem>>, vector<16xi32>,
        tpu.vector_store %arg12[%swap3A_1086, %swap3A_1087, %swap3A_1088], %bitcast3A_1083 {strides = array<i32>} : memref<2x2x96xi32, #tpu.memory_space<vmem>>, vector<16xi32>,
        %add3A_1090 = arith.constant 64 : i32
        %add3A_1091 = arith.addi %mul3A_657, %add3A_1090 : i32
        %get3A_1092 = arith.constant 0 : i32
        %get3A_1093 = arith.index_cast %get3A_1092 : i32 to index
        %get3A_1094 = arith.index_cast %add3A_1091 : i32 to index
        %get3A_1095 = tpu.vector_load %arg8[%get3A_1093, %get3A_1094] {strides = array<i32>} : memref<2x4000xf32, #tpu.memory_space<vmem>>, vector<16xf32>,
        %get3A_1096 = arith.constant 1 : i32
        %get3A_1097 = arith.index_cast %get3A_1096 : i32 to index
        %get3A_1098 = arith.index_cast %add3A_1091 : i32 to index
        %get3A_1099 = tpu.vector_load %arg8[%get3A_1097, %get3A_1098] {strides = array<i32>} : memref<2x4000xf32, #tpu.memory_space<vmem>>, vector<16xf32>,
        %get3A_1100 = arith.index_cast %add3A_1091 : i32 to index
        %get3A_1101 = tpu.vector_load %arg9[%get3A_1100] {strides = array<i32>} : memref<4000xi32, #tpu.memory_space<vmem>>, vector<16xi32>,
        %mul3A_1102 = arith.constant 4.000000e+00 : f32
        %mul3A_1103 = vector.broadcast %mul3A_1102 : f32 to vector<16xf32>
        %mul3A_1104 = arith.mulf %get3A_1095, %mul3A_1103 : vector<16xf32>
        %mul3A_1105 = arith.constant 4.000000e+00 : f32
        %mul3A_1106 = vector.broadcast %mul3A_1105 : f32 to vector<16xf32>
        %mul3A_1107 = arith.mulf %get3A_1099, %mul3A_1106 : vector<16xf32>
        %convert_element_type3A_1108 = arith.fptosi %mul3A_1104 : vector<16xf32> to vector<16xi32>
        %min3A_1109 = arith.constant 3 : i32
        %min3A_1110 = vector.broadcast %min3A_1109 : i32 to vector<16xi32>
        %min3A_1111 = arith.minsi %convert_element_type3A_1108, %min3A_1110 : vector<16xi32>
        %convert_element_type3A_1112 = arith.fptosi %mul3A_1107 : vector<16xf32> to vector<16xi32>
        %min3A_1113 = arith.constant 3 : i32
        %min3A_1114 = vector.broadcast %min3A_1113 : i32 to vector<16xi32>
        %min3A_1115 = arith.minsi %convert_element_type3A_1112, %min3A_1114 : vector<16xi32>
        %convert_element_type3A_1116 = arith.sitofp %min3A_1111 : vector<16xi32> to vector<16xf32>
        %sub3A_1117 = arith.subf %mul3A_1104, %convert_element_type3A_1116 : vector<16xf32>
        %convert_element_type3A_1118 = arith.sitofp %min3A_1115 : vector<16xi32> to vector<16xf32>
        %sub3A_1119 = arith.subf %mul3A_1107, %convert_element_type3A_1118 : vector<16xf32>
        %mul3A_1120 = arith.constant 5 : i32
        %mul3A_1121 = vector.broadcast %mul3A_1120 : i32 to vector<16xi32>
        %mul3A_1122 = arith.muli %min3A_1115, %mul3A_1121 : vector<16xi32>
        %add3A_1123 = arith.addi %mul3A_1122, %min3A_1111 : vector<16xi32>
        %add3A_1124 = arith.constant 5 : i32
        %add3A_1125 = vector.broadcast %add3A_1124 : i32 to vector<16xi32>
        %add3A_1126 = arith.addi %add3A_1123, %add3A_1125 : vector<16xi32>
        %and3A_1127 = arith.constant 1 : i32
        %and3A_1128 = vector.broadcast %and3A_1127 : i32 to vector<16xi32>
        %and3A_1129 = arith.andi %add3A_1123, %and3A_1128 : vector<16xi32>
        %shift_right_logical3A_1130 = arith.constant 1 : i32
        %shift_right_logical3A_1131 = vector.broadcast %shift_right_logical3A_1130 : i32 to vector<16xi32>
        %shift_right_logical3A_1132 = arith.shrui %add3A_1123, %shift_right_logical3A_1131 : vector<16xi32>
        %and3A_1133 = arith.constant 1 : i32
        %and3A_1134 = vector.broadcast %and3A_1133 : i32 to vector<16xi32>
        %and3A_1135 = arith.andi %add3A_1126, %and3A_1134 : vector<16xi32>
        %shift_right_logical3A_1136 = arith.constant 1 : i32
        %shift_right_logical3A_1137 = vector.broadcast %shift_right_logical3A_1136 : i32 to vector<16xi32>
        %shift_right_logical3A_1138 = arith.shrui %add3A_1126, %shift_right_logical3A_1137 : vector<16xi32>
        %mul3A_1139 = arith.constant 2 : i32
        %mul3A_1140 = vector.broadcast %mul3A_1139 : i32 to vector<16xi32>
        %mul3A_1141 = arith.muli %get3A_1101, %mul3A_1140 : vector<16xi32>
        %add3A_1142 = vector.broadcast %arg0 : i32 to vector<16xi32>
        %add3A_1143 = arith.addi %mul3A_1141, %add3A_1142 : vector<16xi32>
        %mul3A_1144 = arith.constant 12 : i32
        %mul3A_1145 = vector.broadcast %mul3A_1144 : i32 to vector<16xi32>
        %mul3A_1146 = arith.muli %and3A_1129, %mul3A_1145 : vector<16xi32>
        %add3A_1147 = arith.addi %mul3A_1146, %shift_right_logical3A_1132 : vector<16xi32>
        %mul3A_1148 = arith.constant 20000 : i32
        %mul3A_1149 = vector.broadcast %mul3A_1148 : i32 to vector<16xi32>
        %mul3A_1150 = arith.muli %add3A_1147, %mul3A_1149 : vector<16xi32>
        %add3A_1151 = arith.addi %mul3A_1150, %add3A_1143 : vector<16xi32>
        %swap3A_1152 = arith.constant 1 : i32
        %swap3A_1153 = arith.constant 0 : i32
        %swap3A_1154 = arith.index_cast %swap3A_1152 : i32 to index
        %swap3A_1155 = arith.index_cast %swap3A_1153 : i32 to index
        %swap3A_1156 = arith.constant 64 : index
        %swap3A_1157 = tpu.vector_load %arg11[%swap3A_1154, %swap3A_1155, %swap3A_1156] {strides = array<i32>} : memref<2x2x80xi32, #tpu.memory_space<vmem>>, vector<16xi32>,
        tpu.vector_store %arg11[%swap3A_1154, %swap3A_1155, %swap3A_1156], %add3A_1151 {strides = array<i32>} : memref<2x2x80xi32, #tpu.memory_space<vmem>>, vector<16xi32>,
        %mul3A_1158 = arith.constant 12 : i32
        %mul3A_1159 = vector.broadcast %mul3A_1158 : i32 to vector<16xi32>
        %mul3A_1160 = arith.muli %and3A_1135, %mul3A_1159 : vector<16xi32>
        %add3A_1161 = arith.addi %mul3A_1160, %shift_right_logical3A_1138 : vector<16xi32>
        %mul3A_1162 = arith.constant 20000 : i32
        %mul3A_1163 = vector.broadcast %mul3A_1162 : i32 to vector<16xi32>
        %mul3A_1164 = arith.muli %add3A_1161, %mul3A_1163 : vector<16xi32>
        %add3A_1165 = arith.addi %mul3A_1164, %add3A_1143 : vector<16xi32>
        %swap3A_1166 = arith.constant 1 : i32
        %swap3A_1167 = arith.constant 1 : i32
        %swap3A_1168 = arith.index_cast %swap3A_1166 : i32 to index
        %swap3A_1169 = arith.index_cast %swap3A_1167 : i32 to index
        %swap3A_1170 = arith.constant 64 : index
        %swap3A_1171 = tpu.vector_load %arg11[%swap3A_1168, %swap3A_1169, %swap3A_1170] {strides = array<i32>} : memref<2x2x80xi32, #tpu.memory_space<vmem>>, vector<16xi32>,
        tpu.vector_store %arg11[%swap3A_1168, %swap3A_1169, %swap3A_1170], %add3A_1165 {strides = array<i32>} : memref<2x2x80xi32, #tpu.memory_space<vmem>>, vector<16xi32>,
        %sub3A_1172 = arith.constant 1.000000e+00 : f32
        %sub3A_1173 = vector.broadcast %sub3A_1172 : f32 to vector<16xf32>
        %sub3A_1174 = arith.subf %sub3A_1173, %sub3A_1117 : vector<16xf32>
        %sub3A_1175 = arith.constant 1.000000e+00 : f32
        %sub3A_1176 = vector.broadcast %sub3A_1175 : f32 to vector<16xf32>
        %sub3A_1177 = arith.subf %sub3A_1176, %sub3A_1119 : vector<16xf32>
        %mul3A_1178 = arith.mulf %sub3A_1174, %sub3A_1177 : vector<16xf32>
        %mul3A_1179 = arith.mulf %sub3A_1117, %sub3A_1177 : vector<16xf32>
        %pack3A_1180 = tpu.pack_subelements %mul3A_1178, %mul3A_1179 {pack_format = #tpu.pack_format<interleaved>, positions = array<i32: 0, 1>} : vector<16xf32>, vector<16xf32> -> vector<32xbf16>
        %mul3A_1181 = arith.mulf %sub3A_1174, %sub3A_1119 : vector<16xf32>
        %mul3A_1182 = arith.mulf %sub3A_1117, %sub3A_1119 : vector<16xf32>
        %pack3A_1183 = tpu.pack_subelements %mul3A_1181, %mul3A_1182 {pack_format = #tpu.pack_format<interleaved>, positions = array<i32: 0, 1>} : vector<16xf32>, vector<16xf32> -> vector<32xbf16>
        %bitcast3A_1184 = vector.bitcast %pack3A_1180 : vector<32xbf16> to vector<16xi32>
        %swap3A_1185 = arith.constant 1 : i32
        %swap3A_1186 = arith.constant 0 : i32
        %swap3A_1187 = arith.index_cast %swap3A_1185 : i32 to index
        %swap3A_1188 = arith.index_cast %swap3A_1186 : i32 to index
        %swap3A_1189 = arith.constant 64 : index
        %swap3A_1190 = tpu.vector_load %arg12[%swap3A_1187, %swap3A_1188, %swap3A_1189] {strides = array<i32>} : memref<2x2x96xi32, #tpu.memory_space<vmem>>, vector<16xi32>,
        tpu.vector_store %arg12[%swap3A_1187, %swap3A_1188, %swap3A_1189], %bitcast3A_1184 {strides = array<i32>} : memref<2x2x96xi32, #tpu.memory_space<vmem>>, vector<16xi32>,
        %bitcast3A_1191 = vector.bitcast %pack3A_1183 : vector<32xbf16> to vector<16xi32>
        %swap3A_1192 = arith.constant 1 : i32
        %swap3A_1193 = arith.constant 1 : i32
        %swap3A_1194 = arith.index_cast %swap3A_1192 : i32 to index
        %swap3A_1195 = arith.index_cast %swap3A_1193 : i32 to index
        %swap3A_1196 = arith.constant 64 : index
        %swap3A_1197 = tpu.vector_load %arg12[%swap3A_1194, %swap3A_1195, %swap3A_1196] {strides = array<i32>} : memref<2x2x96xi32, #tpu.memory_space<vmem>>, vector<16xi32>,
        tpu.vector_store %arg12[%swap3A_1194, %swap3A_1195, %swap3A_1196], %bitcast3A_1191 {strides = array<i32>} : memref<2x2x96xi32, #tpu.memory_space<vmem>>, vector<16xi32>,
        %dma_start3A_1198 = arith.constant 1 : i32
        %dma_start3A_1199 = arith.constant 0 : i32
        %dma_start3A_1200 = arith.constant 1 : i32
        %dma_start3A_1201 = arith.constant 0 : i32
        %dma_start3A_1202 = arith.constant 0 : i32
        %dma_start3A_1203 = tpu.memref_slice %arg13[%dma_start3A_1200, %dma_start3A_1201, %dma_start3A_1202] : memref<2x160x64xi32, #tpu.memory_space<vmem>> -> memref<1x80x64xi32, #tpu.memory_space<vmem>>
        %dma_start3A_1204 = tpu.memref_squeeze %dma_start3A_1203 : memref<1x80x64xi32, #tpu.memory_space<vmem>> -> memref<80x64xi32, #tpu.memory_space<vmem>>
        %dma_start3A_1205 = arith.constant 0 : i32
        %dma_start3A_1206 = tpu.memref_slice %arg11[%dma_start3A_1198, %dma_start3A_1199, %dma_start3A_1205] : memref<2x2x80xi32, #tpu.memory_space<vmem>> -> memref<1x1x80xi32, #tpu.memory_space<vmem>>
        %dma_start3A_1207 = tpu.memref_squeeze %dma_start3A_1206 : memref<1x1x80xi32, #tpu.memory_space<vmem>> -> memref<80xi32, #tpu.memory_space<vmem>>
        %dma_start3A_1208 = arith.constant 0 : i32
        %dma_start3A_1209 = arith.constant 0 : i32
        %dma_start3A_1210 = tpu.memref_slice %arg2[%dma_start3A_1208, %dma_start3A_1209] : memref<480000x64xi32, #tpu.memory_space<hbm>> -> memref<480000x64xi32, #tpu.memory_space<hbm>>
        tpu.enqueue_indirect_dma source(%dma_start3A_1210 : memref<480000x64xi32, #tpu.memory_space<hbm>>) target(%dma_start3A_1204 : memref<80x64xi32, #tpu.memory_space<vmem>>) offsets(%dma_start3A_1207 : memref<80xi32, #tpu.memory_space<vmem>>) semaphore(%arg19 : memref<!tpu.dma_semaphore, #tpu.memory_space<semaphore_mem>>)
        %dma_start3A_1211 = arith.constant 1 : i32
        %dma_start3A_1212 = arith.constant 1 : i32
        %dma_start3A_1213 = arith.constant 1 : i32
        %dma_start3A_1214 = arith.constant 80 : i32
        %dma_start3A_1215 = arith.constant 0 : i32
        %dma_start3A_1216 = tpu.memref_slice %arg13[%dma_start3A_1213, %dma_start3A_1214, %dma_start3A_1215] : memref<2x160x64xi32, #tpu.memory_space<vmem>> -> memref<1x80x64xi32, #tpu.memory_space<vmem>>
        %dma_start3A_1217 = tpu.memref_squeeze %dma_start3A_1216 : memref<1x80x64xi32, #tpu.memory_space<vmem>> -> memref<80x64xi32, #tpu.memory_space<vmem>>
        %dma_start3A_1218 = arith.constant 0 : i32
        %dma_start3A_1219 = tpu.memref_slice %arg11[%dma_start3A_1211, %dma_start3A_1212, %dma_start3A_1218] : memref<2x2x80xi32, #tpu.memory_space<vmem>> -> memref<1x1x80xi32, #tpu.memory_space<vmem>>
        %dma_start3A_1220 = tpu.memref_squeeze %dma_start3A_1219 : memref<1x1x80xi32, #tpu.memory_space<vmem>> -> memref<80xi32, #tpu.memory_space<vmem>>
        %dma_start3A_1221 = arith.constant 0 : i32
        %dma_start3A_1222 = arith.constant 0 : i32
        %dma_start3A_1223 = tpu.memref_slice %arg2[%dma_start3A_1221, %dma_start3A_1222] : memref<480000x64xi32, #tpu.memory_space<hbm>> -> memref<480000x64xi32, #tpu.memory_space<hbm>>
        tpu.enqueue_indirect_dma source(%dma_start3A_1223 : memref<480000x64xi32, #tpu.memory_space<hbm>>) target(%dma_start3A_1217 : memref<80x64xi32, #tpu.memory_space<vmem>>) offsets(%dma_start3A_1220 : memref<80xi32, #tpu.memory_space<vmem>>) semaphore(%arg19 : memref<!tpu.dma_semaphore, #tpu.memory_space<semaphore_mem>>)
        %dma_wait3A_1224 = arith.constant 0 : i32
        %dma_wait3A_1225 = arith.constant 0 : i32
        %dma_wait3A_1226 = arith.constant 0 : i32
        %dma_wait3A_1227 = arith.constant 0 : i32
        %dma_wait3A_1228 = arith.constant 0 : i32
        %dma_wait3A_1229 = tpu.memref_slice %arg13[%dma_wait3A_1226, %dma_wait3A_1227, %dma_wait3A_1228] : memref<2x160x64xi32, #tpu.memory_space<vmem>> -> memref<1x80x64xi32, #tpu.memory_space<vmem>>
        %dma_wait3A_1230 = tpu.memref_squeeze %dma_wait3A_1229 : memref<1x80x64xi32, #tpu.memory_space<vmem>> -> memref<80x64xi32, #tpu.memory_space<vmem>>
        %dma_wait3A_1231 = arith.constant 0 : i32
        %dma_wait3A_1232 = tpu.memref_slice %arg11[%dma_wait3A_1224, %dma_wait3A_1225, %dma_wait3A_1231] : memref<2x2x80xi32, #tpu.memory_space<vmem>> -> memref<1x1x80xi32, #tpu.memory_space<vmem>>
        %dma_wait3A_1233 = tpu.memref_squeeze %dma_wait3A_1232 : memref<1x1x80xi32, #tpu.memory_space<vmem>> -> memref<80xi32, #tpu.memory_space<vmem>>
        %dma_wait3A_1234 = arith.constant 0 : i32
        %dma_wait3A_1235 = arith.constant 0 : i32
        %dma_wait3A_1236 = tpu.memref_slice %arg2[%dma_wait3A_1234, %dma_wait3A_1235] : memref<480000x64xi32, #tpu.memory_space<hbm>> -> memref<480000x64xi32, #tpu.memory_space<hbm>>
        tpu.wait_indirect_dma semaphore(%arg18 : memref<!tpu.dma_semaphore, #tpu.memory_space<semaphore_mem>>) src(%dma_wait3A_1236 : memref<480000x64xi32, #tpu.memory_space<hbm>>) dst(%dma_wait3A_1230 : memref<80x64xi32, #tpu.memory_space<vmem>>)
        %dma_wait3A_1237 = arith.constant 0 : i32
        %dma_wait3A_1238 = arith.constant 1 : i32
        %dma_wait3A_1239 = arith.constant 0 : i32
        %dma_wait3A_1240 = arith.constant 80 : i32
        %dma_wait3A_1241 = arith.constant 0 : i32
        %dma_wait3A_1242 = tpu.memref_slice %arg13[%dma_wait3A_1239, %dma_wait3A_1240, %dma_wait3A_1241] : memref<2x160x64xi32, #tpu.memory_space<vmem>> -> memref<1x80x64xi32, #tpu.memory_space<vmem>>
        %dma_wait3A_1243 = tpu.memref_squeeze %dma_wait3A_1242 : memref<1x80x64xi32, #tpu.memory_space<vmem>> -> memref<80x64xi32, #tpu.memory_space<vmem>>
        %dma_wait3A_1244 = arith.constant 0 : i32
        %dma_wait3A_1245 = tpu.memref_slice %arg11[%dma_wait3A_1237, %dma_wait3A_1238, %dma_wait3A_1244] : memref<2x2x80xi32, #tpu.memory_space<vmem>> -> memref<1x1x80xi32, #tpu.memory_space<vmem>>
        %dma_wait3A_1246 = tpu.memref_squeeze %dma_wait3A_1245 : memref<1x1x80xi32, #tpu.memory_space<vmem>> -> memref<80xi32, #tpu.memory_space<vmem>>
        %dma_wait3A_1247 = arith.constant 0 : i32
        %dma_wait3A_1248 = arith.constant 0 : i32
        %dma_wait3A_1249 = tpu.memref_slice %arg2[%dma_wait3A_1247, %dma_wait3A_1248] : memref<480000x64xi32, #tpu.memory_space<hbm>> -> memref<480000x64xi32, #tpu.memory_space<hbm>>
        tpu.wait_indirect_dma semaphore(%arg18 : memref<!tpu.dma_semaphore, #tpu.memory_space<semaphore_mem>>) src(%dma_wait3A_1249 : memref<480000x64xi32, #tpu.memory_space<hbm>>) dst(%dma_wait3A_1243 : memref<80x64xi32, #tpu.memory_space<vmem>>)
        %ge3A = arith.constant 2 : i32
        %ge3A_1250 = arith.cmpi sge, %mul3A_653, %ge3A : i32
        %convert_element_type3A_1251 = arith.extui %ge3A_1250 : i1 to i32
        %cond3A = arith.constant 0 : i32
        %cond3A_1252 = arith.cmpi ne, %convert_element_type3A_1251, %cond3A : i32
        scf.if %cond3A_1252 {
          %dma_wait3A_1320 = arith.constant 0 : i32
          %dma_wait3A_1321 = arith.constant 0 : i32
          %dma_wait3A_1322 = arith.constant 0 : i32
          %dma_wait3A_1323 = tpu.memref_slice %arg14[%dma_wait3A_1320, %dma_wait3A_1321, %dma_wait3A_1322] : memref<2x80x80xf32, #tpu.memory_space<vmem>> -> memref<1x80x80xf32, #tpu.memory_space<vmem>>
          %dma_wait3A_1324 = tpu.memref_squeeze %dma_wait3A_1323 : memref<1x80x80xf32, #tpu.memory_space<vmem>> -> memref<80x80xf32, #tpu.memory_space<vmem>>
          %dma_wait3A_1325 = arith.constant 0 : i32
          %dma_wait3A_1326 = tpu.memref_slice %arg10[%dma_wait3A_1325] : memref<4000xi32, #tpu.memory_space<vmem>> -> memref<80xi32, #tpu.memory_space<vmem>>
          %dma_wait3A_1327 = arith.constant 0 : i32
          %dma_wait3A_1328 = arith.constant 0 : i32
          %dma_wait3A_1329 = tpu.memref_slice %arg17[%dma_wait3A_1327, %dma_wait3A_1328] : memref<10000x80xf32, #tpu.memory_space<vmem_shared>> -> memref<10000x80xf32, #tpu.memory_space<vmem_shared>>
          tpu.wait_indirect_dma semaphore(%arg20 : memref<!tpu.dma_semaphore, #tpu.memory_space<semaphore_mem>>) src(%dma_wait3A_1324 : memref<80x80xf32, #tpu.memory_space<vmem>>) dst(%dma_wait3A_1329 : memref<10000x80xf32, #tpu.memory_space<vmem_shared>>)
        } else {
        }
        %parallel_loop3A_1253 = arith.constant 0 : i32
        %parallel_loop3A_1254 = arith.constant 80 : i32
        %parallel_loop3A_1255 = arith.constant 1 : i32
        scf.for %parallel_loop3A_1320 = %parallel_loop3A_1253 to %parallel_loop3A_1254 step %parallel_loop3A_1255  : i32 {
          %parallel_loop3A_1321 = arith.constant 0 : i32
          %parallel_loop3A_1322 = vector.broadcast %parallel_loop3A_1321 : i32 to vector<16xi32>
          %parallel_loop3A_1323 = arith.constant 0 : i32
          %parallel_loop3A_1324 = arith.constant 0 : i32
          %parallel_loop3A_1325 = arith.index_cast %parallel_loop3A_1323 : i32 to index
          %parallel_loop3A_1326 = arith.index_cast %parallel_loop3A_1324 : i32 to index
          %parallel_loop3A_1327 = arith.index_cast %parallel_loop3A_1320 : i32 to index
          %parallel_loop3A_1328 = tpu.vector_load %arg12[%parallel_loop3A_1325, %parallel_loop3A_1326, %parallel_loop3A_1327] {strides = array<i32>} : memref<2x2x96xi32, #tpu.memory_space<vmem>>, vector<16xi32>,
          %parallel_loop3A_1329 = vector.extract_strided_slice %parallel_loop3A_1328 {offsets = [0], sizes = [1], strides = [1]} : vector<16xi32> to vector<1xi32>
          %parallel_loop3A_1330 = vector.extract %parallel_loop3A_1329[0] : i32 from vector<1xi32>
          %parallel_loop3A_1331 = vector.broadcast %parallel_loop3A_1330 : i32 to vector<16xi32>
          %parallel_loop3A_1332 = arith.addi %parallel_loop3A_1322, %parallel_loop3A_1331 : vector<16xi32>
          %parallel_loop3A_1333 = vector.bitcast %parallel_loop3A_1332 : vector<16xi32> to vector<32xbf16>
          %parallel_loop3A_1334 = arith.constant 0 : i32
          %parallel_loop3A_1335 = arith.constant 1 : i32
          %parallel_loop3A_1336 = arith.index_cast %parallel_loop3A_1334 : i32 to index
          %parallel_loop3A_1337 = arith.index_cast %parallel_loop3A_1335 : i32 to index
          %parallel_loop3A_1338 = arith.index_cast %parallel_loop3A_1320 : i32 to index
          %parallel_loop3A_1339 = tpu.vector_load %arg12[%parallel_loop3A_1336, %parallel_loop3A_1337, %parallel_loop3A_1338] {strides = array<i32>} : memref<2x2x96xi32, #tpu.memory_space<vmem>>, vector<16xi32>,
          %parallel_loop3A_1340 = vector.extract_strided_slice %parallel_loop3A_1339 {offsets = [0], sizes = [1], strides = [1]} : vector<16xi32> to vector<1xi32>
          %parallel_loop3A_1341 = vector.extract %parallel_loop3A_1340[0] : i32 from vector<1xi32>
          %parallel_loop3A_1342 = vector.broadcast %parallel_loop3A_1341 : i32 to vector<16xi32>
          %parallel_loop3A_1343 = arith.addi %parallel_loop3A_1322, %parallel_loop3A_1342 : vector<16xi32>
          %parallel_loop3A_1344 = vector.bitcast %parallel_loop3A_1343 : vector<16xi32> to vector<32xbf16>
          %parallel_loop3A_1345 = arith.constant 0 : i32
          %parallel_loop3A_1346 = arith.index_cast %parallel_loop3A_1345 : i32 to index
          %parallel_loop3A_1347 = arith.index_cast %parallel_loop3A_1320 : i32 to index
          %parallel_loop3A_1348 = arith.constant 0 : index
          %parallel_loop3A_1349 = tpu.vector_load %arg13[%parallel_loop3A_1346, %parallel_loop3A_1347, %parallel_loop3A_1348] {strides = array<i32>} : memref<2x160x64xi32, #tpu.memory_space<vmem>>, vector<16xi32>,
          %parallel_loop3A_1350 = vector.bitcast %parallel_loop3A_1349 : vector<16xi32> to vector<32xbf16>
          %parallel_loop3A_1351 = arith.constant 80 : i32
          %parallel_loop3A_1352 = arith.addi %parallel_loop3A_1351, %parallel_loop3A_1320 : i32
          %parallel_loop3A_1353 = arith.constant 0 : i32
          %parallel_loop3A_1354 = arith.index_cast %parallel_loop3A_1353 : i32 to index
          %parallel_loop3A_1355 = arith.index_cast %parallel_loop3A_1352 : i32 to index
          %parallel_loop3A_1356 = arith.constant 0 : index
          %parallel_loop3A_1357 = tpu.vector_load %arg13[%parallel_loop3A_1354, %parallel_loop3A_1355, %parallel_loop3A_1356] {strides = array<i32>} : memref<2x160x64xi32, #tpu.memory_space<vmem>>, vector<16xi32>,
          %parallel_loop3A_1358 = vector.bitcast %parallel_loop3A_1357 : vector<16xi32> to vector<32xbf16>
          %parallel_loop3A_1359 = arith.mulf %parallel_loop3A_1350, %parallel_loop3A_1333 : vector<32xbf16>
          %parallel_loop3A_1360 = arith.mulf %parallel_loop3A_1358, %parallel_loop3A_1344 : vector<32xbf16>
          %parallel_loop3A_1361 = arith.addf %parallel_loop3A_1359, %parallel_loop3A_1360 : vector<32xbf16>
          %parallel_loop3A_1362 = tpu.unpack_subelements %parallel_loop3A_1361, 0 {pack_format = #tpu.pack_format<interleaved>} : vector<32xbf16> -> vector<16xf32>
          %parallel_loop3A_1363 = tpu.unpack_subelements %parallel_loop3A_1361, 1 {pack_format = #tpu.pack_format<interleaved>} : vector<32xbf16> -> vector<16xf32>
          %parallel_loop3A_1364 = arith.addf %parallel_loop3A_1362, %parallel_loop3A_1363 : vector<16xf32>
          %parallel_loop3A_1365 = arith.constant 0 : i32
          %parallel_loop3A_1366 = arith.index_cast %parallel_loop3A_1365 : i32 to index
          %parallel_loop3A_1367 = arith.index_cast %parallel_loop3A_1320 : i32 to index
          %parallel_loop3A_1368 = arith.constant 0 : index
          %parallel_loop3A_1369 = tpu.vector_load %arg14[%parallel_loop3A_1366, %parallel_loop3A_1367, %parallel_loop3A_1368] {strides = array<i32>} : memref<2x80x80xf32, #tpu.memory_space<vmem>>, vector<16xf32>,
          tpu.vector_store %arg14[%parallel_loop3A_1366, %parallel_loop3A_1367, %parallel_loop3A_1368], %parallel_loop3A_1364 {strides = array<i32>} : memref<2x80x80xf32, #tpu.memory_space<vmem>>, vector<16xf32>,
          %parallel_loop3A_1370 = arith.constant 0 : i32
          %parallel_loop3A_1371 = arith.index_cast %parallel_loop3A_1370 : i32 to index
          %parallel_loop3A_1372 = arith.index_cast %parallel_loop3A_1320 : i32 to index
          %parallel_loop3A_1373 = arith.constant 16 : index
          %parallel_loop3A_1374 = tpu.vector_load %arg13[%parallel_loop3A_1371, %parallel_loop3A_1372, %parallel_loop3A_1373] {strides = array<i32>} : memref<2x160x64xi32, #tpu.memory_space<vmem>>, vector<16xi32>,
          %parallel_loop3A_1375 = vector.bitcast %parallel_loop3A_1374 : vector<16xi32> to vector<32xbf16>
          %parallel_loop3A_1376 = arith.constant 80 : i32
          %parallel_loop3A_1377 = arith.addi %parallel_loop3A_1376, %parallel_loop3A_1320 : i32
          %parallel_loop3A_1378 = arith.constant 0 : i32
          %parallel_loop3A_1379 = arith.index_cast %parallel_loop3A_1378 : i32 to index
          %parallel_loop3A_1380 = arith.index_cast %parallel_loop3A_1377 : i32 to index
          %parallel_loop3A_1381 = arith.constant 16 : index
          %parallel_loop3A_1382 = tpu.vector_load %arg13[%parallel_loop3A_1379, %parallel_loop3A_1380, %parallel_loop3A_1381] {strides = array<i32>} : memref<2x160x64xi32, #tpu.memory_space<vmem>>, vector<16xi32>,
          %parallel_loop3A_1383 = vector.bitcast %parallel_loop3A_1382 : vector<16xi32> to vector<32xbf16>
          %parallel_loop3A_1384 = arith.mulf %parallel_loop3A_1375, %parallel_loop3A_1333 : vector<32xbf16>
          %parallel_loop3A_1385 = arith.mulf %parallel_loop3A_1383, %parallel_loop3A_1344 : vector<32xbf16>
          %parallel_loop3A_1386 = arith.addf %parallel_loop3A_1384, %parallel_loop3A_1385 : vector<32xbf16>
          %parallel_loop3A_1387 = tpu.unpack_subelements %parallel_loop3A_1386, 0 {pack_format = #tpu.pack_format<interleaved>} : vector<32xbf16> -> vector<16xf32>
          %parallel_loop3A_1388 = tpu.unpack_subelements %parallel_loop3A_1386, 1 {pack_format = #tpu.pack_format<interleaved>} : vector<32xbf16> -> vector<16xf32>
          %parallel_loop3A_1389 = arith.addf %parallel_loop3A_1387, %parallel_loop3A_1388 : vector<16xf32>
          %parallel_loop3A_1390 = arith.constant 0 : i32
          %parallel_loop3A_1391 = arith.index_cast %parallel_loop3A_1390 : i32 to index
          %parallel_loop3A_1392 = arith.index_cast %parallel_loop3A_1320 : i32 to index
          %parallel_loop3A_1393 = arith.constant 16 : index
          %parallel_loop3A_1394 = tpu.vector_load %arg14[%parallel_loop3A_1391, %parallel_loop3A_1392, %parallel_loop3A_1393] {strides = array<i32>} : memref<2x80x80xf32, #tpu.memory_space<vmem>>, vector<16xf32>,
          tpu.vector_store %arg14[%parallel_loop3A_1391, %parallel_loop3A_1392, %parallel_loop3A_1393], %parallel_loop3A_1389 {strides = array<i32>} : memref<2x80x80xf32, #tpu.memory_space<vmem>>, vector<16xf32>,
          %parallel_loop3A_1395 = arith.constant 0 : i32
          %parallel_loop3A_1396 = arith.index_cast %parallel_loop3A_1395 : i32 to index
          %parallel_loop3A_1397 = arith.index_cast %parallel_loop3A_1320 : i32 to index
          %parallel_loop3A_1398 = arith.constant 32 : index
          %parallel_loop3A_1399 = tpu.vector_load %arg13[%parallel_loop3A_1396, %parallel_loop3A_1397, %parallel_loop3A_1398] {strides = array<i32>} : memref<2x160x64xi32, #tpu.memory_space<vmem>>, vector<16xi32>,
          %parallel_loop3A_1400 = vector.bitcast %parallel_loop3A_1399 : vector<16xi32> to vector<32xbf16>
          %parallel_loop3A_1401 = arith.constant 80 : i32
          %parallel_loop3A_1402 = arith.addi %parallel_loop3A_1401, %parallel_loop3A_1320 : i32
          %parallel_loop3A_1403 = arith.constant 0 : i32
          %parallel_loop3A_1404 = arith.index_cast %parallel_loop3A_1403 : i32 to index
          %parallel_loop3A_1405 = arith.index_cast %parallel_loop3A_1402 : i32 to index
          %parallel_loop3A_1406 = arith.constant 32 : index
          %parallel_loop3A_1407 = tpu.vector_load %arg13[%parallel_loop3A_1404, %parallel_loop3A_1405, %parallel_loop3A_1406] {strides = array<i32>} : memref<2x160x64xi32, #tpu.memory_space<vmem>>, vector<16xi32>,
          %parallel_loop3A_1408 = vector.bitcast %parallel_loop3A_1407 : vector<16xi32> to vector<32xbf16>
          %parallel_loop3A_1409 = arith.mulf %parallel_loop3A_1400, %parallel_loop3A_1333 : vector<32xbf16>
          %parallel_loop3A_1410 = arith.mulf %parallel_loop3A_1408, %parallel_loop3A_1344 : vector<32xbf16>
          %parallel_loop3A_1411 = arith.addf %parallel_loop3A_1409, %parallel_loop3A_1410 : vector<32xbf16>
          %parallel_loop3A_1412 = tpu.unpack_subelements %parallel_loop3A_1411, 0 {pack_format = #tpu.pack_format<interleaved>} : vector<32xbf16> -> vector<16xf32>
          %parallel_loop3A_1413 = tpu.unpack_subelements %parallel_loop3A_1411, 1 {pack_format = #tpu.pack_format<interleaved>} : vector<32xbf16> -> vector<16xf32>
          %parallel_loop3A_1414 = arith.addf %parallel_loop3A_1412, %parallel_loop3A_1413 : vector<16xf32>
          %parallel_loop3A_1415 = arith.constant 0 : i32
          %parallel_loop3A_1416 = arith.index_cast %parallel_loop3A_1415 : i32 to index
          %parallel_loop3A_1417 = arith.index_cast %parallel_loop3A_1320 : i32 to index
          %parallel_loop3A_1418 = arith.constant 32 : index
          %parallel_loop3A_1419 = tpu.vector_load %arg14[%parallel_loop3A_1416, %parallel_loop3A_1417, %parallel_loop3A_1418] {strides = array<i32>} : memref<2x80x80xf32, #tpu.memory_space<vmem>>, vector<16xf32>,
          tpu.vector_store %arg14[%parallel_loop3A_1416, %parallel_loop3A_1417, %parallel_loop3A_1418], %parallel_loop3A_1414 {strides = array<i32>} : memref<2x80x80xf32, #tpu.memory_space<vmem>>, vector<16xf32>,
          %parallel_loop3A_1420 = arith.constant 0 : i32
          %parallel_loop3A_1421 = arith.index_cast %parallel_loop3A_1420 : i32 to index
          %parallel_loop3A_1422 = arith.index_cast %parallel_loop3A_1320 : i32 to index
          %parallel_loop3A_1423 = arith.constant 48 : index
          %parallel_loop3A_1424 = tpu.vector_load %arg13[%parallel_loop3A_1421, %parallel_loop3A_1422, %parallel_loop3A_1423] {strides = array<i32>} : memref<2x160x64xi32, #tpu.memory_space<vmem>>, vector<16xi32>,
          %parallel_loop3A_1425 = vector.bitcast %parallel_loop3A_1424 : vector<16xi32> to vector<32xbf16>
          %parallel_loop3A_1426 = arith.constant 80 : i32
          %parallel_loop3A_1427 = arith.addi %parallel_loop3A_1426, %parallel_loop3A_1320 : i32
          %parallel_loop3A_1428 = arith.constant 0 : i32
          %parallel_loop3A_1429 = arith.index_cast %parallel_loop3A_1428 : i32 to index
          %parallel_loop3A_1430 = arith.index_cast %parallel_loop3A_1427 : i32 to index
          %parallel_loop3A_1431 = arith.constant 48 : index
          %parallel_loop3A_1432 = tpu.vector_load %arg13[%parallel_loop3A_1429, %parallel_loop3A_1430, %parallel_loop3A_1431] {strides = array<i32>} : memref<2x160x64xi32, #tpu.memory_space<vmem>>, vector<16xi32>,
          %parallel_loop3A_1433 = vector.bitcast %parallel_loop3A_1432 : vector<16xi32> to vector<32xbf16>
          %parallel_loop3A_1434 = arith.mulf %parallel_loop3A_1425, %parallel_loop3A_1333 : vector<32xbf16>
          %parallel_loop3A_1435 = arith.mulf %parallel_loop3A_1433, %parallel_loop3A_1344 : vector<32xbf16>
          %parallel_loop3A_1436 = arith.addf %parallel_loop3A_1434, %parallel_loop3A_1435 : vector<32xbf16>
          %parallel_loop3A_1437 = tpu.unpack_subelements %parallel_loop3A_1436, 0 {pack_format = #tpu.pack_format<interleaved>} : vector<32xbf16> -> vector<16xf32>
          %parallel_loop3A_1438 = tpu.unpack_subelements %parallel_loop3A_1436, 1 {pack_format = #tpu.pack_format<interleaved>} : vector<32xbf16> -> vector<16xf32>
          %parallel_loop3A_1439 = arith.addf %parallel_loop3A_1437, %parallel_loop3A_1438 : vector<16xf32>
          %parallel_loop3A_1440 = arith.constant 0 : i32
          %parallel_loop3A_1441 = arith.index_cast %parallel_loop3A_1440 : i32 to index
          %parallel_loop3A_1442 = arith.index_cast %parallel_loop3A_1320 : i32 to index
          %parallel_loop3A_1443 = arith.constant 48 : index
          %parallel_loop3A_1444 = tpu.vector_load %arg14[%parallel_loop3A_1441, %parallel_loop3A_1442, %parallel_loop3A_1443] {strides = array<i32>} : memref<2x80x80xf32, #tpu.memory_space<vmem>>, vector<16xf32>,
          tpu.vector_store %arg14[%parallel_loop3A_1441, %parallel_loop3A_1442, %parallel_loop3A_1443], %parallel_loop3A_1439 {strides = array<i32>} : memref<2x80x80xf32, #tpu.memory_space<vmem>>, vector<16xf32>,
        } {sc.loop_unroll_factor = 2 : i64, sc.parallel_access}
        %mul3A_1256 = arith.constant 80 : i32
        %mul3A_1257 = arith.muli %mul3A_653, %mul3A_1256 : i32
        %dma_start3A_1258 = arith.constant 0 : i32
        %dma_start3A_1259 = arith.constant 0 : i32
        %dma_start3A_1260 = arith.constant 0 : i32
        %dma_start3A_1261 = tpu.memref_slice %arg14[%dma_start3A_1258, %dma_start3A_1259, %dma_start3A_1260] : memref<2x80x80xf32, #tpu.memory_space<vmem>> -> memref<1x80x80xf32, #tpu.memory_space<vmem>>
        %dma_start3A_1262 = tpu.memref_squeeze %dma_start3A_1261 : memref<1x80x80xf32, #tpu.memory_space<vmem>> -> memref<80x80xf32, #tpu.memory_space<vmem>>
        %dma_start3A_1263 = tpu.memref_slice %arg10[%mul3A_1257] : memref<4000xi32, #tpu.memory_space<vmem>> -> memref<80xi32, #tpu.memory_space<vmem>>
        %dma_start3A_1264 = arith.constant 0 : i32
        %dma_start3A_1265 = arith.constant 0 : i32
        %dma_start3A_1266 = tpu.memref_slice %arg17[%dma_start3A_1264, %dma_start3A_1265] : memref<10000x80xf32, #tpu.memory_space<vmem_shared>> -> memref<10000x80xf32, #tpu.memory_space<vmem_shared>>
        tpu.enqueue_indirect_dma source(%dma_start3A_1262 : memref<80x80xf32, #tpu.memory_space<vmem>>) target(%dma_start3A_1266 : memref<10000x80xf32, #tpu.memory_space<vmem_shared>>) offsets(%dma_start3A_1263 : memref<80xi32, #tpu.memory_space<vmem>>) semaphore(%arg20 : memref<!tpu.dma_semaphore, #tpu.memory_space<semaphore_mem>>) {add = true}
        %add3A_1267 = arith.constant 2 : i32
        %add3A_1268 = arith.addi %mul3A_653, %add3A_1267 : i32
        %lt3A = arith.constant 50 : i32
        %lt3A_1269 = arith.cmpi slt, %add3A_1268, %lt3A : i32
        %convert_element_type3A_1270 = arith.extui %lt3A_1269 : i1 to i32
        %cond3A_1271 = arith.constant 0 : i32
        %cond3A_1272 = arith.cmpi ne, %convert_element_type3A_1270, %cond3A_1271 : i32
        scf.if %cond3A_1272 {
          %add3A_1320 = arith.constant 2 : i32
          %add3A_1321 = arith.addi %mul3A_653, %add3A_1320 : i32
          %mul3A_1322 = arith.constant 80 : i32
          %mul3A_1323 = arith.muli %add3A_1321, %mul3A_1322 : i32
          %add3A_1324 = arith.constant 0 : i32
          %add3A_1325 = arith.addi %mul3A_1323, %add3A_1324 : i32
          %get3A_1326 = arith.constant 0 : i32
          %get3A_1327 = arith.index_cast %get3A_1326 : i32 to index
          %get3A_1328 = arith.index_cast %add3A_1325 : i32 to index
          %get3A_1329 = tpu.vector_load %arg8[%get3A_1327, %get3A_1328] {strides = array<i32>} : memref<2x4000xf32, #tpu.memory_space<vmem>>, vector<16xf32>,
          %get3A_1330 = arith.constant 1 : i32
          %get3A_1331 = arith.index_cast %get3A_1330 : i32 to index
          %get3A_1332 = arith.index_cast %add3A_1325 : i32 to index
          %get3A_1333 = tpu.vector_load %arg8[%get3A_1331, %get3A_1332] {strides = array<i32>} : memref<2x4000xf32, #tpu.memory_space<vmem>>, vector<16xf32>,
          %get3A_1334 = arith.index_cast %add3A_1325 : i32 to index
          %get3A_1335 = tpu.vector_load %arg9[%get3A_1334] {strides = array<i32>} : memref<4000xi32, #tpu.memory_space<vmem>>, vector<16xi32>,
          %mul3A_1336 = arith.constant 4.000000e+00 : f32
          %mul3A_1337 = vector.broadcast %mul3A_1336 : f32 to vector<16xf32>
          %mul3A_1338 = arith.mulf %get3A_1329, %mul3A_1337 : vector<16xf32>
          %mul3A_1339 = arith.constant 4.000000e+00 : f32
          %mul3A_1340 = vector.broadcast %mul3A_1339 : f32 to vector<16xf32>
          %mul3A_1341 = arith.mulf %get3A_1333, %mul3A_1340 : vector<16xf32>
          %convert_element_type3A_1342 = arith.fptosi %mul3A_1338 : vector<16xf32> to vector<16xi32>
          %min3A_1343 = arith.constant 3 : i32
          %min3A_1344 = vector.broadcast %min3A_1343 : i32 to vector<16xi32>
          %min3A_1345 = arith.minsi %convert_element_type3A_1342, %min3A_1344 : vector<16xi32>
          %convert_element_type3A_1346 = arith.fptosi %mul3A_1341 : vector<16xf32> to vector<16xi32>
          %min3A_1347 = arith.constant 3 : i32
          %min3A_1348 = vector.broadcast %min3A_1347 : i32 to vector<16xi32>
          %min3A_1349 = arith.minsi %convert_element_type3A_1346, %min3A_1348 : vector<16xi32>
          %convert_element_type3A_1350 = arith.sitofp %min3A_1345 : vector<16xi32> to vector<16xf32>
          %sub3A_1351 = arith.subf %mul3A_1338, %convert_element_type3A_1350 : vector<16xf32>
          %convert_element_type3A_1352 = arith.sitofp %min3A_1349 : vector<16xi32> to vector<16xf32>
          %sub3A_1353 = arith.subf %mul3A_1341, %convert_element_type3A_1352 : vector<16xf32>
          %mul3A_1354 = arith.constant 5 : i32
          %mul3A_1355 = vector.broadcast %mul3A_1354 : i32 to vector<16xi32>
          %mul3A_1356 = arith.muli %min3A_1349, %mul3A_1355 : vector<16xi32>
          %add3A_1357 = arith.addi %mul3A_1356, %min3A_1345 : vector<16xi32>
          %add3A_1358 = arith.constant 5 : i32
          %add3A_1359 = vector.broadcast %add3A_1358 : i32 to vector<16xi32>
          %add3A_1360 = arith.addi %add3A_1357, %add3A_1359 : vector<16xi32>
          %and3A_1361 = arith.constant 1 : i32
          %and3A_1362 = vector.broadcast %and3A_1361 : i32 to vector<16xi32>
          %and3A_1363 = arith.andi %add3A_1357, %and3A_1362 : vector<16xi32>
          %shift_right_logical3A_1364 = arith.constant 1 : i32
          %shift_right_logical3A_1365 = vector.broadcast %shift_right_logical3A_1364 : i32 to vector<16xi32>
          %shift_right_logical3A_1366 = arith.shrui %add3A_1357, %shift_right_logical3A_1365 : vector<16xi32>
          %and3A_1367 = arith.constant 1 : i32
          %and3A_1368 = vector.broadcast %and3A_1367 : i32 to vector<16xi32>
          %and3A_1369 = arith.andi %add3A_1360, %and3A_1368 : vector<16xi32>
          %shift_right_logical3A_1370 = arith.constant 1 : i32
          %shift_right_logical3A_1371 = vector.broadcast %shift_right_logical3A_1370 : i32 to vector<16xi32>
          %shift_right_logical3A_1372 = arith.shrui %add3A_1360, %shift_right_logical3A_1371 : vector<16xi32>
          %mul3A_1373 = arith.constant 2 : i32
          %mul3A_1374 = vector.broadcast %mul3A_1373 : i32 to vector<16xi32>
          %mul3A_1375 = arith.muli %get3A_1335, %mul3A_1374 : vector<16xi32>
          %add3A_1376 = vector.broadcast %arg0 : i32 to vector<16xi32>
          %add3A_1377 = arith.addi %mul3A_1375, %add3A_1376 : vector<16xi32>
          %mul3A_1378 = arith.constant 12 : i32
          %mul3A_1379 = vector.broadcast %mul3A_1378 : i32 to vector<16xi32>
          %mul3A_1380 = arith.muli %and3A_1363, %mul3A_1379 : vector<16xi32>
          %add3A_1381 = arith.addi %mul3A_1380, %shift_right_logical3A_1366 : vector<16xi32>
          %mul3A_1382 = arith.constant 20000 : i32
          %mul3A_1383 = vector.broadcast %mul3A_1382 : i32 to vector<16xi32>
          %mul3A_1384 = arith.muli %add3A_1381, %mul3A_1383 : vector<16xi32>
          %add3A_1385 = arith.addi %mul3A_1384, %add3A_1377 : vector<16xi32>
          %swap3A_1386 = arith.constant 0 : i32
          %swap3A_1387 = arith.constant 0 : i32
          %swap3A_1388 = arith.index_cast %swap3A_1386 : i32 to index
          %swap3A_1389 = arith.index_cast %swap3A_1387 : i32 to index
          %swap3A_1390 = arith.constant 0 : index
          %swap3A_1391 = tpu.vector_load %arg11[%swap3A_1388, %swap3A_1389, %swap3A_1390] {strides = array<i32>} : memref<2x2x80xi32, #tpu.memory_space<vmem>>, vector<16xi32>,
          tpu.vector_store %arg11[%swap3A_1388, %swap3A_1389, %swap3A_1390], %add3A_1385 {strides = array<i32>} : memref<2x2x80xi32, #tpu.memory_space<vmem>>, vector<16xi32>,
          %mul3A_1392 = arith.constant 12 : i32
          %mul3A_1393 = vector.broadcast %mul3A_1392 : i32 to vector<16xi32>
          %mul3A_1394 = arith.muli %and3A_1369, %mul3A_1393 : vector<16xi32>
          %add3A_1395 = arith.addi %mul3A_1394, %shift_right_logical3A_1372 : vector<16xi32>
          %mul3A_1396 = arith.constant 20000 : i32
          %mul3A_1397 = vector.broadcast %mul3A_1396 : i32 to vector<16xi32>
          %mul3A_1398 = arith.muli %add3A_1395, %mul3A_1397 : vector<16xi32>
          %add3A_1399 = arith.addi %mul3A_1398, %add3A_1377 : vector<16xi32>
          %swap3A_1400 = arith.constant 0 : i32
          %swap3A_1401 = arith.constant 1 : i32
          %swap3A_1402 = arith.index_cast %swap3A_1400 : i32 to index
          %swap3A_1403 = arith.index_cast %swap3A_1401 : i32 to index
          %swap3A_1404 = arith.constant 0 : index
          %swap3A_1405 = tpu.vector_load %arg11[%swap3A_1402, %swap3A_1403, %swap3A_1404] {strides = array<i32>} : memref<2x2x80xi32, #tpu.memory_space<vmem>>, vector<16xi32>,
          tpu.vector_store %arg11[%swap3A_1402, %swap3A_1403, %swap3A_1404], %add3A_1399 {strides = array<i32>} : memref<2x2x80xi32, #tpu.memory_space<vmem>>, vector<16xi32>,
          %sub3A_1406 = arith.constant 1.000000e+00 : f32
          %sub3A_1407 = vector.broadcast %sub3A_1406 : f32 to vector<16xf32>
          %sub3A_1408 = arith.subf %sub3A_1407, %sub3A_1351 : vector<16xf32>
          %sub3A_1409 = arith.constant 1.000000e+00 : f32
          %sub3A_1410 = vector.broadcast %sub3A_1409 : f32 to vector<16xf32>
          %sub3A_1411 = arith.subf %sub3A_1410, %sub3A_1353 : vector<16xf32>
          %mul3A_1412 = arith.mulf %sub3A_1408, %sub3A_1411 : vector<16xf32>
          %mul3A_1413 = arith.mulf %sub3A_1351, %sub3A_1411 : vector<16xf32>
          %pack3A_1414 = tpu.pack_subelements %mul3A_1412, %mul3A_1413 {pack_format = #tpu.pack_format<interleaved>, positions = array<i32: 0, 1>} : vector<16xf32>, vector<16xf32> -> vector<32xbf16>
          %mul3A_1415 = arith.mulf %sub3A_1408, %sub3A_1353 : vector<16xf32>
          %mul3A_1416 = arith.mulf %sub3A_1351, %sub3A_1353 : vector<16xf32>
          %pack3A_1417 = tpu.pack_subelements %mul3A_1415, %mul3A_1416 {pack_format = #tpu.pack_format<interleaved>, positions = array<i32: 0, 1>} : vector<16xf32>, vector<16xf32> -> vector<32xbf16>
          %bitcast3A_1418 = vector.bitcast %pack3A_1414 : vector<32xbf16> to vector<16xi32>
          %swap3A_1419 = arith.constant 0 : i32
          %swap3A_1420 = arith.constant 0 : i32
          %swap3A_1421 = arith.index_cast %swap3A_1419 : i32 to index
          %swap3A_1422 = arith.index_cast %swap3A_1420 : i32 to index
          %swap3A_1423 = arith.constant 0 : index
          %swap3A_1424 = tpu.vector_load %arg12[%swap3A_1421, %swap3A_1422, %swap3A_1423] {strides = array<i32>} : memref<2x2x96xi32, #tpu.memory_space<vmem>>, vector<16xi32>,
          tpu.vector_store %arg12[%swap3A_1421, %swap3A_1422, %swap3A_1423], %bitcast3A_1418 {strides = array<i32>} : memref<2x2x96xi32, #tpu.memory_space<vmem>>, vector<16xi32>,
          %bitcast3A_1425 = vector.bitcast %pack3A_1417 : vector<32xbf16> to vector<16xi32>
          %swap3A_1426 = arith.constant 0 : i32
          %swap3A_1427 = arith.constant 1 : i32
          %swap3A_1428 = arith.index_cast %swap3A_1426 : i32 to index
          %swap3A_1429 = arith.index_cast %swap3A_1427 : i32 to index
          %swap3A_1430 = arith.constant 0 : index
          %swap3A_1431 = tpu.vector_load %arg12[%swap3A_1428, %swap3A_1429, %swap3A_1430] {strides = array<i32>} : memref<2x2x96xi32, #tpu.memory_space<vmem>>, vector<16xi32>,
          tpu.vector_store %arg12[%swap3A_1428, %swap3A_1429, %swap3A_1430], %bitcast3A_1425 {strides = array<i32>} : memref<2x2x96xi32, #tpu.memory_space<vmem>>, vector<16xi32>,
          %add3A_1432 = arith.constant 16 : i32
          %add3A_1433 = arith.addi %mul3A_1323, %add3A_1432 : i32
          %get3A_1434 = arith.constant 0 : i32
          %get3A_1435 = arith.index_cast %get3A_1434 : i32 to index
          %get3A_1436 = arith.index_cast %add3A_1433 : i32 to index
          %get3A_1437 = tpu.vector_load %arg8[%get3A_1435, %get3A_1436] {strides = array<i32>} : memref<2x4000xf32, #tpu.memory_space<vmem>>, vector<16xf32>,
          %get3A_1438 = arith.constant 1 : i32
          %get3A_1439 = arith.index_cast %get3A_1438 : i32 to index
          %get3A_1440 = arith.index_cast %add3A_1433 : i32 to index
          %get3A_1441 = tpu.vector_load %arg8[%get3A_1439, %get3A_1440] {strides = array<i32>} : memref<2x4000xf32, #tpu.memory_space<vmem>>, vector<16xf32>,
          %get3A_1442 = arith.index_cast %add3A_1433 : i32 to index
          %get3A_1443 = tpu.vector_load %arg9[%get3A_1442] {strides = array<i32>} : memref<4000xi32, #tpu.memory_space<vmem>>, vector<16xi32>,
          %mul3A_1444 = arith.constant 4.000000e+00 : f32
          %mul3A_1445 = vector.broadcast %mul3A_1444 : f32 to vector<16xf32>
          %mul3A_1446 = arith.mulf %get3A_1437, %mul3A_1445 : vector<16xf32>
          %mul3A_1447 = arith.constant 4.000000e+00 : f32
          %mul3A_1448 = vector.broadcast %mul3A_1447 : f32 to vector<16xf32>
          %mul3A_1449 = arith.mulf %get3A_1441, %mul3A_1448 : vector<16xf32>
          %convert_element_type3A_1450 = arith.fptosi %mul3A_1446 : vector<16xf32> to vector<16xi32>
          %min3A_1451 = arith.constant 3 : i32
          %min3A_1452 = vector.broadcast %min3A_1451 : i32 to vector<16xi32>
          %min3A_1453 = arith.minsi %convert_element_type3A_1450, %min3A_1452 : vector<16xi32>
          %convert_element_type3A_1454 = arith.fptosi %mul3A_1449 : vector<16xf32> to vector<16xi32>
          %min3A_1455 = arith.constant 3 : i32
          %min3A_1456 = vector.broadcast %min3A_1455 : i32 to vector<16xi32>
          %min3A_1457 = arith.minsi %convert_element_type3A_1454, %min3A_1456 : vector<16xi32>
          %convert_element_type3A_1458 = arith.sitofp %min3A_1453 : vector<16xi32> to vector<16xf32>
          %sub3A_1459 = arith.subf %mul3A_1446, %convert_element_type3A_1458 : vector<16xf32>
          %convert_element_type3A_1460 = arith.sitofp %min3A_1457 : vector<16xi32> to vector<16xf32>
          %sub3A_1461 = arith.subf %mul3A_1449, %convert_element_type3A_1460 : vector<16xf32>
          %mul3A_1462 = arith.constant 5 : i32
          %mul3A_1463 = vector.broadcast %mul3A_1462 : i32 to vector<16xi32>
          %mul3A_1464 = arith.muli %min3A_1457, %mul3A_1463 : vector<16xi32>
          %add3A_1465 = arith.addi %mul3A_1464, %min3A_1453 : vector<16xi32>
          %add3A_1466 = arith.constant 5 : i32
          %add3A_1467 = vector.broadcast %add3A_1466 : i32 to vector<16xi32>
          %add3A_1468 = arith.addi %add3A_1465, %add3A_1467 : vector<16xi32>
          %and3A_1469 = arith.constant 1 : i32
          %and3A_1470 = vector.broadcast %and3A_1469 : i32 to vector<16xi32>
          %and3A_1471 = arith.andi %add3A_1465, %and3A_1470 : vector<16xi32>
          %shift_right_logical3A_1472 = arith.constant 1 : i32
          %shift_right_logical3A_1473 = vector.broadcast %shift_right_logical3A_1472 : i32 to vector<16xi32>
          %shift_right_logical3A_1474 = arith.shrui %add3A_1465, %shift_right_logical3A_1473 : vector<16xi32>
          %and3A_1475 = arith.constant 1 : i32
          %and3A_1476 = vector.broadcast %and3A_1475 : i32 to vector<16xi32>
          %and3A_1477 = arith.andi %add3A_1468, %and3A_1476 : vector<16xi32>
          %shift_right_logical3A_1478 = arith.constant 1 : i32
          %shift_right_logical3A_1479 = vector.broadcast %shift_right_logical3A_1478 : i32 to vector<16xi32>
          %shift_right_logical3A_1480 = arith.shrui %add3A_1468, %shift_right_logical3A_1479 : vector<16xi32>
          %mul3A_1481 = arith.constant 2 : i32
          %mul3A_1482 = vector.broadcast %mul3A_1481 : i32 to vector<16xi32>
          %mul3A_1483 = arith.muli %get3A_1443, %mul3A_1482 : vector<16xi32>
          %add3A_1484 = vector.broadcast %arg0 : i32 to vector<16xi32>
          %add3A_1485 = arith.addi %mul3A_1483, %add3A_1484 : vector<16xi32>
          %mul3A_1486 = arith.constant 12 : i32
          %mul3A_1487 = vector.broadcast %mul3A_1486 : i32 to vector<16xi32>
          %mul3A_1488 = arith.muli %and3A_1471, %mul3A_1487 : vector<16xi32>
          %add3A_1489 = arith.addi %mul3A_1488, %shift_right_logical3A_1474 : vector<16xi32>
          %mul3A_1490 = arith.constant 20000 : i32
          %mul3A_1491 = vector.broadcast %mul3A_1490 : i32 to vector<16xi32>
          %mul3A_1492 = arith.muli %add3A_1489, %mul3A_1491 : vector<16xi32>
          %add3A_1493 = arith.addi %mul3A_1492, %add3A_1485 : vector<16xi32>
          %swap3A_1494 = arith.constant 0 : i32
          %swap3A_1495 = arith.constant 0 : i32
          %swap3A_1496 = arith.index_cast %swap3A_1494 : i32 to index
          %swap3A_1497 = arith.index_cast %swap3A_1495 : i32 to index
          %swap3A_1498 = arith.constant 16 : index
          %swap3A_1499 = tpu.vector_load %arg11[%swap3A_1496, %swap3A_1497, %swap3A_1498] {strides = array<i32>} : memref<2x2x80xi32, #tpu.memory_space<vmem>>, vector<16xi32>,
          tpu.vector_store %arg11[%swap3A_1496, %swap3A_1497, %swap3A_1498], %add3A_1493 {strides = array<i32>} : memref<2x2x80xi32, #tpu.memory_space<vmem>>, vector<16xi32>,
          %mul3A_1500 = arith.constant 12 : i32
          %mul3A_1501 = vector.broadcast %mul3A_1500 : i32 to vector<16xi32>
          %mul3A_1502 = arith.muli %and3A_1477, %mul3A_1501 : vector<16xi32>
          %add3A_1503 = arith.addi %mul3A_1502, %shift_right_logical3A_1480 : vector<16xi32>
          %mul3A_1504 = arith.constant 20000 : i32
          %mul3A_1505 = vector.broadcast %mul3A_1504 : i32 to vector<16xi32>
          %mul3A_1506 = arith.muli %add3A_1503, %mul3A_1505 : vector<16xi32>
          %add3A_1507 = arith.addi %mul3A_1506, %add3A_1485 : vector<16xi32>
          %swap3A_1508 = arith.constant 0 : i32
          %swap3A_1509 = arith.constant 1 : i32
          %swap3A_1510 = arith.index_cast %swap3A_1508 : i32 to index
          %swap3A_1511 = arith.index_cast %swap3A_1509 : i32 to index
          %swap3A_1512 = arith.constant 16 : index
          %swap3A_1513 = tpu.vector_load %arg11[%swap3A_1510, %swap3A_1511, %swap3A_1512] {strides = array<i32>} : memref<2x2x80xi32, #tpu.memory_space<vmem>>, vector<16xi32>,
          tpu.vector_store %arg11[%swap3A_1510, %swap3A_1511, %swap3A_1512], %add3A_1507 {strides = array<i32>} : memref<2x2x80xi32, #tpu.memory_space<vmem>>, vector<16xi32>,
          %sub3A_1514 = arith.constant 1.000000e+00 : f32
          %sub3A_1515 = vector.broadcast %sub3A_1514 : f32 to vector<16xf32>
          %sub3A_1516 = arith.subf %sub3A_1515, %sub3A_1459 : vector<16xf32>
          %sub3A_1517 = arith.constant 1.000000e+00 : f32
          %sub3A_1518 = vector.broadcast %sub3A_1517 : f32 to vector<16xf32>
          %sub3A_1519 = arith.subf %sub3A_1518, %sub3A_1461 : vector<16xf32>
          %mul3A_1520 = arith.mulf %sub3A_1516, %sub3A_1519 : vector<16xf32>
          %mul3A_1521 = arith.mulf %sub3A_1459, %sub3A_1519 : vector<16xf32>
          %pack3A_1522 = tpu.pack_subelements %mul3A_1520, %mul3A_1521 {pack_format = #tpu.pack_format<interleaved>, positions = array<i32: 0, 1>} : vector<16xf32>, vector<16xf32> -> vector<32xbf16>
          %mul3A_1523 = arith.mulf %sub3A_1516, %sub3A_1461 : vector<16xf32>
          %mul3A_1524 = arith.mulf %sub3A_1459, %sub3A_1461 : vector<16xf32>
          %pack3A_1525 = tpu.pack_subelements %mul3A_1523, %mul3A_1524 {pack_format = #tpu.pack_format<interleaved>, positions = array<i32: 0, 1>} : vector<16xf32>, vector<16xf32> -> vector<32xbf16>
          %bitcast3A_1526 = vector.bitcast %pack3A_1522 : vector<32xbf16> to vector<16xi32>
          %swap3A_1527 = arith.constant 0 : i32
          %swap3A_1528 = arith.constant 0 : i32
          %swap3A_1529 = arith.index_cast %swap3A_1527 : i32 to index
          %swap3A_1530 = arith.index_cast %swap3A_1528 : i32 to index
          %swap3A_1531 = arith.constant 16 : index
          %swap3A_1532 = tpu.vector_load %arg12[%swap3A_1529, %swap3A_1530, %swap3A_1531] {strides = array<i32>} : memref<2x2x96xi32, #tpu.memory_space<vmem>>, vector<16xi32>,
          tpu.vector_store %arg12[%swap3A_1529, %swap3A_1530, %swap3A_1531], %bitcast3A_1526 {strides = array<i32>} : memref<2x2x96xi32, #tpu.memory_space<vmem>>, vector<16xi32>,
          %bitcast3A_1533 = vector.bitcast %pack3A_1525 : vector<32xbf16> to vector<16xi32>
          %swap3A_1534 = arith.constant 0 : i32
          %swap3A_1535 = arith.constant 1 : i32
          %swap3A_1536 = arith.index_cast %swap3A_1534 : i32 to index
          %swap3A_1537 = arith.index_cast %swap3A_1535 : i32 to index
          %swap3A_1538 = arith.constant 16 : index
          %swap3A_1539 = tpu.vector_load %arg12[%swap3A_1536, %swap3A_1537, %swap3A_1538] {strides = array<i32>} : memref<2x2x96xi32, #tpu.memory_space<vmem>>, vector<16xi32>,
          tpu.vector_store %arg12[%swap3A_1536, %swap3A_1537, %swap3A_1538], %bitcast3A_1533 {strides = array<i32>} : memref<2x2x96xi32, #tpu.memory_space<vmem>>, vector<16xi32>,
          %add3A_1540 = arith.constant 32 : i32
          %add3A_1541 = arith.addi %mul3A_1323, %add3A_1540 : i32
          %get3A_1542 = arith.constant 0 : i32
          %get3A_1543 = arith.index_cast %get3A_1542 : i32 to index
          %get3A_1544 = arith.index_cast %add3A_1541 : i32 to index
          %get3A_1545 = tpu.vector_load %arg8[%get3A_1543, %get3A_1544] {strides = array<i32>} : memref<2x4000xf32, #tpu.memory_space<vmem>>, vector<16xf32>,
          %get3A_1546 = arith.constant 1 : i32
          %get3A_1547 = arith.index_cast %get3A_1546 : i32 to index
          %get3A_1548 = arith.index_cast %add3A_1541 : i32 to index
          %get3A_1549 = tpu.vector_load %arg8[%get3A_1547, %get3A_1548] {strides = array<i32>} : memref<2x4000xf32, #tpu.memory_space<vmem>>, vector<16xf32>,
          %get3A_1550 = arith.index_cast %add3A_1541 : i32 to index
          %get3A_1551 = tpu.vector_load %arg9[%get3A_1550] {strides = array<i32>} : memref<4000xi32, #tpu.memory_space<vmem>>, vector<16xi32>,
          %mul3A_1552 = arith.constant 4.000000e+00 : f32
          %mul3A_1553 = vector.broadcast %mul3A_1552 : f32 to vector<16xf32>
          %mul3A_1554 = arith.mulf %get3A_1545, %mul3A_1553 : vector<16xf32>
          %mul3A_1555 = arith.constant 4.000000e+00 : f32
          %mul3A_1556 = vector.broadcast %mul3A_1555 : f32 to vector<16xf32>
          %mul3A_1557 = arith.mulf %get3A_1549, %mul3A_1556 : vector<16xf32>
          %convert_element_type3A_1558 = arith.fptosi %mul3A_1554 : vector<16xf32> to vector<16xi32>
          %min3A_1559 = arith.constant 3 : i32
          %min3A_1560 = vector.broadcast %min3A_1559 : i32 to vector<16xi32>
          %min3A_1561 = arith.minsi %convert_element_type3A_1558, %min3A_1560 : vector<16xi32>
          %convert_element_type3A_1562 = arith.fptosi %mul3A_1557 : vector<16xf32> to vector<16xi32>
          %min3A_1563 = arith.constant 3 : i32
          %min3A_1564 = vector.broadcast %min3A_1563 : i32 to vector<16xi32>
          %min3A_1565 = arith.minsi %convert_element_type3A_1562, %min3A_1564 : vector<16xi32>
          %convert_element_type3A_1566 = arith.sitofp %min3A_1561 : vector<16xi32> to vector<16xf32>
          %sub3A_1567 = arith.subf %mul3A_1554, %convert_element_type3A_1566 : vector<16xf32>
          %convert_element_type3A_1568 = arith.sitofp %min3A_1565 : vector<16xi32> to vector<16xf32>
          %sub3A_1569 = arith.subf %mul3A_1557, %convert_element_type3A_1568 : vector<16xf32>
          %mul3A_1570 = arith.constant 5 : i32
          %mul3A_1571 = vector.broadcast %mul3A_1570 : i32 to vector<16xi32>
          %mul3A_1572 = arith.muli %min3A_1565, %mul3A_1571 : vector<16xi32>
          %add3A_1573 = arith.addi %mul3A_1572, %min3A_1561 : vector<16xi32>
          %add3A_1574 = arith.constant 5 : i32
          %add3A_1575 = vector.broadcast %add3A_1574 : i32 to vector<16xi32>
          %add3A_1576 = arith.addi %add3A_1573, %add3A_1575 : vector<16xi32>
          %and3A_1577 = arith.constant 1 : i32
          %and3A_1578 = vector.broadcast %and3A_1577 : i32 to vector<16xi32>
          %and3A_1579 = arith.andi %add3A_1573, %and3A_1578 : vector<16xi32>
          %shift_right_logical3A_1580 = arith.constant 1 : i32
          %shift_right_logical3A_1581 = vector.broadcast %shift_right_logical3A_1580 : i32 to vector<16xi32>
          %shift_right_logical3A_1582 = arith.shrui %add3A_1573, %shift_right_logical3A_1581 : vector<16xi32>
          %and3A_1583 = arith.constant 1 : i32
          %and3A_1584 = vector.broadcast %and3A_1583 : i32 to vector<16xi32>
          %and3A_1585 = arith.andi %add3A_1576, %and3A_1584 : vector<16xi32>
          %shift_right_logical3A_1586 = arith.constant 1 : i32
          %shift_right_logical3A_1587 = vector.broadcast %shift_right_logical3A_1586 : i32 to vector<16xi32>
          %shift_right_logical3A_1588 = arith.shrui %add3A_1576, %shift_right_logical3A_1587 : vector<16xi32>
          %mul3A_1589 = arith.constant 2 : i32
          %mul3A_1590 = vector.broadcast %mul3A_1589 : i32 to vector<16xi32>
          %mul3A_1591 = arith.muli %get3A_1551, %mul3A_1590 : vector<16xi32>
          %add3A_1592 = vector.broadcast %arg0 : i32 to vector<16xi32>
          %add3A_1593 = arith.addi %mul3A_1591, %add3A_1592 : vector<16xi32>
          %mul3A_1594 = arith.constant 12 : i32
          %mul3A_1595 = vector.broadcast %mul3A_1594 : i32 to vector<16xi32>
          %mul3A_1596 = arith.muli %and3A_1579, %mul3A_1595 : vector<16xi32>
          %add3A_1597 = arith.addi %mul3A_1596, %shift_right_logical3A_1582 : vector<16xi32>
          %mul3A_1598 = arith.constant 20000 : i32
          %mul3A_1599 = vector.broadcast %mul3A_1598 : i32 to vector<16xi32>
          %mul3A_1600 = arith.muli %add3A_1597, %mul3A_1599 : vector<16xi32>
          %add3A_1601 = arith.addi %mul3A_1600, %add3A_1593 : vector<16xi32>
          %swap3A_1602 = arith.constant 0 : i32
          %swap3A_1603 = arith.constant 0 : i32
          %swap3A_1604 = arith.index_cast %swap3A_1602 : i32 to index
          %swap3A_1605 = arith.index_cast %swap3A_1603 : i32 to index
          %swap3A_1606 = arith.constant 32 : index
          %swap3A_1607 = tpu.vector_load %arg11[%swap3A_1604, %swap3A_1605, %swap3A_1606] {strides = array<i32>} : memref<2x2x80xi32, #tpu.memory_space<vmem>>, vector<16xi32>,
          tpu.vector_store %arg11[%swap3A_1604, %swap3A_1605, %swap3A_1606], %add3A_1601 {strides = array<i32>} : memref<2x2x80xi32, #tpu.memory_space<vmem>>, vector<16xi32>,
          %mul3A_1608 = arith.constant 12 : i32
          %mul3A_1609 = vector.broadcast %mul3A_1608 : i32 to vector<16xi32>
          %mul3A_1610 = arith.muli %and3A_1585, %mul3A_1609 : vector<16xi32>
          %add3A_1611 = arith.addi %mul3A_1610, %shift_right_logical3A_1588 : vector<16xi32>
          %mul3A_1612 = arith.constant 20000 : i32
          %mul3A_1613 = vector.broadcast %mul3A_1612 : i32 to vector<16xi32>
          %mul3A_1614 = arith.muli %add3A_1611, %mul3A_1613 : vector<16xi32>
          %add3A_1615 = arith.addi %mul3A_1614, %add3A_1593 : vector<16xi32>
          %swap3A_1616 = arith.constant 0 : i32
          %swap3A_1617 = arith.constant 1 : i32
          %swap3A_1618 = arith.index_cast %swap3A_1616 : i32 to index
          %swap3A_1619 = arith.index_cast %swap3A_1617 : i32 to index
          %swap3A_1620 = arith.constant 32 : index
          %swap3A_1621 = tpu.vector_load %arg11[%swap3A_1618, %swap3A_1619, %swap3A_1620] {strides = array<i32>} : memref<2x2x80xi32, #tpu.memory_space<vmem>>, vector<16xi32>,
          tpu.vector_store %arg11[%swap3A_1618, %swap3A_1619, %swap3A_1620], %add3A_1615 {strides = array<i32>} : memref<2x2x80xi32, #tpu.memory_space<vmem>>, vector<16xi32>,
          %sub3A_1622 = arith.constant 1.000000e+00 : f32
          %sub3A_1623 = vector.broadcast %sub3A_1622 : f32 to vector<16xf32>
          %sub3A_1624 = arith.subf %sub3A_1623, %sub3A_1567 : vector<16xf32>
          %sub3A_1625 = arith.constant 1.000000e+00 : f32
          %sub3A_1626 = vector.broadcast %sub3A_1625 : f32 to vector<16xf32>
          %sub3A_1627 = arith.subf %sub3A_1626, %sub3A_1569 : vector<16xf32>
          %mul3A_1628 = arith.mulf %sub3A_1624, %sub3A_1627 : vector<16xf32>
          %mul3A_1629 = arith.mulf %sub3A_1567, %sub3A_1627 : vector<16xf32>
          %pack3A_1630 = tpu.pack_subelements %mul3A_1628, %mul3A_1629 {pack_format = #tpu.pack_format<interleaved>, positions = array<i32: 0, 1>} : vector<16xf32>, vector<16xf32> -> vector<32xbf16>
          %mul3A_1631 = arith.mulf %sub3A_1624, %sub3A_1569 : vector<16xf32>
          %mul3A_1632 = arith.mulf %sub3A_1567, %sub3A_1569 : vector<16xf32>
          %pack3A_1633 = tpu.pack_subelements %mul3A_1631, %mul3A_1632 {pack_format = #tpu.pack_format<interleaved>, positions = array<i32: 0, 1>} : vector<16xf32>, vector<16xf32> -> vector<32xbf16>
          %bitcast3A_1634 = vector.bitcast %pack3A_1630 : vector<32xbf16> to vector<16xi32>
          %swap3A_1635 = arith.constant 0 : i32
          %swap3A_1636 = arith.constant 0 : i32
          %swap3A_1637 = arith.index_cast %swap3A_1635 : i32 to index
          %swap3A_1638 = arith.index_cast %swap3A_1636 : i32 to index
          %swap3A_1639 = arith.constant 32 : index
          %swap3A_1640 = tpu.vector_load %arg12[%swap3A_1637, %swap3A_1638, %swap3A_1639] {strides = array<i32>} : memref<2x2x96xi32, #tpu.memory_space<vmem>>, vector<16xi32>,
          tpu.vector_store %arg12[%swap3A_1637, %swap3A_1638, %swap3A_1639], %bitcast3A_1634 {strides = array<i32>} : memref<2x2x96xi32, #tpu.memory_space<vmem>>, vector<16xi32>,
          %bitcast3A_1641 = vector.bitcast %pack3A_1633 : vector<32xbf16> to vector<16xi32>
          %swap3A_1642 = arith.constant 0 : i32
          %swap3A_1643 = arith.constant 1 : i32
          %swap3A_1644 = arith.index_cast %swap3A_1642 : i32 to index
          %swap3A_1645 = arith.index_cast %swap3A_1643 : i32 to index
          %swap3A_1646 = arith.constant 32 : index
          %swap3A_1647 = tpu.vector_load %arg12[%swap3A_1644, %swap3A_1645, %swap3A_1646] {strides = array<i32>} : memref<2x2x96xi32, #tpu.memory_space<vmem>>, vector<16xi32>,
          tpu.vector_store %arg12[%swap3A_1644, %swap3A_1645, %swap3A_1646], %bitcast3A_1641 {strides = array<i32>} : memref<2x2x96xi32, #tpu.memory_space<vmem>>, vector<16xi32>,
          %add3A_1648 = arith.constant 48 : i32
          %add3A_1649 = arith.addi %mul3A_1323, %add3A_1648 : i32
          %get3A_1650 = arith.constant 0 : i32
          %get3A_1651 = arith.index_cast %get3A_1650 : i32 to index
          %get3A_1652 = arith.index_cast %add3A_1649 : i32 to index
          %get3A_1653 = tpu.vector_load %arg8[%get3A_1651, %get3A_1652] {strides = array<i32>} : memref<2x4000xf32, #tpu.memory_space<vmem>>, vector<16xf32>,
          %get3A_1654 = arith.constant 1 : i32
          %get3A_1655 = arith.index_cast %get3A_1654 : i32 to index
          %get3A_1656 = arith.index_cast %add3A_1649 : i32 to index
          %get3A_1657 = tpu.vector_load %arg8[%get3A_1655, %get3A_1656] {strides = array<i32>} : memref<2x4000xf32, #tpu.memory_space<vmem>>, vector<16xf32>,
          %get3A_1658 = arith.index_cast %add3A_1649 : i32 to index
          %get3A_1659 = tpu.vector_load %arg9[%get3A_1658] {strides = array<i32>} : memref<4000xi32, #tpu.memory_space<vmem>>, vector<16xi32>,
          %mul3A_1660 = arith.constant 4.000000e+00 : f32
          %mul3A_1661 = vector.broadcast %mul3A_1660 : f32 to vector<16xf32>
          %mul3A_1662 = arith.mulf %get3A_1653, %mul3A_1661 : vector<16xf32>
          %mul3A_1663 = arith.constant 4.000000e+00 : f32
          %mul3A_1664 = vector.broadcast %mul3A_1663 : f32 to vector<16xf32>
          %mul3A_1665 = arith.mulf %get3A_1657, %mul3A_1664 : vector<16xf32>
          %convert_element_type3A_1666 = arith.fptosi %mul3A_1662 : vector<16xf32> to vector<16xi32>
          %min3A_1667 = arith.constant 3 : i32
          %min3A_1668 = vector.broadcast %min3A_1667 : i32 to vector<16xi32>
          %min3A_1669 = arith.minsi %convert_element_type3A_1666, %min3A_1668 : vector<16xi32>
          %convert_element_type3A_1670 = arith.fptosi %mul3A_1665 : vector<16xf32> to vector<16xi32>
          %min3A_1671 = arith.constant 3 : i32
          %min3A_1672 = vector.broadcast %min3A_1671 : i32 to vector<16xi32>
          %min3A_1673 = arith.minsi %convert_element_type3A_1670, %min3A_1672 : vector<16xi32>
          %convert_element_type3A_1674 = arith.sitofp %min3A_1669 : vector<16xi32> to vector<16xf32>
          %sub3A_1675 = arith.subf %mul3A_1662, %convert_element_type3A_1674 : vector<16xf32>
          %convert_element_type3A_1676 = arith.sitofp %min3A_1673 : vector<16xi32> to vector<16xf32>
          %sub3A_1677 = arith.subf %mul3A_1665, %convert_element_type3A_1676 : vector<16xf32>
          %mul3A_1678 = arith.constant 5 : i32
          %mul3A_1679 = vector.broadcast %mul3A_1678 : i32 to vector<16xi32>
          %mul3A_1680 = arith.muli %min3A_1673, %mul3A_1679 : vector<16xi32>
          %add3A_1681 = arith.addi %mul3A_1680, %min3A_1669 : vector<16xi32>
          %add3A_1682 = arith.constant 5 : i32
          %add3A_1683 = vector.broadcast %add3A_1682 : i32 to vector<16xi32>
          %add3A_1684 = arith.addi %add3A_1681, %add3A_1683 : vector<16xi32>
          %and3A_1685 = arith.constant 1 : i32
          %and3A_1686 = vector.broadcast %and3A_1685 : i32 to vector<16xi32>
          %and3A_1687 = arith.andi %add3A_1681, %and3A_1686 : vector<16xi32>
          %shift_right_logical3A_1688 = arith.constant 1 : i32
          %shift_right_logical3A_1689 = vector.broadcast %shift_right_logical3A_1688 : i32 to vector<16xi32>
          %shift_right_logical3A_1690 = arith.shrui %add3A_1681, %shift_right_logical3A_1689 : vector<16xi32>
          %and3A_1691 = arith.constant 1 : i32
          %and3A_1692 = vector.broadcast %and3A_1691 : i32 to vector<16xi32>
          %and3A_1693 = arith.andi %add3A_1684, %and3A_1692 : vector<16xi32>
          %shift_right_logical3A_1694 = arith.constant 1 : i32
          %shift_right_logical3A_1695 = vector.broadcast %shift_right_logical3A_1694 : i32 to vector<16xi32>
          %shift_right_logical3A_1696 = arith.shrui %add3A_1684, %shift_right_logical3A_1695 : vector<16xi32>
          %mul3A_1697 = arith.constant 2 : i32
          %mul3A_1698 = vector.broadcast %mul3A_1697 : i32 to vector<16xi32>
          %mul3A_1699 = arith.muli %get3A_1659, %mul3A_1698 : vector<16xi32>
          %add3A_1700 = vector.broadcast %arg0 : i32 to vector<16xi32>
          %add3A_1701 = arith.addi %mul3A_1699, %add3A_1700 : vector<16xi32>
          %mul3A_1702 = arith.constant 12 : i32
          %mul3A_1703 = vector.broadcast %mul3A_1702 : i32 to vector<16xi32>
          %mul3A_1704 = arith.muli %and3A_1687, %mul3A_1703 : vector<16xi32>
          %add3A_1705 = arith.addi %mul3A_1704, %shift_right_logical3A_1690 : vector<16xi32>
          %mul3A_1706 = arith.constant 20000 : i32
          %mul3A_1707 = vector.broadcast %mul3A_1706 : i32 to vector<16xi32>
          %mul3A_1708 = arith.muli %add3A_1705, %mul3A_1707 : vector<16xi32>
          %add3A_1709 = arith.addi %mul3A_1708, %add3A_1701 : vector<16xi32>
          %swap3A_1710 = arith.constant 0 : i32
          %swap3A_1711 = arith.constant 0 : i32
          %swap3A_1712 = arith.index_cast %swap3A_1710 : i32 to index
          %swap3A_1713 = arith.index_cast %swap3A_1711 : i32 to index
          %swap3A_1714 = arith.constant 48 : index
          %swap3A_1715 = tpu.vector_load %arg11[%swap3A_1712, %swap3A_1713, %swap3A_1714] {strides = array<i32>} : memref<2x2x80xi32, #tpu.memory_space<vmem>>, vector<16xi32>,
          tpu.vector_store %arg11[%swap3A_1712, %swap3A_1713, %swap3A_1714], %add3A_1709 {strides = array<i32>} : memref<2x2x80xi32, #tpu.memory_space<vmem>>, vector<16xi32>,
          %mul3A_1716 = arith.constant 12 : i32
          %mul3A_1717 = vector.broadcast %mul3A_1716 : i32 to vector<16xi32>
          %mul3A_1718 = arith.muli %and3A_1693, %mul3A_1717 : vector<16xi32>
          %add3A_1719 = arith.addi %mul3A_1718, %shift_right_logical3A_1696 : vector<16xi32>
          %mul3A_1720 = arith.constant 20000 : i32
          %mul3A_1721 = vector.broadcast %mul3A_1720 : i32 to vector<16xi32>
          %mul3A_1722 = arith.muli %add3A_1719, %mul3A_1721 : vector<16xi32>
          %add3A_1723 = arith.addi %mul3A_1722, %add3A_1701 : vector<16xi32>
          %swap3A_1724 = arith.constant 0 : i32
          %swap3A_1725 = arith.constant 1 : i32
          %swap3A_1726 = arith.index_cast %swap3A_1724 : i32 to index
          %swap3A_1727 = arith.index_cast %swap3A_1725 : i32 to index
          %swap3A_1728 = arith.constant 48 : index
          %swap3A_1729 = tpu.vector_load %arg11[%swap3A_1726, %swap3A_1727, %swap3A_1728] {strides = array<i32>} : memref<2x2x80xi32, #tpu.memory_space<vmem>>, vector<16xi32>,
          tpu.vector_store %arg11[%swap3A_1726, %swap3A_1727, %swap3A_1728], %add3A_1723 {strides = array<i32>} : memref<2x2x80xi32, #tpu.memory_space<vmem>>, vector<16xi32>,
          %sub3A_1730 = arith.constant 1.000000e+00 : f32
          %sub3A_1731 = vector.broadcast %sub3A_1730 : f32 to vector<16xf32>
          %sub3A_1732 = arith.subf %sub3A_1731, %sub3A_1675 : vector<16xf32>
          %sub3A_1733 = arith.constant 1.000000e+00 : f32
          %sub3A_1734 = vector.broadcast %sub3A_1733 : f32 to vector<16xf32>
          %sub3A_1735 = arith.subf %sub3A_1734, %sub3A_1677 : vector<16xf32>
          %mul3A_1736 = arith.mulf %sub3A_1732, %sub3A_1735 : vector<16xf32>
          %mul3A_1737 = arith.mulf %sub3A_1675, %sub3A_1735 : vector<16xf32>
          %pack3A_1738 = tpu.pack_subelements %mul3A_1736, %mul3A_1737 {pack_format = #tpu.pack_format<interleaved>, positions = array<i32: 0, 1>} : vector<16xf32>, vector<16xf32> -> vector<32xbf16>
          %mul3A_1739 = arith.mulf %sub3A_1732, %sub3A_1677 : vector<16xf32>
          %mul3A_1740 = arith.mulf %sub3A_1675, %sub3A_1677 : vector<16xf32>
          %pack3A_1741 = tpu.pack_subelements %mul3A_1739, %mul3A_1740 {pack_format = #tpu.pack_format<interleaved>, positions = array<i32: 0, 1>} : vector<16xf32>, vector<16xf32> -> vector<32xbf16>
          %bitcast3A_1742 = vector.bitcast %pack3A_1738 : vector<32xbf16> to vector<16xi32>
          %swap3A_1743 = arith.constant 0 : i32
          %swap3A_1744 = arith.constant 0 : i32
          %swap3A_1745 = arith.index_cast %swap3A_1743 : i32 to index
          %swap3A_1746 = arith.index_cast %swap3A_1744 : i32 to index
          %swap3A_1747 = arith.constant 48 : index
          %swap3A_1748 = tpu.vector_load %arg12[%swap3A_1745, %swap3A_1746, %swap3A_1747] {strides = array<i32>} : memref<2x2x96xi32, #tpu.memory_space<vmem>>, vector<16xi32>,
          tpu.vector_store %arg12[%swap3A_1745, %swap3A_1746, %swap3A_1747], %bitcast3A_1742 {strides = array<i32>} : memref<2x2x96xi32, #tpu.memory_space<vmem>>, vector<16xi32>,
          %bitcast3A_1749 = vector.bitcast %pack3A_1741 : vector<32xbf16> to vector<16xi32>
          %swap3A_1750 = arith.constant 0 : i32
          %swap3A_1751 = arith.constant 1 : i32
          %swap3A_1752 = arith.index_cast %swap3A_1750 : i32 to index
          %swap3A_1753 = arith.index_cast %swap3A_1751 : i32 to index
          %swap3A_1754 = arith.constant 48 : index
          %swap3A_1755 = tpu.vector_load %arg12[%swap3A_1752, %swap3A_1753, %swap3A_1754] {strides = array<i32>} : memref<2x2x96xi32, #tpu.memory_space<vmem>>, vector<16xi32>,
          tpu.vector_store %arg12[%swap3A_1752, %swap3A_1753, %swap3A_1754], %bitcast3A_1749 {strides = array<i32>} : memref<2x2x96xi32, #tpu.memory_space<vmem>>, vector<16xi32>,
          %add3A_1756 = arith.constant 64 : i32
          %add3A_1757 = arith.addi %mul3A_1323, %add3A_1756 : i32
          %get3A_1758 = arith.constant 0 : i32
          %get3A_1759 = arith.index_cast %get3A_1758 : i32 to index
          %get3A_1760 = arith.index_cast %add3A_1757 : i32 to index
          %get3A_1761 = tpu.vector_load %arg8[%get3A_1759, %get3A_1760] {strides = array<i32>} : memref<2x4000xf32, #tpu.memory_space<vmem>>, vector<16xf32>,
          %get3A_1762 = arith.constant 1 : i32
          %get3A_1763 = arith.index_cast %get3A_1762 : i32 to index
          %get3A_1764 = arith.index_cast %add3A_1757 : i32 to index
          %get3A_1765 = tpu.vector_load %arg8[%get3A_1763, %get3A_1764] {strides = array<i32>} : memref<2x4000xf32, #tpu.memory_space<vmem>>, vector<16xf32>,
          %get3A_1766 = arith.index_cast %add3A_1757 : i32 to index
          %get3A_1767 = tpu.vector_load %arg9[%get3A_1766] {strides = array<i32>} : memref<4000xi32, #tpu.memory_space<vmem>>, vector<16xi32>,
          %mul3A_1768 = arith.constant 4.000000e+00 : f32
          %mul3A_1769 = vector.broadcast %mul3A_1768 : f32 to vector<16xf32>
          %mul3A_1770 = arith.mulf %get3A_1761, %mul3A_1769 : vector<16xf32>
          %mul3A_1771 = arith.constant 4.000000e+00 : f32
          %mul3A_1772 = vector.broadcast %mul3A_1771 : f32 to vector<16xf32>
          %mul3A_1773 = arith.mulf %get3A_1765, %mul3A_1772 : vector<16xf32>
          %convert_element_type3A_1774 = arith.fptosi %mul3A_1770 : vector<16xf32> to vector<16xi32>
          %min3A_1775 = arith.constant 3 : i32
          %min3A_1776 = vector.broadcast %min3A_1775 : i32 to vector<16xi32>
          %min3A_1777 = arith.minsi %convert_element_type3A_1774, %min3A_1776 : vector<16xi32>
          %convert_element_type3A_1778 = arith.fptosi %mul3A_1773 : vector<16xf32> to vector<16xi32>
          %min3A_1779 = arith.constant 3 : i32
          %min3A_1780 = vector.broadcast %min3A_1779 : i32 to vector<16xi32>
          %min3A_1781 = arith.minsi %convert_element_type3A_1778, %min3A_1780 : vector<16xi32>
          %convert_element_type3A_1782 = arith.sitofp %min3A_1777 : vector<16xi32> to vector<16xf32>
          %sub3A_1783 = arith.subf %mul3A_1770, %convert_element_type3A_1782 : vector<16xf32>
          %convert_element_type3A_1784 = arith.sitofp %min3A_1781 : vector<16xi32> to vector<16xf32>
          %sub3A_1785 = arith.subf %mul3A_1773, %convert_element_type3A_1784 : vector<16xf32>
          %mul3A_1786 = arith.constant 5 : i32
          %mul3A_1787 = vector.broadcast %mul3A_1786 : i32 to vector<16xi32>
          %mul3A_1788 = arith.muli %min3A_1781, %mul3A_1787 : vector<16xi32>
          %add3A_1789 = arith.addi %mul3A_1788, %min3A_1777 : vector<16xi32>
          %add3A_1790 = arith.constant 5 : i32
          %add3A_1791 = vector.broadcast %add3A_1790 : i32 to vector<16xi32>
          %add3A_1792 = arith.addi %add3A_1789, %add3A_1791 : vector<16xi32>
          %and3A_1793 = arith.constant 1 : i32
          %and3A_1794 = vector.broadcast %and3A_1793 : i32 to vector<16xi32>
          %and3A_1795 = arith.andi %add3A_1789, %and3A_1794 : vector<16xi32>
          %shift_right_logical3A_1796 = arith.constant 1 : i32
          %shift_right_logical3A_1797 = vector.broadcast %shift_right_logical3A_1796 : i32 to vector<16xi32>
          %shift_right_logical3A_1798 = arith.shrui %add3A_1789, %shift_right_logical3A_1797 : vector<16xi32>
          %and3A_1799 = arith.constant 1 : i32
          %and3A_1800 = vector.broadcast %and3A_1799 : i32 to vector<16xi32>
          %and3A_1801 = arith.andi %add3A_1792, %and3A_1800 : vector<16xi32>
          %shift_right_logical3A_1802 = arith.constant 1 : i32
          %shift_right_logical3A_1803 = vector.broadcast %shift_right_logical3A_1802 : i32 to vector<16xi32>
          %shift_right_logical3A_1804 = arith.shrui %add3A_1792, %shift_right_logical3A_1803 : vector<16xi32>
          %mul3A_1805 = arith.constant 2 : i32
          %mul3A_1806 = vector.broadcast %mul3A_1805 : i32 to vector<16xi32>
          %mul3A_1807 = arith.muli %get3A_1767, %mul3A_1806 : vector<16xi32>
          %add3A_1808 = vector.broadcast %arg0 : i32 to vector<16xi32>
          %add3A_1809 = arith.addi %mul3A_1807, %add3A_1808 : vector<16xi32>
          %mul3A_1810 = arith.constant 12 : i32
          %mul3A_1811 = vector.broadcast %mul3A_1810 : i32 to vector<16xi32>
          %mul3A_1812 = arith.muli %and3A_1795, %mul3A_1811 : vector<16xi32>
          %add3A_1813 = arith.addi %mul3A_1812, %shift_right_logical3A_1798 : vector<16xi32>
          %mul3A_1814 = arith.constant 20000 : i32
          %mul3A_1815 = vector.broadcast %mul3A_1814 : i32 to vector<16xi32>
          %mul3A_1816 = arith.muli %add3A_1813, %mul3A_1815 : vector<16xi32>
          %add3A_1817 = arith.addi %mul3A_1816, %add3A_1809 : vector<16xi32>
          %swap3A_1818 = arith.constant 0 : i32
          %swap3A_1819 = arith.constant 0 : i32
          %swap3A_1820 = arith.index_cast %swap3A_1818 : i32 to index
          %swap3A_1821 = arith.index_cast %swap3A_1819 : i32 to index
          %swap3A_1822 = arith.constant 64 : index
          %swap3A_1823 = tpu.vector_load %arg11[%swap3A_1820, %swap3A_1821, %swap3A_1822] {strides = array<i32>} : memref<2x2x80xi32, #tpu.memory_space<vmem>>, vector<16xi32>,
          tpu.vector_store %arg11[%swap3A_1820, %swap3A_1821, %swap3A_1822], %add3A_1817 {strides = array<i32>} : memref<2x2x80xi32, #tpu.memory_space<vmem>>, vector<16xi32>,
          %mul3A_1824 = arith.constant 12 : i32
          %mul3A_1825 = vector.broadcast %mul3A_1824 : i32 to vector<16xi32>
          %mul3A_1826 = arith.muli %and3A_1801, %mul3A_1825 : vector<16xi32>
          %add3A_1827 = arith.addi %mul3A_1826, %shift_right_logical3A_1804 : vector<16xi32>
          %mul3A_1828 = arith.constant 20000 : i32
          %mul3A_1829 = vector.broadcast %mul3A_1828 : i32 to vector<16xi32>
          %mul3A_1830 = arith.muli %add3A_1827, %mul3A_1829 : vector<16xi32>
          %add3A_1831 = arith.addi %mul3A_1830, %add3A_1809 : vector<16xi32>
          %swap3A_1832 = arith.constant 0 : i32
          %swap3A_1833 = arith.constant 1 : i32
          %swap3A_1834 = arith.index_cast %swap3A_1832 : i32 to index
          %swap3A_1835 = arith.index_cast %swap3A_1833 : i32 to index
          %swap3A_1836 = arith.constant 64 : index
          %swap3A_1837 = tpu.vector_load %arg11[%swap3A_1834, %swap3A_1835, %swap3A_1836] {strides = array<i32>} : memref<2x2x80xi32, #tpu.memory_space<vmem>>, vector<16xi32>,
          tpu.vector_store %arg11[%swap3A_1834, %swap3A_1835, %swap3A_1836], %add3A_1831 {strides = array<i32>} : memref<2x2x80xi32, #tpu.memory_space<vmem>>, vector<16xi32>,
          %sub3A_1838 = arith.constant 1.000000e+00 : f32
          %sub3A_1839 = vector.broadcast %sub3A_1838 : f32 to vector<16xf32>
          %sub3A_1840 = arith.subf %sub3A_1839, %sub3A_1783 : vector<16xf32>
          %sub3A_1841 = arith.constant 1.000000e+00 : f32
          %sub3A_1842 = vector.broadcast %sub3A_1841 : f32 to vector<16xf32>
          %sub3A_1843 = arith.subf %sub3A_1842, %sub3A_1785 : vector<16xf32>
          %mul3A_1844 = arith.mulf %sub3A_1840, %sub3A_1843 : vector<16xf32>
          %mul3A_1845 = arith.mulf %sub3A_1783, %sub3A_1843 : vector<16xf32>
          %pack3A_1846 = tpu.pack_subelements %mul3A_1844, %mul3A_1845 {pack_format = #tpu.pack_format<interleaved>, positions = array<i32: 0, 1>} : vector<16xf32>, vector<16xf32> -> vector<32xbf16>
          %mul3A_1847 = arith.mulf %sub3A_1840, %sub3A_1785 : vector<16xf32>
          %mul3A_1848 = arith.mulf %sub3A_1783, %sub3A_1785 : vector<16xf32>
          %pack3A_1849 = tpu.pack_subelements %mul3A_1847, %mul3A_1848 {pack_format = #tpu.pack_format<interleaved>, positions = array<i32: 0, 1>} : vector<16xf32>, vector<16xf32> -> vector<32xbf16>
          %bitcast3A_1850 = vector.bitcast %pack3A_1846 : vector<32xbf16> to vector<16xi32>
          %swap3A_1851 = arith.constant 0 : i32
          %swap3A_1852 = arith.constant 0 : i32
          %swap3A_1853 = arith.index_cast %swap3A_1851 : i32 to index
          %swap3A_1854 = arith.index_cast %swap3A_1852 : i32 to index
          %swap3A_1855 = arith.constant 64 : index
          %swap3A_1856 = tpu.vector_load %arg12[%swap3A_1853, %swap3A_1854, %swap3A_1855] {strides = array<i32>} : memref<2x2x96xi32, #tpu.memory_space<vmem>>, vector<16xi32>,
          tpu.vector_store %arg12[%swap3A_1853, %swap3A_1854, %swap3A_1855], %bitcast3A_1850 {strides = array<i32>} : memref<2x2x96xi32, #tpu.memory_space<vmem>>, vector<16xi32>,
          %bitcast3A_1857 = vector.bitcast %pack3A_1849 : vector<32xbf16> to vector<16xi32>
          %swap3A_1858 = arith.constant 0 : i32
          %swap3A_1859 = arith.constant 1 : i32
          %swap3A_1860 = arith.index_cast %swap3A_1858 : i32 to index
          %swap3A_1861 = arith.index_cast %swap3A_1859 : i32 to index
          %swap3A_1862 = arith.constant 64 : index
          %swap3A_1863 = tpu.vector_load %arg12[%swap3A_1860, %swap3A_1861, %swap3A_1862] {strides = array<i32>} : memref<2x2x96xi32, #tpu.memory_space<vmem>>, vector<16xi32>,
          tpu.vector_store %arg12[%swap3A_1860, %swap3A_1861, %swap3A_1862], %bitcast3A_1857 {strides = array<i32>} : memref<2x2x96xi32, #tpu.memory_space<vmem>>, vector<16xi32>,
          %dma_start3A_1864 = arith.constant 0 : i32
          %dma_start3A_1865 = arith.constant 0 : i32
          %dma_start3A_1866 = arith.constant 0 : i32
          %dma_start3A_1867 = arith.constant 0 : i32
          %dma_start3A_1868 = arith.constant 0 : i32
          %dma_start3A_1869 = tpu.memref_slice %arg13[%dma_start3A_1866, %dma_start3A_1867, %dma_start3A_1868] : memref<2x160x64xi32, #tpu.memory_space<vmem>> -> memref<1x80x64xi32, #tpu.memory_space<vmem>>
          %dma_start3A_1870 = tpu.memref_squeeze %dma_start3A_1869 : memref<1x80x64xi32, #tpu.memory_space<vmem>> -> memref<80x64xi32, #tpu.memory_space<vmem>>
          %dma_start3A_1871 = arith.constant 0 : i32
          %dma_start3A_1872 = tpu.memref_slice %arg11[%dma_start3A_1864, %dma_start3A_1865, %dma_start3A_1871] : memref<2x2x80xi32, #tpu.memory_space<vmem>> -> memref<1x1x80xi32, #tpu.memory_space<vmem>>
          %dma_start3A_1873 = tpu.memref_squeeze %dma_start3A_1872 : memref<1x1x80xi32, #tpu.memory_space<vmem>> -> memref<80xi32, #tpu.memory_space<vmem>>
          %dma_start3A_1874 = arith.constant 0 : i32
          %dma_start3A_1875 = arith.constant 0 : i32
          %dma_start3A_1876 = tpu.memref_slice %arg2[%dma_start3A_1874, %dma_start3A_1875] : memref<480000x64xi32, #tpu.memory_space<hbm>> -> memref<480000x64xi32, #tpu.memory_space<hbm>>
          tpu.enqueue_indirect_dma source(%dma_start3A_1876 : memref<480000x64xi32, #tpu.memory_space<hbm>>) target(%dma_start3A_1870 : memref<80x64xi32, #tpu.memory_space<vmem>>) offsets(%dma_start3A_1873 : memref<80xi32, #tpu.memory_space<vmem>>) semaphore(%arg18 : memref<!tpu.dma_semaphore, #tpu.memory_space<semaphore_mem>>)
          %dma_start3A_1877 = arith.constant 0 : i32
          %dma_start3A_1878 = arith.constant 1 : i32
          %dma_start3A_1879 = arith.constant 0 : i32
          %dma_start3A_1880 = arith.constant 80 : i32
          %dma_start3A_1881 = arith.constant 0 : i32
          %dma_start3A_1882 = tpu.memref_slice %arg13[%dma_start3A_1879, %dma_start3A_1880, %dma_start3A_1881] : memref<2x160x64xi32, #tpu.memory_space<vmem>> -> memref<1x80x64xi32, #tpu.memory_space<vmem>>
          %dma_start3A_1883 = tpu.memref_squeeze %dma_start3A_1882 : memref<1x80x64xi32, #tpu.memory_space<vmem>> -> memref<80x64xi32, #tpu.memory_space<vmem>>
          %dma_start3A_1884 = arith.constant 0 : i32
          %dma_start3A_1885 = tpu.memref_slice %arg11[%dma_start3A_1877, %dma_start3A_1878, %dma_start3A_1884] : memref<2x2x80xi32, #tpu.memory_space<vmem>> -> memref<1x1x80xi32, #tpu.memory_space<vmem>>
          %dma_start3A_1886 = tpu.memref_squeeze %dma_start3A_1885 : memref<1x1x80xi32, #tpu.memory_space<vmem>> -> memref<80xi32, #tpu.memory_space<vmem>>
          %dma_start3A_1887 = arith.constant 0 : i32
          %dma_start3A_1888 = arith.constant 0 : i32
          %dma_start3A_1889 = tpu.memref_slice %arg2[%dma_start3A_1887, %dma_start3A_1888] : memref<480000x64xi32, #tpu.memory_space<hbm>> -> memref<480000x64xi32, #tpu.memory_space<hbm>>
          tpu.enqueue_indirect_dma source(%dma_start3A_1889 : memref<480000x64xi32, #tpu.memory_space<hbm>>) target(%dma_start3A_1883 : memref<80x64xi32, #tpu.memory_space<vmem>>) offsets(%dma_start3A_1886 : memref<80xi32, #tpu.memory_space<vmem>>) semaphore(%arg18 : memref<!tpu.dma_semaphore, #tpu.memory_space<semaphore_mem>>)
        } else {
        }
        %dma_wait3A_1273 = arith.constant 1 : i32
        %dma_wait3A_1274 = arith.constant 0 : i32
        %dma_wait3A_1275 = arith.constant 1 : i32
        %dma_wait3A_1276 = arith.constant 0 : i32
        %dma_wait3A_1277 = arith.constant 0 : i32
        %dma_wait3A_1278 = tpu.memref_slice %arg13[%dma_wait3A_1275, %dma_wait3A_1276, %dma_wait3A_1277] : memref<2x160x64xi32, #tpu.memory_space<vmem>> -> memref<1x80x64xi32, #tpu.memory_space<vmem>>
        %dma_wait3A_1279 = tpu.memref_squeeze %dma_wait3A_1278 : memref<1x80x64xi32, #tpu.memory_space<vmem>> -> memref<80x64xi32, #tpu.memory_space<vmem>>
        %dma_wait3A_1280 = arith.constant 0 : i32
        %dma_wait3A_1281 = tpu.memref_slice %arg11[%dma_wait3A_1273, %dma_wait3A_1274, %dma_wait3A_1280] : memref<2x2x80xi32, #tpu.memory_space<vmem>> -> memref<1x1x80xi32, #tpu.memory_space<vmem>>
        %dma_wait3A_1282 = tpu.memref_squeeze %dma_wait3A_1281 : memref<1x1x80xi32, #tpu.memory_space<vmem>> -> memref<80xi32, #tpu.memory_space<vmem>>
        %dma_wait3A_1283 = arith.constant 0 : i32
        %dma_wait3A_1284 = arith.constant 0 : i32
        %dma_wait3A_1285 = tpu.memref_slice %arg2[%dma_wait3A_1283, %dma_wait3A_1284] : memref<480000x64xi32, #tpu.memory_space<hbm>> -> memref<480000x64xi32, #tpu.memory_space<hbm>>
        tpu.wait_indirect_dma semaphore(%arg19 : memref<!tpu.dma_semaphore, #tpu.memory_space<semaphore_mem>>) src(%dma_wait3A_1285 : memref<480000x64xi32, #tpu.memory_space<hbm>>) dst(%dma_wait3A_1279 : memref<80x64xi32, #tpu.memory_space<vmem>>)
        %dma_wait3A_1286 = arith.constant 1 : i32
        %dma_wait3A_1287 = arith.constant 1 : i32
        %dma_wait3A_1288 = arith.constant 1 : i32
        %dma_wait3A_1289 = arith.constant 80 : i32
        %dma_wait3A_1290 = arith.constant 0 : i32
        %dma_wait3A_1291 = tpu.memref_slice %arg13[%dma_wait3A_1288, %dma_wait3A_1289, %dma_wait3A_1290] : memref<2x160x64xi32, #tpu.memory_space<vmem>> -> memref<1x80x64xi32, #tpu.memory_space<vmem>>
        %dma_wait3A_1292 = tpu.memref_squeeze %dma_wait3A_1291 : memref<1x80x64xi32, #tpu.memory_space<vmem>> -> memref<80x64xi32, #tpu.memory_space<vmem>>
        %dma_wait3A_1293 = arith.constant 0 : i32
        %dma_wait3A_1294 = tpu.memref_slice %arg11[%dma_wait3A_1286, %dma_wait3A_1287, %dma_wait3A_1293] : memref<2x2x80xi32, #tpu.memory_space<vmem>> -> memref<1x1x80xi32, #tpu.memory_space<vmem>>
        %dma_wait3A_1295 = tpu.memref_squeeze %dma_wait3A_1294 : memref<1x1x80xi32, #tpu.memory_space<vmem>> -> memref<80xi32, #tpu.memory_space<vmem>>
        %dma_wait3A_1296 = arith.constant 0 : i32
        %dma_wait3A_1297 = arith.constant 0 : i32
        %dma_wait3A_1298 = tpu.memref_slice %arg2[%dma_wait3A_1296, %dma_wait3A_1297] : memref<480000x64xi32, #tpu.memory_space<hbm>> -> memref<480000x64xi32, #tpu.memory_space<hbm>>
        tpu.wait_indirect_dma semaphore(%arg19 : memref<!tpu.dma_semaphore, #tpu.memory_space<semaphore_mem>>) src(%dma_wait3A_1298 : memref<480000x64xi32, #tpu.memory_space<hbm>>) dst(%dma_wait3A_1292 : memref<80x64xi32, #tpu.memory_space<vmem>>)
        %add3A_1299 = arith.constant 1 : i32
        %add3A_1300 = arith.addi %mul3A_653, %add3A_1299 : i32
        %ge3A_1301 = arith.constant 2 : i32
        %ge3A_1302 = arith.cmpi sge, %add3A_1300, %ge3A_1301 : i32
        %convert_element_type3A_1303 = arith.extui %ge3A_1302 : i1 to i32
        %cond3A_1304 = arith.constant 0 : i32
        %cond3A_1305 = arith.cmpi ne, %convert_element_type3A_1303, %cond3A_1304 : i32
        scf.if %cond3A_1305 {
          %dma_wait3A_1320 = arith.constant 1 : i32
          %dma_wait3A_1321 = arith.constant 0 : i32
          %dma_wait3A_1322 = arith.constant 0 : i32
          %dma_wait3A_1323 = tpu.memref_slice %arg14[%dma_wait3A_1320, %dma_wait3A_1321, %dma_wait3A_1322] : memref<2x80x80xf32, #tpu.memory_space<vmem>> -> memref<1x80x80xf32, #tpu.memory_space<vmem>>
          %dma_wait3A_1324 = tpu.memref_squeeze %dma_wait3A_1323 : memref<1x80x80xf32, #tpu.memory_space<vmem>> -> memref<80x80xf32, #tpu.memory_space<vmem>>
          %dma_wait3A_1325 = arith.constant 0 : i32
          %dma_wait3A_1326 = tpu.memref_slice %arg10[%dma_wait3A_1325] : memref<4000xi32, #tpu.memory_space<vmem>> -> memref<80xi32, #tpu.memory_space<vmem>>
          %dma_wait3A_1327 = arith.constant 0 : i32
          %dma_wait3A_1328 = arith.constant 0 : i32
          %dma_wait3A_1329 = tpu.memref_slice %arg17[%dma_wait3A_1327, %dma_wait3A_1328] : memref<10000x80xf32, #tpu.memory_space<vmem_shared>> -> memref<10000x80xf32, #tpu.memory_space<vmem_shared>>
          tpu.wait_indirect_dma semaphore(%arg21 : memref<!tpu.dma_semaphore, #tpu.memory_space<semaphore_mem>>) src(%dma_wait3A_1324 : memref<80x80xf32, #tpu.memory_space<vmem>>) dst(%dma_wait3A_1329 : memref<10000x80xf32, #tpu.memory_space<vmem_shared>>)
        } else {
        }
        %parallel_loop3A_1306 = arith.constant 0 : i32
        %parallel_loop3A_1307 = arith.constant 80 : i32
        %parallel_loop3A_1308 = arith.constant 1 : i32
        scf.for %parallel_loop3A_1320 = %parallel_loop3A_1306 to %parallel_loop3A_1307 step %parallel_loop3A_1308  : i32 {
          %parallel_loop3A_1321 = arith.constant 0 : i32
          %parallel_loop3A_1322 = vector.broadcast %parallel_loop3A_1321 : i32 to vector<16xi32>
          %parallel_loop3A_1323 = arith.constant 1 : i32
          %parallel_loop3A_1324 = arith.constant 0 : i32
          %parallel_loop3A_1325 = arith.index_cast %parallel_loop3A_1323 : i32 to index
          %parallel_loop3A_1326 = arith.index_cast %parallel_loop3A_1324 : i32 to index
          %parallel_loop3A_1327 = arith.index_cast %parallel_loop3A_1320 : i32 to index
          %parallel_loop3A_1328 = tpu.vector_load %arg12[%parallel_loop3A_1325, %parallel_loop3A_1326, %parallel_loop3A_1327] {strides = array<i32>} : memref<2x2x96xi32, #tpu.memory_space<vmem>>, vector<16xi32>,
          %parallel_loop3A_1329 = vector.extract_strided_slice %parallel_loop3A_1328 {offsets = [0], sizes = [1], strides = [1]} : vector<16xi32> to vector<1xi32>
          %parallel_loop3A_1330 = vector.extract %parallel_loop3A_1329[0] : i32 from vector<1xi32>
          %parallel_loop3A_1331 = vector.broadcast %parallel_loop3A_1330 : i32 to vector<16xi32>
          %parallel_loop3A_1332 = arith.addi %parallel_loop3A_1322, %parallel_loop3A_1331 : vector<16xi32>
          %parallel_loop3A_1333 = vector.bitcast %parallel_loop3A_1332 : vector<16xi32> to vector<32xbf16>
          %parallel_loop3A_1334 = arith.constant 1 : i32
          %parallel_loop3A_1335 = arith.constant 1 : i32
          %parallel_loop3A_1336 = arith.index_cast %parallel_loop3A_1334 : i32 to index
          %parallel_loop3A_1337 = arith.index_cast %parallel_loop3A_1335 : i32 to index
          %parallel_loop3A_1338 = arith.index_cast %parallel_loop3A_1320 : i32 to index
          %parallel_loop3A_1339 = tpu.vector_load %arg12[%parallel_loop3A_1336, %parallel_loop3A_1337, %parallel_loop3A_1338] {strides = array<i32>} : memref<2x2x96xi32, #tpu.memory_space<vmem>>, vector<16xi32>,
          %parallel_loop3A_1340 = vector.extract_strided_slice %parallel_loop3A_1339 {offsets = [0], sizes = [1], strides = [1]} : vector<16xi32> to vector<1xi32>
          %parallel_loop3A_1341 = vector.extract %parallel_loop3A_1340[0] : i32 from vector<1xi32>
          %parallel_loop3A_1342 = vector.broadcast %parallel_loop3A_1341 : i32 to vector<16xi32>
          %parallel_loop3A_1343 = arith.addi %parallel_loop3A_1322, %parallel_loop3A_1342 : vector<16xi32>
          %parallel_loop3A_1344 = vector.bitcast %parallel_loop3A_1343 : vector<16xi32> to vector<32xbf16>
          %parallel_loop3A_1345 = arith.constant 1 : i32
          %parallel_loop3A_1346 = arith.index_cast %parallel_loop3A_1345 : i32 to index
          %parallel_loop3A_1347 = arith.index_cast %parallel_loop3A_1320 : i32 to index
          %parallel_loop3A_1348 = arith.constant 0 : index
          %parallel_loop3A_1349 = tpu.vector_load %arg13[%parallel_loop3A_1346, %parallel_loop3A_1347, %parallel_loop3A_1348] {strides = array<i32>} : memref<2x160x64xi32, #tpu.memory_space<vmem>>, vector<16xi32>,
          %parallel_loop3A_1350 = vector.bitcast %parallel_loop3A_1349 : vector<16xi32> to vector<32xbf16>
          %parallel_loop3A_1351 = arith.constant 80 : i32
          %parallel_loop3A_1352 = arith.addi %parallel_loop3A_1351, %parallel_loop3A_1320 : i32
          %parallel_loop3A_1353 = arith.constant 1 : i32
          %parallel_loop3A_1354 = arith.index_cast %parallel_loop3A_1353 : i32 to index
          %parallel_loop3A_1355 = arith.index_cast %parallel_loop3A_1352 : i32 to index
          %parallel_loop3A_1356 = arith.constant 0 : index
          %parallel_loop3A_1357 = tpu.vector_load %arg13[%parallel_loop3A_1354, %parallel_loop3A_1355, %parallel_loop3A_1356] {strides = array<i32>} : memref<2x160x64xi32, #tpu.memory_space<vmem>>, vector<16xi32>,
          %parallel_loop3A_1358 = vector.bitcast %parallel_loop3A_1357 : vector<16xi32> to vector<32xbf16>
          %parallel_loop3A_1359 = arith.mulf %parallel_loop3A_1350, %parallel_loop3A_1333 : vector<32xbf16>
          %parallel_loop3A_1360 = arith.mulf %parallel_loop3A_1358, %parallel_loop3A_1344 : vector<32xbf16>
          %parallel_loop3A_1361 = arith.addf %parallel_loop3A_1359, %parallel_loop3A_1360 : vector<32xbf16>
          %parallel_loop3A_1362 = tpu.unpack_subelements %parallel_loop3A_1361, 0 {pack_format = #tpu.pack_format<interleaved>} : vector<32xbf16> -> vector<16xf32>
          %parallel_loop3A_1363 = tpu.unpack_subelements %parallel_loop3A_1361, 1 {pack_format = #tpu.pack_format<interleaved>} : vector<32xbf16> -> vector<16xf32>
          %parallel_loop3A_1364 = arith.addf %parallel_loop3A_1362, %parallel_loop3A_1363 : vector<16xf32>
          %parallel_loop3A_1365 = arith.constant 1 : i32
          %parallel_loop3A_1366 = arith.index_cast %parallel_loop3A_1365 : i32 to index
          %parallel_loop3A_1367 = arith.index_cast %parallel_loop3A_1320 : i32 to index
          %parallel_loop3A_1368 = arith.constant 0 : index
          %parallel_loop3A_1369 = tpu.vector_load %arg14[%parallel_loop3A_1366, %parallel_loop3A_1367, %parallel_loop3A_1368] {strides = array<i32>} : memref<2x80x80xf32, #tpu.memory_space<vmem>>, vector<16xf32>,
          tpu.vector_store %arg14[%parallel_loop3A_1366, %parallel_loop3A_1367, %parallel_loop3A_1368], %parallel_loop3A_1364 {strides = array<i32>} : memref<2x80x80xf32, #tpu.memory_space<vmem>>, vector<16xf32>,
          %parallel_loop3A_1370 = arith.constant 1 : i32
          %parallel_loop3A_1371 = arith.index_cast %parallel_loop3A_1370 : i32 to index
          %parallel_loop3A_1372 = arith.index_cast %parallel_loop3A_1320 : i32 to index
          %parallel_loop3A_1373 = arith.constant 16 : index
          %parallel_loop3A_1374 = tpu.vector_load %arg13[%parallel_loop3A_1371, %parallel_loop3A_1372, %parallel_loop3A_1373] {strides = array<i32>} : memref<2x160x64xi32, #tpu.memory_space<vmem>>, vector<16xi32>,
          %parallel_loop3A_1375 = vector.bitcast %parallel_loop3A_1374 : vector<16xi32> to vector<32xbf16>
          %parallel_loop3A_1376 = arith.constant 80 : i32
          %parallel_loop3A_1377 = arith.addi %parallel_loop3A_1376, %parallel_loop3A_1320 : i32
          %parallel_loop3A_1378 = arith.constant 1 : i32
          %parallel_loop3A_1379 = arith.index_cast %parallel_loop3A_1378 : i32 to index
          %parallel_loop3A_1380 = arith.index_cast %parallel_loop3A_1377 : i32 to index
          %parallel_loop3A_1381 = arith.constant 16 : index
          %parallel_loop3A_1382 = tpu.vector_load %arg13[%parallel_loop3A_1379, %parallel_loop3A_1380, %parallel_loop3A_1381] {strides = array<i32>} : memref<2x160x64xi32, #tpu.memory_space<vmem>>, vector<16xi32>,
          %parallel_loop3A_1383 = vector.bitcast %parallel_loop3A_1382 : vector<16xi32> to vector<32xbf16>
          %parallel_loop3A_1384 = arith.mulf %parallel_loop3A_1375, %parallel_loop3A_1333 : vector<32xbf16>
          %parallel_loop3A_1385 = arith.mulf %parallel_loop3A_1383, %parallel_loop3A_1344 : vector<32xbf16>
          %parallel_loop3A_1386 = arith.addf %parallel_loop3A_1384, %parallel_loop3A_1385 : vector<32xbf16>
          %parallel_loop3A_1387 = tpu.unpack_subelements %parallel_loop3A_1386, 0 {pack_format = #tpu.pack_format<interleaved>} : vector<32xbf16> -> vector<16xf32>
          %parallel_loop3A_1388 = tpu.unpack_subelements %parallel_loop3A_1386, 1 {pack_format = #tpu.pack_format<interleaved>} : vector<32xbf16> -> vector<16xf32>
          %parallel_loop3A_1389 = arith.addf %parallel_loop3A_1387, %parallel_loop3A_1388 : vector<16xf32>
          %parallel_loop3A_1390 = arith.constant 1 : i32
          %parallel_loop3A_1391 = arith.index_cast %parallel_loop3A_1390 : i32 to index
          %parallel_loop3A_1392 = arith.index_cast %parallel_loop3A_1320 : i32 to index
          %parallel_loop3A_1393 = arith.constant 16 : index
          %parallel_loop3A_1394 = tpu.vector_load %arg14[%parallel_loop3A_1391, %parallel_loop3A_1392, %parallel_loop3A_1393] {strides = array<i32>} : memref<2x80x80xf32, #tpu.memory_space<vmem>>, vector<16xf32>,
          tpu.vector_store %arg14[%parallel_loop3A_1391, %parallel_loop3A_1392, %parallel_loop3A_1393], %parallel_loop3A_1389 {strides = array<i32>} : memref<2x80x80xf32, #tpu.memory_space<vmem>>, vector<16xf32>,
          %parallel_loop3A_1395 = arith.constant 1 : i32
          %parallel_loop3A_1396 = arith.index_cast %parallel_loop3A_1395 : i32 to index
          %parallel_loop3A_1397 = arith.index_cast %parallel_loop3A_1320 : i32 to index
          %parallel_loop3A_1398 = arith.constant 32 : index
          %parallel_loop3A_1399 = tpu.vector_load %arg13[%parallel_loop3A_1396, %parallel_loop3A_1397, %parallel_loop3A_1398] {strides = array<i32>} : memref<2x160x64xi32, #tpu.memory_space<vmem>>, vector<16xi32>,
          %parallel_loop3A_1400 = vector.bitcast %parallel_loop3A_1399 : vector<16xi32> to vector<32xbf16>
          %parallel_loop3A_1401 = arith.constant 80 : i32
          %parallel_loop3A_1402 = arith.addi %parallel_loop3A_1401, %parallel_loop3A_1320 : i32
          %parallel_loop3A_1403 = arith.constant 1 : i32
          %parallel_loop3A_1404 = arith.index_cast %parallel_loop3A_1403 : i32 to index
          %parallel_loop3A_1405 = arith.index_cast %parallel_loop3A_1402 : i32 to index
          %parallel_loop3A_1406 = arith.constant 32 : index
          %parallel_loop3A_1407 = tpu.vector_load %arg13[%parallel_loop3A_1404, %parallel_loop3A_1405, %parallel_loop3A_1406] {strides = array<i32>} : memref<2x160x64xi32, #tpu.memory_space<vmem>>, vector<16xi32>,
          %parallel_loop3A_1408 = vector.bitcast %parallel_loop3A_1407 : vector<16xi32> to vector<32xbf16>
          %parallel_loop3A_1409 = arith.mulf %parallel_loop3A_1400, %parallel_loop3A_1333 : vector<32xbf16>
          %parallel_loop3A_1410 = arith.mulf %parallel_loop3A_1408, %parallel_loop3A_1344 : vector<32xbf16>
          %parallel_loop3A_1411 = arith.addf %parallel_loop3A_1409, %parallel_loop3A_1410 : vector<32xbf16>
          %parallel_loop3A_1412 = tpu.unpack_subelements %parallel_loop3A_1411, 0 {pack_format = #tpu.pack_format<interleaved>} : vector<32xbf16> -> vector<16xf32>
          %parallel_loop3A_1413 = tpu.unpack_subelements %parallel_loop3A_1411, 1 {pack_format = #tpu.pack_format<interleaved>} : vector<32xbf16> -> vector<16xf32>
          %parallel_loop3A_1414 = arith.addf %parallel_loop3A_1412, %parallel_loop3A_1413 : vector<16xf32>
          %parallel_loop3A_1415 = arith.constant 1 : i32
          %parallel_loop3A_1416 = arith.index_cast %parallel_loop3A_1415 : i32 to index
          %parallel_loop3A_1417 = arith.index_cast %parallel_loop3A_1320 : i32 to index
          %parallel_loop3A_1418 = arith.constant 32 : index
          %parallel_loop3A_1419 = tpu.vector_load %arg14[%parallel_loop3A_1416, %parallel_loop3A_1417, %parallel_loop3A_1418] {strides = array<i32>} : memref<2x80x80xf32, #tpu.memory_space<vmem>>, vector<16xf32>,
          tpu.vector_store %arg14[%parallel_loop3A_1416, %parallel_loop3A_1417, %parallel_loop3A_1418], %parallel_loop3A_1414 {strides = array<i32>} : memref<2x80x80xf32, #tpu.memory_space<vmem>>, vector<16xf32>,
          %parallel_loop3A_1420 = arith.constant 1 : i32
          %parallel_loop3A_1421 = arith.index_cast %parallel_loop3A_1420 : i32 to index
          %parallel_loop3A_1422 = arith.index_cast %parallel_loop3A_1320 : i32 to index
          %parallel_loop3A_1423 = arith.constant 48 : index
          %parallel_loop3A_1424 = tpu.vector_load %arg13[%parallel_loop3A_1421, %parallel_loop3A_1422, %parallel_loop3A_1423] {strides = array<i32>} : memref<2x160x64xi32, #tpu.memory_space<vmem>>, vector<16xi32>,
          %parallel_loop3A_1425 = vector.bitcast %parallel_loop3A_1424 : vector<16xi32> to vector<32xbf16>
          %parallel_loop3A_1426 = arith.constant 80 : i32
          %parallel_loop3A_1427 = arith.addi %parallel_loop3A_1426, %parallel_loop3A_1320 : i32
          %parallel_loop3A_1428 = arith.constant 1 : i32
          %parallel_loop3A_1429 = arith.index_cast %parallel_loop3A_1428 : i32 to index
          %parallel_loop3A_1430 = arith.index_cast %parallel_loop3A_1427 : i32 to index
          %parallel_loop3A_1431 = arith.constant 48 : index
          %parallel_loop3A_1432 = tpu.vector_load %arg13[%parallel_loop3A_1429, %parallel_loop3A_1430, %parallel_loop3A_1431] {strides = array<i32>} : memref<2x160x64xi32, #tpu.memory_space<vmem>>, vector<16xi32>,
          %parallel_loop3A_1433 = vector.bitcast %parallel_loop3A_1432 : vector<16xi32> to vector<32xbf16>
          %parallel_loop3A_1434 = arith.mulf %parallel_loop3A_1425, %parallel_loop3A_1333 : vector<32xbf16>
          %parallel_loop3A_1435 = arith.mulf %parallel_loop3A_1433, %parallel_loop3A_1344 : vector<32xbf16>
          %parallel_loop3A_1436 = arith.addf %parallel_loop3A_1434, %parallel_loop3A_1435 : vector<32xbf16>
          %parallel_loop3A_1437 = tpu.unpack_subelements %parallel_loop3A_1436, 0 {pack_format = #tpu.pack_format<interleaved>} : vector<32xbf16> -> vector<16xf32>
          %parallel_loop3A_1438 = tpu.unpack_subelements %parallel_loop3A_1436, 1 {pack_format = #tpu.pack_format<interleaved>} : vector<32xbf16> -> vector<16xf32>
          %parallel_loop3A_1439 = arith.addf %parallel_loop3A_1437, %parallel_loop3A_1438 : vector<16xf32>
          %parallel_loop3A_1440 = arith.constant 1 : i32
          %parallel_loop3A_1441 = arith.index_cast %parallel_loop3A_1440 : i32 to index
          %parallel_loop3A_1442 = arith.index_cast %parallel_loop3A_1320 : i32 to index
          %parallel_loop3A_1443 = arith.constant 48 : index
          %parallel_loop3A_1444 = tpu.vector_load %arg14[%parallel_loop3A_1441, %parallel_loop3A_1442, %parallel_loop3A_1443] {strides = array<i32>} : memref<2x80x80xf32, #tpu.memory_space<vmem>>, vector<16xf32>,
          tpu.vector_store %arg14[%parallel_loop3A_1441, %parallel_loop3A_1442, %parallel_loop3A_1443], %parallel_loop3A_1439 {strides = array<i32>} : memref<2x80x80xf32, #tpu.memory_space<vmem>>, vector<16xf32>,
        } {sc.loop_unroll_factor = 2 : i64, sc.parallel_access}
        %mul3A_1309 = arith.constant 80 : i32
        %mul3A_1310 = arith.muli %add3A_1300, %mul3A_1309 : i32
        %dma_start3A_1311 = arith.constant 1 : i32
        %dma_start3A_1312 = arith.constant 0 : i32
        %dma_start3A_1313 = arith.constant 0 : i32
        %dma_start3A_1314 = tpu.memref_slice %arg14[%dma_start3A_1311, %dma_start3A_1312, %dma_start3A_1313] : memref<2x80x80xf32, #tpu.memory_space<vmem>> -> memref<1x80x80xf32, #tpu.memory_space<vmem>>
        %dma_start3A_1315 = tpu.memref_squeeze %dma_start3A_1314 : memref<1x80x80xf32, #tpu.memory_space<vmem>> -> memref<80x80xf32, #tpu.memory_space<vmem>>
        %dma_start3A_1316 = tpu.memref_slice %arg10[%mul3A_1310] : memref<4000xi32, #tpu.memory_space<vmem>> -> memref<80xi32, #tpu.memory_space<vmem>>
        %dma_start3A_1317 = arith.constant 0 : i32
        %dma_start3A_1318 = arith.constant 0 : i32
        %dma_start3A_1319 = tpu.memref_slice %arg17[%dma_start3A_1317, %dma_start3A_1318] : memref<10000x80xf32, #tpu.memory_space<vmem_shared>> -> memref<10000x80xf32, #tpu.memory_space<vmem_shared>>
        tpu.enqueue_indirect_dma source(%dma_start3A_1315 : memref<80x80xf32, #tpu.memory_space<vmem>>) target(%dma_start3A_1319 : memref<10000x80xf32, #tpu.memory_space<vmem_shared>>) offsets(%dma_start3A_1316 : memref<80xi32, #tpu.memory_space<vmem>>) semaphore(%arg21 : memref<!tpu.dma_semaphore, #tpu.memory_space<semaphore_mem>>) {add = true}
      }
      %scan3A_631 = arith.constant 25 : i32
      %dma_wait3A = arith.constant 0 : i32
      %dma_wait3A_632 = arith.constant 0 : i32
      %dma_wait3A_633 = arith.constant 0 : i32
      %dma_wait3A_634 = tpu.memref_slice %arg14[%dma_wait3A, %dma_wait3A_632, %dma_wait3A_633] : memref<2x80x80xf32, #tpu.memory_space<vmem>> -> memref<1x80x80xf32, #tpu.memory_space<vmem>>
      %dma_wait3A_635 = tpu.memref_squeeze %dma_wait3A_634 : memref<1x80x80xf32, #tpu.memory_space<vmem>> -> memref<80x80xf32, #tpu.memory_space<vmem>>
      %dma_wait3A_636 = arith.constant 0 : i32
      %dma_wait3A_637 = tpu.memref_slice %arg10[%dma_wait3A_636] : memref<4000xi32, #tpu.memory_space<vmem>> -> memref<80xi32, #tpu.memory_space<vmem>>
      %dma_wait3A_638 = arith.constant 0 : i32
      %dma_wait3A_639 = arith.constant 0 : i32
      %dma_wait3A_640 = tpu.memref_slice %arg17[%dma_wait3A_638, %dma_wait3A_639] : memref<10000x80xf32, #tpu.memory_space<vmem_shared>> -> memref<10000x80xf32, #tpu.memory_space<vmem_shared>>
      tpu.wait_indirect_dma semaphore(%arg20 : memref<!tpu.dma_semaphore, #tpu.memory_space<semaphore_mem>>) src(%dma_wait3A_635 : memref<80x80xf32, #tpu.memory_space<vmem>>) dst(%dma_wait3A_640 : memref<10000x80xf32, #tpu.memory_space<vmem_shared>>)
      %dma_wait3A_641 = arith.constant 1 : i32
      %dma_wait3A_642 = arith.constant 0 : i32
      %dma_wait3A_643 = arith.constant 0 : i32
      %dma_wait3A_644 = tpu.memref_slice %arg14[%dma_wait3A_641, %dma_wait3A_642, %dma_wait3A_643] : memref<2x80x80xf32, #tpu.memory_space<vmem>> -> memref<1x80x80xf32, #tpu.memory_space<vmem>>
      %dma_wait3A_645 = tpu.memref_squeeze %dma_wait3A_644 : memref<1x80x80xf32, #tpu.memory_space<vmem>> -> memref<80x80xf32, #tpu.memory_space<vmem>>
      %dma_wait3A_646 = arith.constant 0 : i32
      %dma_wait3A_647 = tpu.memref_slice %arg10[%dma_wait3A_646] : memref<4000xi32, #tpu.memory_space<vmem>> -> memref<80xi32, #tpu.memory_space<vmem>>
      %dma_wait3A_648 = arith.constant 0 : i32
      %dma_wait3A_649 = arith.constant 0 : i32
      %dma_wait3A_650 = tpu.memref_slice %arg17[%dma_wait3A_648, %dma_wait3A_649] : memref<10000x80xf32, #tpu.memory_space<vmem_shared>> -> memref<10000x80xf32, #tpu.memory_space<vmem_shared>>
      tpu.wait_indirect_dma semaphore(%arg21 : memref<!tpu.dma_semaphore, #tpu.memory_space<semaphore_mem>>) src(%dma_wait3A_645 : memref<80x80xf32, #tpu.memory_space<vmem>>) dst(%dma_wait3A_650 : memref<10000x80xf32, #tpu.memory_space<vmem_shared>>)
    }
    %scan3A_17 = arith.constant 5 : i32
    %barrier3A_18 = arith.constant 0 : index
    tpu.barrier barrier_id(%barrier3A_18)
    %mul3A_19 = arith.constant 625 : i32
    %mul3A_20 = arith.muli %arg1, %mul3A_19 : i32
    %add3A = arith.constant 0 : i32
    %add3A_21 = arith.addi %mul3A_20, %add3A : i32
    "tpu.region"() ({
      %run_scoped3A = tpu.sem_alloc : memref<!tpu.dma_semaphore, #tpu.memory_space<semaphore_mem>>
      %dma_start3A = arith.constant 0 : i32
      %dma_start3A_72 = tpu.memref_slice %arg17[%add3A_21, %dma_start3A] : memref<10000x80xf32, #tpu.memory_space<vmem_shared>> -> memref<125x80xf32, #tpu.memory_space<vmem_shared>>
      %dma_start3A_73 = arith.constant 0 : i32
      %dma_start3A_74 = tpu.memref_slice %arg17[%add3A_21, %dma_start3A_73] : memref<10000x80xf32, #tpu.memory_space<vmem_shared>> -> memref<125x80xf32, #tpu.memory_space<vmem_shared>>
      tpu.enqueue_dma source(%dma_start3A_74 : memref<125x80xf32, #tpu.memory_space<vmem_shared>>) target(%arg15 : memref<125x80xf32, #tpu.memory_space<vmem>>) target_semaphore(%run_scoped3A : memref<!tpu.dma_semaphore, #tpu.memory_space<semaphore_mem>>)
      %dma_wait3A = arith.constant 0 : i32
      %dma_wait3A_75 = tpu.memref_slice %arg17[%add3A_21, %dma_wait3A] : memref<10000x80xf32, #tpu.memory_space<vmem_shared>> -> memref<125x80xf32, #tpu.memory_space<vmem_shared>>
      %dma_wait3A_76 = arith.constant 0 : i32
      %dma_wait3A_77 = tpu.memref_slice %arg17[%add3A_21, %dma_wait3A_76] : memref<10000x80xf32, #tpu.memory_space<vmem_shared>> -> memref<125x80xf32, #tpu.memory_space<vmem_shared>>
      tpu.wait_dma2 semaphore(%run_scoped3A : memref<!tpu.dma_semaphore, #tpu.memory_space<semaphore_mem>>) src(%dma_wait3A_77 : memref<125x80xf32, #tpu.memory_space<vmem_shared>>) dst(%arg15 : memref<125x80xf32, #tpu.memory_space<vmem>>)
      tpu.yield
    }) : () -> ()
    %mul3A_22 = arith.constant 64 : i32
    %mul3A_23 = arith.muli %arg0, %mul3A_22 : i32
    "tpu.region"() ({
      %run_scoped3A = tpu.sem_alloc : memref<!tpu.dma_semaphore, #tpu.memory_space<semaphore_mem>>
      %dma_start3A = tpu.memref_slice %arg6[%add3A_21, %mul3A_23] : memref<10000x128xf32, #tpu.memory_space<hbm>> -> memref<125x64xf32, #tpu.memory_space<hbm>>
      %dma_start3A_72 = tpu.memref_slice %arg6[%add3A_21, %mul3A_23] : memref<10000x128xf32, #tpu.memory_space<hbm>> -> memref<125x64xf32, #tpu.memory_space<hbm>>
      tpu.enqueue_dma source(%dma_start3A_72 : memref<125x64xf32, #tpu.memory_space<hbm>>) target(%arg16 : memref<125x64xf32, #tpu.memory_space<vmem>>) target_semaphore(%run_scoped3A : memref<!tpu.dma_semaphore, #tpu.memory_space<semaphore_mem>>)
      %dma_wait3A = tpu.memref_slice %arg6[%add3A_21, %mul3A_23] : memref<10000x128xf32, #tpu.memory_space<hbm>> -> memref<125x64xf32, #tpu.memory_space<hbm>>
      %dma_wait3A_73 = tpu.memref_slice %arg6[%add3A_21, %mul3A_23] : memref<10000x128xf32, #tpu.memory_space<hbm>> -> memref<125x64xf32, #tpu.memory_space<hbm>>
      tpu.wait_dma2 semaphore(%run_scoped3A : memref<!tpu.dma_semaphore, #tpu.memory_space<semaphore_mem>>) src(%dma_wait3A_73 : memref<125x64xf32, #tpu.memory_space<hbm>>) dst(%arg16 : memref<125x64xf32, #tpu.memory_space<vmem>>)
      tpu.yield
    }) : () -> ()
    %parallel_loop3A = arith.constant 0 : i32
    %parallel_loop3A_24 = arith.constant 125 : i32
    %parallel_loop3A_25 = arith.constant 1 : i32
    scf.for %parallel_loop3A_72 = %parallel_loop3A to %parallel_loop3A_24 step %parallel_loop3A_25  : i32 {
      %parallel_loop3A_73 = arith.index_cast %parallel_loop3A_72 : i32 to index
      %parallel_loop3A_74 = arith.constant 64 : index
      %parallel_loop3A_75 = tpu.vector_load %arg15[%parallel_loop3A_73, %parallel_loop3A_74] {strides = array<i32>} : memref<125x80xf32, #tpu.memory_space<vmem>>, vector<16xf32>,
      %parallel_loop3A_76 = vector.extract_strided_slice %parallel_loop3A_75 {offsets = [0], sizes = [1], strides = [1]} : vector<16xf32> to vector<1xf32>
      %parallel_loop3A_77 = vector.extract %parallel_loop3A_76[0] : f32 from vector<1xf32>
      %parallel_loop3A_78 = arith.constant 0.000000e+00 : f32
      %parallel_loop3A_79 = vector.broadcast %parallel_loop3A_78 : f32 to vector<16xf32>
      %parallel_loop3A_80 = vector.broadcast %parallel_loop3A_77 : f32 to vector<16xf32>
      %parallel_loop3A_81 = arith.addf %parallel_loop3A_79, %parallel_loop3A_80 : vector<16xf32>
      %parallel_loop3A_82 = arith.constant 1.000000e+00 : f32
      %parallel_loop3A_83 = vector.broadcast %parallel_loop3A_82 : f32 to vector<16xf32>
      %parallel_loop3A_84 = arith.maximumf %parallel_loop3A_81, %parallel_loop3A_83 : vector<16xf32>
      %parallel_loop3A_85 = arith.constant 1.000000e+00 : f32
      %parallel_loop3A_86 = vector.broadcast %parallel_loop3A_85 : f32 to vector<16xf32>
      %parallel_loop3A_87 = arith.divf %parallel_loop3A_86, %parallel_loop3A_84 : vector<16xf32>
      %parallel_loop3A_88 = arith.index_cast %parallel_loop3A_72 : i32 to index
      %parallel_loop3A_89 = arith.constant 0 : index
      %parallel_loop3A_90 = tpu.vector_load %arg15[%parallel_loop3A_88, %parallel_loop3A_89] {strides = array<i32>} : memref<125x80xf32, #tpu.memory_space<vmem>>, vector<16xf32>,
      %parallel_loop3A_91 = arith.mulf %parallel_loop3A_90, %parallel_loop3A_87 : vector<16xf32>
      %parallel_loop3A_92 = arith.index_cast %parallel_loop3A_72 : i32 to index
      %parallel_loop3A_93 = arith.constant 0 : index
      %parallel_loop3A_94 = tpu.vector_load %arg16[%parallel_loop3A_92, %parallel_loop3A_93] {strides = array<i32>} : memref<125x64xf32, #tpu.memory_space<vmem>>, vector<16xf32>,
      %parallel_loop3A_95 = arith.addf %parallel_loop3A_91, %parallel_loop3A_94 : vector<16xf32>
      %parallel_loop3A_96 = arith.index_cast %parallel_loop3A_72 : i32 to index
      %parallel_loop3A_97 = arith.constant 0 : index
      %parallel_loop3A_98 = tpu.vector_load %arg15[%parallel_loop3A_96, %parallel_loop3A_97] {strides = array<i32>} : memref<125x80xf32, #tpu.memory_space<vmem>>, vector<16xf32>,
      tpu.vector_store %arg15[%parallel_loop3A_96, %parallel_loop3A_97], %parallel_loop3A_95 {strides = array<i32>} : memref<125x80xf32, #tpu.memory_space<vmem>>, vector<16xf32>,
      %parallel_loop3A_99 = arith.index_cast %parallel_loop3A_72 : i32 to index
      %parallel_loop3A_100 = arith.constant 16 : index
      %parallel_loop3A_101 = tpu.vector_load %arg15[%parallel_loop3A_99, %parallel_loop3A_100] {strides = array<i32>} : memref<125x80xf32, #tpu.memory_space<vmem>>, vector<16xf32>,
      %parallel_loop3A_102 = arith.mulf %parallel_loop3A_101, %parallel_loop3A_87 : vector<16xf32>
      %parallel_loop3A_103 = arith.index_cast %parallel_loop3A_72 : i32 to index
      %parallel_loop3A_104 = arith.constant 16 : index
      %parallel_loop3A_105 = tpu.vector_load %arg16[%parallel_loop3A_103, %parallel_loop3A_104] {strides = array<i32>} : memref<125x64xf32, #tpu.memory_space<vmem>>, vector<16xf32>,
      %parallel_loop3A_106 = arith.addf %parallel_loop3A_102, %parallel_loop3A_105 : vector<16xf32>
      %parallel_loop3A_107 = arith.index_cast %parallel_loop3A_72 : i32 to index
      %parallel_loop3A_108 = arith.constant 16 : index
      %parallel_loop3A_109 = tpu.vector_load %arg15[%parallel_loop3A_107, %parallel_loop3A_108] {strides = array<i32>} : memref<125x80xf32, #tpu.memory_space<vmem>>, vector<16xf32>,
      tpu.vector_store %arg15[%parallel_loop3A_107, %parallel_loop3A_108], %parallel_loop3A_106 {strides = array<i32>} : memref<125x80xf32, #tpu.memory_space<vmem>>, vector<16xf32>,
      %parallel_loop3A_110 = arith.index_cast %parallel_loop3A_72 : i32 to index
      %parallel_loop3A_111 = arith.constant 32 : index
      %parallel_loop3A_112 = tpu.vector_load %arg15[%parallel_loop3A_110, %parallel_loop3A_111] {strides = array<i32>} : memref<125x80xf32, #tpu.memory_space<vmem>>, vector<16xf32>,
      %parallel_loop3A_113 = arith.mulf %parallel_loop3A_112, %parallel_loop3A_87 : vector<16xf32>
      %parallel_loop3A_114 = arith.index_cast %parallel_loop3A_72 : i32 to index
      %parallel_loop3A_115 = arith.constant 32 : index
      %parallel_loop3A_116 = tpu.vector_load %arg16[%parallel_loop3A_114, %parallel_loop3A_115] {strides = array<i32>} : memref<125x64xf32, #tpu.memory_space<vmem>>, vector<16xf32>,
      %parallel_loop3A_117 = arith.addf %parallel_loop3A_113, %parallel_loop3A_116 : vector<16xf32>
      %parallel_loop3A_118 = arith.index_cast %parallel_loop3A_72 : i32 to index
      %parallel_loop3A_119 = arith.constant 32 : index
      %parallel_loop3A_120 = tpu.vector_load %arg15[%parallel_loop3A_118, %parallel_loop3A_119] {strides = array<i32>} : memref<125x80xf32, #tpu.memory_space<vmem>>, vector<16xf32>,
      tpu.vector_store %arg15[%parallel_loop3A_118, %parallel_loop3A_119], %parallel_loop3A_117 {strides = array<i32>} : memref<125x80xf32, #tpu.memory_space<vmem>>, vector<16xf32>,
      %parallel_loop3A_121 = arith.index_cast %parallel_loop3A_72 : i32 to index
      %parallel_loop3A_122 = arith.constant 48 : index
      %parallel_loop3A_123 = tpu.vector_load %arg15[%parallel_loop3A_121, %parallel_loop3A_122] {strides = array<i32>} : memref<125x80xf32, #tpu.memory_space<vmem>>, vector<16xf32>,
      %parallel_loop3A_124 = arith.mulf %parallel_loop3A_123, %parallel_loop3A_87 : vector<16xf32>
      %parallel_loop3A_125 = arith.index_cast %parallel_loop3A_72 : i32 to index
      %parallel_loop3A_126 = arith.constant 48 : index
      %parallel_loop3A_127 = tpu.vector_load %arg16[%parallel_loop3A_125, %parallel_loop3A_126] {strides = array<i32>} : memref<125x64xf32, #tpu.memory_space<vmem>>, vector<16xf32>,
      %parallel_loop3A_128 = arith.addf %parallel_loop3A_124, %parallel_loop3A_127 : vector<16xf32>
      %parallel_loop3A_129 = arith.index_cast %parallel_loop3A_72 : i32 to index
      %parallel_loop3A_130 = arith.constant 48 : index
      %parallel_loop3A_131 = tpu.vector_load %arg15[%parallel_loop3A_129, %parallel_loop3A_130] {strides = array<i32>} : memref<125x80xf32, #tpu.memory_space<vmem>>, vector<16xf32>,
      tpu.vector_store %arg15[%parallel_loop3A_129, %parallel_loop3A_130], %parallel_loop3A_128 {strides = array<i32>} : memref<125x80xf32, #tpu.memory_space<vmem>>, vector<16xf32>,
    } {sc.loop_unroll_factor = 2 : i64, sc.parallel_access}
    %mul3A_26 = arith.constant 64 : i32
    %mul3A_27 = arith.muli %arg0, %mul3A_26 : i32
    "tpu.region"() ({
      %run_scoped3A = tpu.sem_alloc : memref<!tpu.dma_semaphore, #tpu.memory_space<semaphore_mem>>
      %dma_start3A = arith.constant 0 : i32
      %dma_start3A_72 = arith.constant 0 : i32
      %dma_start3A_73 = tpu.memref_slice %arg15[%dma_start3A, %dma_start3A_72] : memref<125x80xf32, #tpu.memory_space<vmem>> -> memref<125x64xf32, #tpu.memory_space<vmem>>
      %dma_start3A_74 = tpu.memref_slice %arg7[%add3A_21, %mul3A_27] : memref<10000x128xf32, #tpu.memory_space<hbm>> -> memref<125x64xf32, #tpu.memory_space<hbm>>
      %dma_start3A_75 = tpu.memref_slice %arg7[%add3A_21, %mul3A_27] : memref<10000x128xf32, #tpu.memory_space<hbm>> -> memref<125x64xf32, #tpu.memory_space<hbm>>
      %dma_start3A_76 = arith.constant 0 : i32
      %dma_start3A_77 = arith.constant 0 : i32
      %dma_start3A_78 = tpu.memref_slice %arg15[%dma_start3A_76, %dma_start3A_77] : memref<125x80xf32, #tpu.memory_space<vmem>> -> memref<125x64xf32, #tpu.memory_space<vmem>>
      tpu.enqueue_dma source(%dma_start3A_78 : memref<125x64xf32, #tpu.memory_space<vmem>>) target(%dma_start3A_75 : memref<125x64xf32, #tpu.memory_space<hbm>>) target_semaphore(%run_scoped3A : memref<!tpu.dma_semaphore, #tpu.memory_space<semaphore_mem>>)
      %dma_wait3A = arith.constant 0 : i32
      %dma_wait3A_79 = arith.constant 0 : i32
      %dma_wait3A_80 = tpu.memref_slice %arg15[%dma_wait3A, %dma_wait3A_79] : memref<125x80xf32, #tpu.memory_space<vmem>> -> memref<125x64xf32, #tpu.memory_space<vmem>>
      %dma_wait3A_81 = tpu.memref_slice %arg7[%add3A_21, %mul3A_27] : memref<10000x128xf32, #tpu.memory_space<hbm>> -> memref<125x64xf32, #tpu.memory_space<hbm>>
      %dma_wait3A_82 = tpu.memref_slice %arg7[%add3A_21, %mul3A_27] : memref<10000x128xf32, #tpu.memory_space<hbm>> -> memref<125x64xf32, #tpu.memory_space<hbm>>
      %dma_wait3A_83 = arith.constant 0 : i32
      %dma_wait3A_84 = arith.constant 0 : i32
      %dma_wait3A_85 = tpu.memref_slice %arg15[%dma_wait3A_83, %dma_wait3A_84] : memref<125x80xf32, #tpu.memory_space<vmem>> -> memref<125x64xf32, #tpu.memory_space<vmem>>
      tpu.wait_dma2 semaphore(%run_scoped3A : memref<!tpu.dma_semaphore, #tpu.memory_space<semaphore_mem>>) src(%dma_wait3A_85 : memref<125x64xf32, #tpu.memory_space<vmem>>) dst(%dma_wait3A_82 : memref<125x64xf32, #tpu.memory_space<hbm>>)
      tpu.yield
    }) : () -> ()
    %mul3A_28 = arith.constant 625 : i32
    %mul3A_29 = arith.muli %arg1, %mul3A_28 : i32
    %add3A_30 = arith.constant 125 : i32
    %add3A_31 = arith.addi %mul3A_29, %add3A_30 : i32
    "tpu.region"() ({
      %run_scoped3A = tpu.sem_alloc : memref<!tpu.dma_semaphore, #tpu.memory_space<semaphore_mem>>
      %dma_start3A = arith.constant 0 : i32
      %dma_start3A_72 = tpu.memref_slice %arg17[%add3A_31, %dma_start3A] : memref<10000x80xf32, #tpu.memory_space<vmem_shared>> -> memref<125x80xf32, #tpu.memory_space<vmem_shared>>
      %dma_start3A_73 = arith.constant 0 : i32
      %dma_start3A_74 = tpu.memref_slice %arg17[%add3A_31, %dma_start3A_73] : memref<10000x80xf32, #tpu.memory_space<vmem_shared>> -> memref<125x80xf32, #tpu.memory_space<vmem_shared>>
      tpu.enqueue_dma source(%dma_start3A_74 : memref<125x80xf32, #tpu.memory_space<vmem_shared>>) target(%arg15 : memref<125x80xf32, #tpu.memory_space<vmem>>) target_semaphore(%run_scoped3A : memref<!tpu.dma_semaphore, #tpu.memory_space<semaphore_mem>>)
      %dma_wait3A = arith.constant 0 : i32
      %dma_wait3A_75 = tpu.memref_slice %arg17[%add3A_31, %dma_wait3A] : memref<10000x80xf32, #tpu.memory_space<vmem_shared>> -> memref<125x80xf32, #tpu.memory_space<vmem_shared>>
      %dma_wait3A_76 = arith.constant 0 : i32
      %dma_wait3A_77 = tpu.memref_slice %arg17[%add3A_31, %dma_wait3A_76] : memref<10000x80xf32, #tpu.memory_space<vmem_shared>> -> memref<125x80xf32, #tpu.memory_space<vmem_shared>>
      tpu.wait_dma2 semaphore(%run_scoped3A : memref<!tpu.dma_semaphore, #tpu.memory_space<semaphore_mem>>) src(%dma_wait3A_77 : memref<125x80xf32, #tpu.memory_space<vmem_shared>>) dst(%arg15 : memref<125x80xf32, #tpu.memory_space<vmem>>)
      tpu.yield
    }) : () -> ()
    %mul3A_32 = arith.constant 64 : i32
    %mul3A_33 = arith.muli %arg0, %mul3A_32 : i32
    "tpu.region"() ({
      %run_scoped3A = tpu.sem_alloc : memref<!tpu.dma_semaphore, #tpu.memory_space<semaphore_mem>>
      %dma_start3A = tpu.memref_slice %arg6[%add3A_31, %mul3A_33] : memref<10000x128xf32, #tpu.memory_space<hbm>> -> memref<125x64xf32, #tpu.memory_space<hbm>>
      %dma_start3A_72 = tpu.memref_slice %arg6[%add3A_31, %mul3A_33] : memref<10000x128xf32, #tpu.memory_space<hbm>> -> memref<125x64xf32, #tpu.memory_space<hbm>>
      tpu.enqueue_dma source(%dma_start3A_72 : memref<125x64xf32, #tpu.memory_space<hbm>>) target(%arg16 : memref<125x64xf32, #tpu.memory_space<vmem>>) target_semaphore(%run_scoped3A : memref<!tpu.dma_semaphore, #tpu.memory_space<semaphore_mem>>)
      %dma_wait3A = tpu.memref_slice %arg6[%add3A_31, %mul3A_33] : memref<10000x128xf32, #tpu.memory_space<hbm>> -> memref<125x64xf32, #tpu.memory_space<hbm>>
      %dma_wait3A_73 = tpu.memref_slice %arg6[%add3A_31, %mul3A_33] : memref<10000x128xf32, #tpu.memory_space<hbm>> -> memref<125x64xf32, #tpu.memory_space<hbm>>
      tpu.wait_dma2 semaphore(%run_scoped3A : memref<!tpu.dma_semaphore, #tpu.memory_space<semaphore_mem>>) src(%dma_wait3A_73 : memref<125x64xf32, #tpu.memory_space<hbm>>) dst(%arg16 : memref<125x64xf32, #tpu.memory_space<vmem>>)
      tpu.yield
    }) : () -> ()
    %parallel_loop3A_34 = arith.constant 0 : i32
    %parallel_loop3A_35 = arith.constant 125 : i32
    %parallel_loop3A_36 = arith.constant 1 : i32
    scf.for %parallel_loop3A_72 = %parallel_loop3A_34 to %parallel_loop3A_35 step %parallel_loop3A_36  : i32 {
      %parallel_loop3A_73 = arith.index_cast %parallel_loop3A_72 : i32 to index
      %parallel_loop3A_74 = arith.constant 64 : index
      %parallel_loop3A_75 = tpu.vector_load %arg15[%parallel_loop3A_73, %parallel_loop3A_74] {strides = array<i32>} : memref<125x80xf32, #tpu.memory_space<vmem>>, vector<16xf32>,
      %parallel_loop3A_76 = vector.extract_strided_slice %parallel_loop3A_75 {offsets = [0], sizes = [1], strides = [1]} : vector<16xf32> to vector<1xf32>
      %parallel_loop3A_77 = vector.extract %parallel_loop3A_76[0] : f32 from vector<1xf32>
      %parallel_loop3A_78 = arith.constant 0.000000e+00 : f32
      %parallel_loop3A_79 = vector.broadcast %parallel_loop3A_78 : f32 to vector<16xf32>
      %parallel_loop3A_80 = vector.broadcast %parallel_loop3A_77 : f32 to vector<16xf32>
      %parallel_loop3A_81 = arith.addf %parallel_loop3A_79, %parallel_loop3A_80 : vector<16xf32>
      %parallel_loop3A_82 = arith.constant 1.000000e+00 : f32
      %parallel_loop3A_83 = vector.broadcast %parallel_loop3A_82 : f32 to vector<16xf32>
      %parallel_loop3A_84 = arith.maximumf %parallel_loop3A_81, %parallel_loop3A_83 : vector<16xf32>
      %parallel_loop3A_85 = arith.constant 1.000000e+00 : f32
      %parallel_loop3A_86 = vector.broadcast %parallel_loop3A_85 : f32 to vector<16xf32>
      %parallel_loop3A_87 = arith.divf %parallel_loop3A_86, %parallel_loop3A_84 : vector<16xf32>
      %parallel_loop3A_88 = arith.index_cast %parallel_loop3A_72 : i32 to index
      %parallel_loop3A_89 = arith.constant 0 : index
      %parallel_loop3A_90 = tpu.vector_load %arg15[%parallel_loop3A_88, %parallel_loop3A_89] {strides = array<i32>} : memref<125x80xf32, #tpu.memory_space<vmem>>, vector<16xf32>,
      %parallel_loop3A_91 = arith.mulf %parallel_loop3A_90, %parallel_loop3A_87 : vector<16xf32>
      %parallel_loop3A_92 = arith.index_cast %parallel_loop3A_72 : i32 to index
      %parallel_loop3A_93 = arith.constant 0 : index
      %parallel_loop3A_94 = tpu.vector_load %arg16[%parallel_loop3A_92, %parallel_loop3A_93] {strides = array<i32>} : memref<125x64xf32, #tpu.memory_space<vmem>>, vector<16xf32>,
      %parallel_loop3A_95 = arith.addf %parallel_loop3A_91, %parallel_loop3A_94 : vector<16xf32>
      %parallel_loop3A_96 = arith.index_cast %parallel_loop3A_72 : i32 to index
      %parallel_loop3A_97 = arith.constant 0 : index
      %parallel_loop3A_98 = tpu.vector_load %arg15[%parallel_loop3A_96, %parallel_loop3A_97] {strides = array<i32>} : memref<125x80xf32, #tpu.memory_space<vmem>>, vector<16xf32>,
      tpu.vector_store %arg15[%parallel_loop3A_96, %parallel_loop3A_97], %parallel_loop3A_95 {strides = array<i32>} : memref<125x80xf32, #tpu.memory_space<vmem>>, vector<16xf32>,
      %parallel_loop3A_99 = arith.index_cast %parallel_loop3A_72 : i32 to index
      %parallel_loop3A_100 = arith.constant 16 : index
      %parallel_loop3A_101 = tpu.vector_load %arg15[%parallel_loop3A_99, %parallel_loop3A_100] {strides = array<i32>} : memref<125x80xf32, #tpu.memory_space<vmem>>, vector<16xf32>,
      %parallel_loop3A_102 = arith.mulf %parallel_loop3A_101, %parallel_loop3A_87 : vector<16xf32>
      %parallel_loop3A_103 = arith.index_cast %parallel_loop3A_72 : i32 to index
      %parallel_loop3A_104 = arith.constant 16 : index
      %parallel_loop3A_105 = tpu.vector_load %arg16[%parallel_loop3A_103, %parallel_loop3A_104] {strides = array<i32>} : memref<125x64xf32, #tpu.memory_space<vmem>>, vector<16xf32>,
      %parallel_loop3A_106 = arith.addf %parallel_loop3A_102, %parallel_loop3A_105 : vector<16xf32>
      %parallel_loop3A_107 = arith.index_cast %parallel_loop3A_72 : i32 to index
      %parallel_loop3A_108 = arith.constant 16 : index
      %parallel_loop3A_109 = tpu.vector_load %arg15[%parallel_loop3A_107, %parallel_loop3A_108] {strides = array<i32>} : memref<125x80xf32, #tpu.memory_space<vmem>>, vector<16xf32>,
      tpu.vector_store %arg15[%parallel_loop3A_107, %parallel_loop3A_108], %parallel_loop3A_106 {strides = array<i32>} : memref<125x80xf32, #tpu.memory_space<vmem>>, vector<16xf32>,
      %parallel_loop3A_110 = arith.index_cast %parallel_loop3A_72 : i32 to index
      %parallel_loop3A_111 = arith.constant 32 : index
      %parallel_loop3A_112 = tpu.vector_load %arg15[%parallel_loop3A_110, %parallel_loop3A_111] {strides = array<i32>} : memref<125x80xf32, #tpu.memory_space<vmem>>, vector<16xf32>,
      %parallel_loop3A_113 = arith.mulf %parallel_loop3A_112, %parallel_loop3A_87 : vector<16xf32>
      %parallel_loop3A_114 = arith.index_cast %parallel_loop3A_72 : i32 to index
      %parallel_loop3A_115 = arith.constant 32 : index
      %parallel_loop3A_116 = tpu.vector_load %arg16[%parallel_loop3A_114, %parallel_loop3A_115] {strides = array<i32>} : memref<125x64xf32, #tpu.memory_space<vmem>>, vector<16xf32>,
      %parallel_loop3A_117 = arith.addf %parallel_loop3A_113, %parallel_loop3A_116 : vector<16xf32>
      %parallel_loop3A_118 = arith.index_cast %parallel_loop3A_72 : i32 to index
      %parallel_loop3A_119 = arith.constant 32 : index
      %parallel_loop3A_120 = tpu.vector_load %arg15[%parallel_loop3A_118, %parallel_loop3A_119] {strides = array<i32>} : memref<125x80xf32, #tpu.memory_space<vmem>>, vector<16xf32>,
      tpu.vector_store %arg15[%parallel_loop3A_118, %parallel_loop3A_119], %parallel_loop3A_117 {strides = array<i32>} : memref<125x80xf32, #tpu.memory_space<vmem>>, vector<16xf32>,
      %parallel_loop3A_121 = arith.index_cast %parallel_loop3A_72 : i32 to index
      %parallel_loop3A_122 = arith.constant 48 : index
      %parallel_loop3A_123 = tpu.vector_load %arg15[%parallel_loop3A_121, %parallel_loop3A_122] {strides = array<i32>} : memref<125x80xf32, #tpu.memory_space<vmem>>, vector<16xf32>,
      %parallel_loop3A_124 = arith.mulf %parallel_loop3A_123, %parallel_loop3A_87 : vector<16xf32>
      %parallel_loop3A_125 = arith.index_cast %parallel_loop3A_72 : i32 to index
      %parallel_loop3A_126 = arith.constant 48 : index
      %parallel_loop3A_127 = tpu.vector_load %arg16[%parallel_loop3A_125, %parallel_loop3A_126] {strides = array<i32>} : memref<125x64xf32, #tpu.memory_space<vmem>>, vector<16xf32>,
      %parallel_loop3A_128 = arith.addf %parallel_loop3A_124, %parallel_loop3A_127 : vector<16xf32>
      %parallel_loop3A_129 = arith.index_cast %parallel_loop3A_72 : i32 to index
      %parallel_loop3A_130 = arith.constant 48 : index
      %parallel_loop3A_131 = tpu.vector_load %arg15[%parallel_loop3A_129, %parallel_loop3A_130] {strides = array<i32>} : memref<125x80xf32, #tpu.memory_space<vmem>>, vector<16xf32>,
      tpu.vector_store %arg15[%parallel_loop3A_129, %parallel_loop3A_130], %parallel_loop3A_128 {strides = array<i32>} : memref<125x80xf32, #tpu.memory_space<vmem>>, vector<16xf32>,
    } {sc.loop_unroll_factor = 2 : i64, sc.parallel_access}
    %mul3A_37 = arith.constant 64 : i32
    %mul3A_38 = arith.muli %arg0, %mul3A_37 : i32
    "tpu.region"() ({
      %run_scoped3A = tpu.sem_alloc : memref<!tpu.dma_semaphore, #tpu.memory_space<semaphore_mem>>
      %dma_start3A = arith.constant 0 : i32
      %dma_start3A_72 = arith.constant 0 : i32
      %dma_start3A_73 = tpu.memref_slice %arg15[%dma_start3A, %dma_start3A_72] : memref<125x80xf32, #tpu.memory_space<vmem>> -> memref<125x64xf32, #tpu.memory_space<vmem>>
      %dma_start3A_74 = tpu.memref_slice %arg7[%add3A_31, %mul3A_38] : memref<10000x128xf32, #tpu.memory_space<hbm>> -> memref<125x64xf32, #tpu.memory_space<hbm>>
      %dma_start3A_75 = tpu.memref_slice %arg7[%add3A_31, %mul3A_38] : memref<10000x128xf32, #tpu.memory_space<hbm>> -> memref<125x64xf32, #tpu.memory_space<hbm>>
      %dma_start3A_76 = arith.constant 0 : i32
      %dma_start3A_77 = arith.constant 0 : i32
      %dma_start3A_78 = tpu.memref_slice %arg15[%dma_start3A_76, %dma_start3A_77] : memref<125x80xf32, #tpu.memory_space<vmem>> -> memref<125x64xf32, #tpu.memory_space<vmem>>
      tpu.enqueue_dma source(%dma_start3A_78 : memref<125x64xf32, #tpu.memory_space<vmem>>) target(%dma_start3A_75 : memref<125x64xf32, #tpu.memory_space<hbm>>) target_semaphore(%run_scoped3A : memref<!tpu.dma_semaphore, #tpu.memory_space<semaphore_mem>>)
      %dma_wait3A = arith.constant 0 : i32
      %dma_wait3A_79 = arith.constant 0 : i32
      %dma_wait3A_80 = tpu.memref_slice %arg15[%dma_wait3A, %dma_wait3A_79] : memref<125x80xf32, #tpu.memory_space<vmem>> -> memref<125x64xf32, #tpu.memory_space<vmem>>
      %dma_wait3A_81 = tpu.memref_slice %arg7[%add3A_31, %mul3A_38] : memref<10000x128xf32, #tpu.memory_space<hbm>> -> memref<125x64xf32, #tpu.memory_space<hbm>>
      %dma_wait3A_82 = tpu.memref_slice %arg7[%add3A_31, %mul3A_38] : memref<10000x128xf32, #tpu.memory_space<hbm>> -> memref<125x64xf32, #tpu.memory_space<hbm>>
      %dma_wait3A_83 = arith.constant 0 : i32
      %dma_wait3A_84 = arith.constant 0 : i32
      %dma_wait3A_85 = tpu.memref_slice %arg15[%dma_wait3A_83, %dma_wait3A_84] : memref<125x80xf32, #tpu.memory_space<vmem>> -> memref<125x64xf32, #tpu.memory_space<vmem>>
      tpu.wait_dma2 semaphore(%run_scoped3A : memref<!tpu.dma_semaphore, #tpu.memory_space<semaphore_mem>>) src(%dma_wait3A_85 : memref<125x64xf32, #tpu.memory_space<vmem>>) dst(%dma_wait3A_82 : memref<125x64xf32, #tpu.memory_space<hbm>>)
      tpu.yield
    }) : () -> ()
    %mul3A_39 = arith.constant 625 : i32
    %mul3A_40 = arith.muli %arg1, %mul3A_39 : i32
    %add3A_41 = arith.constant 250 : i32
    %add3A_42 = arith.addi %mul3A_40, %add3A_41 : i32
    "tpu.region"() ({
      %run_scoped3A = tpu.sem_alloc : memref<!tpu.dma_semaphore, #tpu.memory_space<semaphore_mem>>
      %dma_start3A = arith.constant 0 : i32
      %dma_start3A_72 = tpu.memref_slice %arg17[%add3A_42, %dma_start3A] : memref<10000x80xf32, #tpu.memory_space<vmem_shared>> -> memref<125x80xf32, #tpu.memory_space<vmem_shared>>
      %dma_start3A_73 = arith.constant 0 : i32
      %dma_start3A_74 = tpu.memref_slice %arg17[%add3A_42, %dma_start3A_73] : memref<10000x80xf32, #tpu.memory_space<vmem_shared>> -> memref<125x80xf32, #tpu.memory_space<vmem_shared>>
      tpu.enqueue_dma source(%dma_start3A_74 : memref<125x80xf32, #tpu.memory_space<vmem_shared>>) target(%arg15 : memref<125x80xf32, #tpu.memory_space<vmem>>) target_semaphore(%run_scoped3A : memref<!tpu.dma_semaphore, #tpu.memory_space<semaphore_mem>>)
      %dma_wait3A = arith.constant 0 : i32
      %dma_wait3A_75 = tpu.memref_slice %arg17[%add3A_42, %dma_wait3A] : memref<10000x80xf32, #tpu.memory_space<vmem_shared>> -> memref<125x80xf32, #tpu.memory_space<vmem_shared>>
      %dma_wait3A_76 = arith.constant 0 : i32
      %dma_wait3A_77 = tpu.memref_slice %arg17[%add3A_42, %dma_wait3A_76] : memref<10000x80xf32, #tpu.memory_space<vmem_shared>> -> memref<125x80xf32, #tpu.memory_space<vmem_shared>>
      tpu.wait_dma2 semaphore(%run_scoped3A : memref<!tpu.dma_semaphore, #tpu.memory_space<semaphore_mem>>) src(%dma_wait3A_77 : memref<125x80xf32, #tpu.memory_space<vmem_shared>>) dst(%arg15 : memref<125x80xf32, #tpu.memory_space<vmem>>)
      tpu.yield
    }) : () -> ()
    %mul3A_43 = arith.constant 64 : i32
    %mul3A_44 = arith.muli %arg0, %mul3A_43 : i32
    "tpu.region"() ({
      %run_scoped3A = tpu.sem_alloc : memref<!tpu.dma_semaphore, #tpu.memory_space<semaphore_mem>>
      %dma_start3A = tpu.memref_slice %arg6[%add3A_42, %mul3A_44] : memref<10000x128xf32, #tpu.memory_space<hbm>> -> memref<125x64xf32, #tpu.memory_space<hbm>>
      %dma_start3A_72 = tpu.memref_slice %arg6[%add3A_42, %mul3A_44] : memref<10000x128xf32, #tpu.memory_space<hbm>> -> memref<125x64xf32, #tpu.memory_space<hbm>>
      tpu.enqueue_dma source(%dma_start3A_72 : memref<125x64xf32, #tpu.memory_space<hbm>>) target(%arg16 : memref<125x64xf32, #tpu.memory_space<vmem>>) target_semaphore(%run_scoped3A : memref<!tpu.dma_semaphore, #tpu.memory_space<semaphore_mem>>)
      %dma_wait3A = tpu.memref_slice %arg6[%add3A_42, %mul3A_44] : memref<10000x128xf32, #tpu.memory_space<hbm>> -> memref<125x64xf32, #tpu.memory_space<hbm>>
      %dma_wait3A_73 = tpu.memref_slice %arg6[%add3A_42, %mul3A_44] : memref<10000x128xf32, #tpu.memory_space<hbm>> -> memref<125x64xf32, #tpu.memory_space<hbm>>
      tpu.wait_dma2 semaphore(%run_scoped3A : memref<!tpu.dma_semaphore, #tpu.memory_space<semaphore_mem>>) src(%dma_wait3A_73 : memref<125x64xf32, #tpu.memory_space<hbm>>) dst(%arg16 : memref<125x64xf32, #tpu.memory_space<vmem>>)
      tpu.yield
    }) : () -> ()
    %parallel_loop3A_45 = arith.constant 0 : i32
    %parallel_loop3A_46 = arith.constant 125 : i32
    %parallel_loop3A_47 = arith.constant 1 : i32
    scf.for %parallel_loop3A_72 = %parallel_loop3A_45 to %parallel_loop3A_46 step %parallel_loop3A_47  : i32 {
      %parallel_loop3A_73 = arith.index_cast %parallel_loop3A_72 : i32 to index
      %parallel_loop3A_74 = arith.constant 64 : index
      %parallel_loop3A_75 = tpu.vector_load %arg15[%parallel_loop3A_73, %parallel_loop3A_74] {strides = array<i32>} : memref<125x80xf32, #tpu.memory_space<vmem>>, vector<16xf32>,
      %parallel_loop3A_76 = vector.extract_strided_slice %parallel_loop3A_75 {offsets = [0], sizes = [1], strides = [1]} : vector<16xf32> to vector<1xf32>
      %parallel_loop3A_77 = vector.extract %parallel_loop3A_76[0] : f32 from vector<1xf32>
      %parallel_loop3A_78 = arith.constant 0.000000e+00 : f32
      %parallel_loop3A_79 = vector.broadcast %parallel_loop3A_78 : f32 to vector<16xf32>
      %parallel_loop3A_80 = vector.broadcast %parallel_loop3A_77 : f32 to vector<16xf32>
      %parallel_loop3A_81 = arith.addf %parallel_loop3A_79, %parallel_loop3A_80 : vector<16xf32>
      %parallel_loop3A_82 = arith.constant 1.000000e+00 : f32
      %parallel_loop3A_83 = vector.broadcast %parallel_loop3A_82 : f32 to vector<16xf32>
      %parallel_loop3A_84 = arith.maximumf %parallel_loop3A_81, %parallel_loop3A_83 : vector<16xf32>
      %parallel_loop3A_85 = arith.constant 1.000000e+00 : f32
      %parallel_loop3A_86 = vector.broadcast %parallel_loop3A_85 : f32 to vector<16xf32>
      %parallel_loop3A_87 = arith.divf %parallel_loop3A_86, %parallel_loop3A_84 : vector<16xf32>
      %parallel_loop3A_88 = arith.index_cast %parallel_loop3A_72 : i32 to index
      %parallel_loop3A_89 = arith.constant 0 : index
      %parallel_loop3A_90 = tpu.vector_load %arg15[%parallel_loop3A_88, %parallel_loop3A_89] {strides = array<i32>} : memref<125x80xf32, #tpu.memory_space<vmem>>, vector<16xf32>,
      %parallel_loop3A_91 = arith.mulf %parallel_loop3A_90, %parallel_loop3A_87 : vector<16xf32>
      %parallel_loop3A_92 = arith.index_cast %parallel_loop3A_72 : i32 to index
      %parallel_loop3A_93 = arith.constant 0 : index
      %parallel_loop3A_94 = tpu.vector_load %arg16[%parallel_loop3A_92, %parallel_loop3A_93] {strides = array<i32>} : memref<125x64xf32, #tpu.memory_space<vmem>>, vector<16xf32>,
      %parallel_loop3A_95 = arith.addf %parallel_loop3A_91, %parallel_loop3A_94 : vector<16xf32>
      %parallel_loop3A_96 = arith.index_cast %parallel_loop3A_72 : i32 to index
      %parallel_loop3A_97 = arith.constant 0 : index
      %parallel_loop3A_98 = tpu.vector_load %arg15[%parallel_loop3A_96, %parallel_loop3A_97] {strides = array<i32>} : memref<125x80xf32, #tpu.memory_space<vmem>>, vector<16xf32>,
      tpu.vector_store %arg15[%parallel_loop3A_96, %parallel_loop3A_97], %parallel_loop3A_95 {strides = array<i32>} : memref<125x80xf32, #tpu.memory_space<vmem>>, vector<16xf32>,
      %parallel_loop3A_99 = arith.index_cast %parallel_loop3A_72 : i32 to index
      %parallel_loop3A_100 = arith.constant 16 : index
      %parallel_loop3A_101 = tpu.vector_load %arg15[%parallel_loop3A_99, %parallel_loop3A_100] {strides = array<i32>} : memref<125x80xf32, #tpu.memory_space<vmem>>, vector<16xf32>,
      %parallel_loop3A_102 = arith.mulf %parallel_loop3A_101, %parallel_loop3A_87 : vector<16xf32>
      %parallel_loop3A_103 = arith.index_cast %parallel_loop3A_72 : i32 to index
      %parallel_loop3A_104 = arith.constant 16 : index
      %parallel_loop3A_105 = tpu.vector_load %arg16[%parallel_loop3A_103, %parallel_loop3A_104] {strides = array<i32>} : memref<125x64xf32, #tpu.memory_space<vmem>>, vector<16xf32>,
      %parallel_loop3A_106 = arith.addf %parallel_loop3A_102, %parallel_loop3A_105 : vector<16xf32>
      %parallel_loop3A_107 = arith.index_cast %parallel_loop3A_72 : i32 to index
      %parallel_loop3A_108 = arith.constant 16 : index
      %parallel_loop3A_109 = tpu.vector_load %arg15[%parallel_loop3A_107, %parallel_loop3A_108] {strides = array<i32>} : memref<125x80xf32, #tpu.memory_space<vmem>>, vector<16xf32>,
      tpu.vector_store %arg15[%parallel_loop3A_107, %parallel_loop3A_108], %parallel_loop3A_106 {strides = array<i32>} : memref<125x80xf32, #tpu.memory_space<vmem>>, vector<16xf32>,
      %parallel_loop3A_110 = arith.index_cast %parallel_loop3A_72 : i32 to index
      %parallel_loop3A_111 = arith.constant 32 : index
      %parallel_loop3A_112 = tpu.vector_load %arg15[%parallel_loop3A_110, %parallel_loop3A_111] {strides = array<i32>} : memref<125x80xf32, #tpu.memory_space<vmem>>, vector<16xf32>,
      %parallel_loop3A_113 = arith.mulf %parallel_loop3A_112, %parallel_loop3A_87 : vector<16xf32>
      %parallel_loop3A_114 = arith.index_cast %parallel_loop3A_72 : i32 to index
      %parallel_loop3A_115 = arith.constant 32 : index
      %parallel_loop3A_116 = tpu.vector_load %arg16[%parallel_loop3A_114, %parallel_loop3A_115] {strides = array<i32>} : memref<125x64xf32, #tpu.memory_space<vmem>>, vector<16xf32>,
      %parallel_loop3A_117 = arith.addf %parallel_loop3A_113, %parallel_loop3A_116 : vector<16xf32>
      %parallel_loop3A_118 = arith.index_cast %parallel_loop3A_72 : i32 to index
      %parallel_loop3A_119 = arith.constant 32 : index
      %parallel_loop3A_120 = tpu.vector_load %arg15[%parallel_loop3A_118, %parallel_loop3A_119] {strides = array<i32>} : memref<125x80xf32, #tpu.memory_space<vmem>>, vector<16xf32>,
      tpu.vector_store %arg15[%parallel_loop3A_118, %parallel_loop3A_119], %parallel_loop3A_117 {strides = array<i32>} : memref<125x80xf32, #tpu.memory_space<vmem>>, vector<16xf32>,
      %parallel_loop3A_121 = arith.index_cast %parallel_loop3A_72 : i32 to index
      %parallel_loop3A_122 = arith.constant 48 : index
      %parallel_loop3A_123 = tpu.vector_load %arg15[%parallel_loop3A_121, %parallel_loop3A_122] {strides = array<i32>} : memref<125x80xf32, #tpu.memory_space<vmem>>, vector<16xf32>,
      %parallel_loop3A_124 = arith.mulf %parallel_loop3A_123, %parallel_loop3A_87 : vector<16xf32>
      %parallel_loop3A_125 = arith.index_cast %parallel_loop3A_72 : i32 to index
      %parallel_loop3A_126 = arith.constant 48 : index
      %parallel_loop3A_127 = tpu.vector_load %arg16[%parallel_loop3A_125, %parallel_loop3A_126] {strides = array<i32>} : memref<125x64xf32, #tpu.memory_space<vmem>>, vector<16xf32>,
      %parallel_loop3A_128 = arith.addf %parallel_loop3A_124, %parallel_loop3A_127 : vector<16xf32>
      %parallel_loop3A_129 = arith.index_cast %parallel_loop3A_72 : i32 to index
      %parallel_loop3A_130 = arith.constant 48 : index
      %parallel_loop3A_131 = tpu.vector_load %arg15[%parallel_loop3A_129, %parallel_loop3A_130] {strides = array<i32>} : memref<125x80xf32, #tpu.memory_space<vmem>>, vector<16xf32>,
      tpu.vector_store %arg15[%parallel_loop3A_129, %parallel_loop3A_130], %parallel_loop3A_128 {strides = array<i32>} : memref<125x80xf32, #tpu.memory_space<vmem>>, vector<16xf32>,
    } {sc.loop_unroll_factor = 2 : i64, sc.parallel_access}
    %mul3A_48 = arith.constant 64 : i32
    %mul3A_49 = arith.muli %arg0, %mul3A_48 : i32
    "tpu.region"() ({
      %run_scoped3A = tpu.sem_alloc : memref<!tpu.dma_semaphore, #tpu.memory_space<semaphore_mem>>
      %dma_start3A = arith.constant 0 : i32
      %dma_start3A_72 = arith.constant 0 : i32
      %dma_start3A_73 = tpu.memref_slice %arg15[%dma_start3A, %dma_start3A_72] : memref<125x80xf32, #tpu.memory_space<vmem>> -> memref<125x64xf32, #tpu.memory_space<vmem>>
      %dma_start3A_74 = tpu.memref_slice %arg7[%add3A_42, %mul3A_49] : memref<10000x128xf32, #tpu.memory_space<hbm>> -> memref<125x64xf32, #tpu.memory_space<hbm>>
      %dma_start3A_75 = tpu.memref_slice %arg7[%add3A_42, %mul3A_49] : memref<10000x128xf32, #tpu.memory_space<hbm>> -> memref<125x64xf32, #tpu.memory_space<hbm>>
      %dma_start3A_76 = arith.constant 0 : i32
      %dma_start3A_77 = arith.constant 0 : i32
      %dma_start3A_78 = tpu.memref_slice %arg15[%dma_start3A_76, %dma_start3A_77] : memref<125x80xf32, #tpu.memory_space<vmem>> -> memref<125x64xf32, #tpu.memory_space<vmem>>
      tpu.enqueue_dma source(%dma_start3A_78 : memref<125x64xf32, #tpu.memory_space<vmem>>) target(%dma_start3A_75 : memref<125x64xf32, #tpu.memory_space<hbm>>) target_semaphore(%run_scoped3A : memref<!tpu.dma_semaphore, #tpu.memory_space<semaphore_mem>>)
      %dma_wait3A = arith.constant 0 : i32
      %dma_wait3A_79 = arith.constant 0 : i32
      %dma_wait3A_80 = tpu.memref_slice %arg15[%dma_wait3A, %dma_wait3A_79] : memref<125x80xf32, #tpu.memory_space<vmem>> -> memref<125x64xf32, #tpu.memory_space<vmem>>
      %dma_wait3A_81 = tpu.memref_slice %arg7[%add3A_42, %mul3A_49] : memref<10000x128xf32, #tpu.memory_space<hbm>> -> memref<125x64xf32, #tpu.memory_space<hbm>>
      %dma_wait3A_82 = tpu.memref_slice %arg7[%add3A_42, %mul3A_49] : memref<10000x128xf32, #tpu.memory_space<hbm>> -> memref<125x64xf32, #tpu.memory_space<hbm>>
      %dma_wait3A_83 = arith.constant 0 : i32
      %dma_wait3A_84 = arith.constant 0 : i32
      %dma_wait3A_85 = tpu.memref_slice %arg15[%dma_wait3A_83, %dma_wait3A_84] : memref<125x80xf32, #tpu.memory_space<vmem>> -> memref<125x64xf32, #tpu.memory_space<vmem>>
      tpu.wait_dma2 semaphore(%run_scoped3A : memref<!tpu.dma_semaphore, #tpu.memory_space<semaphore_mem>>) src(%dma_wait3A_85 : memref<125x64xf32, #tpu.memory_space<vmem>>) dst(%dma_wait3A_82 : memref<125x64xf32, #tpu.memory_space<hbm>>)
      tpu.yield
    }) : () -> ()
    %mul3A_50 = arith.constant 625 : i32
    %mul3A_51 = arith.muli %arg1, %mul3A_50 : i32
    %add3A_52 = arith.constant 375 : i32
    %add3A_53 = arith.addi %mul3A_51, %add3A_52 : i32
    "tpu.region"() ({
      %run_scoped3A = tpu.sem_alloc : memref<!tpu.dma_semaphore, #tpu.memory_space<semaphore_mem>>
      %dma_start3A = arith.constant 0 : i32
      %dma_start3A_72 = tpu.memref_slice %arg17[%add3A_53, %dma_start3A] : memref<10000x80xf32, #tpu.memory_space<vmem_shared>> -> memref<125x80xf32, #tpu.memory_space<vmem_shared>>
      %dma_start3A_73 = arith.constant 0 : i32
      %dma_start3A_74 = tpu.memref_slice %arg17[%add3A_53, %dma_start3A_73] : memref<10000x80xf32, #tpu.memory_space<vmem_shared>> -> memref<125x80xf32, #tpu.memory_space<vmem_shared>>
      tpu.enqueue_dma source(%dma_start3A_74 : memref<125x80xf32, #tpu.memory_space<vmem_shared>>) target(%arg15 : memref<125x80xf32, #tpu.memory_space<vmem>>) target_semaphore(%run_scoped3A : memref<!tpu.dma_semaphore, #tpu.memory_space<semaphore_mem>>)
      %dma_wait3A = arith.constant 0 : i32
      %dma_wait3A_75 = tpu.memref_slice %arg17[%add3A_53, %dma_wait3A] : memref<10000x80xf32, #tpu.memory_space<vmem_shared>> -> memref<125x80xf32, #tpu.memory_space<vmem_shared>>
      %dma_wait3A_76 = arith.constant 0 : i32
      %dma_wait3A_77 = tpu.memref_slice %arg17[%add3A_53, %dma_wait3A_76] : memref<10000x80xf32, #tpu.memory_space<vmem_shared>> -> memref<125x80xf32, #tpu.memory_space<vmem_shared>>
      tpu.wait_dma2 semaphore(%run_scoped3A : memref<!tpu.dma_semaphore, #tpu.memory_space<semaphore_mem>>) src(%dma_wait3A_77 : memref<125x80xf32, #tpu.memory_space<vmem_shared>>) dst(%arg15 : memref<125x80xf32, #tpu.memory_space<vmem>>)
      tpu.yield
    }) : () -> ()
    %mul3A_54 = arith.constant 64 : i32
    %mul3A_55 = arith.muli %arg0, %mul3A_54 : i32
    "tpu.region"() ({
      %run_scoped3A = tpu.sem_alloc : memref<!tpu.dma_semaphore, #tpu.memory_space<semaphore_mem>>
      %dma_start3A = tpu.memref_slice %arg6[%add3A_53, %mul3A_55] : memref<10000x128xf32, #tpu.memory_space<hbm>> -> memref<125x64xf32, #tpu.memory_space<hbm>>
      %dma_start3A_72 = tpu.memref_slice %arg6[%add3A_53, %mul3A_55] : memref<10000x128xf32, #tpu.memory_space<hbm>> -> memref<125x64xf32, #tpu.memory_space<hbm>>
      tpu.enqueue_dma source(%dma_start3A_72 : memref<125x64xf32, #tpu.memory_space<hbm>>) target(%arg16 : memref<125x64xf32, #tpu.memory_space<vmem>>) target_semaphore(%run_scoped3A : memref<!tpu.dma_semaphore, #tpu.memory_space<semaphore_mem>>)
      %dma_wait3A = tpu.memref_slice %arg6[%add3A_53, %mul3A_55] : memref<10000x128xf32, #tpu.memory_space<hbm>> -> memref<125x64xf32, #tpu.memory_space<hbm>>
      %dma_wait3A_73 = tpu.memref_slice %arg6[%add3A_53, %mul3A_55] : memref<10000x128xf32, #tpu.memory_space<hbm>> -> memref<125x64xf32, #tpu.memory_space<hbm>>
      tpu.wait_dma2 semaphore(%run_scoped3A : memref<!tpu.dma_semaphore, #tpu.memory_space<semaphore_mem>>) src(%dma_wait3A_73 : memref<125x64xf32, #tpu.memory_space<hbm>>) dst(%arg16 : memref<125x64xf32, #tpu.memory_space<vmem>>)
      tpu.yield
    }) : () -> ()
    %parallel_loop3A_56 = arith.constant 0 : i32
    %parallel_loop3A_57 = arith.constant 125 : i32
    %parallel_loop3A_58 = arith.constant 1 : i32
    scf.for %parallel_loop3A_72 = %parallel_loop3A_56 to %parallel_loop3A_57 step %parallel_loop3A_58  : i32 {
      %parallel_loop3A_73 = arith.index_cast %parallel_loop3A_72 : i32 to index
      %parallel_loop3A_74 = arith.constant 64 : index
      %parallel_loop3A_75 = tpu.vector_load %arg15[%parallel_loop3A_73, %parallel_loop3A_74] {strides = array<i32>} : memref<125x80xf32, #tpu.memory_space<vmem>>, vector<16xf32>,
      %parallel_loop3A_76 = vector.extract_strided_slice %parallel_loop3A_75 {offsets = [0], sizes = [1], strides = [1]} : vector<16xf32> to vector<1xf32>
      %parallel_loop3A_77 = vector.extract %parallel_loop3A_76[0] : f32 from vector<1xf32>
      %parallel_loop3A_78 = arith.constant 0.000000e+00 : f32
      %parallel_loop3A_79 = vector.broadcast %parallel_loop3A_78 : f32 to vector<16xf32>
      %parallel_loop3A_80 = vector.broadcast %parallel_loop3A_77 : f32 to vector<16xf32>
      %parallel_loop3A_81 = arith.addf %parallel_loop3A_79, %parallel_loop3A_80 : vector<16xf32>
      %parallel_loop3A_82 = arith.constant 1.000000e+00 : f32
      %parallel_loop3A_83 = vector.broadcast %parallel_loop3A_82 : f32 to vector<16xf32>
      %parallel_loop3A_84 = arith.maximumf %parallel_loop3A_81, %parallel_loop3A_83 : vector<16xf32>
      %parallel_loop3A_85 = arith.constant 1.000000e+00 : f32
      %parallel_loop3A_86 = vector.broadcast %parallel_loop3A_85 : f32 to vector<16xf32>
      %parallel_loop3A_87 = arith.divf %parallel_loop3A_86, %parallel_loop3A_84 : vector<16xf32>
      %parallel_loop3A_88 = arith.index_cast %parallel_loop3A_72 : i32 to index
      %parallel_loop3A_89 = arith.constant 0 : index
      %parallel_loop3A_90 = tpu.vector_load %arg15[%parallel_loop3A_88, %parallel_loop3A_89] {strides = array<i32>} : memref<125x80xf32, #tpu.memory_space<vmem>>, vector<16xf32>,
      %parallel_loop3A_91 = arith.mulf %parallel_loop3A_90, %parallel_loop3A_87 : vector<16xf32>
      %parallel_loop3A_92 = arith.index_cast %parallel_loop3A_72 : i32 to index
      %parallel_loop3A_93 = arith.constant 0 : index
      %parallel_loop3A_94 = tpu.vector_load %arg16[%parallel_loop3A_92, %parallel_loop3A_93] {strides = array<i32>} : memref<125x64xf32, #tpu.memory_space<vmem>>, vector<16xf32>,
      %parallel_loop3A_95 = arith.addf %parallel_loop3A_91, %parallel_loop3A_94 : vector<16xf32>
      %parallel_loop3A_96 = arith.index_cast %parallel_loop3A_72 : i32 to index
      %parallel_loop3A_97 = arith.constant 0 : index
      %parallel_loop3A_98 = tpu.vector_load %arg15[%parallel_loop3A_96, %parallel_loop3A_97] {strides = array<i32>} : memref<125x80xf32, #tpu.memory_space<vmem>>, vector<16xf32>,
      tpu.vector_store %arg15[%parallel_loop3A_96, %parallel_loop3A_97], %parallel_loop3A_95 {strides = array<i32>} : memref<125x80xf32, #tpu.memory_space<vmem>>, vector<16xf32>,
      %parallel_loop3A_99 = arith.index_cast %parallel_loop3A_72 : i32 to index
      %parallel_loop3A_100 = arith.constant 16 : index
      %parallel_loop3A_101 = tpu.vector_load %arg15[%parallel_loop3A_99, %parallel_loop3A_100] {strides = array<i32>} : memref<125x80xf32, #tpu.memory_space<vmem>>, vector<16xf32>,
      %parallel_loop3A_102 = arith.mulf %parallel_loop3A_101, %parallel_loop3A_87 : vector<16xf32>
      %parallel_loop3A_103 = arith.index_cast %parallel_loop3A_72 : i32 to index
      %parallel_loop3A_104 = arith.constant 16 : index
      %parallel_loop3A_105 = tpu.vector_load %arg16[%parallel_loop3A_103, %parallel_loop3A_104] {strides = array<i32>} : memref<125x64xf32, #tpu.memory_space<vmem>>, vector<16xf32>,
      %parallel_loop3A_106 = arith.addf %parallel_loop3A_102, %parallel_loop3A_105 : vector<16xf32>
      %parallel_loop3A_107 = arith.index_cast %parallel_loop3A_72 : i32 to index
      %parallel_loop3A_108 = arith.constant 16 : index
      %parallel_loop3A_109 = tpu.vector_load %arg15[%parallel_loop3A_107, %parallel_loop3A_108] {strides = array<i32>} : memref<125x80xf32, #tpu.memory_space<vmem>>, vector<16xf32>,
      tpu.vector_store %arg15[%parallel_loop3A_107, %parallel_loop3A_108], %parallel_loop3A_106 {strides = array<i32>} : memref<125x80xf32, #tpu.memory_space<vmem>>, vector<16xf32>,
      %parallel_loop3A_110 = arith.index_cast %parallel_loop3A_72 : i32 to index
      %parallel_loop3A_111 = arith.constant 32 : index
      %parallel_loop3A_112 = tpu.vector_load %arg15[%parallel_loop3A_110, %parallel_loop3A_111] {strides = array<i32>} : memref<125x80xf32, #tpu.memory_space<vmem>>, vector<16xf32>,
      %parallel_loop3A_113 = arith.mulf %parallel_loop3A_112, %parallel_loop3A_87 : vector<16xf32>
      %parallel_loop3A_114 = arith.index_cast %parallel_loop3A_72 : i32 to index
      %parallel_loop3A_115 = arith.constant 32 : index
      %parallel_loop3A_116 = tpu.vector_load %arg16[%parallel_loop3A_114, %parallel_loop3A_115] {strides = array<i32>} : memref<125x64xf32, #tpu.memory_space<vmem>>, vector<16xf32>,
      %parallel_loop3A_117 = arith.addf %parallel_loop3A_113, %parallel_loop3A_116 : vector<16xf32>
      %parallel_loop3A_118 = arith.index_cast %parallel_loop3A_72 : i32 to index
      %parallel_loop3A_119 = arith.constant 32 : index
      %parallel_loop3A_120 = tpu.vector_load %arg15[%parallel_loop3A_118, %parallel_loop3A_119] {strides = array<i32>} : memref<125x80xf32, #tpu.memory_space<vmem>>, vector<16xf32>,
      tpu.vector_store %arg15[%parallel_loop3A_118, %parallel_loop3A_119], %parallel_loop3A_117 {strides = array<i32>} : memref<125x80xf32, #tpu.memory_space<vmem>>, vector<16xf32>,
      %parallel_loop3A_121 = arith.index_cast %parallel_loop3A_72 : i32 to index
      %parallel_loop3A_122 = arith.constant 48 : index
      %parallel_loop3A_123 = tpu.vector_load %arg15[%parallel_loop3A_121, %parallel_loop3A_122] {strides = array<i32>} : memref<125x80xf32, #tpu.memory_space<vmem>>, vector<16xf32>,
      %parallel_loop3A_124 = arith.mulf %parallel_loop3A_123, %parallel_loop3A_87 : vector<16xf32>
      %parallel_loop3A_125 = arith.index_cast %parallel_loop3A_72 : i32 to index
      %parallel_loop3A_126 = arith.constant 48 : index
      %parallel_loop3A_127 = tpu.vector_load %arg16[%parallel_loop3A_125, %parallel_loop3A_126] {strides = array<i32>} : memref<125x64xf32, #tpu.memory_space<vmem>>, vector<16xf32>,
      %parallel_loop3A_128 = arith.addf %parallel_loop3A_124, %parallel_loop3A_127 : vector<16xf32>
      %parallel_loop3A_129 = arith.index_cast %parallel_loop3A_72 : i32 to index
      %parallel_loop3A_130 = arith.constant 48 : index
      %parallel_loop3A_131 = tpu.vector_load %arg15[%parallel_loop3A_129, %parallel_loop3A_130] {strides = array<i32>} : memref<125x80xf32, #tpu.memory_space<vmem>>, vector<16xf32>,
      tpu.vector_store %arg15[%parallel_loop3A_129, %parallel_loop3A_130], %parallel_loop3A_128 {strides = array<i32>} : memref<125x80xf32, #tpu.memory_space<vmem>>, vector<16xf32>,
    } {sc.loop_unroll_factor = 2 : i64, sc.parallel_access}
    %mul3A_59 = arith.constant 64 : i32
    %mul3A_60 = arith.muli %arg0, %mul3A_59 : i32
    "tpu.region"() ({
      %run_scoped3A = tpu.sem_alloc : memref<!tpu.dma_semaphore, #tpu.memory_space<semaphore_mem>>
      %dma_start3A = arith.constant 0 : i32
      %dma_start3A_72 = arith.constant 0 : i32
      %dma_start3A_73 = tpu.memref_slice %arg15[%dma_start3A, %dma_start3A_72] : memref<125x80xf32, #tpu.memory_space<vmem>> -> memref<125x64xf32, #tpu.memory_space<vmem>>
      %dma_start3A_74 = tpu.memref_slice %arg7[%add3A_53, %mul3A_60] : memref<10000x128xf32, #tpu.memory_space<hbm>> -> memref<125x64xf32, #tpu.memory_space<hbm>>
      %dma_start3A_75 = tpu.memref_slice %arg7[%add3A_53, %mul3A_60] : memref<10000x128xf32, #tpu.memory_space<hbm>> -> memref<125x64xf32, #tpu.memory_space<hbm>>
      %dma_start3A_76 = arith.constant 0 : i32
      %dma_start3A_77 = arith.constant 0 : i32
      %dma_start3A_78 = tpu.memref_slice %arg15[%dma_start3A_76, %dma_start3A_77] : memref<125x80xf32, #tpu.memory_space<vmem>> -> memref<125x64xf32, #tpu.memory_space<vmem>>
      tpu.enqueue_dma source(%dma_start3A_78 : memref<125x64xf32, #tpu.memory_space<vmem>>) target(%dma_start3A_75 : memref<125x64xf32, #tpu.memory_space<hbm>>) target_semaphore(%run_scoped3A : memref<!tpu.dma_semaphore, #tpu.memory_space<semaphore_mem>>)
      %dma_wait3A = arith.constant 0 : i32
      %dma_wait3A_79 = arith.constant 0 : i32
      %dma_wait3A_80 = tpu.memref_slice %arg15[%dma_wait3A, %dma_wait3A_79] : memref<125x80xf32, #tpu.memory_space<vmem>> -> memref<125x64xf32, #tpu.memory_space<vmem>>
      %dma_wait3A_81 = tpu.memref_slice %arg7[%add3A_53, %mul3A_60] : memref<10000x128xf32, #tpu.memory_space<hbm>> -> memref<125x64xf32, #tpu.memory_space<hbm>>
      %dma_wait3A_82 = tpu.memref_slice %arg7[%add3A_53, %mul3A_60] : memref<10000x128xf32, #tpu.memory_space<hbm>> -> memref<125x64xf32, #tpu.memory_space<hbm>>
      %dma_wait3A_83 = arith.constant 0 : i32
      %dma_wait3A_84 = arith.constant 0 : i32
      %dma_wait3A_85 = tpu.memref_slice %arg15[%dma_wait3A_83, %dma_wait3A_84] : memref<125x80xf32, #tpu.memory_space<vmem>> -> memref<125x64xf32, #tpu.memory_space<vmem>>
      tpu.wait_dma2 semaphore(%run_scoped3A : memref<!tpu.dma_semaphore, #tpu.memory_space<semaphore_mem>>) src(%dma_wait3A_85 : memref<125x64xf32, #tpu.memory_space<vmem>>) dst(%dma_wait3A_82 : memref<125x64xf32, #tpu.memory_space<hbm>>)
      tpu.yield
    }) : () -> ()
    %mul3A_61 = arith.constant 625 : i32
    %mul3A_62 = arith.muli %arg1, %mul3A_61 : i32
    %add3A_63 = arith.constant 500 : i32
    %add3A_64 = arith.addi %mul3A_62, %add3A_63 : i32
    "tpu.region"() ({
      %run_scoped3A = tpu.sem_alloc : memref<!tpu.dma_semaphore, #tpu.memory_space<semaphore_mem>>
      %dma_start3A = arith.constant 0 : i32
      %dma_start3A_72 = tpu.memref_slice %arg17[%add3A_64, %dma_start3A] : memref<10000x80xf32, #tpu.memory_space<vmem_shared>> -> memref<125x80xf32, #tpu.memory_space<vmem_shared>>
      %dma_start3A_73 = arith.constant 0 : i32
      %dma_start3A_74 = tpu.memref_slice %arg17[%add3A_64, %dma_start3A_73] : memref<10000x80xf32, #tpu.memory_space<vmem_shared>> -> memref<125x80xf32, #tpu.memory_space<vmem_shared>>
      tpu.enqueue_dma source(%dma_start3A_74 : memref<125x80xf32, #tpu.memory_space<vmem_shared>>) target(%arg15 : memref<125x80xf32, #tpu.memory_space<vmem>>) target_semaphore(%run_scoped3A : memref<!tpu.dma_semaphore, #tpu.memory_space<semaphore_mem>>)
      %dma_wait3A = arith.constant 0 : i32
      %dma_wait3A_75 = tpu.memref_slice %arg17[%add3A_64, %dma_wait3A] : memref<10000x80xf32, #tpu.memory_space<vmem_shared>> -> memref<125x80xf32, #tpu.memory_space<vmem_shared>>
      %dma_wait3A_76 = arith.constant 0 : i32
      %dma_wait3A_77 = tpu.memref_slice %arg17[%add3A_64, %dma_wait3A_76] : memref<10000x80xf32, #tpu.memory_space<vmem_shared>> -> memref<125x80xf32, #tpu.memory_space<vmem_shared>>
      tpu.wait_dma2 semaphore(%run_scoped3A : memref<!tpu.dma_semaphore, #tpu.memory_space<semaphore_mem>>) src(%dma_wait3A_77 : memref<125x80xf32, #tpu.memory_space<vmem_shared>>) dst(%arg15 : memref<125x80xf32, #tpu.memory_space<vmem>>)
      tpu.yield
    }) : () -> ()
    %mul3A_65 = arith.constant 64 : i32
    %mul3A_66 = arith.muli %arg0, %mul3A_65 : i32
    "tpu.region"() ({
      %run_scoped3A = tpu.sem_alloc : memref<!tpu.dma_semaphore, #tpu.memory_space<semaphore_mem>>
      %dma_start3A = tpu.memref_slice %arg6[%add3A_64, %mul3A_66] : memref<10000x128xf32, #tpu.memory_space<hbm>> -> memref<125x64xf32, #tpu.memory_space<hbm>>
      %dma_start3A_72 = tpu.memref_slice %arg6[%add3A_64, %mul3A_66] : memref<10000x128xf32, #tpu.memory_space<hbm>> -> memref<125x64xf32, #tpu.memory_space<hbm>>
      tpu.enqueue_dma source(%dma_start3A_72 : memref<125x64xf32, #tpu.memory_space<hbm>>) target(%arg16 : memref<125x64xf32, #tpu.memory_space<vmem>>) target_semaphore(%run_scoped3A : memref<!tpu.dma_semaphore, #tpu.memory_space<semaphore_mem>>)
      %dma_wait3A = tpu.memref_slice %arg6[%add3A_64, %mul3A_66] : memref<10000x128xf32, #tpu.memory_space<hbm>> -> memref<125x64xf32, #tpu.memory_space<hbm>>
      %dma_wait3A_73 = tpu.memref_slice %arg6[%add3A_64, %mul3A_66] : memref<10000x128xf32, #tpu.memory_space<hbm>> -> memref<125x64xf32, #tpu.memory_space<hbm>>
      tpu.wait_dma2 semaphore(%run_scoped3A : memref<!tpu.dma_semaphore, #tpu.memory_space<semaphore_mem>>) src(%dma_wait3A_73 : memref<125x64xf32, #tpu.memory_space<hbm>>) dst(%arg16 : memref<125x64xf32, #tpu.memory_space<vmem>>)
      tpu.yield
    }) : () -> ()
    %parallel_loop3A_67 = arith.constant 0 : i32
    %parallel_loop3A_68 = arith.constant 125 : i32
    %parallel_loop3A_69 = arith.constant 1 : i32
    scf.for %parallel_loop3A_72 = %parallel_loop3A_67 to %parallel_loop3A_68 step %parallel_loop3A_69  : i32 {
      %parallel_loop3A_73 = arith.index_cast %parallel_loop3A_72 : i32 to index
      %parallel_loop3A_74 = arith.constant 64 : index
      %parallel_loop3A_75 = tpu.vector_load %arg15[%parallel_loop3A_73, %parallel_loop3A_74] {strides = array<i32>} : memref<125x80xf32, #tpu.memory_space<vmem>>, vector<16xf32>,
      %parallel_loop3A_76 = vector.extract_strided_slice %parallel_loop3A_75 {offsets = [0], sizes = [1], strides = [1]} : vector<16xf32> to vector<1xf32>
      %parallel_loop3A_77 = vector.extract %parallel_loop3A_76[0] : f32 from vector<1xf32>
      %parallel_loop3A_78 = arith.constant 0.000000e+00 : f32
      %parallel_loop3A_79 = vector.broadcast %parallel_loop3A_78 : f32 to vector<16xf32>
      %parallel_loop3A_80 = vector.broadcast %parallel_loop3A_77 : f32 to vector<16xf32>
      %parallel_loop3A_81 = arith.addf %parallel_loop3A_79, %parallel_loop3A_80 : vector<16xf32>
      %parallel_loop3A_82 = arith.constant 1.000000e+00 : f32
      %parallel_loop3A_83 = vector.broadcast %parallel_loop3A_82 : f32 to vector<16xf32>
      %parallel_loop3A_84 = arith.maximumf %parallel_loop3A_81, %parallel_loop3A_83 : vector<16xf32>
      %parallel_loop3A_85 = arith.constant 1.000000e+00 : f32
      %parallel_loop3A_86 = vector.broadcast %parallel_loop3A_85 : f32 to vector<16xf32>
      %parallel_loop3A_87 = arith.divf %parallel_loop3A_86, %parallel_loop3A_84 : vector<16xf32>
      %parallel_loop3A_88 = arith.index_cast %parallel_loop3A_72 : i32 to index
      %parallel_loop3A_89 = arith.constant 0 : index
      %parallel_loop3A_90 = tpu.vector_load %arg15[%parallel_loop3A_88, %parallel_loop3A_89] {strides = array<i32>} : memref<125x80xf32, #tpu.memory_space<vmem>>, vector<16xf32>,
      %parallel_loop3A_91 = arith.mulf %parallel_loop3A_90, %parallel_loop3A_87 : vector<16xf32>
      %parallel_loop3A_92 = arith.index_cast %parallel_loop3A_72 : i32 to index
      %parallel_loop3A_93 = arith.constant 0 : index
      %parallel_loop3A_94 = tpu.vector_load %arg16[%parallel_loop3A_92, %parallel_loop3A_93] {strides = array<i32>} : memref<125x64xf32, #tpu.memory_space<vmem>>, vector<16xf32>,
      %parallel_loop3A_95 = arith.addf %parallel_loop3A_91, %parallel_loop3A_94 : vector<16xf32>
      %parallel_loop3A_96 = arith.index_cast %parallel_loop3A_72 : i32 to index
      %parallel_loop3A_97 = arith.constant 0 : index
      %parallel_loop3A_98 = tpu.vector_load %arg15[%parallel_loop3A_96, %parallel_loop3A_97] {strides = array<i32>} : memref<125x80xf32, #tpu.memory_space<vmem>>, vector<16xf32>,
      tpu.vector_store %arg15[%parallel_loop3A_96, %parallel_loop3A_97], %parallel_loop3A_95 {strides = array<i32>} : memref<125x80xf32, #tpu.memory_space<vmem>>, vector<16xf32>,
      %parallel_loop3A_99 = arith.index_cast %parallel_loop3A_72 : i32 to index
      %parallel_loop3A_100 = arith.constant 16 : index
      %parallel_loop3A_101 = tpu.vector_load %arg15[%parallel_loop3A_99, %parallel_loop3A_100] {strides = array<i32>} : memref<125x80xf32, #tpu.memory_space<vmem>>, vector<16xf32>,
      %parallel_loop3A_102 = arith.mulf %parallel_loop3A_101, %parallel_loop3A_87 : vector<16xf32>
      %parallel_loop3A_103 = arith.index_cast %parallel_loop3A_72 : i32 to index
      %parallel_loop3A_104 = arith.constant 16 : index
      %parallel_loop3A_105 = tpu.vector_load %arg16[%parallel_loop3A_103, %parallel_loop3A_104] {strides = array<i32>} : memref<125x64xf32, #tpu.memory_space<vmem>>, vector<16xf32>,
      %parallel_loop3A_106 = arith.addf %parallel_loop3A_102, %parallel_loop3A_105 : vector<16xf32>
      %parallel_loop3A_107 = arith.index_cast %parallel_loop3A_72 : i32 to index
      %parallel_loop3A_108 = arith.constant 16 : index
      %parallel_loop3A_109 = tpu.vector_load %arg15[%parallel_loop3A_107, %parallel_loop3A_108] {strides = array<i32>} : memref<125x80xf32, #tpu.memory_space<vmem>>, vector<16xf32>,
      tpu.vector_store %arg15[%parallel_loop3A_107, %parallel_loop3A_108], %parallel_loop3A_106 {strides = array<i32>} : memref<125x80xf32, #tpu.memory_space<vmem>>, vector<16xf32>,
      %parallel_loop3A_110 = arith.index_cast %parallel_loop3A_72 : i32 to index
      %parallel_loop3A_111 = arith.constant 32 : index
      %parallel_loop3A_112 = tpu.vector_load %arg15[%parallel_loop3A_110, %parallel_loop3A_111] {strides = array<i32>} : memref<125x80xf32, #tpu.memory_space<vmem>>, vector<16xf32>,
      %parallel_loop3A_113 = arith.mulf %parallel_loop3A_112, %parallel_loop3A_87 : vector<16xf32>
      %parallel_loop3A_114 = arith.index_cast %parallel_loop3A_72 : i32 to index
      %parallel_loop3A_115 = arith.constant 32 : index
      %parallel_loop3A_116 = tpu.vector_load %arg16[%parallel_loop3A_114, %parallel_loop3A_115] {strides = array<i32>} : memref<125x64xf32, #tpu.memory_space<vmem>>, vector<16xf32>,
      %parallel_loop3A_117 = arith.addf %parallel_loop3A_113, %parallel_loop3A_116 : vector<16xf32>
      %parallel_loop3A_118 = arith.index_cast %parallel_loop3A_72 : i32 to index
      %parallel_loop3A_119 = arith.constant 32 : index
      %parallel_loop3A_120 = tpu.vector_load %arg15[%parallel_loop3A_118, %parallel_loop3A_119] {strides = array<i32>} : memref<125x80xf32, #tpu.memory_space<vmem>>, vector<16xf32>,
      tpu.vector_store %arg15[%parallel_loop3A_118, %parallel_loop3A_119], %parallel_loop3A_117 {strides = array<i32>} : memref<125x80xf32, #tpu.memory_space<vmem>>, vector<16xf32>,
      %parallel_loop3A_121 = arith.index_cast %parallel_loop3A_72 : i32 to index
      %parallel_loop3A_122 = arith.constant 48 : index
      %parallel_loop3A_123 = tpu.vector_load %arg15[%parallel_loop3A_121, %parallel_loop3A_122] {strides = array<i32>} : memref<125x80xf32, #tpu.memory_space<vmem>>, vector<16xf32>,
      %parallel_loop3A_124 = arith.mulf %parallel_loop3A_123, %parallel_loop3A_87 : vector<16xf32>
      %parallel_loop3A_125 = arith.index_cast %parallel_loop3A_72 : i32 to index
      %parallel_loop3A_126 = arith.constant 48 : index
      %parallel_loop3A_127 = tpu.vector_load %arg16[%parallel_loop3A_125, %parallel_loop3A_126] {strides = array<i32>} : memref<125x64xf32, #tpu.memory_space<vmem>>, vector<16xf32>,
      %parallel_loop3A_128 = arith.addf %parallel_loop3A_124, %parallel_loop3A_127 : vector<16xf32>
      %parallel_loop3A_129 = arith.index_cast %parallel_loop3A_72 : i32 to index
      %parallel_loop3A_130 = arith.constant 48 : index
      %parallel_loop3A_131 = tpu.vector_load %arg15[%parallel_loop3A_129, %parallel_loop3A_130] {strides = array<i32>} : memref<125x80xf32, #tpu.memory_space<vmem>>, vector<16xf32>,
      tpu.vector_store %arg15[%parallel_loop3A_129, %parallel_loop3A_130], %parallel_loop3A_128 {strides = array<i32>} : memref<125x80xf32, #tpu.memory_space<vmem>>, vector<16xf32>,
    } {sc.loop_unroll_factor = 2 : i64, sc.parallel_access}
    %mul3A_70 = arith.constant 64 : i32
    %mul3A_71 = arith.muli %arg0, %mul3A_70 : i32
    "tpu.region"() ({
      %run_scoped3A = tpu.sem_alloc : memref<!tpu.dma_semaphore, #tpu.memory_space<semaphore_mem>>
      %dma_start3A = arith.constant 0 : i32
      %dma_start3A_72 = arith.constant 0 : i32
      %dma_start3A_73 = tpu.memref_slice %arg15[%dma_start3A, %dma_start3A_72] : memref<125x80xf32, #tpu.memory_space<vmem>> -> memref<125x64xf32, #tpu.memory_space<vmem>>
      %dma_start3A_74 = tpu.memref_slice %arg7[%add3A_64, %mul3A_71] : memref<10000x128xf32, #tpu.memory_space<hbm>> -> memref<125x64xf32, #tpu.memory_space<hbm>>
      %dma_start3A_75 = tpu.memref_slice %arg7[%add3A_64, %mul3A_71] : memref<10000x128xf32, #tpu.memory_space<hbm>> -> memref<125x64xf32, #tpu.memory_space<hbm>>
      %dma_start3A_76 = arith.constant 0 : i32
      %dma_start3A_77 = arith.constant 0 : i32
      %dma_start3A_78 = tpu.memref_slice %arg15[%dma_start3A_76, %dma_start3A_77] : memref<125x80xf32, #tpu.memory_space<vmem>> -> memref<125x64xf32, #tpu.memory_space<vmem>>
      tpu.enqueue_dma source(%dma_start3A_78 : memref<125x64xf32, #tpu.memory_space<vmem>>) target(%dma_start3A_75 : memref<125x64xf32, #tpu.memory_space<hbm>>) target_semaphore(%run_scoped3A : memref<!tpu.dma_semaphore, #tpu.memory_space<semaphore_mem>>)
      %dma_wait3A = arith.constant 0 : i32
      %dma_wait3A_79 = arith.constant 0 : i32
      %dma_wait3A_80 = tpu.memref_slice %arg15[%dma_wait3A, %dma_wait3A_79] : memref<125x80xf32, #tpu.memory_space<vmem>> -> memref<125x64xf32, #tpu.memory_space<vmem>>
      %dma_wait3A_81 = tpu.memref_slice %arg7[%add3A_64, %mul3A_71] : memref<10000x128xf32, #tpu.memory_space<hbm>> -> memref<125x64xf32, #tpu.memory_space<hbm>>
      %dma_wait3A_82 = tpu.memref_slice %arg7[%add3A_64, %mul3A_71] : memref<10000x128xf32, #tpu.memory_space<hbm>> -> memref<125x64xf32, #tpu.memory_space<hbm>>
      %dma_wait3A_83 = arith.constant 0 : i32
      %dma_wait3A_84 = arith.constant 0 : i32
      %dma_wait3A_85 = tpu.memref_slice %arg15[%dma_wait3A_83, %dma_wait3A_84] : memref<125x80xf32, #tpu.memory_space<vmem>> -> memref<125x64xf32, #tpu.memory_space<vmem>>
      tpu.wait_dma2 semaphore(%run_scoped3A : memref<!tpu.dma_semaphore, #tpu.memory_space<semaphore_mem>>) src(%dma_wait3A_85 : memref<125x64xf32, #tpu.memory_space<vmem>>) dst(%dma_wait3A_82 : memref<125x64xf32, #tpu.memory_space<hbm>>)
      tpu.yield
    }) : () -> ()
    return
  }
}

module attributes {stable_mosaic.version = 14 : i64} {
  func.func @_xr_body(%arg0: i32, %arg1: memref<10000x128xf32, #tpu.memory_space<vmem>>, %arg2: memref<128x128xf32, #tpu.memory_space<vmem>>, %arg3: memref<1x128xf32, #tpu.memory_space<vmem>>, %arg4: memref<10000x128xf32, #tpu.memory_space<vmem>>) attributes {dimension_semantics = [#tpu.dimension_semantics<arbitrary>], iteration_bounds = array<i64: 1>, scalar_prefetch = 0 : i64, scratch_operands = 0 : i64, tpu.core_type = #tpu.core_type<tc>, window_params = [{pipeline_mode = #tpu.pipeline_mode<synchronous>, transform_indices = @transform_0, window_bounds = array<i64: 10000, 128>}, {pipeline_mode = #tpu.pipeline_mode<synchronous>, transform_indices = @transform_1, window_bounds = array<i64: 128, 128>}, {pipeline_mode = #tpu.pipeline_mode<synchronous>, transform_indices = @transform_2, window_bounds = array<i64: 1, 128>}, {pipeline_mode = #tpu.pipeline_mode<synchronous>, transform_indices = @transform_3, window_bounds = array<i64: 10000, 128>}]} {
    %get3A = arith.constant 0 : index
    %get3A_0 = arith.constant 0 : index
    %get3A_1 = vector.load %arg1[%get3A, %get3A_0] : memref<10000x128xf32, #tpu.memory_space<vmem>>, vector<10000x128xf32>
    %get3A_2 = arith.constant 0 : index
    %get3A_3 = arith.constant 0 : index
    %get3A_4 = vector.load %arg2[%get3A_2, %get3A_3] : memref<128x128xf32, #tpu.memory_space<vmem>>, vector<128x128xf32>
    %dot_general3A = arith.constant dense<0.000000e+00> : vector<10000x128xf32>
    %dot_general3A_5 = tpu.matmul %get3A_1, %get3A_4, %dot_general3A {dimension_numbers = #tpu.dot_dimension_numbers<[1], [0], [0], [1], [0, 0, 1, 1], [], []>, transpose_lhs_hint = false} : vector<10000x128xf32>, vector<128x128xf32>, vector<10000x128xf32> -> vector<10000x128xf32>
    %get3A_6 = arith.constant 0 : index
    %get3A_7 = arith.constant 0 : index
    %get3A_8 = vector.load %arg3[%get3A_6, %get3A_7] : memref<1x128xf32, #tpu.memory_space<vmem>>, vector<1x128xf32>
    %add3A = vector.broadcast %get3A_8 : vector<1x128xf32> to vector<10000x128xf32>
    %add3A_9 = arith.addf %dot_general3A_5, %add3A : vector<10000x128xf32>
    %swap3A = arith.constant 0 : index
    %swap3A_10 = arith.constant 0 : index
    %swap3A_11 = vector.load %arg4[%swap3A, %swap3A_10] : memref<10000x128xf32, #tpu.memory_space<vmem>>, vector<10000x128xf32>
    tpu.vector_store %arg4[%swap3A, %swap3A_10], %add3A_9 {strides = array<i32>} : memref<10000x128xf32, #tpu.memory_space<vmem>>, vector<10000x128xf32>,
    return
  }
  func.func @transform_0(%arg0: i32) -> (i32, i32) {
    %c0_i32 = arith.constant 0 : i32
    %c0_i32_0 = arith.constant 0 : i32
    %c0_i32_1 = arith.constant 0 : i32
    return %c0_i32, %c0_i32_0 : i32, i32
  }
  func.func @transform_1(%arg0: i32) -> (i32, i32) {
    %c0_i32 = arith.constant 0 : i32
    %c0_i32_0 = arith.constant 0 : i32
    %c0_i32_1 = arith.constant 0 : i32
    return %c0_i32, %c0_i32_0 : i32, i32
  }
  func.func @transform_2(%arg0: i32) -> (i32, i32) {
    %c0_i32 = arith.constant 0 : i32
    %c0_i32_0 = arith.constant 0 : i32
    %c0_i32_1 = arith.constant 0 : i32
    return %c0_i32, %c0_i32_0 : i32, i32
  }
  func.func @transform_3(%arg0: i32) -> (i32, i32) {
    %c0_i32 = arith.constant 0 : i32
    %c0_i32_0 = arith.constant 0 : i32
    %c0_i32_1 = arith.constant 0 : i32
    return %c0_i32, %c0_i32_0 : i32, i32
  }
}

module attributes {stable_mosaic.version = 14 : i64} {
  func.func @_mm_body(%arg0: i32, %arg1: memref<10000x128xf32, #tpu.memory_space<vmem>>, %arg2: memref<1x128x128xf32, #tpu.memory_space<vmem>>, %arg3: memref<1x128x128xf32, #tpu.memory_space<vmem>>, %arg4: memref<1x10000x128xi32, #tpu.memory_space<vmem>>) attributes {dimension_semantics = [#tpu.dimension_semantics<arbitrary>], iteration_bounds = array<i64: 24>, scalar_prefetch = 0 : i64, scratch_operands = 0 : i64, tpu.core_type = #tpu.core_type<tc>, window_params = [{pipeline_mode = #tpu.pipeline_mode<synchronous>, transform_indices = @transform_0, window_bounds = array<i64: 10000, 128>}, {transform_indices = @transform_1, window_bounds = array<i64: 1, 128, 128>}, {transform_indices = @transform_2, window_bounds = array<i64: 1, 128, 128>}, {transform_indices = @transform_3, window_bounds = array<i64: 1, 10000, 128>}]} {
    %get3A = arith.constant 0 : index
    %get3A_0 = arith.constant 0 : index
    %get3A_1 = vector.load %arg1[%get3A, %get3A_0] : memref<10000x128xf32, #tpu.memory_space<vmem>>, vector<10000x128xf32>
    %get3A_2 = arith.constant 0 : index
    %get3A_3 = arith.constant 0 : index
    %get3A_4 = arith.constant 0 : index
    %get3A_5 = vector.load %arg2[%get3A_2, %get3A_3, %get3A_4] : memref<1x128x128xf32, #tpu.memory_space<vmem>>, vector<1x128x128xf32>
    %get3A_6 = vector.shape_cast %get3A_5 : vector<1x128x128xf32> to vector<128x128xf32>
    %dot_general3A = arith.constant dense<0.000000e+00> : vector<10000x128xf32>
    %dot_general3A_7 = tpu.matmul %get3A_1, %get3A_6, %dot_general3A {dimension_numbers = #tpu.dot_dimension_numbers<[1], [0], [0], [1], [0, 0, 1, 1], [], []>, transpose_lhs_hint = false} : vector<10000x128xf32>, vector<128x128xf32>, vector<10000x128xf32> -> vector<10000x128xf32>
    %get3A_8 = arith.constant 0 : index
    %get3A_9 = arith.constant 0 : index
    %get3A_10 = vector.load %arg1[%get3A_8, %get3A_9] : memref<10000x128xf32, #tpu.memory_space<vmem>>, vector<10000x128xf32>
    %get3A_11 = arith.constant 0 : index
    %get3A_12 = arith.constant 0 : index
    %get3A_13 = arith.constant 0 : index
    %get3A_14 = vector.load %arg3[%get3A_11, %get3A_12, %get3A_13] : memref<1x128x128xf32, #tpu.memory_space<vmem>>, vector<1x128x128xf32>
    %get3A_15 = vector.shape_cast %get3A_14 : vector<1x128x128xf32> to vector<128x128xf32>
    %dot_general3A_16 = arith.constant dense<0.000000e+00> : vector<10000x128xf32>
    %dot_general3A_17 = tpu.matmul %get3A_10, %get3A_15, %dot_general3A_16 {dimension_numbers = #tpu.dot_dimension_numbers<[1], [0], [0], [1], [0, 0, 1, 1], [], []>, transpose_lhs_hint = false} : vector<10000x128xf32>, vector<128x128xf32>, vector<10000x128xf32> -> vector<10000x128xf32>
    %bitcast_convert_type3A = tpu.bitcast %dot_general3A_7 : vector<10000x128xf32> -> vector<10000x128xi32>
    %bitcast_convert_type3A_18 = tpu.bitcast %dot_general3A_17 : vector<10000x128xf32> -> vector<10000x128xi32>
    %add3A = arith.constant 32768 : i32
    %add3A_19 = vector.broadcast %add3A : i32 to vector<10000x128xi32>
    %add3A_20 = arith.addi %bitcast_convert_type3A, %add3A_19 : vector<10000x128xi32>
    %shift_right_logical3A = arith.constant 16 : i32
    %shift_right_logical3A_21 = vector.broadcast %shift_right_logical3A : i32 to vector<10000x128xi32>
    %shift_right_logical3A_22 = arith.shrui %add3A_20, %shift_right_logical3A_21 : vector<10000x128xi32>
    %add3A_23 = arith.constant 32768 : i32
    %add3A_24 = vector.broadcast %add3A_23 : i32 to vector<10000x128xi32>
    %add3A_25 = arith.addi %bitcast_convert_type3A_18, %add3A_24 : vector<10000x128xi32>
    %and3A = arith.constant -65536 : i32
    %and3A_26 = vector.broadcast %and3A : i32 to vector<10000x128xi32>
    %and3A_27 = arith.andi %add3A_25, %and3A_26 : vector<10000x128xi32>
    %or3A = arith.ori %and3A_27, %shift_right_logical3A_22 : vector<10000x128xi32>
    %broadcast_in_dim3A = vector.shape_cast %or3A : vector<10000x128xi32> to vector<1x10000x128xi32>
    %swap3A = arith.constant 0 : index
    %swap3A_28 = arith.constant 0 : index
    %swap3A_29 = arith.constant 0 : index
    %swap3A_30 = vector.load %arg4[%swap3A, %swap3A_28, %swap3A_29] : memref<1x10000x128xi32, #tpu.memory_space<vmem>>, vector<1x10000x128xi32>
    tpu.vector_store %arg4[%swap3A, %swap3A_28, %swap3A_29], %broadcast_in_dim3A {strides = array<i32>} : memref<1x10000x128xi32, #tpu.memory_space<vmem>>, vector<1x10000x128xi32>,
    return
  }
  func.func @transform_0(%arg0: i32) -> (i32, i32) {
    %c0_i32 = arith.constant 0 : i32
    %c0_i32_0 = arith.constant 0 : i32
    %c0_i32_1 = arith.constant 0 : i32
    return %c0_i32, %c0_i32_0 : i32, i32
  }
  func.func @transform_1(%arg0: i32) -> (i32, i32, i32) {
    %lt3A = arith.constant 12 : i32
    %lt3A_0 = arith.cmpi slt, %arg0, %lt3A : i32
    %mul3A = arith.constant 2 : i32
    %mul3A_1 = arith.muli %mul3A, %arg0 : i32
    %mul3A_2 = arith.constant 2 : i32
    %mul3A_3 = arith.muli %mul3A_2, %arg0 : i32
    %sub3A = arith.constant 23 : i32
    %sub3A_4 = arith.subi %mul3A_3, %sub3A : i32
    %select_n3A = arith.select %lt3A_0, %mul3A_1, %sub3A_4 : i32
    %c0_i32 = arith.constant 0 : i32
    %c0_i32_5 = arith.constant 0 : i32
    %c0_i32_6 = arith.constant 0 : i32
    return %select_n3A, %c0_i32, %c0_i32_5 : i32, i32, i32
  }
  func.func @transform_2(%arg0: i32) -> (i32, i32, i32) {
    %lt3A = arith.constant 12 : i32
    %lt3A_0 = arith.cmpi slt, %arg0, %lt3A : i32
    %mul3A = arith.constant 2 : i32
    %mul3A_1 = arith.muli %mul3A, %arg0 : i32
    %mul3A_2 = arith.constant 2 : i32
    %mul3A_3 = arith.muli %mul3A_2, %arg0 : i32
    %sub3A = arith.constant 23 : i32
    %sub3A_4 = arith.subi %mul3A_3, %sub3A : i32
    %select_n3A = arith.select %lt3A_0, %mul3A_1, %sub3A_4 : i32
    %add3A = arith.constant 1 : i32
    %add3A_5 = arith.addi %select_n3A, %add3A : i32
    %c0_i32 = arith.constant 0 : i32
    %c0_i32_6 = arith.constant 0 : i32
    %c0_i32_7 = arith.constant 0 : i32
    return %add3A_5, %c0_i32, %c0_i32_6 : i32, i32, i32
  }
  func.func @transform_3(%arg0: i32) -> (i32, i32, i32) {
    %c0_i32 = arith.constant 0 : i32
    %c0_i32_0 = arith.constant 0 : i32
    %c0_i32_1 = arith.constant 0 : i32
    return %arg0, %c0_i32, %c0_i32_0 : i32, i32, i32
  }
}

</mosaic_0001>

<sc_bundles>
// kernel: kernel.5.cloned.1.call-start
scs
__scs_entry_jumppad:
0x0: {  	(pc) =	sbr.rel $0x88, $3  }
0x1: {  	(tag) =	ssettag $0x0;
	lr =	simm.s32 $0x1  }
0x2: {  	[smem:$0x3F9B] =	sst lr;
	_ =	strace $0xD0000000  }
0x3: {  	_ = 	snop  }
0x4: {  	_ = 	snop  }
0x5: {  	_ = 	snop  }
0x6: {  	_ = 	snop  }
0x7: {  	_ = 	snop  }
__scs_overlays_trampoline_lowered:
0x8: {  	[smem:$0x3FAA] =	sst s0  }
0x9: {  	[smem:$0x3FAB] =	sst s1  }
0xa: {  	[smem:$0x3FAC] =	sst s2  }
0xb: {  	[smem:$0x3FAD] =	sst s3  }
0xc: {  	[smem:$0x3FAE] =	sst s4  }
0xd: {  	[smem:$0x3FAF] =	sst s5  }
0xe: {  	[smem:$0x3FB0] =	sst s6  }
0xf: {  	[smem:$0x3FB1] =	sst s7  }
0x10: {  	[smem:$0x3FB2] =	sst s8  }
0x11: {  	[smem:$0x3FB3] =	sst s9;
	s0 =	simm.s32 @!p0 $0x0  }
0x12: {  	s1 =	sld [smem:$0x3F99];
	s0 =	simm.s32 @p0 $0x1  }
0x13: {  	[smem:$0x3FB4] =	sst s0;
	s0 =	simm.s32 @!p1 $0x0  }
0x14: {  	s2 =	sld [smem:$0x3F98];
	s0 =	simm.s32 @p1 $0x1  }
0x15: {  	[smem:$0x3FB5] =	sst s0;
	s0 =	simm.s32 @!p2 $0x0  }
0x16: {  	s3 =	sld [smem:$0x3FDB];
	s0 =	simm.s32 @p2 $0x1  }
0x17: {  	s4 =	simm.s32 $0x1BF5;
	[smem:$0x3FB7] =	sst s0  }
0x18: {  	s0 =	sld [smem:$0x3F9A];
	_ =	swait.ge [sflag:s4], $0x0  }
0x19: {  	s7 =	sld [smem:$0x3F9B]  }
0x1a: {  	s8 =	sadd.s32 $0xFFFFE003, lr  }
0x1b: {  	s9 =	sadd.s32 $0xFFFFFEF7, lr;
	s5 =	simm.s32 $0xFFFFFFFF;
	p2 =	slt.u32 s8, $0xFFFFF086  }
0x1c: {  	p1 =	slt.u32 s9, $0xF7A;
	s5 =	simm.s32 @!p2 $0x0  }
0x1d: {  	s5 =	simm.s32 @p1 $0x1;
	p0 =	seq.s32 s7, s2  }
0x1e: {  	s7 =	smul.u32 @!p0 $0xF7A, s2;
	p2 =	seq.s32 @!p0 s5, $0x0  }
0x1f: {  	s9 =	smul.u32 $0xF7A, s1;
	s8 =	simm.s32 @!p0 $0x1BF5;
	p2 =	por !p2, p0  }
0x20: {  	[sflag:s8] =	ssyncset.s32 @!p0 $0xFFFFF086;
	s6 =	sadd.s32 @!p0 s3, s7;
	s7 =	simm.s32 @!p0 $0x108  }
0x21: {  	s3 =	sadd.s32 s3, s9;
	s6 =	sadd.s32 @!p0 $0x88, s6;
	s7 =	simm.s32 @p2 $0x1082  }
0x22: {  	[simem:s7], [sflag:s8] =	dma.local @!p0 [hbm:s6], $0xF7A  }
0x23: {  	s9 =	sor.u32 $0xD0000000, s2;
	s6 =	simm.s32 $0x108;
	_ =	swait.ge @!p0 [sflag:s8], $0x0  }
0x24: {  	s3 =	sadd.s32 $0x88, s3;
	s6 =	simm.s32 @!p1 $0x1082;
	[sflag:s4] =	ssyncset.s32 $0xFFFFF086  }
0x25: {  	[simem:s6], [sflag:s4] =	dma.local [hbm:s3], $0xF7A  }
0x26: {  	[smem:$0x3F9B] =	sst s1;
	(tag) =	ssettag s2;
	_ =	strace s9  }
0x27: {  	s1 =	sld [smem:$0x3FAB]  }
0x28: {  	s2 =	sld [smem:$0x3FAC]  }
0x29: {  	s4 =	sld [smem:$0x3FAE]  }
0x2a: {  	p0 =	seq.s32 s5, $0x0;
	s5 =	sld [smem:$0x3FAF]  }
0x2b: {  	s6 =	sld [smem:$0x3FB0]  }
0x2c: {  	s7 =	sld [smem:$0x3FB1]  }
0x2d: {  	s3 =	simm.s32 $0x108;
	s8 =	sld [smem:$0x3FB2]  }
0x2e: {  	s3 =	simm.s32 @!p0 $0x1082;
	s9 =	sld [smem:$0x3FB3]  }
0x2f: {  	lr =	sadd.s32 s0, s3;
	s0 =	sld [smem:$0x3FAA]  }
0x30: {  	s3 =	sld [smem:$0x3FAD]  }
0x31: {  	[smem:$0x3FB6] =	sst s10  }
0x32: {  	s10 =	sld [smem:$0x3FB4];
	_ =	sdelay $0x3  }
0x33: {  	p0 =	seq.s32 s10, $0x1;
	s10 =	sld [smem:$0x3FB6];
	_ =	sdelay $0x3  }
0x34: {  	[smem:$0x3FB6] =	sst s10  }
0x35: {  	s10 =	sld [smem:$0x3FB5];
	_ =	sdelay $0x3  }
0x36: {  	p1 =	seq.s32 s10, $0x1;
	s10 =	sld [smem:$0x3FB6];
	_ =	sdelay $0x3  }
0x37: {  	[smem:$0x3FB6] =	sst s10  }
0x38: {  	s10 =	sld [smem:$0x3FB7]  }
0x39: {  	_ = 	snop;
	(pc) =	sbr.ind lr, $3  }
0x3a: {  	_ = 	snop  }
0x3b: {  	_ = 	snop  }
0x3c: {  	p2 =	seq.s32 s10, $0x1;
	s10 =	sld [smem:$0x3FB6]  }
0x3d: {  	_ =	shalt  }
0x3e: {  	_ =	shalt  }
0x3f: {  	_ =	shalt  }
0x40: {  	_ =	shalt  }
0x41: {  	_ =	shalt  }
0x42: {  	_ =	shalt  }
0x43: {  	_ =	shalt  }
0x44: {  	_ =	shalt  }
0x45: {  	_ =	shalt  }
0x46: {  	_ =	shalt  }
0x47: {  	_ =	shalt  }
0x48: {  	_ =	shalt  }
0x49: {  	_ =	shalt  }
0x4a: {  	_ =	shalt  }
0x4b: {  	_ =	shalt  }
0x4c: {  	_ =	shalt  }
0x4d: {  	_ =	shalt  }
0x4e: {  	_ =	shalt  }
0x4f: {  	_ =	shalt  }
0x50: {  	_ =	shalt  }
0x51: {  	_ =	shalt  }
0x52: {  	_ =	shalt  }
0x53: {  	_ =	shalt  }
0x54: {  	_ =	shalt  }
0x55: {  	_ =	shalt  }
0x56: {  	_ =	shalt  }
0x57: {  	_ =	shalt  }
0x58: {  	_ =	shalt  }
0x59: {  	_ =	shalt  }
0x5a: {  	_ =	shalt  }
0x5b: {  	_ =	shalt  }
0x5c: {  	_ =	shalt  }
0x5d: {  	_ =	shalt  }
0x5e: {  	_ =	shalt  }
0x5f: {  	_ =	shalt  }
0x60: {  	_ =	shalt  }
0x61: {  	_ =	shalt  }
0x62: {  	_ =	shalt  }
0x63: {  	_ =	shalt  }
0x64: {  	_ =	shalt  }
0x65: {  	_ =	shalt  }
0x66: {  	_ =	shalt  }
0x67: {  	_ =	shalt  }
0x68: {  	_ =	shalt  }
0x69: {  	_ =	shalt  }
0x6a: {  	_ =	shalt  }
0x6b: {  	_ =	shalt  }
0x6c: {  	_ =	shalt  }
0x6d: {  	_ =	shalt  }
0x6e: {  	_ =	shalt  }
0x6f: {  	_ =	shalt  }
0x70: {  	_ =	shalt  }
0x71: {  	_ =	shalt  }
0x72: {  	_ =	shalt  }
0x73: {  	_ =	shalt  }
0x74: {  	_ =	shalt  }
0x75: {  	_ =	shalt  }
0x76: {  	_ =	shalt  }
0x77: {  	_ =	shalt  }
0x78: {  	_ =	shalt  }
0x79: {  	_ =	shalt  }
0x7a: {  	_ =	shalt  }
0x7b: {  	_ =	shalt  }
0x7c: {  	_ =	shalt  }
0x7d: {  	_ =	shalt  }
0x7e: {  	_ =	shalt  }
0x7f: {  	_ =	shalt  }
0x80: {  	_ =	shalt  }
0x81: {  	_ =	shalt  }
0x82: {  	_ =	shalt  }
0x83: {  	_ =	shalt  }
0x84: {  	_ =	shalt  }
0x85: {  	_ =	shalt  }
0x86: {  	_ =	shalt  }
0x87: {  	_ =	shalt  }
.Lfunc_end0:
.L_simem_size_0:
called_computation_lowered:
.L_overlay_start_0:
0x88: {  	s2 =	sld [smem:$0x3FD9]  }
0x89: {  	s3 =	sld [smem:$0x3FFE];
	_ =	sdelay $0x1  }
0x8a: {  	s1 =	srdreg.scid  }
0x8b: {  	s0 =	sand.u32 $0x1, s1  }
0x8c: {  	s17 =	sshll.u32 s0, $0xA;
	s2 =	sadd.s32 s3, s2  }
0x8d: {  	s2 =	sadd.s32 s2, s17  }
0x8e: {  	[smem:$0x3FC2] =	sst s2  }
0x8f: {  	_ = 	snop  }
0x90: {  	s2 =	sld [smem:$0x3FD0];
	(tm) =	ssettm $0x1  }
0x91: {  	s18 =	sld [smem:$0x3FFB];
	_ =	sdelay $0x3  }
0x92: {  	_ =	strace s18  }
0x93: {  	s3 =	sld [smem:$0x3FFC];
	_ =	sdelay $0x3  }
0x94: {  	_ =	strace s3  }
0x95: {  	s3 =	sld [smem:$0x3FFD];
	_ =	sdelay $0x3  }
0x96: {  	_ =	strace s3  }
0x97: {  	_ =	strace $0x8FFFFFFF  }
0x98: {  	s19 =	sld [smem:$0x3FDB];
	_ =	sdelay $0x1  }
0x99: {  	s4 =	simm.s32 $_scs_section_size  }
0x9a: {  	s5 =	simm.s32 $_size__tile_overlayer_lowered;
	s6 =	simm.s32 $_tile_overlayer_lowered  }
0x9b: {  	s22 =	simm.s32 $0x1BFF;
	s21 =	sshll.u32 s6, $0x1;
	s3 =	sadd.s32 s4, s19  }
0x9c: {  	s7 =	simm.s32 $0x0;
	s20 =	sshll.u32 s5, $0x1;
	s5 =	sadd.s32 s21, s3  }
0x9d: {  	[timem:s7], [sflag:s22] =	dma.local [hbm:s5], s20  }
0x9e: {  	_ =	swait.ge [sflag:s22], s20  }
0x9f: {  	s4 =	ssub.s32 $0x0, s20;
	[sflag:s22] =	ssyncset.done $0x0  }
0xa0: {  	[sflag:s22] =	ssyncadd.s32 s4;
	_ =	sdelay $0x1  }
0xa1: {  	s23 =	simm.s32 $0x1B8B  }
0xa2: {  	_ =	swait.ge [sflag:s23], $0x1  }
0xa3: {  	[sflag:s23] =	ssyncset.done $0x0  }
0xa4: {  	s25 =	simm.s32 $0x1B8E;
	s24 =	sld [smem:$0x3FFE];
	[sflag:s23] =	ssyncadd.s32 $0xFFFFFFFF  }
0xa5: {  	s26 =	simm.s32 $execute0_lowered;
	[smem:$0x3FD2] =	sst s25  }
0xa6: {  	s5 =	sshll.u32 s26, $0x1;
	_ =	strace $0x80000046;
	[dreg:$0x1] =	wrdreg $0xFFFFFFFF  }
0xa7: {  	s28 =	simm.s32 $_size_execute0_lowered;
	s3 =	sadd.s32 s3, s5;
	[dreg:$0x0] =	wrdreg $0x0  }
0xa8: {  	s5 =	sshll.u32 s28, $0x1;
	[dreg:$0x2] =	wrdreg s3  }
0xa9: {  	[dreg:$0x3] =	wrdreg s5  }
0xaa: {  	[dreg:$0x4] =	wrdreg $0xC0  }
0xab: {  	_ =	task [dreg:s7], $0x5FFFF  }
0xac: {  	[dreg:$0x1] =	wrdreg $0xFFFFFFFF  }
0xad: {  	[dreg:$0x0] =	wrdreg $0x60  }
0xae: {  	[dreg:$0x2] =	wrdreg s24  }
0xaf: {  	[dreg:$0x3] =	wrdreg s2  }
0xb0: {  	[dreg:$0x4] =	wrdreg $0x109900  }
0xb1: {  	[dreg:$0x5] =	wrdreg $0x9  }
0xb2: {  	_ =	task.clear_ibuf [dreg:s7], $0x6FFFF;
	_ =	strace $0x90000046  }
0xb3: {  	s29 =	simm.s32 $0x9;
	_ =	strace $0x80000048  }
0xb4: {  	_ =	swait.ge [sflag:s29], $0x1  }
0xb5: {  	[sflag:s29] =	ssyncadd.s32 $0xFFFFFFFF  }
0xb6: {  	_ =	strace $0x90000048  }
0xb7: {  	_ =	sfence  }
0xb8: {  	s30 =	sld [smem:$0x0];
	_ =	sdelay $0x2  }
0xb9: {  	s31 =	sshll.u32 s1, $0xD;
	s1 =	sshrl.u32 s1, $0x2  }
0xba: {  	s3 =	sand.u32 $0x4000, s31;
	s1 =	sadd.s32 s1, s30  }
0xbb: {  	s0 =	sor.u32 s3, s0;
	s1 =	sshll.u32 s1, $0x11  }
0xbc: {  	s0 =	sor.u32 s1, s0  }
0xbd: {  	s0 =	sadd.s32 $0x8F2B, s0  }
0xbe: {  	[sflag:s0] =	ssyncadd.remote.s32 $0x1  }
0xbf: {  	_ =	sfence.sel $0xFFFF  }
0xc0: {  	[dreg:$0x0] =	wrdreg $0xFFFFFFFF;
	(pc) =	sbr.abs _section_cstart, $3  }
0xc1: {  	[dreg:$0x1] =	wrdreg $0xFFFFFFFF  }
0xc2: {  	_ =	task.clear_ibuf [dreg:s7], $0x2FFFF;
	_ =	strace $0x9FFFFFFF  }
0xc3: {  	(tm) =	ssettm $0x7FFFFFFF  }
tec
execute0_lowered:
.L_overlay_start_1:
0x0: {  	(tag) =	ssettag $0x1  }
0x1: {  	s0 =	rddreg [dreg:$0x0]  }
0x2: {  	s5 =	rddreg [dreg:$0x1]  }
0x3: {  	s1 =	rddreg [dreg:$0x2];
	s2 =	simm.s32 $0x0;
	s3 =	srdreg.scid  }
0x4: {  	s15 =	stileid.u32;
	[smem:$0x7FF] =	sst s2;
	s4 =	sadd.s32 $0x28400, s0  }
0x5: {  	s6 =	sadd.s32 $0x14A00, s0;
	s3 =	sand.u32 $0x1, s3;
	s7 =	sadd.s32 $0x3F8E00, s0  }
0x6: {  	s10 =	sadd.s32 $0x1000, s0;
	s8 =	smul.u32 $0x30D40, s15;
	s0 =	sadd.s32 $0x3D1C00, s0  }
0x7: {  	s13 =	smul.u32 $0x13880, s15;
	_ =	strace $0x80000047;
	[dreg:$0x4] =	wrdreg s6  }
0x8: {  	s9 =	smul.u32 $0x271, s15;
	s14 =	sshll.u32 s15, $0x6;
	[dreg:$0x5] =	wrdreg s10  }
0x9: {  	s31 =	smul.u32 $0x4E20, s15;
	s11 =	ssub.s32 $0x2, s3;
	[dreg:$0x6] =	wrdreg s7  }
0xa: {  	s12 =	sshrl.u32 s11, $0x1;
	s10 =	sshrl.u32 s8, $0x2;
	s16 =	sadd.s32 $0x7D, s9  }
0xb: {  	s9 =	sshll.u32 s9, $0x7;
	s22 =	sadd.s32 $0x13880, s8;
	s26 =	sadd.s32 $0x1D4C0, s8  }
0xc: {  	s28 =	sadd.s32 $0x27100, s8;
	[dreg:$0x13] =	wrdreg s31;
	s6 =	ssub.s32 s11, s12  }
0xd: {  	s12 =	sshll.u32 s3, $0x6;
	s17 =	sadd.s32 s10, s1;
	s10 =	sor.u32 $0x1C05, s14  }
0xe: {  	s7 =	sor.u32 s12, s13;
	[dreg:$0x8] =	wrdreg s10;
	s13 =	smul.u32 $0x140, s16  }
0xf: {  	s10 =	sshll.u32 s16, $0x7;
	s9 =	sor.u32 s12, s9;
	s30 =	smax.u32 s6, $0x1  }
0x10: {  	[dreg:$0x7] =	wrdreg s17;
	s7 =	sshrl.u32 s7, $0x3;
	s18 =	sor.u32 s12, s10  }
0x11: {  	s21 =	sadd.s32 $0x7D00, s9;
	s24 =	sadd.s32 $0xBB80, s9;
	s9 =	sadd.s32 $0xFA00, s9  }
0x12: {  	[dreg:$0x12] =	wrdreg s30;
	s11 =	sadd.s32 s0, s7;
	s19 =	sshrl.u32 s13, $0x2  }
0x13: {  	s25 =	sshrl.u32 s24, $0x3;
	s9 =	sshrl.u32 s9, $0x3;
	s13 =	simm.s32 $0x5  }
0x14: {  	[dreg:$0x9] =	wrdreg s11;
	s11 =	sadd.s32 s5, s7;
	s7 =	sshrl.u32 s18, $0x3  }
0x15: {  	s10 =	sadd.s32 s19, s1;
	s12 =	sadd.s32 s0, s25;
	s18 =	sadd.s32 s5, s25  }
0x16: {  	s19 =	simm.s32 $0x1;
	[dreg:$0xa] =	wrdreg s10;
	s20 =	sadd.s32 s0, s7  }
0x17: {  	s14 =	sadd.s32 s5, s7;
	s10 =	sshrl.u32 s21, $0x3;
	[dreg:$0xd] =	wrdreg s12  }
0x18: {  	s7 =	sshrl.u32 s22, $0x2;
	s21 =	simm.s32 $0x9140;
	s22 =	simm.s32 $0x2  }
0x19: {  	[dreg:$0xb] =	wrdreg s20;
	s23 =	sadd.s32 s0, s10;
	s16 =	sadd.s32 s5, s10  }
0x1a: {  	s0 =	sadd.s32 s0, s9;
	s20 =	sadd.s32 s5, s9;
	[dreg:$0xc] =	wrdreg s23  }
0x1b: {  	s5 =	sshrl.u32 s28, $0x2;
	s7 =	sadd.s32 s7, s1;
	[dreg:$0xe] =	wrdreg s0  }
0x1c: {  	s0 =	sshrl.u32 s26, $0x2;
	[dreg:$0xf] =	wrdreg s7;
	s29 =	sadd.s32 s5, s1  }
0x1d: {  	v1 =	vimm.f32 $0.0e+00;
	vm0 =	vcmask $0x300;
	s23 =	simm.s32 $0xAA40;
	s0 =	sadd.s32 s0, s1;
	[dreg:$0x11] =	wrdreg s29  }
0x1e: {  	v2 =	vimm.s32 $0x0;
	v1 =	vsel vm0, $0x3F800000, v1;
	v0 =	vmov s3;
	s5 =	simm.s32 $0x0;
	[dreg:$0x10] =	wrdreg s0;
	s0 =	simm.s32 $0x50  }
.LBB2_1:
0x1f: {  	[dreg:$0x14] =	wrdreg s5  }
0x20: {  	s31 =	rddreg [dreg:$0x6]  }
0x21: {  	s3 =	sshrl.u32 s17, $0x3;
	s6 =	rddreg [dreg:$0x8]  }
0x22: {  	[spmem:s3], [sflag:s6] =	dma.local [hbm:s31], $0x186A  }
0x23: {  	_ =	swait.ge [sflag:s13], $0x186A  }
0x24: {  	[sflag:s13] =	ssyncset.done $0x0  }
0x25: {  	[sflag:s13] =	ssyncadd.s32 $0xFFFFE796  }
0x26: {  	s5 =	simm.s32 $0x0;
	s3 =	simm.s32 $0x140;
	[bflag:$0x0] =	sbarrier.arrive $0xFFFF  }
.LBB2_2:
0x27: {  	p0 =	sne.s32 s3, $0x62C0;
	[tilespmem:s5+$0x9180] =	vst v1;
	s6 =	smov.u32 s3;
	s3 =	sadd.s32 $0x140, s3  }
.Ltmp0:
0x28: {  	[tilespmem:s5+$0xAA80] =	vst v1;
	(pc) =	sbr.rel @p0 .LBB2_2-.Ltmp0, $2  }
0x29: {  	_ =	sdelay $0x2  }
0x2a: {  	s5 =	sshra.s32 s6, $0x2  }
0x2b: {  	[tilespmem:s5+$0x9180] =	vst v1  }
0x2c: {  	[tilespmem:s5+$0xAA80] =	vst v1;
	s29 =	simm.s32 $0x0  }
.LBB2_4:
0x2d: {  	s3 =	smul.u32 $0xFA0, s29  }
0x2e: {  	s5 =	rddreg [dreg:$0x13]  }
0x2f: {  	s3 =	sadd.s32 s5, s3  }
0x30: {  	s12 =	rddreg [dreg:$0x4];
	s6 =	simm.s32 $0xFA0;
	s3 =	sshrl.u32 s3, $0x3  }
0x31: {  	s7 =	simm.s32 $0x4E200;
	s8 =	simm.s32 $0x0;
	s5 =	sadd.s32 s12, s3  }
0x32: {  	[tilespmem:s8], [sflag:$0x5] =	stream.strided.gather [hbm4b:s5+s6], $0x1F40, s7, s6, $0x38;
	[tilespmem:$0x1CCE0] =	vst v63  }
0x33: {  	_ =	swait.ge [sflag:s13], $0x1F40  }
0x34: {  	s15 =	rddreg [dreg:$0x5]  }
0x35: {  	[sflag:s13] =	ssyncset.done $0x0;
	s3 =	sadd.s32 s15, s3  }
0x36: {  	s17 =	simm.s32 $0x1F40;
	[sflag:s13] =	ssyncadd.s32 $0xFFFFE0C0;
	s5 =	sadd.s32 $0x9C40, s3  }
0x37: {  	[tilespmem:s17], [sflag:$0x5] =	stream.linear.gather [hbm4b:s5+s8], $0xFA0, $0x38;
	[tilespmem:$0x1CCE0] =	vst v63  }
0x38: {  	_ =	swait.ge [sflag:s13], $0xFA0  }
0x39: {  	[sflag:s13] =	ssyncset.done $0x0  }
0x3a: {  	s24 =	simm.s32 $0x2EE0;
	[sflag:s13] =	ssyncadd.s32 $0xFFFFF060  }
0x3b: {  	[tilespmem:s24], [sflag:$0x5] =	stream.linear.gather [hbm4b:s3+s8], $0xFA0, $0x38;
	[tilespmem:$0x1CCE0] =	vst v63  }
0x3c: {  	_ =	swait.ge [sflag:s13], $0xFA0  }
0x3d: {  	[sflag:s13] =	ssyncset.done $0x0  }
0x3e: {  	[sflag:s13] =	ssyncadd.s32 $0xFFFFF060  }
0x3f: {  	v3 =	vld [tilespmem:$0xFA0]  }
0x40: {  	v4 =	vld [tilespmem:$0x0];
	_ =	sdelay $0x2  }
0x41: {  	v7 =	vld [tilespmem:$0x1F40]  }
0x42: {  	v10 =	vld [tilespmem:$0x10]  }
0x43: {  	v33 =	vld [tilespmem:$0xFB0];
	v3 =	vmul.f32 $4.000000000e+00, v3;
	v4 =	vmul.f32 $4.000000000e+00, v4  }
0x44: {  	v15 =	vld [tilespmem:$0x1F50]  }
0x45: {  	v24 =	vld [tilespmem:$0xFE0];
	v5 =	vtrunc.f32 v3;
	v6 =	vtrunc.f32 v4  }
0x46: {  	v5 =	vcvt.f32.s32 v5;
	v6 =	vcvt.f32.s32 v6  }
0x47: {  	v7 =	vshll.u32 v7, $0x1;
	v10 =	vmul.f32 $4.000000000e+00, v10  }
0x48: {  	v36 =	vmul.f32 $4.000000000e+00, v33;
	vm0 =	vlt.s32 v5, $0x3;
	vm9 =	vlt.s32 v6, $0x3  }
0x49: {  	v46 =	vshll.u32 v15, $0x1;
	v5 =	vnsel vm0, $0x3, v5;
	v6 =	vnsel vm9, $0x3, v6  }
0x4a: {  	v31 =	vmul.f32 $4.000000000e+00, v24;
	v8 =	vmul.u32 $0x5, v5;
	v9 =	vcvt.s32.f32 v6  }
0x4b: {  	v7 =	vor.u32 v0, v7;
	v38 =	vtrunc.f32 v10;
	v5 =	vcvt.s32.f32 v5  }
0x4c: {  	v39 =	vtrunc.f32 v36;
	v6 =	vadd.s32 v6, v8;
	v4 =	vsub.f32 v4, v9  }
0x4d: {  	v3 =	vsub.f32 v3, v5;
	v9 =	vcvt.f32.s32 v38;
	v34 =	vadd.s32 $0x5, v6  }
0x4e: {  	v35 =	vshrl.u32 v6, $0x1;
	v6 =	vand.u32 $0x1, v6;
	v11 =	vshrl.u32 v34, $0x1  }
0x4f: {  	vm10 =	veq.s32 v6, $0x1;
	v12 =	vsub.f32 $1.000000000e+00, v4;
	v13 =	vsub.f32 $1.000000000e+00, v3  }
0x50: {  	v5 =	vand.u32 $0x1, v34;
	vm12 =	vlt.s32 v9, $0x3;
	v6 =	vsel vm10, $0xC, v2  }
0x51: {  	v42 =	vld [tilespmem:$0x20];
	vm11 =	veq.s32 v5, $0x1;
	v9 =	vnsel vm12, $0x3, v9;
	v14 =	vmul.f32 v13, v12  }
0x52: {  	v43 =	vld [tilespmem:$0xFC0];
	v6 =	vadd.s32 v35, v6;
	v13 =	vmul.f32 v13, v4;
	v12 =	vmul.f32 v3, v12  }
0x53: {  	v37 =	vsel vm11, $0xC, v2;
	v3 =	vmul.f32 v3, v4;
	v40 =	vcvt.s32.f32 v9  }
0x54: {  	v35 =	vtrunc.f32 v31;
	v6 =	vmul.u32 $0x4E20, v6;
	v8 =	vadd.s32 v11, v37  }
0x55: {  	v11 =	vcvt.f32.s32 v39;
	v8 =	vmul.u32 $0x4E20, v8;
	v41 =	vpack.i.f32.bf16 v13, v14  }
0x56: {  	v3 =	vpack.i.f32.bf16 v3, v12;
	v4 =	vsub.f32 v10, v40;
	v14 =	vor.u32 v0, v46  }
0x57: {  	v13 =	vmul.f32 $4.000000000e+00, v42;
	v10 =	vmul.f32 $4.000000000e+00, v43;
	vm13 =	vlt.s32 v11, $0x3  }
0x58: {  	v6 =	vadd.s32 v7, v6;
	v11 =	vnsel vm13, $0x3, v11;
	v7 =	vadd.s32 v7, v8  }
0x59: {  	v18 =	vtrunc.f32 v10;
	v16 =	vmul.u32 $0x5, v11;
	v11 =	vcvt.s32.f32 v11  }
0x5a: {  	v49 =	vsub.f32 $1.000000000e+00, v4;
	v50 =	vtrunc.f32 v13;
	v51 =	vcvt.f32.s32 v18  }
0x5b: {  	v9 =	vadd.s32 v9, v16;
	v5 =	vsub.f32 v36, v11;
	v16 =	vcvt.f32.s32 v50  }
0x5c: {  	vm5 =	vlt.s32 v51, $0x3;
	v44 =	vadd.s32 $0x5, v9;
	v45 =	vand.u32 $0x1, v9  }
0x5d: {  	v9 =	vshrl.u32 v9, $0x1;
	v12 =	vnsel vm5, $0x3, v51;
	vm14 =	veq.s32 v45, $0x1  }
0x5e: {  	v53 =	vld [tilespmem:$0x1F60];
	v47 =	vshrl.u32 v44, $0x1;
	v11 =	vand.u32 $0x1, v44;
	v17 =	vsub.f32 $1.000000000e+00, v5  }
0x5f: {  	v56 =	vld [tilespmem:$0x30];
	vm4 =	vlt.s32 v16, $0x3;
	v15 =	vmul.f32 v5, v49;
	v20 =	vcvt.s32.f32 v12  }
0x60: {  	v12 =	vmul.u32 $0x5, v12;
	v48 =	vsel vm14, $0xC, v2;
	vm15 =	veq.s32 v11, $0x1  }
0x61: {  	v16 =	vnsel vm4, $0x3, v16;
	v9 =	vadd.s32 v9, v48;
	v52 =	vmul.f32 v17, v49  }
0x62: {  	v11 =	vsel vm15, $0xC, v2;
	v17 =	vmul.f32 v17, v4;
	v4 =	vmul.f32 v5, v4  }
0x63: {  	v19 =	vcvt.s32.f32 v16;
	v10 =	vsub.f32 v10, v20;
	v12 =	vadd.s32 v16, v12  }
0x64: {  	v55 =	vld [tilespmem:$0xFD0];
	v5 =	vshll.u32 v53, $0x1;
	v16 =	vmul.f32 $4.000000000e+00, v56;
	v9 =	vmul.u32 $0x4E20, v9  }
0x65: {  	v11 =	vadd.s32 v47, v11;
	v57 =	vadd.s32 $0x5, v12;
	v58 =	vshrl.u32 v12, $0x1  }
0x66: {  	v12 =	vand.u32 $0x1, v12;
	v5 =	vor.u32 v0, v5;
	v11 =	vmul.u32 $0x4E20, v11  }
0x67: {  	v54 =	vpack.i.f32.bf16 v17, v52;
	v4 =	vpack.i.f32.bf16 v4, v15;
	v13 =	vsub.f32 v13, v19  }
0x68: {  	v59 =	vshrl.u32 v57, $0x1;
	vm6 =	veq.s32 v12, $0x1;
	v17 =	vand.u32 $0x1, v57  }
0x69: {  	v49 =	vld [tilespmem:$0x1F80];
	v15 =	vmul.f32 $4.000000000e+00, v55;
	v20 =	vsub.f32 $1.000000000e+00, v10;
	v21 =	vtrunc.f32 v16  }
0x6a: {  	v9 =	vadd.s32 v14, v9;
	v12 =	vsel vm6, $0xC, v2;
	vm7 =	veq.s32 v17, $0x1  }
0x6b: {  	v62 =	vld [tilespmem:$0x1F70];
	v21 =	vcvt.f32.s32 v21;
	v11 =	vadd.s32 v14, v11;
	v12 =	vadd.s32 v58, v12  }
0x6c: {  	v17 =	vsel vm7, $0xC, v2;
	v60 =	vsub.f32 $1.000000000e+00, v13;
	v61 =	vtrunc.f32 v15  }
0x6d: {  	v12 =	vmul.u32 $0x4E20, v12;
	v17 =	vadd.s32 v59, v17;
	v19 =	vcvt.f32.s32 v61  }
0x6e: {  	vm9 =	vlt.s32 v21, $0x3;
	v55 =	vshll.u32 v49, $0x1;
	v22 =	vmul.f32 v20, v60  }
0x6f: {  	v17 =	vmul.u32 $0x4E20, v17;
	v20 =	vmul.f32 v20, v13;
	v18 =	vmul.f32 v10, v60  }
0x70: {  	v10 =	vmul.f32 v10, v13;
	v21 =	vnsel vm9, $0x3, v21;
	v13 =	vshll.u32 v62, $0x1  }
0x71: {  	v27 =	vld [tilespmem:$0x40];
	v59 =	vor.u32 v0, v55;
	v12 =	vadd.s32 v5, v12;
	vm8 =	vlt.s32 v19, $0x3  }
0x72: {  	v63 =	vcvt.s32.f32 v21;
	v38 =	vor.u32 v0, v13;
	v19 =	vnsel vm8, $0x3, v19  }
0x73: {  	v20 =	vpack.i.f32.bf16 v20, v22;
	v22 =	vcvt.f32.s32 v35;
	v23 =	vmul.u32 $0x5, v19  }
0x74: {  	v5 =	vadd.s32 v5, v17;
	v19 =	vcvt.s32.f32 v19;
	v16 =	vsub.f32 v16, v63  }
0x75: {  	v10 =	vpack.i.f32.bf16 v10, v18;
	vm12 =	vlt.s32 v22, $0x3;
	v26 =	vadd.s32 v21, v23  }
0x76: {  	v15 =	vsub.f32 v15, v19;
	v21 =	vmul.f32 $4.000000000e+00, v27;
	v34 =	vsub.f32 $1.000000000e+00, v16  }
0x77: {  	v42 =	vnsel vm12, $0x3, v22;
	v28 =	vadd.s32 $0x5, v26;
	v29 =	vshrl.u32 v26, $0x1  }
0x78: {  	[tilespmem:$0x3E90] =	vst v9;
	v18 =	vand.u32 $0x1, v26;
	v45 =	vmul.u32 $0x5, v42;
	v9 =	vcvt.s32.f32 v42  }
0x79: {  	[tilespmem:$0x3FC0] =	vst v41;
	v30 =	vshrl.u32 v28, $0x1;
	vm10 =	veq.s32 v18, $0x1;
	v17 =	vand.u32 $0x1, v28  }
0x7a: {  	[tilespmem:$0x4020] =	vst v3;
	v36 =	vsub.f32 $1.000000000e+00, v15;
	v37 =	vtrunc.f32 v21;
	v47 =	vmul.f32 v15, v34  }
0x7b: {  	[tilespmem:$0x3E80] =	vst v6;
	v50 =	vmul.f32 v15, v16;
	v18 =	vsel vm10, $0xC, v2;
	vm11 =	veq.s32 v17, $0x1  }
0x7c: {  	[tilespmem:$0x3ED0] =	vst v7;
	v40 =	vcvt.f32.s32 v37;
	v52 =	vsub.f32 v31, v9;
	v18 =	vadd.s32 v29, v18  }
0x7d: {  	[tilespmem:$0x3FD0] =	vst v54;
	v32 =	vsel vm11, $0xC, v2;
	v41 =	vmul.f32 v36, v34;
	v7 =	vmul.f32 v36, v16  }
0x7e: {  	[tilespmem:$0x4030] =	vst v4;
	v4 =	vpack.i.f32.bf16 v50, v47;
	v33 =	vadd.s32 v30, v32;
	vm13 =	vlt.s32 v40, $0x3  }
0x7f: {  	[tilespmem:$0x3EE0] =	vst v11;
	v39 =	vmul.u32 $0x4E20, v18;
	v3 =	vmul.u32 $0x4E20, v33;
	v44 =	vnsel vm13, $0x3, v40  }
0x80: {  	[tilespmem:$0x3EA0] =	vst v12;
	v6 =	vpack.i.f32.bf16 v7, v41;
	v46 =	vcvt.s32.f32 v44;
	v48 =	vadd.s32 v44, v45  }
0x81: {  	[tilespmem:$0x3EF0] =	vst v5;
	v3 =	vadd.s32 v38, v3;
	v51 =	vand.u32 $0x1, v48;
	v53 =	vadd.s32 $0x5, v48  }
0x82: {  	[tilespmem:$0x3FE0] =	vst v20;
	v8 =	vshrl.u32 v48, $0x1;
	vm14 =	veq.s32 v51, $0x1;
	v54 =	vand.u32 $0x1, v53  }
0x83: {  	[tilespmem:$0x4040] =	vst v10;
	v7 =	vsub.f32 v21, v46;
	v14 =	vsel vm14, $0xC, v2;
	vm15 =	veq.s32 v54, $0x1  }
0x84: {  	[tilespmem:$0x4050] =	vst v4;
	v9 =	vshrl.u32 v53, $0x1;
	v8 =	vadd.s32 v8, v14;
	v56 =	vsel vm15, $0xC, v2  }
0x85: {  	[tilespmem:$0x3F00] =	vst v3;
	v57 =	vsub.f32 $1.000000000e+00, v7;
	v8 =	vmul.u32 $0x4E20, v8;
	v3 =	vadd.s32 v9, v56  }
0x86: {  	v58 =	vsub.f32 $1.000000000e+00, v52;
	v43 =	vadd.s32 v38, v39;
	[tilespmem:$0x3FF0] =	vst v6;
	v3 =	vmul.u32 $0x4E20, v3  }
0x87: {  	[tilespmem:$0x3EB0] =	vst v43;
	v5 =	vmul.f32 v52, v7;
	v63 =	vmul.f32 v52, v57;
	v60 =	vadd.s32 v59, v8  }
0x88: {  	v62 =	vmul.f32 v58, v7;
	v61 =	vmul.f32 v58, v57;
	[tilespmem:$0x3EC0] =	vst v60;
	v3 =	vadd.s32 v59, v3  }
0x89: {  	v4 =	vpack.i.f32.bf16 v5, v63;
	[tilespmem:$0x3F10] =	vst v3  }
0x8a: {  	v3 =	vpack.i.f32.bf16 v62, v61;
	[tilespmem:$0x4060] =	vst v4  }
0x8b: {  	s25 =	simm.s32 $0x3E80;
	s26 =	simm.s32 $0x4140;
	[tilespmem:$0x4000] =	vst v3  }
0x8c: {  	[tilespmem:s26], [sflag:$0x1] =	stream.indirect.gather [hbm4b:s4+s0], $0x40, s25, s0, $0xb8;
	[tilespmem:$0x1CCE0] =	vst v63  }
0x8d: {  	s28 =	simm.s32 $0x3ED0;
	s31 =	simm.s32 $0x5540;
	s30 =	simm.s32 $0x0  }
0x8e: {  	[tilespmem:s31], [sflag:$0x1] =	stream.indirect.gather [hbm4b:s4+s0], $0x40, s28, s0, $0xb8;
	[tilespmem:$0x1CCE0] =	vst v63  }
.LBB2_5:
0x8f: {  	s5 =	smul.u32 $0xA0, s30;
	_ =	sdelay $0x1  }
0x90: {  	v3 =	vld [tilespmem:s5+$0xFF0]  }
0x91: {  	v4 =	vld [tilespmem:s5+$0x50];
	_ =	sdelay $0x3  }
0x92: {  	v3 =	vmul.f32 $4.000000000e+00, v3  }
0x93: {  	v4 =	vmul.f32 $4.000000000e+00, v4  }
0x94: {  	v5 =	vtrunc.f32 v3  }
0x95: {  	v6 =	vtrunc.f32 v4;
	v5 =	vcvt.f32.s32 v5  }
0x96: {  	v6 =	vcvt.f32.s32 v6  }
0x97: {  	vm0 =	vlt.s32 v5, $0x3  }
0x98: {  	vm9 =	vlt.s32 v6, $0x3;
	v5 =	vnsel vm0, $0x3, v5  }
0x99: {  	v6 =	vnsel vm9, $0x3, v6;
	v7 =	vmul.u32 $0x5, v5  }
0x9a: {  	v8 =	vcvt.s32.f32 v6  }
0x9b: {  	v9 =	vld [tilespmem:s5+$0x1F90];
	v5 =	vcvt.s32.f32 v5;
	v6 =	vadd.s32 v6, v7  }
0x9c: {  	v4 =	vsub.f32 v4, v8;
	v7 =	vand.u32 $0x1, v6  }
0x9d: {  	v3 =	vsub.f32 v3, v5;
	v5 =	vadd.s32 $0x5, v6;
	vm10 =	veq.s32 v7, $0x1  }
0x9e: {  	v6 =	vshrl.u32 v6, $0x1;
	v8 =	vand.u32 $0x1, v5;
	v7 =	vsel vm10, $0xC, v2  }
0x9f: {  	v5 =	vshrl.u32 v5, $0x1;
	vm11 =	veq.s32 v8, $0x1;
	v6 =	vadd.s32 v6, v7  }
0xa0: {  	v7 =	vshll.u32 v9, $0x1;
	v8 =	vsel vm11, $0xC, v2;
	v9 =	vsub.f32 $1.000000000e+00, v3  }
0xa1: {  	v6 =	vmul.u32 $0x4E20, v6;
	v5 =	vadd.s32 v5, v8;
	v8 =	vsub.f32 $1.000000000e+00, v4  }
0xa2: {  	v7 =	vor.u32 v0, v7;
	v5 =	vmul.u32 $0x4E20, v5  }
0xa3: {  	v6 =	vadd.s32 v7, v6;
	v10 =	vmul.f32 v9, v8;
	v9 =	vmul.f32 v9, v4  }
0xa4: {  	[tilespmem:$0x3F20] =	vst v6;
	v5 =	vadd.s32 v7, v5;
	v6 =	vmul.f32 v3, v8;
	v3 =	vmul.f32 v3, v4  }
0xa5: {  	[tilespmem:$0x3F70] =	vst v5;
	v4 =	vpack.i.f32.bf16 v9, v10  }
0xa6: {  	v3 =	vpack.i.f32.bf16 v3, v6;
	[tilespmem:$0x4080] =	vst v4  }
0xa7: {  	[tilespmem:$0x40E0] =	vst v3  }
0xa8: {  	v3 =	vld [tilespmem:s5+$0x1000]  }
0xa9: {  	v4 =	vld [tilespmem:s5+$0x60];
	_ =	sdelay $0x3  }
0xaa: {  	v3 =	vmul.f32 $4.000000000e+00, v3  }
0xab: {  	v4 =	vmul.f32 $4.000000000e+00, v4  }
0xac: {  	v5 =	vtrunc.f32 v3  }
0xad: {  	v6 =	vtrunc.f32 v4;
	v5 =	vcvt.f32.s32 v5  }
0xae: {  	v6 =	vcvt.f32.s32 v6  }
0xaf: {  	vm12 =	vlt.s32 v5, $0x3  }
0xb0: {  	vm13 =	vlt.s32 v6, $0x3;
	v5 =	vnsel vm12, $0x3, v5  }
0xb1: {  	v6 =	vnsel vm13, $0x3, v6;
	v7 =	vmul.u32 $0x5, v5  }
0xb2: {  	v8 =	vcvt.s32.f32 v6  }
0xb3: {  	v9 =	vld [tilespmem:s5+$0x1FA0];
	v5 =	vcvt.s32.f32 v5;
	v6 =	vadd.s32 v6, v7  }
0xb4: {  	v4 =	vsub.f32 v4, v8;
	v7 =	vand.u32 $0x1, v6  }
0xb5: {  	v3 =	vsub.f32 v3, v5;
	v5 =	vadd.s32 $0x5, v6;
	vm14 =	veq.s32 v7, $0x1  }
0xb6: {  	v6 =	vshrl.u32 v6, $0x1;
	v8 =	vand.u32 $0x1, v5;
	v7 =	vsel vm14, $0xC, v2  }
0xb7: {  	v5 =	vshrl.u32 v5, $0x1;
	vm15 =	veq.s32 v8, $0x1;
	v6 =	vadd.s32 v6, v7  }
0xb8: {  	v7 =	vshll.u32 v9, $0x1;
	v8 =	vsel vm15, $0xC, v2;
	v9 =	vsub.f32 $1.000000000e+00, v3  }
0xb9: {  	v6 =	vmul.u32 $0x4E20, v6;
	v5 =	vadd.s32 v5, v8;
	v8 =	vsub.f32 $1.000000000e+00, v4  }
0xba: {  	v7 =	vor.u32 v0, v7;
	v5 =	vmul.u32 $0x4E20, v5  }
0xbb: {  	v6 =	vadd.s32 v7, v6;
	v10 =	vmul.f32 v9, v8;
	v9 =	vmul.f32 v9, v4  }
0xbc: {  	[tilespmem:$0x3F30] =	vst v6;
	v5 =	vadd.s32 v7, v5;
	v6 =	vmul.f32 v3, v8;
	v3 =	vmul.f32 v3, v4  }
0xbd: {  	[tilespmem:$0x3F80] =	vst v5;
	v4 =	vpack.i.f32.bf16 v9, v10  }
0xbe: {  	v3 =	vpack.i.f32.bf16 v3, v6;
	[tilespmem:$0x4090] =	vst v4  }
0xbf: {  	[tilespmem:$0x40F0] =	vst v3  }
0xc0: {  	v3 =	vld [tilespmem:s5+$0x1010]  }
0xc1: {  	v4 =	vld [tilespmem:s5+$0x70];
	_ =	sdelay $0x3  }
0xc2: {  	v3 =	vmul.f32 $4.000000000e+00, v3  }
0xc3: {  	v4 =	vmul.f32 $4.000000000e+00, v4  }
0xc4: {  	v5 =	vtrunc.f32 v3  }
0xc5: {  	v6 =	vtrunc.f32 v4;
	v5 =	vcvt.f32.s32 v5  }
0xc6: {  	v6 =	vcvt.f32.s32 v6  }
0xc7: {  	vm4 =	vlt.s32 v5, $0x3  }
0xc8: {  	vm5 =	vlt.s32 v6, $0x3;
	v5 =	vnsel vm4, $0x3, v5  }
0xc9: {  	v6 =	vnsel vm5, $0x3, v6;
	v7 =	vmul.u32 $0x5, v5  }
0xca: {  	v8 =	vcvt.s32.f32 v6  }
0xcb: {  	v9 =	vld [tilespmem:s5+$0x1FB0];
	v5 =	vcvt.s32.f32 v5;
	v6 =	vadd.s32 v6, v7  }
0xcc: {  	v4 =	vsub.f32 v4, v8;
	v7 =	vand.u32 $0x1, v6  }
0xcd: {  	v3 =	vsub.f32 v3, v5;
	v5 =	vadd.s32 $0x5, v6;
	vm6 =	veq.s32 v7, $0x1  }
0xce: {  	v6 =	vshrl.u32 v6, $0x1;
	v8 =	vand.u32 $0x1, v5;
	v7 =	vsel vm6, $0xC, v2  }
0xcf: {  	v5 =	vshrl.u32 v5, $0x1;
	vm7 =	veq.s32 v8, $0x1;
	v6 =	vadd.s32 v6, v7  }
0xd0: {  	v7 =	vshll.u32 v9, $0x1;
	v8 =	vsel vm7, $0xC, v2;
	v9 =	vsub.f32 $1.000000000e+00, v3  }
0xd1: {  	v6 =	vmul.u32 $0x4E20, v6;
	v5 =	vadd.s32 v5, v8;
	v8 =	vsub.f32 $1.000000000e+00, v4  }
0xd2: {  	v7 =	vor.u32 v0, v7;
	v5 =	vmul.u32 $0x4E20, v5  }
0xd3: {  	v6 =	vadd.s32 v7, v6;
	v10 =	vmul.f32 v9, v8;
	v9 =	vmul.f32 v9, v4  }
0xd4: {  	[tilespmem:$0x3F40] =	vst v6;
	v5 =	vadd.s32 v7, v5;
	v6 =	vmul.f32 v3, v8;
	v3 =	vmul.f32 v3, v4  }
0xd5: {  	[tilespmem:$0x3F90] =	vst v5;
	v4 =	vpack.i.f32.bf16 v9, v10  }
0xd6: {  	v3 =	vpack.i.f32.bf16 v3, v6;
	[tilespmem:$0x40A0] =	vst v4  }
0xd7: {  	[tilespmem:$0x4100] =	vst v3  }
0xd8: {  	v3 =	vld [tilespmem:s5+$0x1020]  }
0xd9: {  	v4 =	vld [tilespmem:s5+$0x80];
	_ =	sdelay $0x3  }
0xda: {  	v3 =	vmul.f32 $4.000000000e+00, v3  }
0xdb: {  	v4 =	vmul.f32 $4.000000000e+00, v4  }
0xdc: {  	v5 =	vtrunc.f32 v3  }
0xdd: {  	v6 =	vtrunc.f32 v4;
	v5 =	vcvt.f32.s32 v5  }
0xde: {  	v6 =	vcvt.f32.s32 v6  }
0xdf: {  	vm8 =	vlt.s32 v5, $0x3  }
0xe0: {  	vm9 =	vlt.s32 v6, $0x3;
	v5 =	vnsel vm8, $0x3, v5  }
0xe1: {  	v6 =	vnsel vm9, $0x3, v6;
	v7 =	vmul.u32 $0x5, v5  }
0xe2: {  	v8 =	vcvt.s32.f32 v6  }
0xe3: {  	v9 =	vld [tilespmem:s5+$0x1FC0];
	v5 =	vcvt.s32.f32 v5;
	v6 =	vadd.s32 v6, v7  }
0xe4: {  	v4 =	vsub.f32 v4, v8;
	v7 =	vand.u32 $0x1, v6  }
0xe5: {  	v3 =	vsub.f32 v3, v5;
	v5 =	vadd.s32 $0x5, v6;
	vm10 =	veq.s32 v7, $0x1  }
0xe6: {  	v6 =	vshrl.u32 v6, $0x1;
	v8 =	vand.u32 $0x1, v5;
	v7 =	vsel vm10, $0xC, v2  }
0xe7: {  	v5 =	vshrl.u32 v5, $0x1;
	vm11 =	veq.s32 v8, $0x1;
	v6 =	vadd.s32 v6, v7  }
0xe8: {  	v7 =	vshll.u32 v9, $0x1;
	v8 =	vsel vm11, $0xC, v2;
	v9 =	vsub.f32 $1.000000000e+00, v3  }
0xe9: {  	v6 =	vmul.u32 $0x4E20, v6;
	v5 =	vadd.s32 v5, v8;
	v8 =	vsub.f32 $1.000000000e+00, v4  }
0xea: {  	v7 =	vor.u32 v0, v7;
	v5 =	vmul.u32 $0x4E20, v5  }
0xeb: {  	v6 =	vadd.s32 v7, v6;
	v10 =	vmul.f32 v9, v8;
	v9 =	vmul.f32 v9, v4  }
0xec: {  	[tilespmem:$0x3F50] =	vst v6;
	v5 =	vadd.s32 v7, v5;
	v6 =	vmul.f32 v3, v8;
	v3 =	vmul.f32 v3, v4  }
0xed: {  	[tilespmem:$0x3FA0] =	vst v5;
	v4 =	vpack.i.f32.bf16 v9, v10  }
0xee: {  	v3 =	vpack.i.f32.bf16 v3, v6;
	[tilespmem:$0x40B0] =	vst v4  }
0xef: {  	[tilespmem:$0x4110] =	vst v3  }
0xf0: {  	v3 =	vld [tilespmem:s5+$0x1030]  }
0xf1: {  	v4 =	vld [tilespmem:s5+$0x90];
	_ =	sdelay $0x3  }
0xf2: {  	v3 =	vmul.f32 $4.000000000e+00, v3  }
0xf3: {  	v4 =	vmul.f32 $4.000000000e+00, v4  }
0xf4: {  	v5 =	vtrunc.f32 v3  }
0xf5: {  	v6 =	vtrunc.f32 v4;
	v5 =	vcvt.f32.s32 v5  }
0xf6: {  	v6 =	vcvt.f32.s32 v6  }
0xf7: {  	vm12 =	vlt.s32 v5, $0x3  }
0xf8: {  	vm13 =	vlt.s32 v6, $0x3;
	v5 =	vnsel vm12, $0x3, v5  }
0xf9: {  	v6 =	vnsel vm13, $0x3, v6;
	v7 =	vmul.u32 $0x5, v5  }
0xfa: {  	v8 =	vcvt.s32.f32 v6  }
0xfb: {  	v9 =	vld [tilespmem:s5+$0x1FD0];
	v5 =	vcvt.s32.f32 v5;
	v6 =	vadd.s32 v6, v7  }
0xfc: {  	v4 =	vsub.f32 v4, v8;
	v7 =	vand.u32 $0x1, v6  }
0xfd: {  	v3 =	vsub.f32 v3, v5;
	v5 =	vadd.s32 $0x5, v6;
	vm14 =	veq.s32 v7, $0x1  }
0xfe: {  	v6 =	vshrl.u32 v6, $0x1;
	v8 =	vand.u32 $0x1, v5;
	v7 =	vsel vm14, $0xC, v2  }
0xff: {  	v5 =	vshrl.u32 v5, $0x1;
	vm15 =	veq.s32 v8, $0x1;
	v6 =	vadd.s32 v6, v7  }
0x100: {  	v7 =	vshll.u32 v9, $0x1;
	v8 =	vsel vm15, $0xC, v2;
	v9 =	vsub.f32 $1.000000000e+00, v3  }
0x101: {  	v6 =	vmul.u32 $0x4E20, v6;
	v5 =	vadd.s32 v5, v8;
	v8 =	vsub.f32 $1.000000000e+00, v4  }
0x102: {  	v7 =	vor.u32 v0, v7;
	v5 =	vmul.u32 $0x4E20, v5  }
0x103: {  	v6 =	vadd.s32 v7, v6;
	v10 =	vmul.f32 v9, v8;
	v9 =	vmul.f32 v9, v4  }
0x104: {  	[tilespmem:$0x3F60] =	vst v6;
	v5 =	vadd.s32 v7, v5;
	v6 =	vmul.f32 v3, v8;
	v3 =	vmul.f32 v3, v4  }
0x105: {  	[tilespmem:$0x3FB0] =	vst v5;
	v4 =	vpack.i.f32.bf16 v9, v10  }
0x106: {  	v3 =	vpack.i.f32.bf16 v3, v6;
	[tilespmem:$0x40C0] =	vst v4  }
0x107: {  	s3 =	simm.s32 $0x3F20;
	s6 =	simm.s32 $0x6940;
	[tilespmem:$0x4120] =	vst v3  }
0x108: {  	[tilespmem:s6], [sflag:$0x2] =	stream.indirect.gather [hbm4b:s4+s0], $0x40, s3, s0, $0xb8;
	[tilespmem:$0x1CCE0] =	vst v63  }
0x109: {  	s10 =	simm.s32 $0x3F70;
	s12 =	simm.s32 $0x7D40  }
0x10a: {  	[tilespmem:s12], [sflag:$0x2] =	stream.indirect.gather [hbm4b:s4+s0], $0x40, s10, s0, $0xb8;
	[tilespmem:$0x1CCE0] =	vst v63  }
0x10b: {  	_ =	swait.ge [sflag:s19], $0x1400  }
0x10c: {  	[sflag:s19] =	ssyncset.done $0x0  }
0x10d: {  	[sflag:s19] =	ssyncadd.s32 $0xFFFFEC00  }
0x10e: {  	_ =	swait.ge [sflag:s19], $0x1400  }
0x10f: {  	p0 =	seq.s32 s30, $0x0;
	[sflag:s19] =	ssyncset.done $0x0  }
0x110: {  	s3 =	simm.s32 @!p0 $0x3;
	[sflag:s19] =	ssyncadd.s32 $0xFFFFEC00  }
0x111: {  	_ =	swait.ge @!p0 [sflag:s3], $0x1900  }
0x112: {  	[sflag:s3] =	ssyncset.done @!p0 $0x0  }
0x113: {  	s8 =	simm.s32 $0x55B0;
	[sflag:s3] =	ssyncadd.s32 @!p0 $0xFFFFE700;
	s3 =	simm.s32 $0x0  }
0x114: {  	s7 =	simm.s32 $0x1;
	s9 =	simm.s32 $0x3FC1;
	s13 =	sand.u32 $0x78, s3;
	v3 =	vld [tilespmem:s8+$0xFFFFEBD0]  }
0x115: {  	s15 =	sand.u32 $0x7, s7;
	v11 =	vld.msk [tilespmem:s9+$0x0 ss:$0x0], $0xffff;
	s10 =	sadd.s32 $0x4020, s13  }
0x116: {  	v4 =	vld [tilespmem:s8+$0xFFFFFFD0];
	s6 =	sor.u32 s15, s10  }
0x117: {  	v12 =	vld.msk [tilespmem:s6+$0x0 ss:$0x0], $0xffff;
	_ =	sdelay $0x4  }
0x118: {  	v3 =	vmul.bf16 v11, v3;
	v4 =	vmul.bf16 v12, v4;
	_ =	sdelay $0x1  }
0x119: {  	v3 =	vadd.bf16 v4, v3;
	_ =	sdelay $0x1  }
0x11a: {  	v4 =	vunpack.i.u.bf16.f32 v3;
	v3 =	vunpack.i.l.bf16.f32 v3  }
0x11b: {  	v3 =	vadd.f32 v3, v4  }
0x11c: {  	s6 =	simm.s32 $0x9190  }
0x11d: {  	[tilespmem:s6+$0x0] =	vst v3  }
0x11e: {  	s17 =	simm.s32 $0x2;
	v3 =	vld [tilespmem:s8+$0xFFFFEBE0]  }
0x11f: {  	s25 =	simm.s32 $0x3;
	s24 =	simm.s32 $0x5630;
	s12 =	sand.u32 $0x78, s17;
	v4 =	vld [tilespmem:s8+$0xFFFFFFE0]  }
0x120: {  	s26 =	simm.s32 $0x3FC3;
	s25 =	sand.u32 $0x7, s25;
	s12 =	sadd.s32 $0x4020, s12;
	v5 =	vld [tilespmem:s24+$0xFFFFEBD0]  }
0x121: {  	s25 =	sor.u32 s25, s12;
	v16 =	vld.msk [tilespmem:s26+$0x0 ss:$0x0], $0xffff  }
0x122: {  	v15 =	vld.msk [tilespmem:s25+$0x0 ss:$0x0], $0xffff  }
0x123: {  	v6 =	vld [tilespmem:s24+$0xFFFFFFD0]  }
0x124: {  	v3 =	vmul.bf16 v11, v3;
	v4 =	vmul.bf16 v12, v4;
	_ =	sdelay $0x1  }
0x125: {  	v4 =	vadd.bf16 v4, v3  }
0x126: {  	s3 =	sand.u32 $0x6, s3;
	v5 =	vmul.bf16 v16, v5  }
0x127: {  	v9 =	vld [tilespmem:s8+$0xFFFFFF90];
	s3 =	sor.u32 s3, s10;
	v6 =	vmul.bf16 v15, v6;
	v7 =	vunpack.i.u.bf16.f32 v4;
	v8 =	vunpack.i.l.bf16.f32 v4  }
0x128: {  	v3 =	vld.msk [tilespmem:s3+$0x0 ss:$0x0], $0xffff;
	v7 =	vadd.f32 v8, v7  }
0x129: {  	v5 =	vadd.bf16 v6, v5;
	v4 =	vld.msk [tilespmem:s9+$0xFFFFFFFF ss:$0x0], $0xffff  }
0x12a: {  	v8 =	vld [tilespmem:s8+$0xFFFFEB90];
	[tilespmem:s6+$0x10] =	vst v7  }
0x12b: {  	v6 =	vunpack.i.u.bf16.f32 v5;
	v5 =	vunpack.i.l.bf16.f32 v5;
	v7 =	vld [tilespmem:s8+$0xFFFFEBF0]  }
0x12c: {  	s25 =	sand.u32 $0x6, s17;
	v13 =	vadd.f32 v5, v6;
	v10 =	vld [tilespmem:s8+$0xFFFFFFF0]  }
0x12d: {  	v17 =	vld [tilespmem:s24+$0xFFFFEB90];
	s3 =	sor.u32 s25, s12;
	s25 =	simm.s32 $0x9230  }
0x12e: {  	v18 =	vld [tilespmem:s24+$0xFFFFFF90];
	[tilespmem:s25+$0x0] =	vst v13  }
0x12f: {  	v13 =	vld [tilespmem:s24+$0xFFFFEBE0];
	v9 =	vmul.bf16 v3, v9;
	v8 =	vmul.bf16 v4, v8  }
0x130: {  	v14 =	vld [tilespmem:s24+$0xFFFFFFE0]  }
0x131: {  	v6 =	vld.msk [tilespmem:s26+$0xFFFFFFFF ss:$0x0], $0xffff;
	s26 =	simm.s32 $0x4;
	v8 =	vadd.bf16 v9, v8;
	v7 =	vmul.bf16 v11, v7;
	v10 =	vmul.bf16 v12, v10  }
0x132: {  	s28 =	simm.s32 $0x56B0;
	s10 =	simm.s32 $0x5;
	v5 =	vld.msk [tilespmem:s3+$0x0 ss:$0x0], $0xffff;
	s9 =	sand.u32 $0x78, s26  }
0x133: {  	s12 =	simm.s32 $0x3FC5;
	s7 =	sadd.s32 $0x4020, s9;
	s9 =	sand.u32 $0x7, s10;
	v9 =	vunpack.i.u.bf16.f32 v8;
	v8 =	vunpack.i.l.bf16.f32 v8;
	v7 =	vadd.bf16 v10, v7;
	v10 =	vld [tilespmem:s28+$0xFFFFEBD0]  }
0x134: {  	s9 =	sor.u32 s9, s7;
	v19 =	vadd.f32 v8, v9;
	v8 =	vld.msk [tilespmem:s12+$0x0 ss:$0x0], $0xffff  }
0x135: {  	v13 =	vmul.bf16 v16, v13;
	v14 =	vmul.bf16 v15, v14;
	v9 =	vld.msk [tilespmem:s9+$0x0 ss:$0x0], $0xffff  }
0x136: {  	v20 =	vunpack.i.u.bf16.f32 v7;
	v7 =	vunpack.i.l.bf16.f32 v7;
	[tilespmem:s6+$0xFFFFFFB0] =	vst v19;
	v19 =	vld [tilespmem:s28+$0xFFFFFFD0]  }
0x137: {  	v13 =	vadd.bf16 v14, v13;
	v7 =	vadd.f32 v7, v20;
	v20 =	vld [tilespmem:s8+$0xFFFFEBA0]  }
0x138: {  	s10 =	simm.s32 $0x5730;
	v18 =	vmul.bf16 v5, v18;
	v14 =	vmul.bf16 v6, v17;
	v17 =	vld [tilespmem:s8+$0xFFFFFFA0]  }
0x139: {  	v25 =	vld [tilespmem:s10+$0xFFFFFFD0];
	[tilespmem:s6+$0x20] =	vst v7;
	v7 =	vunpack.i.u.bf16.f32 v13;
	v13 =	vunpack.i.l.bf16.f32 v13  }
0x13a: {  	v14 =	vadd.bf16 v18, v14;
	v22 =	vmul.bf16 v8, v10;
	v10 =	vld.msk [tilespmem:s12+$0xFFFFFFFF ss:$0x0], $0xffff;
	v13 =	vadd.f32 v13, v7  }
0x13b: {  	v21 =	vld [tilespmem:s8+$0xFFFFEC00];
	v19 =	vmul.bf16 v9, v19  }
0x13c: {  	v23 =	vunpack.i.u.bf16.f32 v14;
	v18 =	vld [tilespmem:s8+$0x0];
	v20 =	vmul.bf16 v4, v20;
	[tilespmem:s25+$0x10] =	vst v13  }
0x13d: {  	s3 =	sand.u32 $0x6, s26;
	v13 =	vunpack.i.l.bf16.f32 v14;
	v14 =	vmul.bf16 v3, v17;
	v17 =	vadd.bf16 v19, v22;
	v19 =	vld [tilespmem:s24+$0xFFFFEBF0]  }
0x13e: {  	s3 =	sor.u32 s3, s7;
	v13 =	vadd.f32 v13, v23;
	v22 =	vld [tilespmem:s24+$0xFFFFFFF0]  }
0x13f: {  	v7 =	vld.msk [tilespmem:s3+$0x0 ss:$0x0], $0xffff;
	v14 =	vadd.bf16 v14, v20;
	v23 =	vunpack.i.u.bf16.f32 v17;
	v17 =	vunpack.i.l.bf16.f32 v17  }
0x140: {  	v20 =	vld [tilespmem:s28+$0xFFFFEB90];
	v17 =	vadd.f32 v17, v23  }
0x141: {  	s26 =	simm.s32 $0x92D0;
	[tilespmem:s25+$0xFFFFFFB0] =	vst v13;
	v13 =	vld [tilespmem:s28+$0xFFFFFF90];
	v23 =	vunpack.i.u.bf16.f32 v14;
	v14 =	vunpack.i.l.bf16.f32 v14  }
0x142: {  	v24 =	vld [tilespmem:s24+$0xFFFFEBA0];
	v14 =	vadd.f32 v14, v23;
	[tilespmem:s26+$0x0] =	vst v17  }
0x143: {  	v19 =	vmul.bf16 v16, v19;
	v22 =	vmul.bf16 v15, v22;
	v17 =	vld [tilespmem:s28+$0xFFFFEBE0]  }
0x144: {  	[tilespmem:s6+$0xFFFFFFC0] =	vst v14;
	v14 =	vld [tilespmem:s28+$0xFFFFFFE0]  }
0x145: {  	s7 =	simm.s32 $0x6;
	v11 =	vmul.bf16 v11, v21;
	v12 =	vmul.bf16 v12, v18;
	v23 =	vld [tilespmem:s24+$0xFFFFFFA0];
	v19 =	vadd.bf16 v22, v19  }
0x146: {  	s15 =	simm.s32 $0x7;
	s13 =	sand.u32 $0x78, s7;
	v21 =	vld [tilespmem:s10+$0xFFFFEBD0]  }
0x147: {  	s9 =	sand.u32 $0x7, s15;
	s12 =	simm.s32 $0x3FC7;
	s3 =	sadd.s32 $0x4020, s13;
	v18 =	vld [tilespmem:s8+$0xFFFFEBB0];
	v22 =	vadd.bf16 v12, v11;
	v12 =	vunpack.i.u.bf16.f32 v19;
	v19 =	vunpack.i.l.bf16.f32 v19  }
0x148: {  	s9 =	sor.u32 s9, s3;
	v20 =	vmul.bf16 v10, v20;
	v11 =	vld.msk [tilespmem:s12+$0x0 ss:$0x0], $0xffff;
	v13 =	vmul.bf16 v7, v13;
	v19 =	vadd.f32 v19, v12  }
0x149: {  	v12 =	vld.msk [tilespmem:s9+$0x0 ss:$0x0], $0xffff;
	v17 =	vmul.bf16 v8, v17;
	v14 =	vmul.bf16 v9, v14  }
0x14a: {  	v27 =	vld [tilespmem:s8+$0xFFFFFFB0];
	v13 =	vadd.bf16 v13, v20;
	v20 =	vmul.bf16 v6, v24;
	v23 =	vmul.bf16 v5, v23;
	[tilespmem:s25+$0x20] =	vst v19  }
0x14b: {  	v26 =	vunpack.i.u.bf16.f32 v22;
	v14 =	vadd.bf16 v14, v17;
	v17 =	vld [tilespmem:s24+$0xFFFFEC00]  }
0x14c: {  	v22 =	vunpack.i.l.bf16.f32 v22;
	v57 =	vunpack.i.l.bf16.f32 v13;
	v20 =	vadd.bf16 v23, v20;
	v58 =	vld [tilespmem:s24+$0x0]  }
0x14d: {  	v19 =	vadd.f32 v22, v26;
	v22 =	vunpack.i.u.bf16.f32 v13;
	v21 =	vmul.bf16 v11, v21  }
0x14e: {  	v60 =	vld [tilespmem:s10+$0xFFFFFF90];
	s17 =	sand.u32 $0x6, s7;
	v28 =	vunpack.i.u.bf16.f32 v14;
	v14 =	vunpack.i.l.bf16.f32 v14;
	v25 =	vmul.bf16 v12, v25  }
0x14f: {  	s3 =	sor.u32 s17, s3;
	v23 =	vld [tilespmem:s10+$0xFFFFEB90];
	v18 =	vmul.bf16 v4, v18;
	v59 =	vmul.bf16 v3, v27;
	v28 =	vadd.f32 v14, v28  }
0x150: {  	v13 =	vld.msk [tilespmem:s3+$0x0 ss:$0x0], $0xffff;
	v22 =	vadd.f32 v57, v22;
	v21 =	vadd.bf16 v25, v21;
	v16 =	vmul.bf16 v16, v17  }
0x151: {  	v14 =	vld.msk [tilespmem:s12+$0xFFFFFFFF ss:$0x0], $0xffff;
	[tilespmem:s26+$0x10] =	vst v28;
	v17 =	vunpack.i.u.bf16.f32 v20;
	v20 =	vunpack.i.l.bf16.f32 v20;
	v15 =	vmul.bf16 v15, v58  }
0x152: {  	v18 =	vadd.bf16 v59, v18;
	v61 =	vld [tilespmem:s28+$0xFFFFEBF0];
	v17 =	vadd.f32 v20, v17  }
0x153: {  	[tilespmem:s26+$0xFFFFFFB0] =	vst v22;
	v20 =	vld [tilespmem:s28+$0xFFFFFFF0];
	v22 =	vunpack.i.u.bf16.f32 v21;
	v21 =	vunpack.i.l.bf16.f32 v21;
	v16 =	vadd.bf16 v15, v16  }
0x154: {  	[tilespmem:s6+$0x30] =	vst v19;
	v62 =	vld [tilespmem:s28+$0xFFFFEBA0];
	v15 =	vunpack.i.u.bf16.f32 v18;
	v18 =	vunpack.i.l.bf16.f32 v18;
	v21 =	vadd.f32 v21, v22  }
0x155: {  	s3 =	simm.s32 $0x9370;
	v22 =	vmul.bf16 v13, v60;
	[tilespmem:s25+$0xFFFFFFC0] =	vst v17;
	v17 =	vld [tilespmem:s28+$0xFFFFFFA0];
	v18 =	vadd.f32 v18, v15  }
0x156: {  	v15 =	vld [tilespmem:s24+$0xFFFFEBB0];
	v19 =	vunpack.i.u.bf16.f32 v16;
	v16 =	vunpack.i.l.bf16.f32 v16;
	[tilespmem:s3+$0x0] =	vst v21;
	v21 =	vmul.bf16 v14, v23  }
0x157: {  	v63 =	vadd.f32 v16, v19;
	v16 =	vld [tilespmem:s24+$0xFFFFFFB0]  }
0x158: {  	[tilespmem:s6+$0xFFFFFFD0] =	vst v18;
	v18 =	vld [tilespmem:s10+$0xFFFFEBE0];
	v19 =	vmul.bf16 v8, v61;
	v23 =	vadd.bf16 v22, v21;
	v21 =	vmul.bf16 v9, v20  }
0x159: {  	s31 =	sadd.s32 $0x50, s5;
	s9 =	simm.s32 $0x5730;
	v20 =	vld [tilespmem:s10+$0xFFFFFFE0];
	v22 =	vmul.bf16 v10, v62;
	[tilespmem:s25+$0x30] =	vst v63  }
.LBB2_6:
0x15a: {  	v24 =	vunpack.i.u.bf16.f32 v23;
	v23 =	vunpack.i.l.bf16.f32 v23;
	v19 =	vadd.bf16 v21, v19;
	v21 =	vld [tilespmem:s8+$0xFFFFEBC0];
	s13 =	smov.u32 s7;
	s7 =	sadd.s32 $0x2, s7  }
0x15b: {  	s10 =	sadd.s32 $0x80, s10;
	v17 =	vmul.bf16 v7, v17;
	s15 =	sand.u32 $0x78, s7;
	s13 =	sadd.s32 $0x3, s13;
	v23 =	vadd.f32 v23, v24;
	v15 =	vmul.bf16 v6, v15;
	v24 =	vld [tilespmem:s8+$0xFFFFFFC0]  }
0x15c: {  	s12 =	sadd.s32 $0x2, s12;
	s8 =	sadd.s32 $0x4020, s15;
	s13 =	sand.u32 $0x7, s13;
	v25 =	vld [tilespmem:s10+$0xFFFFEBD0];
	v26 =	vunpack.i.u.bf16.f32 v19;
	v19 =	vunpack.i.l.bf16.f32 v19;
	v16 =	vmul.bf16 v5, v16  }
0x15d: {  	p1 =	slt.u32 s7, $0x4E;
	s15 =	sand.u32 $0x6, s7;
	v17 =	vadd.bf16 v17, v22;
	v27 =	vld.msk [tilespmem:s12+$0x0 ss:$0x0], $0xffff;
	s13 =	sor.u32 s13, s8;
	[tilespmem:s3+$0xFFFFFFB0] =	vst v23;
	v19 =	vadd.f32 v19, v26  }
0x15e: {  	s15 =	sor.u32 s15, s8;
	v18 =	vmul.bf16 v11, v18;
	s8 =	smov.u32 s24;
	s24 =	smov.u32 s28;
	v22 =	vld.msk [tilespmem:s13+$0x0 ss:$0x0], $0xffff;
	v20 =	vmul.bf16 v12, v20;
	v15 =	vadd.bf16 v16, v15  }
0x15f: {  	s28 =	smov.u32 s9;
	s9 =	smov.u32 s10;
	v23 =	vunpack.i.u.bf16.f32 v17;
	v17 =	vunpack.i.l.bf16.f32 v17;
	v16 =	vld [tilespmem:s10+$0xFFFFFFD0];
	[tilespmem:s26+$0x20] =	vst v19;
	v19 =	vmul.bf16 v4, v21;
	v4 =	vmovc v6;
	v6 =	vmovc v10  }
0x160: {  	v17 =	vadd.f32 v17, v23;
	v10 =	vmovc v14;
	v18 =	vadd.bf16 v20, v18;
	v20 =	vld [tilespmem:s24+$0xFFFFEC00];
	v21 =	vunpack.i.u.bf16.f32 v15  }
0x161: {  	v14 =	vunpack.i.l.bf16.f32 v15;
	v15 =	vmul.bf16 v3, v24;
	v3 =	vmovc v5;
	v5 =	vmovc v7;
	v7 =	vmov v13;
	v23 =	vld [tilespmem:s24+$0x0]  }
0x162: {  	v13 =	vld.msk [tilespmem:s15+$0x0 ss:$0x0], $0xffff;
	v24 =	vunpack.i.u.bf16.f32 v18;
	v18 =	vunpack.i.l.bf16.f32 v18;
	[tilespmem:s26+$0xFFFFFFC0] =	vst v17;
	v17 =	vadd.f32 v14, v21  }
0x163: {  	v15 =	vadd.bf16 v15, v19;
	v14 =	vld.msk [tilespmem:s12+$0xFFFFFFFF ss:$0x0], $0xffff;
	v18 =	vadd.f32 v18, v24  }
0x164: {  	v21 =	vmul.bf16 v27, v25;
	v19 =	vld [tilespmem:s10+$0xFFFFEB90];
	v16 =	vmul.bf16 v22, v16;
	[tilespmem:s25+$0xFFFFFFD0] =	vst v17  }
0x165: {  	v17 =	vunpack.i.u.bf16.f32 v15;
	v15 =	vunpack.i.l.bf16.f32 v15;
	v24 =	vld [tilespmem:s10+$0xFFFFFF90];
	[tilespmem:s3+$0x10] =	vst v18  }
0x166: {  	v18 =	vmul.bf16 v8, v20;
	v8 =	vmovc v11;
	v16 =	vadd.bf16 v16, v21;
	v21 =	vld [tilespmem:s28+$0xFFFFEBF0];
	v20 =	vmul.bf16 v9, v23  }
0x167: {  	v15 =	vadd.f32 v15, v17;
	v11 =	vmovc v27;
	v9 =	vmov v12;
	v12 =	vmov v22;
	v25 =	vld [tilespmem:s28+$0xFFFFFFF0]  }
0x168: {  	v17 =	vunpack.i.u.bf16.f32 v16;
	v16 =	vunpack.i.l.bf16.f32 v16;
	v22 =	vld [tilespmem:s28+$0xFFFFEBA0];
	v18 =	vadd.bf16 v20, v18  }
.Ltmp1:
0x169: {  	v19 =	vmul.bf16 v14, v19;
	v16 =	vadd.f32 v16, v17;
	v17 =	vld [tilespmem:s28+$0xFFFFFFA0];
	[tilespmem:s6+$0xFFFFFFE0] =	vst v15;
	s6 =	smov.u32 s25;
	s25 =	smov.u32 s26;
	(pc) =	sbr.rel @p1 .LBB2_6-.Ltmp1, $4  }
0x16a: {  	s26 =	smov.u32 s3;
	s3 =	sadd.s32 $0xA0, s3;
	v20 =	vmul.bf16 v13, v24;
	v15 =	vld [tilespmem:s24+$0xFFFFEBB0];
	v23 =	vunpack.i.u.bf16.f32 v18;
	v18 =	vunpack.i.l.bf16.f32 v18  }
0x16b: {  	[tilespmem:s3+$0x0] =	vst v16;
	v16 =	vld [tilespmem:s24+$0xFFFFFFB0];
	v24 =	vadd.f32 v18, v23  }
0x16c: {  	v23 =	vadd.bf16 v20, v19;
	v18 =	vld [tilespmem:s10+$0xFFFFEBE0];
	v19 =	vmul.bf16 v8, v21;
	v21 =	vmul.bf16 v9, v25  }
0x16d: {  	v20 =	vld [tilespmem:s10+$0xFFFFFFE0];
	v22 =	vmul.bf16 v10, v22;
	[tilespmem:s25+$0x30] =	vst v24  }
0x16e: {  	v24 =	vunpack.i.u.bf16.f32 v23;
	v50 =	vunpack.i.l.bf16.f32 v23  }
0x16f: {  	v23 =	vadd.f32 v50, v24;
	_ =	sdelay $0x1  }
0x170: {  	[tilespmem:s3+$0xFFFFFFB0] =	vst v23  }
0x171: {  	v23 =	vld [tilespmem:s9+$0xFFFFEBA0]  }
0x172: {  	v17 =	vmul.bf16 v7, v17;
	v51 =	vld [tilespmem:s9+$0xFFFFFFA0];
	_ =	sdelay $0x1  }
0x173: {  	v17 =	vadd.bf16 v17, v22;
	v18 =	vmul.bf16 v11, v18;
	v20 =	vmul.bf16 v12, v20;
	_ =	sdelay $0x1  }
0x174: {  	v54 =	vunpack.i.u.bf16.f32 v17;
	v17 =	vunpack.i.l.bf16.f32 v17;
	v18 =	vadd.bf16 v20, v18  }
0x175: {  	v17 =	vadd.f32 v17, v54;
	v52 =	vmul.bf16 v14, v23;
	v53 =	vmul.bf16 v13, v51  }
0x176: {  	v20 =	vunpack.i.u.bf16.f32 v18;
	v18 =	vunpack.i.l.bf16.f32 v18  }
0x177: {  	[tilespmem:s26+$0xFFFFFFC0] =	vst v17;
	v18 =	vadd.f32 v18, v20;
	v55 =	vadd.bf16 v53, v52  }
0x178: {  	v15 =	vmul.bf16 v6, v15;
	v60 =	vld [tilespmem:s28+$0xFFFFEBB0]  }
0x179: {  	v16 =	vmul.bf16 v5, v16;
	v61 =	vld [tilespmem:s28+$0xFFFFFFB0];
	[tilespmem:s3+$0x10] =	vst v18;
	v58 =	vunpack.i.u.bf16.f32 v55;
	v18 =	vunpack.i.l.bf16.f32 v55  }
0x17a: {  	v59 =	vadd.f32 v18, v58  }
0x17b: {  	v15 =	vadd.bf16 v16, v15;
	v56 =	vld [tilespmem:s9+$0xFFFFEBF0]  }
0x17c: {  	v57 =	vld [tilespmem:s9+$0xFFFFFFF0];
	[tilespmem:s3+$0xFFFFFFC0] =	vst v59  }
0x17d: {  	v62 =	vadd.bf16 v21, v19;
	v30 =	vunpack.i.u.bf16.f32 v15;
	v63 =	vld [tilespmem:s9+$0xFFFFEBB0]  }
0x17e: {  	v15 =	vunpack.i.l.bf16.f32 v15;
	v23 =	vmul.bf16 v7, v61;
	v18 =	vmul.bf16 v10, v60;
	v28 =	vld [tilespmem:s9+$0xFFFFFFB0]  }
0x17f: {  	v15 =	vadd.f32 v15, v30  }
0x180: {  	v31 =	vld [tilespmem:s8+$0xFFFFEBC0];
	v29 =	vunpack.i.u.bf16.f32 v62;
	v17 =	vunpack.i.l.bf16.f32 v62;
	v18 =	vadd.bf16 v23, v18  }
0x181: {  	v32 =	vld [tilespmem:s8+$0xFFFFFFC0];
	v17 =	vadd.f32 v17, v29;
	[tilespmem:s25+$0xFFFFFFD0] =	vst v15;
	v26 =	vmul.bf16 v11, v56;
	v27 =	vmul.bf16 v12, v57  }
0x182: {  	v37 =	vld [tilespmem:s24+$0xFFFFEBC0];
	v38 =	vunpack.i.u.bf16.f32 v18;
	v18 =	vunpack.i.l.bf16.f32 v18  }
0x183: {  	[tilespmem:s26+$0x20] =	vst v17;
	v39 =	vld [tilespmem:s24+$0xFFFFFFC0];
	v16 =	vadd.bf16 v27, v26;
	v19 =	vmul.bf16 v14, v63;
	v21 =	vmul.bf16 v13, v28  }
0x184: {  	v34 =	vld [tilespmem:s28+$0xFFFFEC00];
	v40 =	vadd.f32 v18, v38  }
0x185: {  	v35 =	vld [tilespmem:s28+$0x0];
	v33 =	vunpack.i.u.bf16.f32 v16;
	v16 =	vunpack.i.l.bf16.f32 v16;
	v19 =	vadd.bf16 v21, v19  }
0x186: {  	v4 =	vmul.bf16 v4, v31;
	[tilespmem:s26+$0xFFFFFFD0] =	vst v40;
	v36 =	vadd.f32 v16, v33  }
0x187: {  	v3 =	vmul.bf16 v3, v32;
	v45 =	vld [tilespmem:s28+$0xFFFFEBC0];
	v42 =	vunpack.i.u.bf16.f32 v19;
	v19 =	vunpack.i.l.bf16.f32 v19  }
0x188: {  	v46 =	vld [tilespmem:s28+$0xFFFFFFC0];
	[tilespmem:s3+$0x20] =	vst v36;
	v44 =	vadd.f32 v19, v42  }
0x189: {  	v3 =	vadd.bf16 v3, v4;
	v47 =	vmul.bf16 v6, v37;
	v48 =	vmul.bf16 v5, v39;
	v41 =	vld [tilespmem:s9+$0xFFFFEC00]  }
0x18a: {  	v8 =	vmul.bf16 v8, v34;
	v9 =	vmul.bf16 v9, v35;
	v43 =	vld [tilespmem:s9+$0x0];
	[tilespmem:s3+$0xFFFFFFD0] =	vst v44  }
0x18b: {  	v50 =	vunpack.i.u.bf16.f32 v3;
	v49 =	vld [tilespmem:s9+$0xFFFFEBC0]  }
0x18c: {  	v3 =	vunpack.i.l.bf16.f32 v3;
	v5 =	vadd.bf16 v48, v47;
	v8 =	vadd.bf16 v9, v8;
	v51 =	vld [tilespmem:s9+$0xFFFFFFC0]  }
0x18d: {  	v3 =	vadd.f32 v3, v50  }
0x18e: {  	v54 =	vunpack.i.u.bf16.f32 v5;
	v5 =	vunpack.i.l.bf16.f32 v5;
	v52 =	vunpack.i.u.bf16.f32 v8  }
0x18f: {  	v8 =	vunpack.i.l.bf16.f32 v8;
	v55 =	vmul.bf16 v11, v41;
	v56 =	vmul.bf16 v12, v43  }
0x190: {  	v5 =	vadd.f32 v5, v54;
	v57 =	vmul.bf16 v10, v45;
	v4 =	vmul.bf16 v7, v46  }
0x191: {  	v58 =	vadd.bf16 v56, v55;
	v9 =	vmul.bf16 v14, v49;
	v59 =	vmul.bf16 v13, v51  }
0x192: {  	v53 =	vadd.f32 v8, v52;
	v4 =	vadd.bf16 v4, v57  }
0x193: {  	[tilespmem:s6+$0xFFFFFFE0] =	vst v3;
	v3 =	vunpack.i.u.bf16.f32 v58;
	v7 =	vunpack.i.l.bf16.f32 v58;
	v60 =	vadd.bf16 v59, v9  }
0x194: {  	p1 =	seq.s32 s30, $0x18;
	[tilespmem:s25+$0xFFFFFFE0] =	vst v5;
	s25 =	smul.u32 $0x280, s30;
	v61 =	vunpack.i.u.bf16.f32 v4;
	v4 =	vunpack.i.l.bf16.f32 v4;
	v3 =	vadd.f32 v7, v3  }
.Ltmp2:
0x195: {  	[tilespmem:s26+$0x30] =	vst v53;
	v4 =	vadd.f32 v4, v61;
	v62 =	vunpack.i.u.bf16.f32 v60;
	v63 =	vunpack.i.l.bf16.f32 v60;
	(pc) =	sbr.rel @p1 .LBB2_9-.Ltmp2, $4  }
0x196: {  	[tilespmem:s3+$0x30] =	vst v3;
	v3 =	vadd.f32 v63, v62  }
0x197: {  	s6 =	sshra.s32 s25, $0x2;
	[tilespmem:s26+$0xFFFFFFE0] =	vst v4  }
0x198: {  	s28 =	sadd.s32 $0x2EE0, s6;
	[tilespmem:s3+$0xFFFFFFE0] =	vst v3  }
0x199: {  	[spmem:s1] =	stream.indirect.scatter.add.f32 [tilespmem:s21], [sflag:$0x3], $0x50, s28, s0, $0xb8;
	[tilespmem:$0x1CCE0] =	vst v63  }
0x19a: {  	v3 =	vld [tilespmem:s5+$0x1040]  }
0x19b: {  	v4 =	vld [tilespmem:s5+$0xA0];
	_ =	sdelay $0x3  }
0x19c: {  	v3 =	vmul.f32 $4.000000000e+00, v3  }
0x19d: {  	v4 =	vmul.f32 $4.000000000e+00, v4  }
0x19e: {  	v5 =	vtrunc.f32 v3  }
0x19f: {  	v6 =	vtrunc.f32 v4;
	v5 =	vcvt.f32.s32 v5  }
0x1a0: {  	v9 =	vld [tilespmem:s5+$0x1FE0];
	v6 =	vcvt.f32.s32 v6  }
0x1a1: {  	vm0 =	vlt.s32 v5, $0x3  }
0x1a2: {  	vm9 =	vlt.s32 v6, $0x3;
	v5 =	vnsel vm0, $0x3, v5  }
0x1a3: {  	v6 =	vnsel vm9, $0x3, v6;
	v7 =	vmul.u32 $0x5, v5  }
0x1a4: {  	v8 =	vcvt.s32.f32 v6;
	v5 =	vcvt.s32.f32 v5  }
0x1a5: {  	v60 =	vshll.u32 v9, $0x1;
	v6 =	vadd.s32 v6, v7  }
0x1a6: {  	v4 =	vsub.f32 v4, v8;
	v3 =	vsub.f32 v3, v5;
	v7 =	vand.u32 $0x1, v6  }
0x1a7: {  	v58 =	vadd.s32 $0x5, v6;
	v6 =	vshrl.u32 v6, $0x1;
	vm10 =	veq.s32 v7, $0x1  }
0x1a8: {  	v59 =	vand.u32 $0x1, v58;
	v61 =	vsub.f32 $1.000000000e+00, v4;
	v62 =	vsub.f32 $1.000000000e+00, v3  }
0x1a9: {  	v5 =	vshrl.u32 v58, $0x1;
	v7 =	vsel vm10, $0xC, v2;
	vm11 =	veq.s32 v59, $0x1  }
0x1aa: {  	v6 =	vadd.s32 v6, v7;
	v10 =	vmul.f32 v62, v61;
	v9 =	vmul.f32 v62, v4  }
0x1ab: {  	v8 =	vsel vm11, $0xC, v2;
	v63 =	vmul.f32 v3, v61;
	v3 =	vmul.f32 v3, v4  }
0x1ac: {  	v6 =	vmul.u32 $0x4E20, v6;
	v5 =	vadd.s32 v5, v8;
	v11 =	vpack.i.f32.bf16 v9, v10  }
0x1ad: {  	v7 =	vor.u32 v0, v60;
	v5 =	vmul.u32 $0x4E20, v5;
	v3 =	vpack.i.f32.bf16 v3, v63;
	[tilespmem:$0x3FC0] =	vst v11  }
0x1ae: {  	v6 =	vadd.s32 v7, v6;
	[tilespmem:$0x4020] =	vst v3  }
0x1af: {  	[tilespmem:$0x3E80] =	vst v6;
	v5 =	vadd.s32 v7, v5  }
0x1b0: {  	[tilespmem:$0x3ED0] =	vst v5  }
0x1b1: {  	v3 =	vld [tilespmem:s5+$0x1050]  }
0x1b2: {  	v4 =	vld [tilespmem:s5+$0xB0];
	_ =	sdelay $0x3  }
0x1b3: {  	v3 =	vmul.f32 $4.000000000e+00, v3  }
0x1b4: {  	v4 =	vmul.f32 $4.000000000e+00, v4  }
0x1b5: {  	v12 =	vtrunc.f32 v3  }
0x1b6: {  	v13 =	vtrunc.f32 v4;
	v5 =	vcvt.f32.s32 v12  }
0x1b7: {  	v16 =	vld [tilespmem:s5+$0x1FF0];
	v6 =	vcvt.f32.s32 v13  }
0x1b8: {  	vm12 =	vlt.s32 v5, $0x3  }
0x1b9: {  	vm13 =	vlt.s32 v6, $0x3;
	v5 =	vnsel vm12, $0x3, v5  }
0x1ba: {  	v6 =	vnsel vm13, $0x3, v6;
	v14 =	vmul.u32 $0x5, v5  }
0x1bb: {  	v15 =	vcvt.s32.f32 v6;
	v5 =	vcvt.s32.f32 v5  }
0x1bc: {  	v19 =	vshll.u32 v16, $0x1;
	v6 =	vadd.s32 v6, v14  }
0x1bd: {  	v4 =	vsub.f32 v4, v15;
	v3 =	vsub.f32 v3, v5;
	v7 =	vand.u32 $0x1, v6  }
0x1be: {  	v17 =	vadd.s32 $0x5, v6;
	v6 =	vshrl.u32 v6, $0x1;
	vm14 =	veq.s32 v7, $0x1  }
0x1bf: {  	v18 =	vand.u32 $0x1, v17;
	v20 =	vsub.f32 $1.000000000e+00, v4;
	v21 =	vsub.f32 $1.000000000e+00, v3  }
0x1c0: {  	v5 =	vshrl.u32 v17, $0x1;
	v7 =	vsel vm14, $0xC, v2;
	vm15 =	veq.s32 v18, $0x1  }
0x1c1: {  	v6 =	vadd.s32 v6, v7;
	v22 =	vmul.f32 v21, v20;
	v9 =	vmul.f32 v21, v4  }
0x1c2: {  	v8 =	vsel vm15, $0xC, v2;
	v23 =	vmul.f32 v3, v20;
	v3 =	vmul.f32 v3, v4  }
0x1c3: {  	v6 =	vmul.u32 $0x4E20, v6;
	v5 =	vadd.s32 v5, v8;
	v24 =	vpack.i.f32.bf16 v9, v22  }
0x1c4: {  	v7 =	vor.u32 v0, v19;
	v5 =	vmul.u32 $0x4E20, v5;
	v3 =	vpack.i.f32.bf16 v3, v23;
	[tilespmem:$0x3FD0] =	vst v24  }
0x1c5: {  	v6 =	vadd.s32 v7, v6;
	[tilespmem:$0x4030] =	vst v3  }
0x1c6: {  	[tilespmem:$0x3E90] =	vst v6;
	v5 =	vadd.s32 v7, v5  }
0x1c7: {  	[tilespmem:$0x3EE0] =	vst v5  }
0x1c8: {  	v3 =	vld [tilespmem:s5+$0x1060]  }
0x1c9: {  	v4 =	vld [tilespmem:s5+$0xC0];
	_ =	sdelay $0x3  }
0x1ca: {  	v3 =	vmul.f32 $4.000000000e+00, v3  }
0x1cb: {  	v4 =	vmul.f32 $4.000000000e+00, v4  }
0x1cc: {  	v25 =	vtrunc.f32 v3  }
0x1cd: {  	v26 =	vtrunc.f32 v4;
	v5 =	vcvt.f32.s32 v25  }
0x1ce: {  	v29 =	vld [tilespmem:s5+$0x2000];
	v6 =	vcvt.f32.s32 v26  }
0x1cf: {  	vm4 =	vlt.s32 v5, $0x3  }
0x1d0: {  	vm5 =	vlt.s32 v6, $0x3;
	v5 =	vnsel vm4, $0x3, v5  }
0x1d1: {  	v6 =	vnsel vm5, $0x3, v6;
	v27 =	vmul.u32 $0x5, v5  }
0x1d2: {  	v28 =	vcvt.s32.f32 v6;
	v5 =	vcvt.s32.f32 v5  }
0x1d3: {  	v32 =	vshll.u32 v29, $0x1;
	v6 =	vadd.s32 v6, v27  }
0x1d4: {  	v4 =	vsub.f32 v4, v28;
	v3 =	vsub.f32 v3, v5;
	v7 =	vand.u32 $0x1, v6  }
0x1d5: {  	v30 =	vadd.s32 $0x5, v6;
	v6 =	vshrl.u32 v6, $0x1;
	vm6 =	veq.s32 v7, $0x1  }
0x1d6: {  	v31 =	vand.u32 $0x1, v30;
	v33 =	vsub.f32 $1.000000000e+00, v4;
	v34 =	vsub.f32 $1.000000000e+00, v3  }
0x1d7: {  	v5 =	vshrl.u32 v30, $0x1;
	v7 =	vsel vm6, $0xC, v2;
	vm7 =	veq.s32 v31, $0x1  }
0x1d8: {  	v6 =	vadd.s32 v6, v7;
	v35 =	vmul.f32 v34, v33;
	v9 =	vmul.f32 v34, v4  }
0x1d9: {  	v8 =	vsel vm7, $0xC, v2;
	v36 =	vmul.f32 v3, v33;
	v3 =	vmul.f32 v3, v4  }
0x1da: {  	v6 =	vmul.u32 $0x4E20, v6;
	v5 =	vadd.s32 v5, v8;
	v37 =	vpack.i.f32.bf16 v9, v35  }
0x1db: {  	v7 =	vor.u32 v0, v32;
	v5 =	vmul.u32 $0x4E20, v5;
	v3 =	vpack.i.f32.bf16 v3, v36;
	[tilespmem:$0x3FE0] =	vst v37  }
0x1dc: {  	v6 =	vadd.s32 v7, v6;
	[tilespmem:$0x4040] =	vst v3  }
0x1dd: {  	[tilespmem:$0x3EA0] =	vst v6;
	v5 =	vadd.s32 v7, v5  }
0x1de: {  	[tilespmem:$0x3EF0] =	vst v5  }
0x1df: {  	v3 =	vld [tilespmem:s5+$0x1070]  }
0x1e0: {  	v4 =	vld [tilespmem:s5+$0xD0];
	_ =	sdelay $0x3  }
0x1e1: {  	v3 =	vmul.f32 $4.000000000e+00, v3  }
0x1e2: {  	v4 =	vmul.f32 $4.000000000e+00, v4  }
0x1e3: {  	v38 =	vtrunc.f32 v3  }
0x1e4: {  	v39 =	vtrunc.f32 v4;
	v5 =	vcvt.f32.s32 v38  }
0x1e5: {  	v42 =	vld [tilespmem:s5+$0x2010];
	v6 =	vcvt.f32.s32 v39  }
0x1e6: {  	vm8 =	vlt.s32 v5, $0x3  }
0x1e7: {  	vm9 =	vlt.s32 v6, $0x3;
	v5 =	vnsel vm8, $0x3, v5  }
0x1e8: {  	v6 =	vnsel vm9, $0x3, v6;
	v40 =	vmul.u32 $0x5, v5  }
0x1e9: {  	v41 =	vcvt.s32.f32 v6;
	v5 =	vcvt.s32.f32 v5  }
0x1ea: {  	v45 =	vshll.u32 v42, $0x1;
	v6 =	vadd.s32 v6, v40  }
0x1eb: {  	v4 =	vsub.f32 v4, v41;
	v3 =	vsub.f32 v3, v5;
	v7 =	vand.u32 $0x1, v6  }
0x1ec: {  	v43 =	vadd.s32 $0x5, v6;
	v6 =	vshrl.u32 v6, $0x1;
	vm10 =	veq.s32 v7, $0x1  }
0x1ed: {  	v44 =	vand.u32 $0x1, v43;
	v46 =	vsub.f32 $1.000000000e+00, v4;
	v47 =	vsub.f32 $1.000000000e+00, v3  }
0x1ee: {  	v5 =	vshrl.u32 v43, $0x1;
	v7 =	vsel vm10, $0xC, v2;
	vm11 =	veq.s32 v44, $0x1  }
0x1ef: {  	v6 =	vadd.s32 v6, v7;
	v48 =	vmul.f32 v47, v46;
	v9 =	vmul.f32 v47, v4  }
0x1f0: {  	v8 =	vsel vm11, $0xC, v2;
	v49 =	vmul.f32 v3, v46;
	v3 =	vmul.f32 v3, v4  }
0x1f1: {  	v6 =	vmul.u32 $0x4E20, v6;
	v5 =	vadd.s32 v5, v8;
	v50 =	vpack.i.f32.bf16 v9, v48  }
0x1f2: {  	v7 =	vor.u32 v0, v45;
	v5 =	vmul.u32 $0x4E20, v5;
	v3 =	vpack.i.f32.bf16 v3, v49;
	[tilespmem:$0x3FF0] =	vst v50  }
0x1f3: {  	v6 =	vadd.s32 v7, v6;
	[tilespmem:$0x4050] =	vst v3  }
0x1f4: {  	[tilespmem:$0x3EB0] =	vst v6;
	v5 =	vadd.s32 v7, v5  }
0x1f5: {  	[tilespmem:$0x3F00] =	vst v5  }
0x1f6: {  	v3 =	vld [tilespmem:s5+$0x1080]  }
0x1f7: {  	v4 =	vld [tilespmem:s5+$0xE0];
	_ =	sdelay $0x3  }
0x1f8: {  	v3 =	vmul.f32 $4.000000000e+00, v3  }
0x1f9: {  	v4 =	vmul.f32 $4.000000000e+00, v4  }
0x1fa: {  	v51 =	vtrunc.f32 v3  }
0x1fb: {  	v52 =	vtrunc.f32 v4;
	v5 =	vcvt.f32.s32 v51  }
0x1fc: {  	v55 =	vld [tilespmem:s5+$0x2020];
	v6 =	vcvt.f32.s32 v52  }
0x1fd: {  	vm12 =	vlt.s32 v5, $0x3  }
0x1fe: {  	vm13 =	vlt.s32 v6, $0x3;
	v5 =	vnsel vm12, $0x3, v5  }
0x1ff: {  	v6 =	vnsel vm13, $0x3, v6;
	v53 =	vmul.u32 $0x5, v5  }
0x200: {  	v54 =	vcvt.s32.f32 v6;
	v5 =	vcvt.s32.f32 v5  }
0x201: {  	v58 =	vshll.u32 v55, $0x1;
	v6 =	vadd.s32 v6, v53  }
0x202: {  	v4 =	vsub.f32 v4, v54;
	v3 =	vsub.f32 v3, v5;
	v7 =	vand.u32 $0x1, v6  }
0x203: {  	v56 =	vadd.s32 $0x5, v6;
	v6 =	vshrl.u32 v6, $0x1;
	vm14 =	veq.s32 v7, $0x1  }
0x204: {  	v57 =	vand.u32 $0x1, v56;
	v59 =	vsub.f32 $1.000000000e+00, v4;
	v60 =	vsub.f32 $1.000000000e+00, v3  }
0x205: {  	v5 =	vshrl.u32 v56, $0x1;
	v7 =	vsel vm14, $0xC, v2;
	vm15 =	veq.s32 v57, $0x1  }
0x206: {  	v6 =	vadd.s32 v6, v7;
	v61 =	vmul.f32 v60, v59;
	v9 =	vmul.f32 v60, v4  }
0x207: {  	v8 =	vsel vm15, $0xC, v2;
	v62 =	vmul.f32 v3, v59;
	v3 =	vmul.f32 v3, v4  }
0x208: {  	v6 =	vmul.u32 $0x4E20, v6;
	v5 =	vadd.s32 v5, v8;
	v63 =	vpack.i.f32.bf16 v9, v61  }
0x209: {  	v7 =	vor.u32 v0, v58;
	v5 =	vmul.u32 $0x4E20, v5;
	v3 =	vpack.i.f32.bf16 v3, v62;
	[tilespmem:$0x4000] =	vst v63  }
0x20a: {  	v6 =	vadd.s32 v7, v6;
	[tilespmem:$0x4060] =	vst v3  }
0x20b: {  	[tilespmem:$0x3EC0] =	vst v6;
	v5 =	vadd.s32 v7, v5  }
0x20c: {  	s3 =	simm.s32 $0x3E80;
	s25 =	simm.s32 $0x4140;
	[tilespmem:$0x3F10] =	vst v5  }
0x20d: {  	[tilespmem:s25], [sflag:$0x1] =	stream.indirect.gather [hbm4b:s4+s0], $0x40, s3, s0, $0xb8;
	[tilespmem:$0x1CCE0] =	vst v63  }
0x20e: {  	s26 =	simm.s32 $0x3ED0;
	s28 =	simm.s32 $0x5540  }
0x20f: {  	[tilespmem:s28], [sflag:$0x1] =	stream.indirect.gather [hbm4b:s4+s0], $0x40, s26, s0, $0xb8;
	[tilespmem:$0x1CCE0] =	vst v63  }
.LBB2_9:
0x210: {  	_ =	swait.ge [sflag:s22], $0x1400  }
0x211: {  	[sflag:s22] =	ssyncset.done $0x0  }
0x212: {  	[sflag:s22] =	ssyncadd.s32 $0xFFFFEC00  }
0x213: {  	_ =	swait.ge [sflag:s22], $0x1400  }
0x214: {  	[sflag:s22] =	ssyncset.done $0x0  }
0x215: {  	s3 =	simm.s32 @!p0 $0x4;
	[sflag:s22] =	ssyncadd.s32 $0xFFFFEC00  }
0x216: {  	s5 =	simm.s32 $0x0;
	s6 =	simm.s32 $0x1;
	_ =	swait.ge @!p0 [sflag:s3], $0x1900  }
0x217: {  	s25 =	simm.s32 $0x7DB0;
	s13 =	sand.u32 $0x78, s5;
	[sflag:s3] =	ssyncset.done @!p0 $0x0  }
0x218: {  	s6 =	sand.u32 $0x7, s6;
	s7 =	sor.u32 $0x4080, s13;
	[sflag:s3] =	ssyncadd.s32 @!p0 $0xFFFFE700  }
0x219: {  	s8 =	sor.u32 s6, s7;
	v3 =	vld [tilespmem:s25+$0xFFFFEBD0]  }
0x21a: {  	s3 =	sadd.s32 $0x40E0, s13;
	v12 =	vld.msk [tilespmem:s8+$0x0 ss:$0x0], $0xffff  }
0x21b: {  	s6 =	sor.u32 s6, s3;
	v4 =	vld [tilespmem:s25+$0xFFFFFFD0]  }
0x21c: {  	v11 =	vld.msk [tilespmem:s6+$0x0 ss:$0x0], $0xffff;
	_ =	sdelay $0x4  }
0x21d: {  	v3 =	vmul.bf16 v12, v3;
	v4 =	vmul.bf16 v11, v4;
	_ =	sdelay $0x1  }
0x21e: {  	v3 =	vadd.bf16 v4, v3;
	_ =	sdelay $0x1  }
0x21f: {  	v4 =	vunpack.i.u.bf16.f32 v3;
	v3 =	vunpack.i.l.bf16.f32 v3  }
0x220: {  	v4 =	vadd.f32 v3, v4  }
0x221: {  	s24 =	simm.s32 $0x7E30;
	s15 =	sand.u32 $0x6, s5;
	s5 =	simm.s32 $0xAAC0  }
0x222: {  	v7 =	vld [tilespmem:s24+$0xFFFFEBD0];
	[tilespmem:s5+$0xFFFFFFD0] =	vst v4  }
0x223: {  	v5 =	vld [tilespmem:s25+$0xFFFFEBE0]  }
0x224: {  	s17 =	simm.s32 $0x2;
	v6 =	vld [tilespmem:s25+$0xFFFFFFE0]  }
0x225: {  	s9 =	simm.s32 $0x3;
	s26 =	sand.u32 $0x78, s17;
	v8 =	vld [tilespmem:s24+$0xFFFFFFD0]  }
0x226: {  	s10 =	sor.u32 $0x4080, s26;
	s8 =	sand.u32 $0x7, s9;
	v9 =	vld [tilespmem:s25+$0xFFFFEB90]  }
0x227: {  	v10 =	vld [tilespmem:s25+$0xFFFFFF90];
	s6 =	sadd.s32 $0x40E0, s26;
	s9 =	sor.u32 s8, s10  }
0x228: {  	v15 =	vld.msk [tilespmem:s9+$0x0 ss:$0x0], $0xffff;
	s8 =	sor.u32 s8, s6  }
0x229: {  	s7 =	sor.u32 s15, s7;
	v16 =	vld.msk [tilespmem:s8+$0x0 ss:$0x0], $0xffff;
	v5 =	vmul.bf16 v12, v5;
	v6 =	vmul.bf16 v11, v6  }
0x22a: {  	s3 =	sor.u32 s15, s3;
	v3 =	vld.msk [tilespmem:s7+$0x0 ss:$0x0], $0xffff  }
0x22b: {  	v4 =	vld.msk [tilespmem:s3+$0x0 ss:$0x0], $0xffff;
	v5 =	vadd.bf16 v6, v5;
	_ =	sdelay $0x1  }
0x22c: {  	v6 =	vunpack.i.u.bf16.f32 v5;
	v5 =	vunpack.i.l.bf16.f32 v5  }
0x22d: {  	v7 =	vmul.bf16 v15, v7;
	v8 =	vmul.bf16 v16, v8;
	v6 =	vadd.f32 v5, v6;
	_ =	sdelay $0x1  }
0x22e: {  	v14 =	vld [tilespmem:s24+$0xFFFFEB90];
	v9 =	vmul.bf16 v3, v9;
	v10 =	vmul.bf16 v4, v10;
	[tilespmem:s5+$0xFFFFFFE0] =	vst v6;
	v6 =	vadd.bf16 v8, v7  }
0x22f: {  	v7 =	vld [tilespmem:s25+$0xFFFFEBF0]  }
0x230: {  	s8 =	simm.s32 $0x7EB0;
	s7 =	sand.u32 $0x6, s17;
	v8 =	vadd.bf16 v10, v9;
	v9 =	vld [tilespmem:s25+$0xFFFFFFF0];
	v10 =	vunpack.i.u.bf16.f32 v6;
	v13 =	vunpack.i.l.bf16.f32 v6  }
0x231: {  	v20 =	vld [tilespmem:s8+$0xFFFFEBD0];
	s3 =	sor.u32 s7, s10;
	v10 =	vadd.f32 v13, v10  }
0x232: {  	s12 =	sor.u32 s7, s6;
	s6 =	simm.s32 $0xAB60;
	v5 =	vld.msk [tilespmem:s3+$0x0 ss:$0x0], $0xffff;
	v13 =	vunpack.i.u.bf16.f32 v8;
	v8 =	vunpack.i.l.bf16.f32 v8  }
0x233: {  	v6 =	vld.msk [tilespmem:s12+$0x0 ss:$0x0], $0xffff;
	v8 =	vadd.f32 v8, v13;
	[tilespmem:s6+$0xFFFFFFD0] =	vst v10  }
0x234: {  	v17 =	vld [tilespmem:s24+$0xFFFFEBE0]  }
0x235: {  	[tilespmem:s5+$0xFFFFFF80] =	vst v8;
	v7 =	vmul.bf16 v12, v7;
	v8 =	vmul.bf16 v11, v9;
	v9 =	vld [tilespmem:s24+$0xFFFFFFE0]  }
0x236: {  	s13 =	simm.s32 $0x4;
	v13 =	vld [tilespmem:s24+$0xFFFFFF90]  }
0x237: {  	s15 =	sand.u32 $0x78, s13;
	s17 =	simm.s32 $0x5;
	v18 =	vld [tilespmem:s25+$0xFFFFEBA0];
	v7 =	vadd.bf16 v8, v7  }
0x238: {  	s26 =	sor.u32 $0x4080, s15;
	s10 =	sand.u32 $0x7, s17;
	v19 =	vld [tilespmem:s25+$0xFFFFFFA0]  }
0x239: {  	v21 =	vld [tilespmem:s8+$0xFFFFFFD0];
	s7 =	sadd.s32 $0x40E0, s15;
	s12 =	sor.u32 s10, s26;
	v10 =	vunpack.i.u.bf16.f32 v7;
	v7 =	vunpack.i.l.bf16.f32 v7  }
0x23a: {  	s3 =	sand.u32 $0x6, s13;
	s10 =	sor.u32 s10, s7;
	v8 =	vld.msk [tilespmem:s12+$0x0 ss:$0x0], $0xffff;
	v7 =	vadd.f32 v7, v10;
	v17 =	vmul.bf16 v15, v17;
	v9 =	vmul.bf16 v16, v9  }
0x23b: {  	s9 =	sor.u32 s3, s26;
	v10 =	vld.msk [tilespmem:s10+$0x0 ss:$0x0], $0xffff  }
0x23c: {  	v14 =	vmul.bf16 v5, v14;
	v13 =	vmul.bf16 v6, v13;
	[tilespmem:s5+$0xFFFFFFF0] =	vst v7;
	v7 =	vadd.bf16 v9, v17;
	v9 =	vld.msk [tilespmem:s9+$0x0 ss:$0x0], $0xffff  }
0x23d: {  	v18 =	vmul.bf16 v3, v18;
	v19 =	vmul.bf16 v4, v19;
	v17 =	vld [tilespmem:s25+$0xFFFFEC00]  }
0x23e: {  	v13 =	vadd.bf16 v13, v14;
	v14 =	vld [tilespmem:s25+$0x0];
	v22 =	vunpack.i.u.bf16.f32 v7;
	v7 =	vunpack.i.l.bf16.f32 v7  }
0x23f: {  	v20 =	vmul.bf16 v8, v20;
	s9 =	simm.s32 $0x7F30;
	v18 =	vadd.bf16 v19, v18;
	v19 =	vld [tilespmem:s8+$0xFFFFEB90];
	v22 =	vadd.f32 v7, v22  }
0x240: {  	s3 =	sor.u32 s3, s7;
	v23 =	vunpack.i.u.bf16.f32 v13;
	v13 =	vunpack.i.l.bf16.f32 v13;
	v57 =	vld [tilespmem:s9+$0xFFFFFFD0];
	v21 =	vmul.bf16 v10, v21  }
0x241: {  	v13 =	vadd.f32 v13, v23;
	v7 =	vld.msk [tilespmem:s3+$0x0 ss:$0x0], $0xffff;
	[tilespmem:s6+$0xFFFFFFE0] =	vst v22  }
0x242: {  	s7 =	simm.s32 $0x6;
	v20 =	vadd.bf16 v21, v20;
	v21 =	vld [tilespmem:s24+$0xFFFFEBF0]  }
0x243: {  	s13 =	simm.s32 $0x7;
	s12 =	sand.u32 $0x78, s7;
	[tilespmem:s6+$0xFFFFFF80] =	vst v13;
	v22 =	vunpack.i.u.bf16.f32 v18;
	v18 =	vunpack.i.l.bf16.f32 v18;
	v23 =	vld [tilespmem:s24+$0xFFFFFFF0]  }
0x244: {  	s17 =	sand.u32 $0x7, s13;
	s15 =	sor.u32 $0x4080, s12;
	v24 =	vld [tilespmem:s24+$0xFFFFEBA0];
	v13 =	vadd.f32 v18, v22;
	v22 =	vunpack.i.u.bf16.f32 v20;
	v20 =	vunpack.i.l.bf16.f32 v20  }
0x245: {  	s13 =	sor.u32 s17, s15;
	v18 =	vld [tilespmem:s8+$0xFFFFFF90];
	v20 =	vadd.f32 v20, v22  }
0x246: {  	s28 =	simm.s32 $0xAC00;
	v14 =	vmul.bf16 v11, v14;
	v11 =	vld.msk [tilespmem:s13+$0x0 ss:$0x0], $0xffff;
	[tilespmem:s5+$0xFFFFFF90] =	vst v13  }
0x247: {  	v12 =	vmul.bf16 v12, v17;
	v13 =	vld [tilespmem:s24+$0xFFFFFFA0];
	[tilespmem:s28+$0xFFFFFFD0] =	vst v20  }
0x248: {  	v20 =	vld [tilespmem:s8+$0xFFFFEBE0];
	v21 =	vmul.bf16 v15, v21;
	v23 =	vmul.bf16 v16, v23  }
0x249: {  	v14 =	vadd.bf16 v14, v12;
	v25 =	vld [tilespmem:s8+$0xFFFFFFE0]  }
0x24a: {  	s3 =	sadd.s32 $0x40E0, s12;
	v22 =	vld [tilespmem:s25+$0xFFFFEBB0];
	v21 =	vadd.bf16 v23, v21  }
0x24b: {  	s12 =	sor.u32 s17, s3;
	v19 =	vmul.bf16 v9, v19;
	v17 =	vld [tilespmem:s25+$0xFFFFFFB0];
	v58 =	vunpack.i.u.bf16.f32 v14;
	v27 =	vunpack.i.l.bf16.f32 v14  }
0x24c: {  	v12 =	vld.msk [tilespmem:s12+$0x0 ss:$0x0], $0xffff;
	v18 =	vmul.bf16 v7, v18;
	v26 =	vunpack.i.u.bf16.f32 v21;
	v21 =	vunpack.i.l.bf16.f32 v21  }
0x24d: {  	v14 =	vmul.bf16 v5, v24;
	v23 =	vld [tilespmem:s9+$0xFFFFEBD0];
	v13 =	vmul.bf16 v6, v13;
	v21 =	vadd.f32 v21, v26  }
0x24e: {  	v18 =	vadd.bf16 v18, v19;
	v19 =	vmul.bf16 v8, v20;
	v20 =	vmul.bf16 v10, v25  }
0x24f: {  	v22 =	vmul.bf16 v3, v22;
	[tilespmem:s6+$0xFFFFFFF0] =	vst v21  }
0x250: {  	s26 =	sand.u32 $0x6, s7;
	v17 =	vmul.bf16 v4, v17;
	v28 =	vadd.bf16 v13, v14;
	v19 =	vadd.bf16 v20, v19;
	v20 =	vld [tilespmem:s24+$0xFFFFEC00]  }
0x251: {  	s10 =	sor.u32 s26, s15;
	v25 =	vmul.bf16 v12, v57;
	v21 =	vunpack.i.u.bf16.f32 v18;
	v18 =	vunpack.i.l.bf16.f32 v18;
	v59 =	vld [tilespmem:s24+$0x0]  }
0x252: {  	v13 =	vld.msk [tilespmem:s10+$0x0 ss:$0x0], $0xffff;
	v23 =	vmul.bf16 v11, v23;
	v14 =	vunpack.i.u.bf16.f32 v19;
	v19 =	vunpack.i.l.bf16.f32 v19  }
0x253: {  	v18 =	vadd.f32 v18, v21;
	v21 =	vld [tilespmem:s9+$0xFFFFEB90];
	v19 =	vadd.f32 v19, v14  }
0x254: {  	s3 =	sor.u32 s26, s3;
	v17 =	vadd.bf16 v17, v22;
	v22 =	vadd.bf16 v25, v23;
	v23 =	vld [tilespmem:s9+$0xFFFFFF90]  }
0x255: {  	v26 =	vadd.f32 v27, v58;
	v60 =	vunpack.i.l.bf16.f32 v28;
	v14 =	vld.msk [tilespmem:s3+$0x0 ss:$0x0], $0xffff;
	[tilespmem:s28+$0xFFFFFFE0] =	vst v19  }
0x256: {  	v19 =	vunpack.i.u.bf16.f32 v28;
	v15 =	vmul.bf16 v15, v20;
	v61 =	vld [tilespmem:s8+$0xFFFFEBF0];
	v16 =	vmul.bf16 v16, v59  }
0x257: {  	[tilespmem:s28+$0xFFFFFF80] =	vst v18;
	v63 =	vunpack.i.u.bf16.f32 v22;
	v22 =	vunpack.i.l.bf16.f32 v22;
	v18 =	vadd.f32 v60, v19;
	v62 =	vld [tilespmem:s8+$0xFFFFFFF0]  }
0x258: {  	v20 =	vunpack.i.u.bf16.f32 v17;
	v17 =	vunpack.i.l.bf16.f32 v17;
	v19 =	vld [tilespmem:s8+$0xFFFFEBA0];
	v15 =	vadd.bf16 v16, v15  }
0x259: {  	v21 =	vmul.bf16 v13, v21;
	v20 =	vadd.f32 v17, v20;
	v17 =	vadd.f32 v22, v63;
	[tilespmem:s6+$0xFFFFFF90] =	vst v18;
	v18 =	vld [tilespmem:s8+$0xFFFFFFA0]  }
0x25a: {  	[tilespmem:s5+$0x0] =	vst v26;
	s3 =	simm.s32 $0xACA0;
	v22 =	vmul.bf16 v14, v23;
	v16 =	vld [tilespmem:s24+$0xFFFFEBB0];
	v23 =	vunpack.i.u.bf16.f32 v15;
	v15 =	vunpack.i.l.bf16.f32 v15  }
0x25b: {  	[tilespmem:s3+$0xFFFFFFD0] =	vst v17;
	v17 =	vld [tilespmem:s24+$0xFFFFFFB0];
	v15 =	vadd.f32 v15, v23  }
0x25c: {  	s10 =	simm.s32 $0x7F30;
	[tilespmem:s5+$0xFFFFFFA0] =	vst v20;
	v20 =	vld [tilespmem:s9+$0xFFFFEBE0];
	v23 =	vadd.bf16 v22, v21;
	v21 =	vmul.bf16 v8, v61;
	v22 =	vmul.bf16 v10, v62  }
.LBB2_10:
0x25d: {  	v24 =	vld [tilespmem:s9+$0xFFFFFFE0];
	v19 =	vmul.bf16 v9, v19;
	[tilespmem:s6+$0x0] =	vst v15;
	s12 =	smov.u32 s7;
	s7 =	sadd.s32 $0x2, s7  }
0x25e: {  	s13 =	sand.u32 $0x78, s7;
	s15 =	sand.u32 $0x6, s7;
	s12 =	sadd.s32 $0x3, s12;
	v15 =	vunpack.i.u.bf16.f32 v23;
	v23 =	vunpack.i.l.bf16.f32 v23;
	v21 =	vadd.bf16 v22, v21;
	v22 =	vld [tilespmem:s25+$0xFFFFEBC0]  }
0x25f: {  	s9 =	sadd.s32 $0x80, s9;
	v18 =	vmul.bf16 v7, v18;
	s26 =	sor.u32 $0x4080, s13;
	s12 =	sand.u32 $0x7, s12;
	v15 =	vadd.f32 v23, v15;
	v16 =	vmul.bf16 v5, v16;
	v23 =	vld [tilespmem:s25+$0xFFFFFFC0]  }
0x260: {  	s13 =	sadd.s32 $0x40E0, s13;
	s17 =	sor.u32 s15, s26;
	s25 =	sor.u32 s12, s26;
	v25 =	vld [tilespmem:s9+$0xFFFFEBD0];
	v26 =	vunpack.i.u.bf16.f32 v21;
	v21 =	vunpack.i.l.bf16.f32 v21;
	v17 =	vmul.bf16 v6, v17  }
0x261: {  	p0 =	slt.u32 s7, $0x4E;
	s15 =	sor.u32 s15, s13;
	s12 =	sor.u32 s12, s13;
	v27 =	vld.msk [tilespmem:s25+$0x0 ss:$0x0], $0xffff;
	[tilespmem:s3+$0xFFFFFF80] =	vst v15;
	v15 =	vadd.bf16 v18, v19;
	v18 =	vadd.f32 v21, v26  }
0x262: {  	v20 =	vmul.bf16 v11, v20;
	s25 =	smov.u32 s24;
	s24 =	smov.u32 s8;
	s8 =	smov.u32 s10;
	v19 =	vld.msk [tilespmem:s12+$0x0 ss:$0x0], $0xffff;
	v21 =	vmul.bf16 v12, v24;
	v16 =	vadd.bf16 v17, v16  }
0x263: {  	s10 =	smov.u32 s9;
	v17 =	vld [tilespmem:s9+$0xFFFFFFD0];
	v24 =	vunpack.i.u.bf16.f32 v15;
	v15 =	vunpack.i.l.bf16.f32 v15;
	[tilespmem:s28+$0xFFFFFFF0] =	vst v18;
	v18 =	vmul.bf16 v3, v22;
	v3 =	vmovc v5;
	v5 =	vmovc v9  }
0x264: {  	v9 =	vmovc v13;
	v20 =	vadd.bf16 v21, v20;
	v15 =	vadd.f32 v15, v24;
	v21 =	vld [tilespmem:s24+$0xFFFFEC00];
	v22 =	vunpack.i.u.bf16.f32 v16  }
0x265: {  	v16 =	vunpack.i.l.bf16.f32 v16;
	v23 =	vmul.bf16 v4, v23;
	v4 =	vmovc v6;
	v6 =	vmovc v7;
	v7 =	vmov v14;
	v24 =	vld [tilespmem:s24+$0x0]  }
0x266: {  	v13 =	vld.msk [tilespmem:s17+$0x0 ss:$0x0], $0xffff;
	v26 =	vunpack.i.u.bf16.f32 v20;
	v20 =	vunpack.i.l.bf16.f32 v20;
	[tilespmem:s28+$0xFFFFFF90] =	vst v15;
	v15 =	vadd.f32 v16, v22  }
0x267: {  	v18 =	vadd.bf16 v23, v18;
	v14 =	vld.msk [tilespmem:s15+$0x0 ss:$0x0], $0xffff;
	v16 =	vadd.f32 v20, v26  }
0x268: {  	v22 =	vmul.bf16 v27, v25;
	v20 =	vld [tilespmem:s9+$0xFFFFEB90];
	v17 =	vmul.bf16 v19, v17;
	[tilespmem:s6+$0xFFFFFFA0] =	vst v15  }
0x269: {  	v15 =	vld [tilespmem:s9+$0xFFFFFF90];
	[tilespmem:s3+$0xFFFFFFE0] =	vst v16;
	v16 =	vunpack.i.u.bf16.f32 v18;
	v18 =	vunpack.i.l.bf16.f32 v18  }
0x26a: {  	v21 =	vmul.bf16 v8, v21;
	v8 =	vmovc v11;
	v17 =	vadd.bf16 v17, v22;
	v22 =	vld [tilespmem:s8+$0xFFFFEBF0];
	v23 =	vmul.bf16 v10, v24  }
0x26b: {  	v11 =	vmovc v27;
	v16 =	vadd.f32 v18, v16;
	v10 =	vmov v12;
	v12 =	vmov v19;
	v24 =	vld [tilespmem:s8+$0xFFFFFFF0]  }
.Ltmp3:
0x26c: {  	v18 =	vunpack.i.u.bf16.f32 v17;
	v17 =	vunpack.i.l.bf16.f32 v17;
	v19 =	vld [tilespmem:s8+$0xFFFFEBA0];
	v21 =	vadd.bf16 v23, v21;
	(pc) =	sbr.rel @p0 .LBB2_10-.Ltmp3, $4  }
0x26d: {  	v20 =	vmul.bf16 v13, v20;
	v17 =	vadd.f32 v17, v18;
	v18 =	vld [tilespmem:s8+$0xFFFFFFA0];
	[tilespmem:s5+$0xFFFFFFB0] =	vst v16;
	s5 =	smov.u32 s6;
	s6 =	smov.u32 s28;
	s28 =	smov.u32 s3  }
0x26e: {  	s3 =	sadd.s32 $0xA0, s3;
	v23 =	vmul.bf16 v14, v15;
	v16 =	vld [tilespmem:s24+$0xFFFFEBB0];
	v15 =	vunpack.i.u.bf16.f32 v21;
	v21 =	vunpack.i.l.bf16.f32 v21  }
0x26f: {  	[tilespmem:s3+$0xFFFFFFD0] =	vst v17;
	v17 =	vld [tilespmem:s24+$0xFFFFFFB0];
	v15 =	vadd.f32 v21, v15  }
0x270: {  	v21 =	vmul.bf16 v8, v22;
	v23 =	vadd.bf16 v23, v20;
	v20 =	vld [tilespmem:s9+$0xFFFFEBE0];
	v22 =	vmul.bf16 v10, v24  }
0x271: {  	_ = 	snop  }
0x272: {  	v25 =	vunpack.i.u.bf16.f32 v23;
	v49 =	vunpack.i.l.bf16.f32 v23  }
0x273: {  	v23 =	vadd.f32 v49, v25  }
0x274: {  	v24 =	vld [tilespmem:s9+$0xFFFFFFE0]  }
0x275: {  	[tilespmem:s3+$0xFFFFFF80] =	vst v23  }
0x276: {  	v23 =	vld [tilespmem:s10+$0xFFFFEBA0]  }
0x277: {  	v19 =	vmul.bf16 v9, v19;
	v18 =	vmul.bf16 v7, v18;
	v50 =	vld [tilespmem:s10+$0xFFFFFFA0];
	_ =	sdelay $0x1  }
0x278: {  	v18 =	vadd.bf16 v18, v19;
	v20 =	vmul.bf16 v11, v20;
	v24 =	vmul.bf16 v12, v24;
	_ =	sdelay $0x1  }
0x279: {  	v54 =	vunpack.i.u.bf16.f32 v18;
	v18 =	vunpack.i.l.bf16.f32 v18;
	v20 =	vadd.bf16 v24, v20  }
0x27a: {  	v18 =	vadd.f32 v18, v54;
	v52 =	vmul.bf16 v13, v23;
	v53 =	vmul.bf16 v14, v50  }
0x27b: {  	v51 =	vunpack.i.u.bf16.f32 v20;
	v20 =	vunpack.i.l.bf16.f32 v20  }
0x27c: {  	[tilespmem:s28+$0xFFFFFF90] =	vst v18;
	v19 =	vadd.f32 v20, v51;
	v55 =	vadd.bf16 v53, v52  }
0x27d: {  	v16 =	vmul.bf16 v5, v16;
	v60 =	vld [tilespmem:s8+$0xFFFFEBB0]  }
0x27e: {  	v17 =	vmul.bf16 v6, v17;
	v61 =	vld [tilespmem:s8+$0xFFFFFFB0];
	[tilespmem:s3+$0xFFFFFFE0] =	vst v19;
	v58 =	vunpack.i.u.bf16.f32 v55;
	v19 =	vunpack.i.l.bf16.f32 v55  }
0x27f: {  	v59 =	vadd.f32 v19, v58  }
0x280: {  	v16 =	vadd.bf16 v17, v16;
	v56 =	vld [tilespmem:s10+$0xFFFFEBF0]  }
0x281: {  	v57 =	vld [tilespmem:s10+$0xFFFFFFF0];
	[tilespmem:s3+$0xFFFFFF90] =	vst v59  }
0x282: {  	v62 =	vadd.bf16 v22, v21;
	v30 =	vunpack.i.u.bf16.f32 v16;
	v63 =	vld [tilespmem:s10+$0xFFFFEBB0]  }
0x283: {  	v16 =	vunpack.i.l.bf16.f32 v16;
	v24 =	vmul.bf16 v7, v61;
	v19 =	vmul.bf16 v9, v60;
	v28 =	vld [tilespmem:s10+$0xFFFFFFB0]  }
0x284: {  	v16 =	vadd.f32 v16, v30  }
0x285: {  	v31 =	vld [tilespmem:s25+$0xFFFFEBC0];
	v29 =	vunpack.i.u.bf16.f32 v62;
	v18 =	vunpack.i.l.bf16.f32 v62;
	v19 =	vadd.bf16 v24, v19  }
0x286: {  	v32 =	vld [tilespmem:s25+$0xFFFFFFC0];
	v18 =	vadd.f32 v18, v29;
	[tilespmem:s6+$0xFFFFFFA0] =	vst v16;
	v26 =	vmul.bf16 v11, v56;
	v27 =	vmul.bf16 v12, v57  }
0x287: {  	v37 =	vld [tilespmem:s24+$0xFFFFEBC0];
	v38 =	vunpack.i.u.bf16.f32 v19;
	v19 =	vunpack.i.l.bf16.f32 v19  }
0x288: {  	[tilespmem:s28+$0xFFFFFFF0] =	vst v18;
	v39 =	vld [tilespmem:s24+$0xFFFFFFC0];
	v17 =	vadd.bf16 v27, v26;
	v21 =	vmul.bf16 v13, v63;
	v22 =	vmul.bf16 v14, v28  }
0x289: {  	v34 =	vld [tilespmem:s8+$0xFFFFEC00];
	v40 =	vadd.f32 v19, v38  }
0x28a: {  	v35 =	vld [tilespmem:s8+$0x0];
	v33 =	vunpack.i.u.bf16.f32 v17;
	v17 =	vunpack.i.l.bf16.f32 v17;
	v21 =	vadd.bf16 v22, v21  }
0x28b: {  	v3 =	vmul.bf16 v3, v31;
	[tilespmem:s28+$0xFFFFFFA0] =	vst v40;
	v36 =	vadd.f32 v17, v33  }
0x28c: {  	v4 =	vmul.bf16 v4, v32;
	v45 =	vld [tilespmem:s8+$0xFFFFEBC0];
	v42 =	vunpack.i.u.bf16.f32 v21;
	v21 =	vunpack.i.l.bf16.f32 v21  }
0x28d: {  	v46 =	vld [tilespmem:s8+$0xFFFFFFC0];
	[tilespmem:s3+$0xFFFFFFF0] =	vst v36;
	v44 =	vadd.f32 v21, v42  }
0x28e: {  	v3 =	vadd.bf16 v4, v3;
	v47 =	vmul.bf16 v5, v37;
	v48 =	vmul.bf16 v6, v39;
	v41 =	vld [tilespmem:s10+$0xFFFFEC00]  }
0x28f: {  	v8 =	vmul.bf16 v8, v34;
	v10 =	vmul.bf16 v10, v35;
	v43 =	vld [tilespmem:s10+$0x0];
	[tilespmem:s3+$0xFFFFFFA0] =	vst v44  }
0x290: {  	v50 =	vunpack.i.u.bf16.f32 v3;
	v49 =	vld [tilespmem:s10+$0xFFFFEBC0]  }
0x291: {  	v3 =	vunpack.i.l.bf16.f32 v3;
	v5 =	vadd.bf16 v48, v47;
	v8 =	vadd.bf16 v10, v8;
	v51 =	vld [tilespmem:s10+$0xFFFFFFC0]  }
0x292: {  	v3 =	vadd.f32 v3, v50  }
0x293: {  	v54 =	vunpack.i.u.bf16.f32 v5;
	v5 =	vunpack.i.l.bf16.f32 v5;
	v52 =	vunpack.i.u.bf16.f32 v8  }
0x294: {  	v8 =	vunpack.i.l.bf16.f32 v8;
	v55 =	vmul.bf16 v11, v41;
	v56 =	vmul.bf16 v12, v43  }
0x295: {  	v5 =	vadd.f32 v5, v54;
	v57 =	vmul.bf16 v9, v45;
	v4 =	vmul.bf16 v7, v46  }
0x296: {  	v58 =	vadd.bf16 v56, v55;
	v10 =	vmul.bf16 v13, v49;
	v59 =	vmul.bf16 v14, v51  }
0x297: {  	[tilespmem:s6+$0x0] =	vst v15;
	v53 =	vadd.f32 v8, v52;
	v4 =	vadd.bf16 v4, v57  }
0x298: {  	s30 =	sadd.s32 $0x1, s30;
	[tilespmem:s5+$0xFFFFFFB0] =	vst v3;
	v3 =	vunpack.i.u.bf16.f32 v58;
	v7 =	vunpack.i.l.bf16.f32 v58;
	v60 =	vadd.bf16 v59, v10  }
0x299: {  	p0 =	sne.s32 s30, $0x19;
	[tilespmem:s6+$0xFFFFFFB0] =	vst v5;
	v61 =	vunpack.i.u.bf16.f32 v4;
	v4 =	vunpack.i.l.bf16.f32 v4;
	v3 =	vadd.f32 v7, v3  }
.Ltmp4:
0x29a: {  	[tilespmem:s28+$0x0] =	vst v53;
	v4 =	vadd.f32 v4, v61;
	v62 =	vunpack.i.u.bf16.f32 v60;
	v63 =	vunpack.i.l.bf16.f32 v60;
	(pc) =	sbr.rel @p0 .LBB2_5-.Ltmp4, $4  }
0x29b: {  	[tilespmem:s3+$0x0] =	vst v3;
	v3 =	vadd.f32 v63, v62  }
0x29c: {  	[tilespmem:s28+$0xFFFFFFB0] =	vst v4  }
0x29d: {  	s31 =	sadd.s32 $0x2EE0, s31;
	[tilespmem:s3+$0xFFFFFFB0] =	vst v3  }
0x29e: {  	[spmem:s1] =	stream.indirect.scatter.add.f32 [tilespmem:s23], [sflag:$0x4], $0x50, s31, s0, $0xb8;
	[tilespmem:$0x1CCE0] =	vst v63  }
0x29f: {  	s3 =	simm.s32 $0x3;
	s29 =	sadd.s32 $0x1, s29  }
0x2a0: {  	_ =	swait.ge [sflag:s3], $0x1900;
	p0 =	sne.s32 s29, $0x5  }
.Ltmp5:
0x2a1: {  	[sflag:s3] =	ssyncset.done $0x0;
	(pc) =	sbr.rel @p0 .LBB2_4-.Ltmp5, $4  }
0x2a2: {  	s31 =	simm.s32 $0x4;
	[sflag:s3] =	ssyncadd.s32 $0xFFFFE700  }
0x2a3: {  	_ =	swait.ge [sflag:s31], $0x1900  }
0x2a4: {  	[sflag:s31] =	ssyncset.done $0x0  }
0x2a5: {  	s13 =	simm.s32 $0x5;
	[sflag:s31] =	ssyncadd.s32 $0xFFFFE700  }
0x2a6: {  	[bflag:$0x0] =	sbarrier.arrive $0xFFFF  }
0x2a7: {  	s15 =	simm.s32 $0xC340;
	s17 =	rddreg [dreg:$0x7]  }
0x2a8: {  	[tilespmem:s15], [sflag:$0x5] =	stream.linear.gather [spmem:s17], $0x2710, $0x38;
	[tilespmem:$0x1CCE0] =	vst v63  }
0x2a9: {  	_ =	swait.ge [sflag:s13], $0x2710  }
0x2aa: {  	s25 =	simm.s32 $0x40;
	s26 =	simm.s32 $0x80;
	[sflag:s13] =	ssyncset.done $0x0  }
0x2ab: {  	s28 =	simm.s32 $0xEA50;
	s3 =	rddreg [dreg:$0x9];
	[sflag:s13] =	ssyncadd.s32 $0xFFFFD8F0  }
0x2ac: {  	[tilespmem:s28], [sflag:$0x5] =	stream.strided.gather [hbm4b:s3+s25], $0x1F40, s26, s25, $0x38;
	[tilespmem:$0x1CCE0] =	vst v63  }
0x2ad: {  	_ =	swait.ge [sflag:s13], $0x1F40  }
0x2ae: {  	[sflag:s13] =	ssyncset.done $0x0  }
0x2af: {  	s5 =	simm.s32 $0xC390;
	[sflag:s13] =	ssyncadd.s32 $0xFFFFE0C0  }
0x2b0: {  	v3 =	vld [tilespmem:s5+$0x40];
	_ =	sdelay $0x4  }
0x2b1: {  	v3 =	vadd.f32 $0.0e+00, v3;
	_ =	sdelay $0x1  }
0x2b2: {  	v3 =	vmax.f32 v3, $1.000000000e+00  }
0x2b3: {  	v3 =	vbroadcast v3, $0x0;
	_ =	sdelay $0x1  }
0x2b4: {  	(erf) = vrcp.f32 v3  }
0x2b5: {  	v3 =	vld [tilespmem:s5+$0xFFFFFFF0];
	_ =	sdelay $0x3  }
0x2b6: {  	s10 =	simm.s32 $0xEA90;
	v4 =	vld [tilespmem:s5+$0x0]  }
0x2b7: {  	s6 =	simm.s32 $0xC430;
	v5 =	vld [tilespmem:s10+$0x0];
	v3 =	vadd.f32 $0.0e+00, v3  }
0x2b8: {  	v6 =	vld [tilespmem:s6+$0x40]  }
0x2b9: {  	v3 =	vmax.f32 v3, $1.000000000e+00  }
0x2ba: {  	v3 =	vbroadcast v3, $0x0;
	v9 =	vpop (erf)  }
0x2bb: {  	v4 =	vmul.f32 v9, v4  }
0x2bc: {  	v7 =	vld [tilespmem:s5+$0xFFFFFFB0];
	(erf) = vrcp.f32 v3  }
0x2bd: {  	v8 =	vld [tilespmem:s5+$0xFFFFFFC0];
	v3 =	vadd.f32 v4, v5;
	v4 =	vadd.f32 $0.0e+00, v6  }
0x2be: {  	v5 =	vld [tilespmem:s5+$0x10]  }
0x2bf: {  	v10 =	vld [tilespmem:s5+$0xFFFFFFD0];
	[tilespmem:s5+$0x0] =	vst v3;
	v3 =	vmax.f32 v4, $1.000000000e+00  }
0x2c0: {  	v4 =	vld [tilespmem:s10+$0x10];
	v3 =	vbroadcast v3, $0x0  }
0x2c1: {  	v6 =	vld [tilespmem:s6+$0xFFFFFFF0]  }
0x2c2: {  	v11 =	vld [tilespmem:s5+$0xFFFFFFE0];
	(erf) = vrcp.f32 v3  }
0x2c3: {  	v13 =	vld [tilespmem:s10+$0xFFFFFFC0];
	v3 =	vmul.f32 v9, v5  }
0x2c4: {  	v12 =	vld [tilespmem:s6+$0xFFFFFFB0]  }
0x2c5: {  	v14 =	vld [tilespmem:s6+$0xFFFFFFC0];
	v15 =	vpop (erf);
	v3 =	vadd.f32 v4, v3  }
0x2c6: {  	v6 =	vadd.f32 $0.0e+00, v6;
	v4 =	vmul.f32 v15, v7;
	v7 =	vld [tilespmem:s5+$0x20]  }
0x2c7: {  	v17 =	vld [tilespmem:s6+$0x0];
	[tilespmem:s5+$0x10] =	vst v3  }
0x2c8: {  	s8 =	simm.s32 $0xEB10;
	v3 =	vmax.f32 v6, $1.000000000e+00;
	v4 =	vadd.f32 v4, v13;
	v6 =	vld [tilespmem:s10+$0x20]  }
0x2c9: {  	s3 =	simm.s32 $0xC4D0;
	v13 =	vld [tilespmem:s8+$0x0];
	v3 =	vbroadcast v3, $0x0  }
0x2ca: {  	[tilespmem:s5+$0xFFFFFFB0] =	vst v4;
	v4 =	vld [tilespmem:s3+$0x40]  }
0x2cb: {  	v16 =	vld [tilespmem:s6+$0xFFFFFFE0];
	(erf) = vrcp.f32 v3;
	v7 =	vmul.f32 v7, v9;
	v18 =	vpop (erf)  }
0x2cc: {  	v19 =	vld [tilespmem:s3+$0xFFFFFFF0];
	v17 =	vmul.f32 v18, v17  }
0x2cd: {  	v3 =	vld [tilespmem:s10+$0xFFFFFFD0];
	v6 =	vadd.f32 v6, v7  }
0x2ce: {  	v20 =	vld [tilespmem:s3+$0xFFFFFFB0];
	v13 =	vadd.f32 v17, v13  }
0x2cf: {  	v17 =	vld [tilespmem:s6+$0x10];
	v4 =	vadd.f32 $0.0e+00, v4;
	[tilespmem:s5+$0x20] =	vst v6  }
0x2d0: {  	v22 =	vld [tilespmem:s3+$0xFFFFFFC0];
	v6 =	vmul.f32 v15, v8;
	[tilespmem:s6+$0x0] =	vst v13  }
0x2d1: {  	v4 =	vmax.f32 v4, $1.000000000e+00;
	v8 =	vld [tilespmem:s8+$0x10]  }
0x2d2: {  	v3 =	vadd.f32 v3, v6;
	v6 =	vld [tilespmem:s8+$0xFFFFFFC0];
	v4 =	vbroadcast v4, $0x0  }
0x2d3: {  	s9 =	simm.s32 $0xEB90;
	v23 =	vld [tilespmem:s3+$0xFFFFFFD0]  }
0x2d4: {  	s7 =	simm.s32 $0xC570;
	v25 =	vld [tilespmem:s9+$0x0];
	v13 =	vpop (erf);
	[tilespmem:s5+$0xFFFFFFC0] =	vst v3;
	(erf) = vrcp.f32 v4;
	v3 =	vmul.f32 v18, v17  }
0x2d5: {  	v26 =	vld [tilespmem:s7+$0x40];
	v4 =	vmul.f32 v13, v12  }
0x2d6: {  	v27 =	vld [tilespmem:s7+$0xFFFFFFF0];
	v3 =	vadd.f32 v8, v3;
	v8 =	vadd.f32 $0.0e+00, v19  }
0x2d7: {  	v4 =	vadd.f32 v4, v6;
	v6 =	vld [tilespmem:s6+$0x20]  }
0x2d8: {  	v19 =	vld [tilespmem:s3+$0x0];
	[tilespmem:s6+$0x10] =	vst v3;
	v3 =	vmax.f32 v8, $1.000000000e+00  }
0x2d9: {  	[tilespmem:s6+$0xFFFFFFB0] =	vst v4;
	v4 =	vld [tilespmem:s8+$0x20];
	v3 =	vbroadcast v3, $0x0  }
0x2da: {  	v57 =	vld [tilespmem:s3+$0x10]  }
0x2db: {  	v7 =	vld [tilespmem:s5+$0x30];
	(erf) = vrcp.f32 v3  }
0x2dc: {  	v12 =	vld [tilespmem:s10+$0xFFFFFFE0];
	v6 =	vmul.f32 v6, v18  }
0x2dd: {  	v5 =	vld [tilespmem:s6+$0xFFFFFFD0];
	v3 =	vpop (erf)  }
0x2de: {  	v21 =	vld [tilespmem:s10+$0x30];
	v19 =	vmul.f32 v3, v19;
	v4 =	vadd.f32 v4, v6  }
0x2df: {  	v28 =	vmul.f32 v10, v15;
	v6 =	vld [tilespmem:s6+$0x30]  }
0x2e0: {  	v24 =	vld [tilespmem:s8+$0xFFFFFFD0];
	v19 =	vadd.f32 v19, v25;
	[tilespmem:s6+$0x20] =	vst v4  }
0x2e1: {  	v9 =	vmul.f32 v7, v9;
	v12 =	vadd.f32 v12, v28;
	v4 =	vmul.f32 v13, v14;
	v14 =	vld [tilespmem:s8+$0x30]  }
0x2e2: {  	[tilespmem:s3+$0x0] =	vst v19;
	v19 =	vld [tilespmem:s9+$0xFFFFFFC0]  }
0x2e3: {  	v10 =	vld [tilespmem:s7+$0xFFFFFFC0];
	v9 =	vadd.f32 v21, v9;
	[tilespmem:s5+$0xFFFFFFD0] =	vst v12;
	v12 =	vadd.f32 $0.0e+00, v26  }
0x2e4: {  	v61 =	vadd.f32 $0.0e+00, v27;
	v59 =	vmul.f32 v11, v15;
	v7 =	vld [tilespmem:s7+$0xFFFFFFD0];
	v18 =	vmul.f32 v6, v18;
	v60 =	vpop (erf)  }
0x2e5: {  	[tilespmem:s5+$0x30] =	vst v9;
	v9 =	vmax.f32 v12, $1.000000000e+00;
	v4 =	vadd.f32 v24, v4;
	v58 =	vld [tilespmem:s9+$0x10];
	v11 =	vmul.f32 v60, v20  }
0x2e6: {  	v17 =	vld [tilespmem:s3+$0xFFFFFFE0];
	v12 =	vmax.f32 v61, $1.000000000e+00;
	v14 =	vadd.f32 v14, v18;
	v18 =	vbroadcast v9, $0x0  }
0x2e7: {  	v8 =	vld [tilespmem:s7+$0xFFFFFFB0];
	[tilespmem:s6+$0xFFFFFFC0] =	vst v4;
	v11 =	vadd.f32 v11, v19;
	v19 =	vbroadcast v12, $0x0  }
0x2e8: {  	v4 =	vmul.f32 v3, v57;
	v15 =	vld [tilespmem:s8+$0xFFFFFFE0];
	(erf) = vrcp.f32 v18  }
0x2e9: {  	v62 =	vld [tilespmem:s10+$0xFFFFFFF0];
	(erf) = vrcp.f32 v19  }
0x2ea: {  	v6 =	vld [tilespmem:s7+$0xFFFFFFE0];
	v24 =	vadd.f32 v58, v4  }
0x2eb: {  	v5 =	vmul.f32 v5, v13;
	v4 =	vmul.f32 v16, v13;
	v13 =	vld [tilespmem:s3+$0x20]  }
0x2ec: {  	v16 =	vld [tilespmem:s7+$0x0];
	[tilespmem:s3+$0x10] =	vst v24  }
0x2ed: {  	[tilespmem:s3+$0xFFFFFFB0] =	vst v11;
	v63 =	vadd.f32 v15, v5;
	v12 =	vld [tilespmem:s9+$0x20]  }
0x2ee: {  	s10 =	simm.s32 $0xEC10;
	v9 =	vmul.f32 v23, v60;
	[tilespmem:s6+$0x30] =	vst v14;
	v15 =	vld [tilespmem:s9+$0xFFFFFFD0]  }
0x2ef: {  	s12 =	simm.s32 $0x6;
	s24 =	simm.s32 $0xC610;
	v14 =	vadd.f32 v62, v59;
	v11 =	vmul.f32 v60, v22;
	v5 =	vmul.f32 v17, v60;
	v17 =	vld [tilespmem:s10+$0x0];
	[tilespmem:s6+$0xFFFFFFD0] =	vst v63  }
.LBB2_14:
0x2f0: {  	v18 =	vld [tilespmem:s24+$0x40];
	s12 =	sadd.s32 $0x2, s12;
	v13 =	vmul.f32 v13, v3  }
0x2f1: {  	v19 =	vld [tilespmem:s24+$0xFFFFFFF0];
	p0 =	slt.u32 s12, $0x7A;
	v20 =	vpop (erf);
	[tilespmem:s5+$0xFFFFFFE0] =	vst v14;
	s5 =	smov.u32 s6;
	s6 =	smov.u32 s3  }
0x2f2: {  	s3 =	smov.u32 s7;
	s7 =	smov.u32 s24;
	v14 =	vld [tilespmem:s24+$0xFFFFFFB0];
	v16 =	vmul.f32 v20, v16;
	v21 =	vpop (erf);
	v12 =	vadd.f32 v12, v13  }
0x2f3: {  	v13 =	vmul.f32 v21, v8;
	v8 =	vadd.f32 v15, v11;
	v11 =	vmul.f32 v21, v10;
	v15 =	vld [tilespmem:s6+$0x30]  }
0x2f4: {  	v22 =	vmul.f32 v7, v21;
	v21 =	vmul.f32 v6, v21;
	v6 =	vadd.f32 v16, v17;
	v16 =	vld [tilespmem:s3+$0x10];
	[tilespmem:s6+$0x20] =	vst v12  }
0x2f5: {  	v7 =	vadd.f32 $0.0e+00, v18;
	[tilespmem:s6+$0xFFFFFFC0] =	vst v8;
	v12 =	vld [tilespmem:s9+$0x30]  }
0x2f6: {  	v10 =	vadd.f32 $0.0e+00, v19;
	v17 =	vld [tilespmem:s10+$0xFFFFFFC0];
	[tilespmem:s3+$0x0] =	vst v6  }
0x2f7: {  	v6 =	vmax.f32 v7, $1.000000000e+00;
	v18 =	vld [tilespmem:s10+$0x10];
	v8 =	vmov v14  }
0x2f8: {  	v7 =	vmax.f32 v10, $1.000000000e+00;
	v10 =	vld [tilespmem:s24+$0xFFFFFFC0];
	v6 =	vbroadcast v6, $0x0;
	v14 =	vmul.f32 v15, v3;
	v3 =	vmovc v20  }
0x2f9: {  	v15 =	vbroadcast v7, $0x0;
	v7 =	vld [tilespmem:s24+$0xFFFFFFD0]  }
0x2fa: {  	v16 =	vmul.f32 v3, v16;
	(erf) = vrcp.f32 v6;
	v19 =	vld [tilespmem:s9+$0xFFFFFFE0];
	v12 =	vadd.f32 v12, v14  }
0x2fb: {  	v6 =	vld [tilespmem:s24+$0xFFFFFFE0];
	(erf) = vrcp.f32 v15;
	v13 =	vadd.f32 v13, v17  }
0x2fc: {  	v14 =	vadd.f32 v18, v16;
	[tilespmem:s6+$0x30] =	vst v12;
	v18 =	vld [tilespmem:s8+$0xFFFFFFF0];
	s8 =	smov.u32 s9;
	s9 =	smov.u32 s10  }
.Ltmp6:
0x2fd: {  	[tilespmem:s3+$0xFFFFFFB0] =	vst v13;
	v13 =	vld [tilespmem:s3+$0x20];
	(pc) =	sbr.rel @p0 .LBB2_14-.Ltmp6, $4  }
0x2fe: {  	v16 =	vld [tilespmem:s24+$0x0];
	[tilespmem:s3+$0x10] =	vst v14  }
0x2ff: {  	v12 =	vld [tilespmem:s10+$0x20];
	v14 =	vadd.f32 v19, v9;
	v9 =	vmov v22  }
0x300: {  	s10 =	sadd.s32 $0x80, s10;
	v15 =	vld [tilespmem:s9+$0xFFFFFFD0]  }
0x301: {  	s24 =	sadd.s32 $0xA0, s24;
	v17 =	vld [tilespmem:s10+$0x0];
	[tilespmem:s6+$0xFFFFFFD0] =	vst v14;
	v14 =	vadd.f32 v18, v4;
	v4 =	vmov v5;
	v5 =	vmov v21  }
0x302: {  	_ = 	snop  }
0x303: {  	v19 =	vld [tilespmem:s10+$0xFFFFFFC0];
	v18 =	vpop (erf)  }
0x304: {  	v16 =	vmul.f32 v18, v16  }
0x305: {  	v20 =	vpop (erf)  }
0x306: {  	v8 =	vmul.f32 v20, v8;
	v16 =	vadd.f32 v16, v17  }
0x307: {  	v41 =	vld [tilespmem:s7+$0x10]  }
0x308: {  	v8 =	vadd.f32 v8, v19;
	[tilespmem:s7+$0x0] =	vst v16  }
0x309: {  	v16 =	vld [tilespmem:s10+$0x10]  }
0x30a: {  	[tilespmem:s7+$0xFFFFFFB0] =	vst v8  }
0x30b: {  	v8 =	vld [tilespmem:s10+$0xFFFFFFD0]  }
0x30c: {  	v17 =	vmul.f32 v18, v41;
	_ =	sdelay $0x1  }
0x30d: {  	v10 =	vmul.f32 v20, v10;
	v16 =	vadd.f32 v16, v17  }
0x30e: {  	v42 =	vld [tilespmem:s7+$0x20];
	v11 =	vadd.f32 v15, v11  }
0x30f: {  	v8 =	vadd.f32 v8, v10;
	[tilespmem:s7+$0x10] =	vst v16  }
0x310: {  	[tilespmem:s3+$0xFFFFFFC0] =	vst v11;
	v44 =	vld [tilespmem:s10+$0x20]  }
0x311: {  	v43 =	vmul.f32 v13, v3;
	v45 =	vld [tilespmem:s9+$0xFFFFFFE0];
	[tilespmem:s7+$0xFFFFFFC0] =	vst v8  }
0x312: {  	v47 =	vld [tilespmem:s10+$0xFFFFFFE0]  }
0x313: {  	v46 =	vadd.f32 v12, v43;
	v15 =	vmul.f32 v42, v18  }
0x314: {  	v48 =	vld [tilespmem:s3+$0x30]  }
0x315: {  	v49 =	vld [tilespmem:s7+$0x30];
	v7 =	vmul.f32 v7, v20;
	[tilespmem:s3+$0x20] =	vst v46;
	v11 =	vadd.f32 v44, v15  }
0x316: {  	v9 =	vadd.f32 v45, v9;
	v8 =	vld [tilespmem:s9+$0x30]  }
0x317: {  	v50 =	vld [tilespmem:s8+$0xFFFFFFF0];
	v7 =	vadd.f32 v47, v7;
	[tilespmem:s7+$0x20] =	vst v11  }
0x318: {  	[tilespmem:s3+$0xFFFFFFD0] =	vst v9;
	v51 =	vld [tilespmem:s10+$0x30]  }
0x319: {  	v3 =	vmul.f32 v48, v3;
	v52 =	vld [tilespmem:s9+$0xFFFFFFF0];
	[tilespmem:s7+$0xFFFFFFD0] =	vst v7  }
0x31a: {  	v7 =	vld [tilespmem:s10+$0xFFFFFFF0]  }
0x31b: {  	v53 =	vmul.f32 v49, v18;
	v3 =	vadd.f32 v8, v3  }
0x31c: {  	[tilespmem:s5+$0xFFFFFFE0] =	vst v14;
	v4 =	vadd.f32 v50, v4  }
0x31d: {  	v6 =	vmul.f32 v6, v20;
	[tilespmem:s3+$0x30] =	vst v3;
	v3 =	vadd.f32 v51, v53  }
0x31e: {  	[tilespmem:s6+$0xFFFFFFE0] =	vst v4;
	v54 =	vadd.f32 v52, v5  }
0x31f: {  	[tilespmem:s7+$0x30] =	vst v3;
	v3 =	vadd.f32 v7, v6  }
0x320: {  	[tilespmem:s3+$0xFFFFFFE0] =	vst v54  }
0x321: {  	[tilespmem:s7+$0xFFFFFFE0] =	vst v3  }
0x322: {  	v3 =	vld [tilespmem:$0xEA40];
	_ =	sdelay $0x4  }
0x323: {  	v3 =	vadd.f32 $0.0e+00, v3;
	_ =	sdelay $0x1  }
0x324: {  	v3 =	vmax.f32 v3, $1.000000000e+00  }
0x325: {  	v3 =	vbroadcast v3, $0x0;
	_ =	sdelay $0x1  }
0x326: {  	(erf) = vrcp.f32 v3;
	_ =	sdelay $0x2  }
0x327: {  	v4 =	vld [tilespmem:$0x10950]  }
0x328: {  	v55 =	vld [tilespmem:$0xEA10]  }
0x329: {  	v3 =	vld [tilespmem:$0xEA00]  }
0x32a: {  	v56 =	vld [tilespmem:$0x10960]  }
0x32b: {  	v58 =	vld [tilespmem:$0xEA30]  }
0x32c: {  	v57 =	vld [tilespmem:$0xEA20]  }
0x32d: {  	v11 =	vld [tilespmem:$0x10980];
	v59 =	vpop (erf)  }
0x32e: {  	v60 =	vld [tilespmem:$0x10970];
	v3 =	vmul.f32 v59, v3  }
0x32f: {  	v5 =	vmul.f32 v59, v55  }
0x330: {  	v62 =	vmul.f32 v58, v59;
	v3 =	vadd.f32 v3, v4  }
0x331: {  	v61 =	vmul.f32 v57, v59;
	v5 =	vadd.f32 v56, v5  }
0x332: {  	v63 =	vadd.f32 v11, v62;
	[tilespmem:$0xEA00] =	vst v3  }
0x333: {  	v3 =	vadd.f32 v60, v61;
	[tilespmem:$0xEA10] =	vst v5  }
0x334: {  	s5 =	simm.s32 $0x10;
	[tilespmem:$0xEA30] =	vst v63  }
0x335: {  	s6 =	simm.s32 $0xC390;
	s3 =	simm.s32 $0xC340;
	s7 =	sadd.s32 $0x0, s11;
	[tilespmem:$0xEA20] =	vst v3  }
.LBB2_16:
0x336: {  	[hbm4b:s7+s2] =	stream.linear.scatter [tilespmem:s3], [sflag:$0x5], $0x40, $0x38;
	[tilespmem:$0x1CCE0] =	vst v63  }
0x337: {  	s7 =	smov.u32 s5;
	s3 =	smov.u32 s6;
	p0 =	sne.s32 s5, $0x7C0  }
.Ltmp7:
0x338: {  	s5 =	sadd.s32 $0x10, s5;
	(pc) =	sbr.rel @p0 .LBB2_16-.Ltmp7, $2  }
0x339: {  	_ =	sdelay $0x2  }
0x33a: {  	s6 =	sadd.s32 $0x50, s6;
	s7 =	sadd.s32 s7, s11  }
0x33b: {  	[hbm4b:s7+s2] =	stream.linear.scatter [tilespmem:s3], [sflag:$0x5], $0x40, $0x38;
	[tilespmem:$0x1CCE0] =	vst v63  }
0x33c: {  	_ =	swait.ge [sflag:s13], $0x1F40  }
0x33d: {  	[sflag:s13] =	ssyncset.done $0x0  }
0x33e: {  	s30 =	rddreg [dreg:$0xa];
	[sflag:s13] =	ssyncadd.s32 $0xFFFFE0C0  }
0x33f: {  	[tilespmem:s15], [sflag:$0x5] =	stream.linear.gather [spmem:s30], $0x2710, $0x38;
	[tilespmem:$0x1CCE0] =	vst v63  }
0x340: {  	_ =	swait.ge [sflag:s13], $0x2710  }
0x341: {  	[sflag:s13] =	ssyncset.done $0x0  }
0x342: {  	s31 =	rddreg [dreg:$0xb];
	[sflag:s13] =	ssyncadd.s32 $0xFFFFD8F0  }
0x343: {  	[tilespmem:s28], [sflag:$0x5] =	stream.strided.gather [hbm4b:s31+s25], $0x1F40, s26, s25, $0x38;
	[tilespmem:$0x1CCE0] =	vst v63  }
0x344: {  	_ =	swait.ge [sflag:s13], $0x1F40  }
0x345: {  	[sflag:s13] =	ssyncset.done $0x0  }
0x346: {  	s5 =	simm.s32 $0xC390;
	[sflag:s13] =	ssyncadd.s32 $0xFFFFE0C0  }
0x347: {  	v3 =	vld [tilespmem:s5+$0x40];
	_ =	sdelay $0x4  }
0x348: {  	v3 =	vadd.f32 $0.0e+00, v3;
	_ =	sdelay $0x1  }
0x349: {  	v3 =	vmax.f32 v3, $1.000000000e+00  }
0x34a: {  	v3 =	vbroadcast v3, $0x0;
	_ =	sdelay $0x1  }
0x34b: {  	(erf) = vrcp.f32 v3  }
0x34c: {  	v3 =	vld [tilespmem:s5+$0xFFFFFFF0];
	_ =	sdelay $0x3  }
0x34d: {  	s10 =	simm.s32 $0xEA90;
	v4 =	vld [tilespmem:s5+$0x0]  }
0x34e: {  	s6 =	simm.s32 $0xC430;
	v5 =	vld [tilespmem:s10+$0x0];
	v3 =	vadd.f32 $0.0e+00, v3  }
0x34f: {  	v6 =	vld [tilespmem:s6+$0x40]  }
0x350: {  	v3 =	vmax.f32 v3, $1.000000000e+00  }
0x351: {  	v3 =	vbroadcast v3, $0x0;
	v9 =	vpop (erf)  }
0x352: {  	v4 =	vmul.f32 v9, v4  }
0x353: {  	v7 =	vld [tilespmem:s5+$0xFFFFFFB0];
	(erf) = vrcp.f32 v3  }
0x354: {  	v8 =	vld [tilespmem:s5+$0xFFFFFFC0];
	v3 =	vadd.f32 v4, v5;
	v4 =	vadd.f32 $0.0e+00, v6  }
0x355: {  	v5 =	vld [tilespmem:s5+$0x10]  }
0x356: {  	v10 =	vld [tilespmem:s5+$0xFFFFFFD0];
	[tilespmem:s5+$0x0] =	vst v3;
	v3 =	vmax.f32 v4, $1.000000000e+00  }
0x357: {  	v4 =	vld [tilespmem:s10+$0x10];
	v3 =	vbroadcast v3, $0x0  }
0x358: {  	v6 =	vld [tilespmem:s6+$0xFFFFFFF0]  }
0x359: {  	v11 =	vld [tilespmem:s5+$0xFFFFFFE0];
	(erf) = vrcp.f32 v3  }
0x35a: {  	v13 =	vld [tilespmem:s10+$0xFFFFFFC0];
	v3 =	vmul.f32 v9, v5  }
0x35b: {  	v12 =	vld [tilespmem:s6+$0xFFFFFFB0]  }
0x35c: {  	v14 =	vld [tilespmem:s6+$0xFFFFFFC0];
	v15 =	vpop (erf);
	v3 =	vadd.f32 v4, v3  }
0x35d: {  	v6 =	vadd.f32 $0.0e+00, v6;
	v4 =	vmul.f32 v15, v7;
	v7 =	vld [tilespmem:s5+$0x20]  }
0x35e: {  	v17 =	vld [tilespmem:s6+$0x0];
	[tilespmem:s5+$0x10] =	vst v3  }
0x35f: {  	s8 =	simm.s32 $0xEB10;
	v3 =	vmax.f32 v6, $1.000000000e+00;
	v4 =	vadd.f32 v4, v13;
	v6 =	vld [tilespmem:s10+$0x20]  }
0x360: {  	s3 =	simm.s32 $0xC4D0;
	v13 =	vld [tilespmem:s8+$0x0];
	v3 =	vbroadcast v3, $0x0  }
0x361: {  	[tilespmem:s5+$0xFFFFFFB0] =	vst v4;
	v4 =	vld [tilespmem:s3+$0x40]  }
0x362: {  	v16 =	vld [tilespmem:s6+$0xFFFFFFE0];
	(erf) = vrcp.f32 v3;
	v7 =	vmul.f32 v7, v9;
	v18 =	vpop (erf)  }
0x363: {  	v19 =	vld [tilespmem:s3+$0xFFFFFFF0];
	v17 =	vmul.f32 v18, v17  }
0x364: {  	v3 =	vld [tilespmem:s10+$0xFFFFFFD0];
	v6 =	vadd.f32 v6, v7  }
0x365: {  	v20 =	vld [tilespmem:s3+$0xFFFFFFB0];
	v13 =	vadd.f32 v17, v13  }
0x366: {  	v17 =	vld [tilespmem:s6+$0x10];
	v4 =	vadd.f32 $0.0e+00, v4;
	[tilespmem:s5+$0x20] =	vst v6  }
0x367: {  	v22 =	vld [tilespmem:s3+$0xFFFFFFC0];
	v6 =	vmul.f32 v15, v8;
	[tilespmem:s6+$0x0] =	vst v13  }
0x368: {  	v4 =	vmax.f32 v4, $1.000000000e+00;
	v8 =	vld [tilespmem:s8+$0x10]  }
0x369: {  	v3 =	vadd.f32 v3, v6;
	v6 =	vld [tilespmem:s8+$0xFFFFFFC0];
	v4 =	vbroadcast v4, $0x0  }
0x36a: {  	s9 =	simm.s32 $0xEB90;
	v23 =	vld [tilespmem:s3+$0xFFFFFFD0]  }
0x36b: {  	s7 =	simm.s32 $0xC570;
	v25 =	vld [tilespmem:s9+$0x0];
	v13 =	vpop (erf);
	[tilespmem:s5+$0xFFFFFFC0] =	vst v3;
	(erf) = vrcp.f32 v4;
	v3 =	vmul.f32 v18, v17  }
0x36c: {  	v26 =	vld [tilespmem:s7+$0x40];
	v4 =	vmul.f32 v13, v12  }
0x36d: {  	v27 =	vld [tilespmem:s7+$0xFFFFFFF0];
	v3 =	vadd.f32 v8, v3;
	v8 =	vadd.f32 $0.0e+00, v19  }
0x36e: {  	v4 =	vadd.f32 v4, v6;
	v6 =	vld [tilespmem:s6+$0x20]  }
0x36f: {  	v19 =	vld [tilespmem:s3+$0x0];
	[tilespmem:s6+$0x10] =	vst v3;
	v3 =	vmax.f32 v8, $1.000000000e+00  }
0x370: {  	[tilespmem:s6+$0xFFFFFFB0] =	vst v4;
	v4 =	vld [tilespmem:s8+$0x20];
	v3 =	vbroadcast v3, $0x0  }
0x371: {  	v57 =	vld [tilespmem:s3+$0x10]  }
0x372: {  	v7 =	vld [tilespmem:s5+$0x30];
	(erf) = vrcp.f32 v3  }
0x373: {  	v12 =	vld [tilespmem:s10+$0xFFFFFFE0];
	v6 =	vmul.f32 v6, v18  }
0x374: {  	v5 =	vld [tilespmem:s6+$0xFFFFFFD0];
	v3 =	vpop (erf)  }
0x375: {  	v21 =	vld [tilespmem:s10+$0x30];
	v19 =	vmul.f32 v3, v19;
	v4 =	vadd.f32 v4, v6  }
0x376: {  	v28 =	vmul.f32 v10, v15;
	v6 =	vld [tilespmem:s6+$0x30]  }
0x377: {  	v24 =	vld [tilespmem:s8+$0xFFFFFFD0];
	v19 =	vadd.f32 v19, v25;
	[tilespmem:s6+$0x20] =	vst v4  }
0x378: {  	v9 =	vmul.f32 v7, v9;
	v12 =	vadd.f32 v12, v28;
	v4 =	vmul.f32 v13, v14;
	v14 =	vld [tilespmem:s8+$0x30]  }
0x379: {  	[tilespmem:s3+$0x0] =	vst v19;
	v19 =	vld [tilespmem:s9+$0xFFFFFFC0]  }
0x37a: {  	v10 =	vld [tilespmem:s7+$0xFFFFFFC0];
	v9 =	vadd.f32 v21, v9;
	[tilespmem:s5+$0xFFFFFFD0] =	vst v12;
	v12 =	vadd.f32 $0.0e+00, v26  }
0x37b: {  	v61 =	vadd.f32 $0.0e+00, v27;
	v59 =	vmul.f32 v11, v15;
	v7 =	vld [tilespmem:s7+$0xFFFFFFD0];
	v18 =	vmul.f32 v6, v18;
	v60 =	vpop (erf)  }
0x37c: {  	[tilespmem:s5+$0x30] =	vst v9;
	v9 =	vmax.f32 v12, $1.000000000e+00;
	v4 =	vadd.f32 v24, v4;
	v58 =	vld [tilespmem:s9+$0x10];
	v11 =	vmul.f32 v60, v20  }
0x37d: {  	v17 =	vld [tilespmem:s3+$0xFFFFFFE0];
	v12 =	vmax.f32 v61, $1.000000000e+00;
	v14 =	vadd.f32 v14, v18;
	v18 =	vbroadcast v9, $0x0  }
0x37e: {  	v8 =	vld [tilespmem:s7+$0xFFFFFFB0];
	[tilespmem:s6+$0xFFFFFFC0] =	vst v4;
	v11 =	vadd.f32 v11, v19;
	v19 =	vbroadcast v12, $0x0  }
0x37f: {  	v4 =	vmul.f32 v3, v57;
	v15 =	vld [tilespmem:s8+$0xFFFFFFE0];
	(erf) = vrcp.f32 v18  }
0x380: {  	v62 =	vld [tilespmem:s10+$0xFFFFFFF0];
	(erf) = vrcp.f32 v19  }
0x381: {  	v6 =	vld [tilespmem:s7+$0xFFFFFFE0];
	v24 =	vadd.f32 v58, v4  }
0x382: {  	v5 =	vmul.f32 v5, v13;
	v4 =	vmul.f32 v16, v13;
	v13 =	vld [tilespmem:s3+$0x20]  }
0x383: {  	v16 =	vld [tilespmem:s7+$0x0];
	[tilespmem:s3+$0x10] =	vst v24  }
0x384: {  	[tilespmem:s3+$0xFFFFFFB0] =	vst v11;
	v63 =	vadd.f32 v15, v5;
	v12 =	vld [tilespmem:s9+$0x20]  }
0x385: {  	s10 =	simm.s32 $0xEC10;
	v9 =	vmul.f32 v23, v60;
	[tilespmem:s6+$0x30] =	vst v14;
	v15 =	vld [tilespmem:s9+$0xFFFFFFD0]  }
0x386: {  	s12 =	simm.s32 $0x6;
	s24 =	simm.s32 $0xC610;
	v14 =	vadd.f32 v62, v59;
	v11 =	vmul.f32 v60, v22;
	v5 =	vmul.f32 v17, v60;
	v17 =	vld [tilespmem:s10+$0x0];
	[tilespmem:s6+$0xFFFFFFD0] =	vst v63  }
.LBB2_18:
0x387: {  	v18 =	vld [tilespmem:s24+$0x40];
	s12 =	sadd.s32 $0x2, s12;
	v13 =	vmul.f32 v13, v3  }
0x388: {  	v19 =	vld [tilespmem:s24+$0xFFFFFFF0];
	p0 =	slt.u32 s12, $0x7A;
	v20 =	vpop (erf);
	[tilespmem:s5+$0xFFFFFFE0] =	vst v14;
	s5 =	smov.u32 s6;
	s6 =	smov.u32 s3  }
0x389: {  	s3 =	smov.u32 s7;
	s7 =	smov.u32 s24;
	v14 =	vld [tilespmem:s24+$0xFFFFFFB0];
	v16 =	vmul.f32 v20, v16;
	v21 =	vpop (erf);
	v12 =	vadd.f32 v12, v13  }
0x38a: {  	v13 =	vmul.f32 v21, v8;
	v8 =	vadd.f32 v15, v11;
	v11 =	vmul.f32 v21, v10;
	v15 =	vld [tilespmem:s6+$0x30]  }
0x38b: {  	v22 =	vmul.f32 v7, v21;
	v21 =	vmul.f32 v6, v21;
	v6 =	vadd.f32 v16, v17;
	v16 =	vld [tilespmem:s3+$0x10];
	[tilespmem:s6+$0x20] =	vst v12  }
0x38c: {  	v7 =	vadd.f32 $0.0e+00, v18;
	[tilespmem:s6+$0xFFFFFFC0] =	vst v8;
	v12 =	vld [tilespmem:s9+$0x30]  }
0x38d: {  	v10 =	vadd.f32 $0.0e+00, v19;
	v17 =	vld [tilespmem:s10+$0xFFFFFFC0];
	[tilespmem:s3+$0x0] =	vst v6  }
0x38e: {  	v6 =	vmax.f32 v7, $1.000000000e+00;
	v18 =	vld [tilespmem:s10+$0x10];
	v8 =	vmov v14  }
0x38f: {  	v7 =	vmax.f32 v10, $1.000000000e+00;
	v10 =	vld [tilespmem:s24+$0xFFFFFFC0];
	v6 =	vbroadcast v6, $0x0;
	v14 =	vmul.f32 v15, v3;
	v3 =	vmovc v20  }
0x390: {  	v15 =	vbroadcast v7, $0x0;
	v7 =	vld [tilespmem:s24+$0xFFFFFFD0]  }
0x391: {  	v16 =	vmul.f32 v3, v16;
	(erf) = vrcp.f32 v6;
	v19 =	vld [tilespmem:s9+$0xFFFFFFE0];
	v12 =	vadd.f32 v12, v14  }
0x392: {  	v6 =	vld [tilespmem:s24+$0xFFFFFFE0];
	(erf) = vrcp.f32 v15;
	v13 =	vadd.f32 v13, v17  }
0x393: {  	v14 =	vadd.f32 v18, v16;
	[tilespmem:s6+$0x30] =	vst v12;
	v18 =	vld [tilespmem:s8+$0xFFFFFFF0];
	s8 =	smov.u32 s9;
	s9 =	smov.u32 s10  }
.Ltmp8:
0x394: {  	[tilespmem:s3+$0xFFFFFFB0] =	vst v13;
	v13 =	vld [tilespmem:s3+$0x20];
	(pc) =	sbr.rel @p0 .LBB2_18-.Ltmp8, $4  }
0x395: {  	v16 =	vld [tilespmem:s24+$0x0];
	[tilespmem:s3+$0x10] =	vst v14  }
0x396: {  	v12 =	vld [tilespmem:s10+$0x20];
	v14 =	vadd.f32 v19, v9;
	v9 =	vmov v22  }
0x397: {  	s10 =	sadd.s32 $0x80, s10;
	v15 =	vld [tilespmem:s9+$0xFFFFFFD0]  }
0x398: {  	s24 =	sadd.s32 $0xA0, s24;
	v17 =	vld [tilespmem:s10+$0x0];
	[tilespmem:s6+$0xFFFFFFD0] =	vst v14;
	v14 =	vadd.f32 v18, v4;
	v4 =	vmov v5;
	v5 =	vmov v21  }
0x399: {  	_ = 	snop  }
0x39a: {  	v19 =	vld [tilespmem:s10+$0xFFFFFFC0];
	v18 =	vpop (erf)  }
0x39b: {  	v16 =	vmul.f32 v18, v16  }
0x39c: {  	v20 =	vpop (erf)  }
0x39d: {  	v8 =	vmul.f32 v20, v8;
	v16 =	vadd.f32 v16, v17  }
0x39e: {  	v41 =	vld [tilespmem:s7+$0x10]  }
0x39f: {  	v8 =	vadd.f32 v8, v19;
	[tilespmem:s7+$0x0] =	vst v16  }
0x3a0: {  	v16 =	vld [tilespmem:s10+$0x10]  }
0x3a1: {  	[tilespmem:s7+$0xFFFFFFB0] =	vst v8  }
0x3a2: {  	v8 =	vld [tilespmem:s10+$0xFFFFFFD0]  }
0x3a3: {  	v17 =	vmul.f32 v18, v41;
	_ =	sdelay $0x1  }
0x3a4: {  	v10 =	vmul.f32 v20, v10;
	v16 =	vadd.f32 v16, v17  }
0x3a5: {  	v42 =	vld [tilespmem:s7+$0x20];
	v11 =	vadd.f32 v15, v11  }
0x3a6: {  	v8 =	vadd.f32 v8, v10;
	[tilespmem:s7+$0x10] =	vst v16  }
0x3a7: {  	[tilespmem:s3+$0xFFFFFFC0] =	vst v11;
	v44 =	vld [tilespmem:s10+$0x20]  }
0x3a8: {  	v43 =	vmul.f32 v13, v3;
	v45 =	vld [tilespmem:s9+$0xFFFFFFE0];
	[tilespmem:s7+$0xFFFFFFC0] =	vst v8  }
0x3a9: {  	v47 =	vld [tilespmem:s10+$0xFFFFFFE0]  }
0x3aa: {  	v46 =	vadd.f32 v12, v43;
	v15 =	vmul.f32 v42, v18  }
0x3ab: {  	v48 =	vld [tilespmem:s3+$0x30]  }
0x3ac: {  	v49 =	vld [tilespmem:s7+$0x30];
	v7 =	vmul.f32 v7, v20;
	[tilespmem:s3+$0x20] =	vst v46;
	v11 =	vadd.f32 v44, v15  }
0x3ad: {  	v9 =	vadd.f32 v45, v9;
	v8 =	vld [tilespmem:s9+$0x30]  }
0x3ae: {  	v50 =	vld [tilespmem:s8+$0xFFFFFFF0];
	v7 =	vadd.f32 v47, v7;
	[tilespmem:s7+$0x20] =	vst v11  }
0x3af: {  	[tilespmem:s3+$0xFFFFFFD0] =	vst v9;
	v51 =	vld [tilespmem:s10+$0x30]  }
0x3b0: {  	v3 =	vmul.f32 v48, v3;
	v52 =	vld [tilespmem:s9+$0xFFFFFFF0];
	[tilespmem:s7+$0xFFFFFFD0] =	vst v7  }
0x3b1: {  	v7 =	vld [tilespmem:s10+$0xFFFFFFF0]  }
0x3b2: {  	v53 =	vmul.f32 v49, v18;
	v3 =	vadd.f32 v8, v3  }
0x3b3: {  	[tilespmem:s5+$0xFFFFFFE0] =	vst v14;
	v4 =	vadd.f32 v50, v4  }
0x3b4: {  	v6 =	vmul.f32 v6, v20;
	[tilespmem:s3+$0x30] =	vst v3;
	v3 =	vadd.f32 v51, v53  }
0x3b5: {  	[tilespmem:s6+$0xFFFFFFE0] =	vst v4;
	v54 =	vadd.f32 v52, v5  }
0x3b6: {  	[tilespmem:s7+$0x30] =	vst v3;
	v3 =	vadd.f32 v7, v6  }
0x3b7: {  	[tilespmem:s3+$0xFFFFFFE0] =	vst v54  }
0x3b8: {  	[tilespmem:s7+$0xFFFFFFE0] =	vst v3  }
0x3b9: {  	v3 =	vld [tilespmem:$0xEA40];
	_ =	sdelay $0x4  }
0x3ba: {  	v3 =	vadd.f32 $0.0e+00, v3;
	_ =	sdelay $0x1  }
0x3bb: {  	v3 =	vmax.f32 v3, $1.000000000e+00  }
0x3bc: {  	v3 =	vbroadcast v3, $0x0;
	_ =	sdelay $0x1  }
0x3bd: {  	(erf) = vrcp.f32 v3;
	_ =	sdelay $0x2  }
0x3be: {  	v4 =	vld [tilespmem:$0x10950]  }
0x3bf: {  	v55 =	vld [tilespmem:$0xEA10]  }
0x3c0: {  	v3 =	vld [tilespmem:$0xEA00]  }
0x3c1: {  	v56 =	vld [tilespmem:$0x10960]  }
0x3c2: {  	v58 =	vld [tilespmem:$0xEA30]  }
0x3c3: {  	v57 =	vld [tilespmem:$0xEA20]  }
0x3c4: {  	v11 =	vld [tilespmem:$0x10980];
	v59 =	vpop (erf)  }
0x3c5: {  	v60 =	vld [tilespmem:$0x10970];
	v3 =	vmul.f32 v59, v3  }
0x3c6: {  	v5 =	vmul.f32 v59, v55  }
0x3c7: {  	v62 =	vmul.f32 v58, v59;
	v3 =	vadd.f32 v3, v4  }
0x3c8: {  	v61 =	vmul.f32 v57, v59;
	v5 =	vadd.f32 v56, v5  }
0x3c9: {  	v63 =	vadd.f32 v11, v62;
	[tilespmem:$0xEA00] =	vst v3  }
0x3ca: {  	v3 =	vadd.f32 v60, v61;
	[tilespmem:$0xEA10] =	vst v5  }
0x3cb: {  	s5 =	simm.s32 $0x10;
	[tilespmem:$0xEA30] =	vst v63  }
0x3cc: {  	s6 =	simm.s32 $0xC390;
	s3 =	simm.s32 $0xC340;
	s7 =	sadd.s32 $0x0, s14;
	[tilespmem:$0xEA20] =	vst v3  }
.LBB2_20:
0x3cd: {  	[hbm4b:s7+s2] =	stream.linear.scatter [tilespmem:s3], [sflag:$0x5], $0x40, $0x38;
	[tilespmem:$0x1CCE0] =	vst v63  }
0x3ce: {  	s7 =	smov.u32 s5;
	s3 =	smov.u32 s6;
	p0 =	sne.s32 s5, $0x7C0  }
.Ltmp9:
0x3cf: {  	s5 =	sadd.s32 $0x10, s5;
	(pc) =	sbr.rel @p0 .LBB2_20-.Ltmp9, $2  }
0x3d0: {  	_ =	sdelay $0x2  }
0x3d1: {  	s6 =	sadd.s32 $0x50, s6;
	s7 =	sadd.s32 s7, s14  }
0x3d2: {  	[hbm4b:s7+s2] =	stream.linear.scatter [tilespmem:s3], [sflag:$0x5], $0x40, $0x38;
	[tilespmem:$0x1CCE0] =	vst v63  }
0x3d3: {  	_ =	swait.ge [sflag:s13], $0x1F40  }
0x3d4: {  	[sflag:s13] =	ssyncset.done $0x0  }
0x3d5: {  	s30 =	rddreg [dreg:$0xf];
	[sflag:s13] =	ssyncadd.s32 $0xFFFFE0C0  }
0x3d6: {  	[tilespmem:s15], [sflag:$0x5] =	stream.linear.gather [spmem:s30], $0x2710, $0x38;
	[tilespmem:$0x1CCE0] =	vst v63  }
0x3d7: {  	_ =	swait.ge [sflag:s13], $0x2710  }
0x3d8: {  	[sflag:s13] =	ssyncset.done $0x0  }
0x3d9: {  	s31 =	rddreg [dreg:$0xc];
	[sflag:s13] =	ssyncadd.s32 $0xFFFFD8F0  }
0x3da: {  	[tilespmem:s28], [sflag:$0x5] =	stream.strided.gather [hbm4b:s31+s25], $0x1F40, s26, s25, $0x38;
	[tilespmem:$0x1CCE0] =	vst v63  }
0x3db: {  	_ =	swait.ge [sflag:s13], $0x1F40  }
0x3dc: {  	[sflag:s13] =	ssyncset.done $0x0  }
0x3dd: {  	s5 =	simm.s32 $0xC390;
	[sflag:s13] =	ssyncadd.s32 $0xFFFFE0C0  }
0x3de: {  	v3 =	vld [tilespmem:s5+$0x40];
	_ =	sdelay $0x4  }
0x3df: {  	v3 =	vadd.f32 $0.0e+00, v3;
	_ =	sdelay $0x1  }
0x3e0: {  	v3 =	vmax.f32 v3, $1.000000000e+00  }
0x3e1: {  	v3 =	vbroadcast v3, $0x0;
	_ =	sdelay $0x1  }
0x3e2: {  	(erf) = vrcp.f32 v3  }
0x3e3: {  	v3 =	vld [tilespmem:s5+$0xFFFFFFF0];
	_ =	sdelay $0x3  }
0x3e4: {  	s10 =	simm.s32 $0xEA90;
	v4 =	vld [tilespmem:s5+$0x0]  }
0x3e5: {  	s6 =	simm.s32 $0xC430;
	v5 =	vld [tilespmem:s10+$0x0];
	v3 =	vadd.f32 $0.0e+00, v3  }
0x3e6: {  	v6 =	vld [tilespmem:s6+$0x40]  }
0x3e7: {  	v3 =	vmax.f32 v3, $1.000000000e+00  }
0x3e8: {  	v3 =	vbroadcast v3, $0x0;
	v9 =	vpop (erf)  }
0x3e9: {  	v4 =	vmul.f32 v9, v4  }
0x3ea: {  	v7 =	vld [tilespmem:s5+$0xFFFFFFB0];
	(erf) = vrcp.f32 v3  }
0x3eb: {  	v8 =	vld [tilespmem:s5+$0xFFFFFFC0];
	v3 =	vadd.f32 v4, v5;
	v4 =	vadd.f32 $0.0e+00, v6  }
0x3ec: {  	v5 =	vld [tilespmem:s5+$0x10]  }
0x3ed: {  	v10 =	vld [tilespmem:s5+$0xFFFFFFD0];
	[tilespmem:s5+$0x0] =	vst v3;
	v3 =	vmax.f32 v4, $1.000000000e+00  }
0x3ee: {  	v4 =	vld [tilespmem:s10+$0x10];
	v3 =	vbroadcast v3, $0x0  }
0x3ef: {  	v6 =	vld [tilespmem:s6+$0xFFFFFFF0]  }
0x3f0: {  	v11 =	vld [tilespmem:s5+$0xFFFFFFE0];
	(erf) = vrcp.f32 v3  }
0x3f1: {  	v13 =	vld [tilespmem:s10+$0xFFFFFFC0];
	v3 =	vmul.f32 v9, v5  }
0x3f2: {  	v12 =	vld [tilespmem:s6+$0xFFFFFFB0]  }
0x3f3: {  	v14 =	vld [tilespmem:s6+$0xFFFFFFC0];
	v15 =	vpop (erf);
	v3 =	vadd.f32 v4, v3  }
0x3f4: {  	v6 =	vadd.f32 $0.0e+00, v6;
	v4 =	vmul.f32 v15, v7;
	v7 =	vld [tilespmem:s5+$0x20]  }
0x3f5: {  	v17 =	vld [tilespmem:s6+$0x0];
	[tilespmem:s5+$0x10] =	vst v3  }
0x3f6: {  	s8 =	simm.s32 $0xEB10;
	v3 =	vmax.f32 v6, $1.000000000e+00;
	v4 =	vadd.f32 v4, v13;
	v6 =	vld [tilespmem:s10+$0x20]  }
0x3f7: {  	s3 =	simm.s32 $0xC4D0;
	v13 =	vld [tilespmem:s8+$0x0];
	v3 =	vbroadcast v3, $0x0  }
0x3f8: {  	[tilespmem:s5+$0xFFFFFFB0] =	vst v4;
	v4 =	vld [tilespmem:s3+$0x40]  }
0x3f9: {  	v16 =	vld [tilespmem:s6+$0xFFFFFFE0];
	(erf) = vrcp.f32 v3;
	v7 =	vmul.f32 v7, v9;
	v18 =	vpop (erf)  }
0x3fa: {  	v19 =	vld [tilespmem:s3+$0xFFFFFFF0];
	v17 =	vmul.f32 v18, v17  }
0x3fb: {  	v3 =	vld [tilespmem:s10+$0xFFFFFFD0];
	v6 =	vadd.f32 v6, v7  }
0x3fc: {  	v20 =	vld [tilespmem:s3+$0xFFFFFFB0];
	v13 =	vadd.f32 v17, v13  }
0x3fd: {  	v17 =	vld [tilespmem:s6+$0x10];
	v4 =	vadd.f32 $0.0e+00, v4;
	[tilespmem:s5+$0x20] =	vst v6  }
0x3fe: {  	v22 =	vld [tilespmem:s3+$0xFFFFFFC0];
	v6 =	vmul.f32 v15, v8;
	[tilespmem:s6+$0x0] =	vst v13  }
0x3ff: {  	v4 =	vmax.f32 v4, $1.000000000e+00;
	v8 =	vld [tilespmem:s8+$0x10]  }
0x400: {  	v3 =	vadd.f32 v3, v6;
	v6 =	vld [tilespmem:s8+$0xFFFFFFC0];
	v4 =	vbroadcast v4, $0x0  }
0x401: {  	s9 =	simm.s32 $0xEB90;
	v23 =	vld [tilespmem:s3+$0xFFFFFFD0]  }
0x402: {  	s7 =	simm.s32 $0xC570;
	v25 =	vld [tilespmem:s9+$0x0];
	v13 =	vpop (erf);
	[tilespmem:s5+$0xFFFFFFC0] =	vst v3;
	(erf) = vrcp.f32 v4;
	v3 =	vmul.f32 v18, v17  }
0x403: {  	v26 =	vld [tilespmem:s7+$0x40];
	v4 =	vmul.f32 v13, v12  }
0x404: {  	v27 =	vld [tilespmem:s7+$0xFFFFFFF0];
	v3 =	vadd.f32 v8, v3;
	v8 =	vadd.f32 $0.0e+00, v19  }
0x405: {  	v4 =	vadd.f32 v4, v6;
	v6 =	vld [tilespmem:s6+$0x20]  }
0x406: {  	v19 =	vld [tilespmem:s3+$0x0];
	[tilespmem:s6+$0x10] =	vst v3;
	v3 =	vmax.f32 v8, $1.000000000e+00  }
0x407: {  	[tilespmem:s6+$0xFFFFFFB0] =	vst v4;
	v4 =	vld [tilespmem:s8+$0x20];
	v3 =	vbroadcast v3, $0x0  }
0x408: {  	v57 =	vld [tilespmem:s3+$0x10]  }
0x409: {  	v7 =	vld [tilespmem:s5+$0x30];
	(erf) = vrcp.f32 v3  }
0x40a: {  	v12 =	vld [tilespmem:s10+$0xFFFFFFE0];
	v6 =	vmul.f32 v6, v18  }
0x40b: {  	v5 =	vld [tilespmem:s6+$0xFFFFFFD0];
	v3 =	vpop (erf)  }
0x40c: {  	v21 =	vld [tilespmem:s10+$0x30];
	v19 =	vmul.f32 v3, v19;
	v4 =	vadd.f32 v4, v6  }
0x40d: {  	v28 =	vmul.f32 v10, v15;
	v6 =	vld [tilespmem:s6+$0x30]  }
0x40e: {  	v24 =	vld [tilespmem:s8+$0xFFFFFFD0];
	v19 =	vadd.f32 v19, v25;
	[tilespmem:s6+$0x20] =	vst v4  }
0x40f: {  	v9 =	vmul.f32 v7, v9;
	v12 =	vadd.f32 v12, v28;
	v4 =	vmul.f32 v13, v14;
	v14 =	vld [tilespmem:s8+$0x30]  }
0x410: {  	[tilespmem:s3+$0x0] =	vst v19;
	v19 =	vld [tilespmem:s9+$0xFFFFFFC0]  }
0x411: {  	v10 =	vld [tilespmem:s7+$0xFFFFFFC0];
	v9 =	vadd.f32 v21, v9;
	[tilespmem:s5+$0xFFFFFFD0] =	vst v12;
	v12 =	vadd.f32 $0.0e+00, v26  }
0x412: {  	v61 =	vadd.f32 $0.0e+00, v27;
	v59 =	vmul.f32 v11, v15;
	v7 =	vld [tilespmem:s7+$0xFFFFFFD0];
	v18 =	vmul.f32 v6, v18;
	v60 =	vpop (erf)  }
0x413: {  	[tilespmem:s5+$0x30] =	vst v9;
	v9 =	vmax.f32 v12, $1.000000000e+00;
	v4 =	vadd.f32 v24, v4;
	v58 =	vld [tilespmem:s9+$0x10];
	v11 =	vmul.f32 v60, v20  }
0x414: {  	v17 =	vld [tilespmem:s3+$0xFFFFFFE0];
	v12 =	vmax.f32 v61, $1.000000000e+00;
	v14 =	vadd.f32 v14, v18;
	v18 =	vbroadcast v9, $0x0  }
0x415: {  	v8 =	vld [tilespmem:s7+$0xFFFFFFB0];
	[tilespmem:s6+$0xFFFFFFC0] =	vst v4;
	v11 =	vadd.f32 v11, v19;
	v19 =	vbroadcast v12, $0x0  }
0x416: {  	v4 =	vmul.f32 v3, v57;
	v15 =	vld [tilespmem:s8+$0xFFFFFFE0];
	(erf) = vrcp.f32 v18  }
0x417: {  	v62 =	vld [tilespmem:s10+$0xFFFFFFF0];
	(erf) = vrcp.f32 v19  }
0x418: {  	v6 =	vld [tilespmem:s7+$0xFFFFFFE0];
	v24 =	vadd.f32 v58, v4  }
0x419: {  	v5 =	vmul.f32 v5, v13;
	v4 =	vmul.f32 v16, v13;
	v13 =	vld [tilespmem:s3+$0x20]  }
0x41a: {  	v16 =	vld [tilespmem:s7+$0x0];
	[tilespmem:s3+$0x10] =	vst v24  }
0x41b: {  	[tilespmem:s3+$0xFFFFFFB0] =	vst v11;
	v63 =	vadd.f32 v15, v5;
	v12 =	vld [tilespmem:s9+$0x20]  }
0x41c: {  	s10 =	simm.s32 $0xEC10;
	v9 =	vmul.f32 v23, v60;
	[tilespmem:s6+$0x30] =	vst v14;
	v15 =	vld [tilespmem:s9+$0xFFFFFFD0]  }
0x41d: {  	s12 =	simm.s32 $0x6;
	s24 =	simm.s32 $0xC610;
	v14 =	vadd.f32 v62, v59;
	v11 =	vmul.f32 v60, v22;
	v5 =	vmul.f32 v17, v60;
	v17 =	vld [tilespmem:s10+$0x0];
	[tilespmem:s6+$0xFFFFFFD0] =	vst v63  }
.LBB2_22:
0x41e: {  	v18 =	vld [tilespmem:s24+$0x40];
	s12 =	sadd.s32 $0x2, s12;
	v13 =	vmul.f32 v13, v3  }
0x41f: {  	v19 =	vld [tilespmem:s24+$0xFFFFFFF0];
	p0 =	slt.u32 s12, $0x7A;
	v20 =	vpop (erf);
	[tilespmem:s5+$0xFFFFFFE0] =	vst v14;
	s5 =	smov.u32 s6;
	s6 =	smov.u32 s3  }
0x420: {  	s3 =	smov.u32 s7;
	s7 =	smov.u32 s24;
	v14 =	vld [tilespmem:s24+$0xFFFFFFB0];
	v16 =	vmul.f32 v20, v16;
	v21 =	vpop (erf);
	v12 =	vadd.f32 v12, v13  }
0x421: {  	v13 =	vmul.f32 v21, v8;
	v8 =	vadd.f32 v15, v11;
	v11 =	vmul.f32 v21, v10;
	v15 =	vld [tilespmem:s6+$0x30]  }
0x422: {  	v22 =	vmul.f32 v7, v21;
	v21 =	vmul.f32 v6, v21;
	v6 =	vadd.f32 v16, v17;
	v16 =	vld [tilespmem:s3+$0x10];
	[tilespmem:s6+$0x20] =	vst v12  }
0x423: {  	v7 =	vadd.f32 $0.0e+00, v18;
	[tilespmem:s6+$0xFFFFFFC0] =	vst v8;
	v12 =	vld [tilespmem:s9+$0x30]  }
0x424: {  	v10 =	vadd.f32 $0.0e+00, v19;
	v17 =	vld [tilespmem:s10+$0xFFFFFFC0];
	[tilespmem:s3+$0x0] =	vst v6  }
0x425: {  	v6 =	vmax.f32 v7, $1.000000000e+00;
	v18 =	vld [tilespmem:s10+$0x10];
	v8 =	vmov v14  }
0x426: {  	v7 =	vmax.f32 v10, $1.000000000e+00;
	v10 =	vld [tilespmem:s24+$0xFFFFFFC0];
	v6 =	vbroadcast v6, $0x0;
	v14 =	vmul.f32 v15, v3;
	v3 =	vmovc v20  }
0x427: {  	v15 =	vbroadcast v7, $0x0;
	v7 =	vld [tilespmem:s24+$0xFFFFFFD0]  }
0x428: {  	v16 =	vmul.f32 v3, v16;
	(erf) = vrcp.f32 v6;
	v19 =	vld [tilespmem:s9+$0xFFFFFFE0];
	v12 =	vadd.f32 v12, v14  }
0x429: {  	v6 =	vld [tilespmem:s24+$0xFFFFFFE0];
	(erf) = vrcp.f32 v15;
	v13 =	vadd.f32 v13, v17  }
0x42a: {  	v14 =	vadd.f32 v18, v16;
	[tilespmem:s6+$0x30] =	vst v12;
	v18 =	vld [tilespmem:s8+$0xFFFFFFF0];
	s8 =	smov.u32 s9;
	s9 =	smov.u32 s10  }
.Ltmp10:
0x42b: {  	[tilespmem:s3+$0xFFFFFFB0] =	vst v13;
	v13 =	vld [tilespmem:s3+$0x20];
	(pc) =	sbr.rel @p0 .LBB2_22-.Ltmp10, $4  }
0x42c: {  	v16 =	vld [tilespmem:s24+$0x0];
	[tilespmem:s3+$0x10] =	vst v14  }
0x42d: {  	v12 =	vld [tilespmem:s10+$0x20];
	v14 =	vadd.f32 v19, v9;
	v9 =	vmov v22  }
0x42e: {  	s10 =	sadd.s32 $0x80, s10;
	v15 =	vld [tilespmem:s9+$0xFFFFFFD0]  }
0x42f: {  	s24 =	sadd.s32 $0xA0, s24;
	v17 =	vld [tilespmem:s10+$0x0];
	[tilespmem:s6+$0xFFFFFFD0] =	vst v14;
	v14 =	vadd.f32 v18, v4;
	v4 =	vmov v5;
	v5 =	vmov v21  }
0x430: {  	_ = 	snop  }
0x431: {  	v19 =	vld [tilespmem:s10+$0xFFFFFFC0];
	v18 =	vpop (erf)  }
0x432: {  	v16 =	vmul.f32 v18, v16  }
0x433: {  	v20 =	vpop (erf)  }
0x434: {  	v8 =	vmul.f32 v20, v8;
	v16 =	vadd.f32 v16, v17  }
0x435: {  	v41 =	vld [tilespmem:s7+$0x10]  }
0x436: {  	v8 =	vadd.f32 v8, v19;
	[tilespmem:s7+$0x0] =	vst v16  }
0x437: {  	v16 =	vld [tilespmem:s10+$0x10]  }
0x438: {  	[tilespmem:s7+$0xFFFFFFB0] =	vst v8  }
0x439: {  	v8 =	vld [tilespmem:s10+$0xFFFFFFD0]  }
0x43a: {  	v17 =	vmul.f32 v18, v41;
	_ =	sdelay $0x1  }
0x43b: {  	v10 =	vmul.f32 v20, v10;
	v16 =	vadd.f32 v16, v17  }
0x43c: {  	v42 =	vld [tilespmem:s7+$0x20];
	v11 =	vadd.f32 v15, v11  }
0x43d: {  	v8 =	vadd.f32 v8, v10;
	[tilespmem:s7+$0x10] =	vst v16  }
0x43e: {  	[tilespmem:s3+$0xFFFFFFC0] =	vst v11;
	v44 =	vld [tilespmem:s10+$0x20]  }
0x43f: {  	v43 =	vmul.f32 v13, v3;
	v45 =	vld [tilespmem:s9+$0xFFFFFFE0];
	[tilespmem:s7+$0xFFFFFFC0] =	vst v8  }
0x440: {  	v47 =	vld [tilespmem:s10+$0xFFFFFFE0]  }
0x441: {  	v46 =	vadd.f32 v12, v43;
	v15 =	vmul.f32 v42, v18  }
0x442: {  	v48 =	vld [tilespmem:s3+$0x30]  }
0x443: {  	v49 =	vld [tilespmem:s7+$0x30];
	v7 =	vmul.f32 v7, v20;
	[tilespmem:s3+$0x20] =	vst v46;
	v11 =	vadd.f32 v44, v15  }
0x444: {  	v9 =	vadd.f32 v45, v9;
	v8 =	vld [tilespmem:s9+$0x30]  }
0x445: {  	v50 =	vld [tilespmem:s8+$0xFFFFFFF0];
	v7 =	vadd.f32 v47, v7;
	[tilespmem:s7+$0x20] =	vst v11  }
0x446: {  	[tilespmem:s3+$0xFFFFFFD0] =	vst v9;
	v51 =	vld [tilespmem:s10+$0x30]  }
0x447: {  	v3 =	vmul.f32 v48, v3;
	v52 =	vld [tilespmem:s9+$0xFFFFFFF0];
	[tilespmem:s7+$0xFFFFFFD0] =	vst v7  }
0x448: {  	v7 =	vld [tilespmem:s10+$0xFFFFFFF0]  }
0x449: {  	v53 =	vmul.f32 v49, v18;
	v3 =	vadd.f32 v8, v3  }
0x44a: {  	[tilespmem:s5+$0xFFFFFFE0] =	vst v14;
	v4 =	vadd.f32 v50, v4  }
0x44b: {  	v6 =	vmul.f32 v6, v20;
	[tilespmem:s3+$0x30] =	vst v3;
	v3 =	vadd.f32 v51, v53  }
0x44c: {  	[tilespmem:s6+$0xFFFFFFE0] =	vst v4;
	v54 =	vadd.f32 v52, v5  }
0x44d: {  	[tilespmem:s7+$0x30] =	vst v3;
	v3 =	vadd.f32 v7, v6  }
0x44e: {  	[tilespmem:s3+$0xFFFFFFE0] =	vst v54  }
0x44f: {  	[tilespmem:s7+$0xFFFFFFE0] =	vst v3  }
0x450: {  	v3 =	vld [tilespmem:$0xEA40];
	_ =	sdelay $0x4  }
0x451: {  	v3 =	vadd.f32 $0.0e+00, v3;
	_ =	sdelay $0x1  }
0x452: {  	v3 =	vmax.f32 v3, $1.000000000e+00  }
0x453: {  	v3 =	vbroadcast v3, $0x0;
	_ =	sdelay $0x1  }
0x454: {  	(erf) = vrcp.f32 v3;
	_ =	sdelay $0x2  }
0x455: {  	v4 =	vld [tilespmem:$0x10950]  }
0x456: {  	v55 =	vld [tilespmem:$0xEA10]  }
0x457: {  	v3 =	vld [tilespmem:$0xEA00]  }
0x458: {  	v56 =	vld [tilespmem:$0x10960]  }
0x459: {  	v58 =	vld [tilespmem:$0xEA30]  }
0x45a: {  	v57 =	vld [tilespmem:$0xEA20]  }
0x45b: {  	v11 =	vld [tilespmem:$0x10980];
	v59 =	vpop (erf)  }
0x45c: {  	v60 =	vld [tilespmem:$0x10970];
	v3 =	vmul.f32 v59, v3  }
0x45d: {  	v5 =	vmul.f32 v59, v55  }
0x45e: {  	v62 =	vmul.f32 v58, v59;
	v3 =	vadd.f32 v3, v4  }
0x45f: {  	v61 =	vmul.f32 v57, v59;
	v5 =	vadd.f32 v56, v5  }
0x460: {  	v63 =	vadd.f32 v11, v62;
	[tilespmem:$0xEA00] =	vst v3  }
0x461: {  	v3 =	vadd.f32 v60, v61;
	[tilespmem:$0xEA10] =	vst v5  }
0x462: {  	s5 =	simm.s32 $0x10;
	[tilespmem:$0xEA30] =	vst v63  }
0x463: {  	s6 =	simm.s32 $0xC390;
	s3 =	simm.s32 $0xC340;
	s7 =	sadd.s32 $0x0, s16;
	[tilespmem:$0xEA20] =	vst v3  }
.LBB2_24:
0x464: {  	[hbm4b:s7+s2] =	stream.linear.scatter [tilespmem:s3], [sflag:$0x5], $0x40, $0x38;
	[tilespmem:$0x1CCE0] =	vst v63  }
0x465: {  	s7 =	smov.u32 s5;
	s3 =	smov.u32 s6;
	p0 =	sne.s32 s5, $0x7C0  }
.Ltmp11:
0x466: {  	s5 =	sadd.s32 $0x10, s5;
	(pc) =	sbr.rel @p0 .LBB2_24-.Ltmp11, $2  }
0x467: {  	_ =	sdelay $0x2  }
0x468: {  	s6 =	sadd.s32 $0x50, s6;
	s7 =	sadd.s32 s7, s16  }
0x469: {  	[hbm4b:s7+s2] =	stream.linear.scatter [tilespmem:s3], [sflag:$0x5], $0x40, $0x38;
	[tilespmem:$0x1CCE0] =	vst v63  }
0x46a: {  	_ =	swait.ge [sflag:s13], $0x1F40  }
0x46b: {  	[sflag:s13] =	ssyncset.done $0x0  }
0x46c: {  	s30 =	rddreg [dreg:$0x10];
	[sflag:s13] =	ssyncadd.s32 $0xFFFFE0C0  }
0x46d: {  	[tilespmem:s15], [sflag:$0x5] =	stream.linear.gather [spmem:s30], $0x2710, $0x38;
	[tilespmem:$0x1CCE0] =	vst v63  }
0x46e: {  	_ =	swait.ge [sflag:s13], $0x2710  }
0x46f: {  	[sflag:s13] =	ssyncset.done $0x0  }
0x470: {  	s31 =	rddreg [dreg:$0xd];
	[sflag:s13] =	ssyncadd.s32 $0xFFFFD8F0  }
0x471: {  	[tilespmem:s28], [sflag:$0x5] =	stream.strided.gather [hbm4b:s31+s25], $0x1F40, s26, s25, $0x38;
	[tilespmem:$0x1CCE0] =	vst v63  }
0x472: {  	_ =	swait.ge [sflag:s13], $0x1F40  }
0x473: {  	[sflag:s13] =	ssyncset.done $0x0  }
0x474: {  	s5 =	simm.s32 $0xC390;
	[sflag:s13] =	ssyncadd.s32 $0xFFFFE0C0  }
0x475: {  	v3 =	vld [tilespmem:s5+$0x40];
	_ =	sdelay $0x4  }
0x476: {  	v3 =	vadd.f32 $0.0e+00, v3;
	_ =	sdelay $0x1  }
0x477: {  	v3 =	vmax.f32 v3, $1.000000000e+00  }
0x478: {  	v3 =	vbroadcast v3, $0x0;
	_ =	sdelay $0x1  }
0x479: {  	(erf) = vrcp.f32 v3  }
0x47a: {  	v3 =	vld [tilespmem:s5+$0xFFFFFFF0];
	_ =	sdelay $0x3  }
0x47b: {  	s10 =	simm.s32 $0xEA90;
	v4 =	vld [tilespmem:s5+$0x0]  }
0x47c: {  	s6 =	simm.s32 $0xC430;
	v5 =	vld [tilespmem:s10+$0x0];
	v3 =	vadd.f32 $0.0e+00, v3  }
0x47d: {  	v6 =	vld [tilespmem:s6+$0x40]  }
0x47e: {  	v3 =	vmax.f32 v3, $1.000000000e+00  }
0x47f: {  	v3 =	vbroadcast v3, $0x0;
	v9 =	vpop (erf)  }
0x480: {  	v4 =	vmul.f32 v9, v4  }
0x481: {  	v7 =	vld [tilespmem:s5+$0xFFFFFFB0];
	(erf) = vrcp.f32 v3  }
0x482: {  	v8 =	vld [tilespmem:s5+$0xFFFFFFC0];
	v3 =	vadd.f32 v4, v5;
	v4 =	vadd.f32 $0.0e+00, v6  }
0x483: {  	v5 =	vld [tilespmem:s5+$0x10]  }
0x484: {  	v10 =	vld [tilespmem:s5+$0xFFFFFFD0];
	[tilespmem:s5+$0x0] =	vst v3;
	v3 =	vmax.f32 v4, $1.000000000e+00  }
0x485: {  	v4 =	vld [tilespmem:s10+$0x10];
	v3 =	vbroadcast v3, $0x0  }
0x486: {  	v6 =	vld [tilespmem:s6+$0xFFFFFFF0]  }
0x487: {  	v11 =	vld [tilespmem:s5+$0xFFFFFFE0];
	(erf) = vrcp.f32 v3  }
0x488: {  	v13 =	vld [tilespmem:s10+$0xFFFFFFC0];
	v3 =	vmul.f32 v9, v5  }
0x489: {  	v12 =	vld [tilespmem:s6+$0xFFFFFFB0]  }
0x48a: {  	v14 =	vld [tilespmem:s6+$0xFFFFFFC0];
	v15 =	vpop (erf);
	v3 =	vadd.f32 v4, v3  }
0x48b: {  	v6 =	vadd.f32 $0.0e+00, v6;
	v4 =	vmul.f32 v15, v7;
	v7 =	vld [tilespmem:s5+$0x20]  }
0x48c: {  	v17 =	vld [tilespmem:s6+$0x0];
	[tilespmem:s5+$0x10] =	vst v3  }
0x48d: {  	s8 =	simm.s32 $0xEB10;
	v3 =	vmax.f32 v6, $1.000000000e+00;
	v4 =	vadd.f32 v4, v13;
	v6 =	vld [tilespmem:s10+$0x20]  }
0x48e: {  	s3 =	simm.s32 $0xC4D0;
	v13 =	vld [tilespmem:s8+$0x0];
	v3 =	vbroadcast v3, $0x0  }
0x48f: {  	[tilespmem:s5+$0xFFFFFFB0] =	vst v4;
	v4 =	vld [tilespmem:s3+$0x40]  }
0x490: {  	v16 =	vld [tilespmem:s6+$0xFFFFFFE0];
	(erf) = vrcp.f32 v3;
	v7 =	vmul.f32 v7, v9;
	v18 =	vpop (erf)  }
0x491: {  	v19 =	vld [tilespmem:s3+$0xFFFFFFF0];
	v17 =	vmul.f32 v18, v17  }
0x492: {  	v3 =	vld [tilespmem:s10+$0xFFFFFFD0];
	v6 =	vadd.f32 v6, v7  }
0x493: {  	v20 =	vld [tilespmem:s3+$0xFFFFFFB0];
	v13 =	vadd.f32 v17, v13  }
0x494: {  	v17 =	vld [tilespmem:s6+$0x10];
	v4 =	vadd.f32 $0.0e+00, v4;
	[tilespmem:s5+$0x20] =	vst v6  }
0x495: {  	v22 =	vld [tilespmem:s3+$0xFFFFFFC0];
	v6 =	vmul.f32 v15, v8;
	[tilespmem:s6+$0x0] =	vst v13  }
0x496: {  	v4 =	vmax.f32 v4, $1.000000000e+00;
	v8 =	vld [tilespmem:s8+$0x10]  }
0x497: {  	v3 =	vadd.f32 v3, v6;
	v6 =	vld [tilespmem:s8+$0xFFFFFFC0];
	v4 =	vbroadcast v4, $0x0  }
0x498: {  	s9 =	simm.s32 $0xEB90;
	v23 =	vld [tilespmem:s3+$0xFFFFFFD0]  }
0x499: {  	s7 =	simm.s32 $0xC570;
	v25 =	vld [tilespmem:s9+$0x0];
	v13 =	vpop (erf);
	[tilespmem:s5+$0xFFFFFFC0] =	vst v3;
	(erf) = vrcp.f32 v4;
	v3 =	vmul.f32 v18, v17  }
0x49a: {  	v26 =	vld [tilespmem:s7+$0x40];
	v4 =	vmul.f32 v13, v12  }
0x49b: {  	v27 =	vld [tilespmem:s7+$0xFFFFFFF0];
	v3 =	vadd.f32 v8, v3;
	v8 =	vadd.f32 $0.0e+00, v19  }
0x49c: {  	v4 =	vadd.f32 v4, v6;
	v6 =	vld [tilespmem:s6+$0x20]  }
0x49d: {  	v19 =	vld [tilespmem:s3+$0x0];
	[tilespmem:s6+$0x10] =	vst v3;
	v3 =	vmax.f32 v8, $1.000000000e+00  }
0x49e: {  	[tilespmem:s6+$0xFFFFFFB0] =	vst v4;
	v4 =	vld [tilespmem:s8+$0x20];
	v3 =	vbroadcast v3, $0x0  }
0x49f: {  	v57 =	vld [tilespmem:s3+$0x10]  }
0x4a0: {  	v7 =	vld [tilespmem:s5+$0x30];
	(erf) = vrcp.f32 v3  }
0x4a1: {  	v12 =	vld [tilespmem:s10+$0xFFFFFFE0];
	v6 =	vmul.f32 v6, v18  }
0x4a2: {  	v5 =	vld [tilespmem:s6+$0xFFFFFFD0];
	v3 =	vpop (erf)  }
0x4a3: {  	v21 =	vld [tilespmem:s10+$0x30];
	v19 =	vmul.f32 v3, v19;
	v4 =	vadd.f32 v4, v6  }
0x4a4: {  	v28 =	vmul.f32 v10, v15;
	v6 =	vld [tilespmem:s6+$0x30]  }
0x4a5: {  	v24 =	vld [tilespmem:s8+$0xFFFFFFD0];
	v19 =	vadd.f32 v19, v25;
	[tilespmem:s6+$0x20] =	vst v4  }
0x4a6: {  	v9 =	vmul.f32 v7, v9;
	v12 =	vadd.f32 v12, v28;
	v4 =	vmul.f32 v13, v14;
	v14 =	vld [tilespmem:s8+$0x30]  }
0x4a7: {  	[tilespmem:s3+$0x0] =	vst v19;
	v19 =	vld [tilespmem:s9+$0xFFFFFFC0]  }
0x4a8: {  	v10 =	vld [tilespmem:s7+$0xFFFFFFC0];
	v9 =	vadd.f32 v21, v9;
	[tilespmem:s5+$0xFFFFFFD0] =	vst v12;
	v12 =	vadd.f32 $0.0e+00, v26  }
0x4a9: {  	v61 =	vadd.f32 $0.0e+00, v27;
	v59 =	vmul.f32 v11, v15;
	v7 =	vld [tilespmem:s7+$0xFFFFFFD0];
	v18 =	vmul.f32 v6, v18;
	v60 =	vpop (erf)  }
0x4aa: {  	[tilespmem:s5+$0x30] =	vst v9;
	v9 =	vmax.f32 v12, $1.000000000e+00;
	v4 =	vadd.f32 v24, v4;
	v58 =	vld [tilespmem:s9+$0x10];
	v11 =	vmul.f32 v60, v20  }
0x4ab: {  	v17 =	vld [tilespmem:s3+$0xFFFFFFE0];
	v12 =	vmax.f32 v61, $1.000000000e+00;
	v14 =	vadd.f32 v14, v18;
	v18 =	vbroadcast v9, $0x0  }
0x4ac: {  	v8 =	vld [tilespmem:s7+$0xFFFFFFB0];
	[tilespmem:s6+$0xFFFFFFC0] =	vst v4;
	v11 =	vadd.f32 v11, v19;
	v19 =	vbroadcast v12, $0x0  }
0x4ad: {  	v4 =	vmul.f32 v3, v57;
	v15 =	vld [tilespmem:s8+$0xFFFFFFE0];
	(erf) = vrcp.f32 v18  }
0x4ae: {  	v62 =	vld [tilespmem:s10+$0xFFFFFFF0];
	(erf) = vrcp.f32 v19  }
0x4af: {  	v6 =	vld [tilespmem:s7+$0xFFFFFFE0];
	v24 =	vadd.f32 v58, v4  }
0x4b0: {  	v5 =	vmul.f32 v5, v13;
	v4 =	vmul.f32 v16, v13;
	v13 =	vld [tilespmem:s3+$0x20]  }
0x4b1: {  	v16 =	vld [tilespmem:s7+$0x0];
	[tilespmem:s3+$0x10] =	vst v24  }
0x4b2: {  	[tilespmem:s3+$0xFFFFFFB0] =	vst v11;
	v63 =	vadd.f32 v15, v5;
	v12 =	vld [tilespmem:s9+$0x20]  }
0x4b3: {  	s10 =	simm.s32 $0xEC10;
	v9 =	vmul.f32 v23, v60;
	[tilespmem:s6+$0x30] =	vst v14;
	v15 =	vld [tilespmem:s9+$0xFFFFFFD0]  }
0x4b4: {  	s12 =	simm.s32 $0x6;
	s24 =	simm.s32 $0xC610;
	v14 =	vadd.f32 v62, v59;
	v11 =	vmul.f32 v60, v22;
	v5 =	vmul.f32 v17, v60;
	v17 =	vld [tilespmem:s10+$0x0];
	[tilespmem:s6+$0xFFFFFFD0] =	vst v63  }
.LBB2_26:
0x4b5: {  	v18 =	vld [tilespmem:s24+$0x40];
	s12 =	sadd.s32 $0x2, s12;
	v13 =	vmul.f32 v13, v3  }
0x4b6: {  	v19 =	vld [tilespmem:s24+$0xFFFFFFF0];
	p0 =	slt.u32 s12, $0x7A;
	v20 =	vpop (erf);
	[tilespmem:s5+$0xFFFFFFE0] =	vst v14;
	s5 =	smov.u32 s6;
	s6 =	smov.u32 s3  }
0x4b7: {  	s3 =	smov.u32 s7;
	s7 =	smov.u32 s24;
	v14 =	vld [tilespmem:s24+$0xFFFFFFB0];
	v16 =	vmul.f32 v20, v16;
	v21 =	vpop (erf);
	v12 =	vadd.f32 v12, v13  }
0x4b8: {  	v13 =	vmul.f32 v21, v8;
	v8 =	vadd.f32 v15, v11;
	v11 =	vmul.f32 v21, v10;
	v15 =	vld [tilespmem:s6+$0x30]  }
0x4b9: {  	v22 =	vmul.f32 v7, v21;
	v21 =	vmul.f32 v6, v21;
	v6 =	vadd.f32 v16, v17;
	v16 =	vld [tilespmem:s3+$0x10];
	[tilespmem:s6+$0x20] =	vst v12  }
0x4ba: {  	v7 =	vadd.f32 $0.0e+00, v18;
	[tilespmem:s6+$0xFFFFFFC0] =	vst v8;
	v12 =	vld [tilespmem:s9+$0x30]  }
0x4bb: {  	v10 =	vadd.f32 $0.0e+00, v19;
	v17 =	vld [tilespmem:s10+$0xFFFFFFC0];
	[tilespmem:s3+$0x0] =	vst v6  }
0x4bc: {  	v6 =	vmax.f32 v7, $1.000000000e+00;
	v18 =	vld [tilespmem:s10+$0x10];
	v8 =	vmov v14  }
0x4bd: {  	v7 =	vmax.f32 v10, $1.000000000e+00;
	v10 =	vld [tilespmem:s24+$0xFFFFFFC0];
	v6 =	vbroadcast v6, $0x0;
	v14 =	vmul.f32 v15, v3;
	v3 =	vmovc v20  }
0x4be: {  	v15 =	vbroadcast v7, $0x0;
	v7 =	vld [tilespmem:s24+$0xFFFFFFD0]  }
0x4bf: {  	v16 =	vmul.f32 v3, v16;
	(erf) = vrcp.f32 v6;
	v19 =	vld [tilespmem:s9+$0xFFFFFFE0];
	v12 =	vadd.f32 v12, v14  }
0x4c0: {  	v6 =	vld [tilespmem:s24+$0xFFFFFFE0];
	(erf) = vrcp.f32 v15;
	v13 =	vadd.f32 v13, v17  }
0x4c1: {  	v14 =	vadd.f32 v18, v16;
	[tilespmem:s6+$0x30] =	vst v12;
	v18 =	vld [tilespmem:s8+$0xFFFFFFF0];
	s8 =	smov.u32 s9;
	s9 =	smov.u32 s10  }
.Ltmp12:
0x4c2: {  	[tilespmem:s3+$0xFFFFFFB0] =	vst v13;
	v13 =	vld [tilespmem:s3+$0x20];
	(pc) =	sbr.rel @p0 .LBB2_26-.Ltmp12, $4  }
0x4c3: {  	v16 =	vld [tilespmem:s24+$0x0];
	[tilespmem:s3+$0x10] =	vst v14  }
0x4c4: {  	v12 =	vld [tilespmem:s10+$0x20];
	v14 =	vadd.f32 v19, v9;
	v9 =	vmov v22  }
0x4c5: {  	s10 =	sadd.s32 $0x80, s10;
	v15 =	vld [tilespmem:s9+$0xFFFFFFD0]  }
0x4c6: {  	s24 =	sadd.s32 $0xA0, s24;
	v17 =	vld [tilespmem:s10+$0x0];
	[tilespmem:s6+$0xFFFFFFD0] =	vst v14;
	v14 =	vadd.f32 v18, v4;
	v4 =	vmov v5;
	v5 =	vmov v21  }
0x4c7: {  	_ = 	snop  }
0x4c8: {  	v19 =	vld [tilespmem:s10+$0xFFFFFFC0];
	v18 =	vpop (erf)  }
0x4c9: {  	v16 =	vmul.f32 v18, v16  }
0x4ca: {  	v20 =	vpop (erf)  }
0x4cb: {  	v8 =	vmul.f32 v20, v8;
	v16 =	vadd.f32 v16, v17  }
0x4cc: {  	v41 =	vld [tilespmem:s7+$0x10]  }
0x4cd: {  	v8 =	vadd.f32 v8, v19;
	[tilespmem:s7+$0x0] =	vst v16  }
0x4ce: {  	v16 =	vld [tilespmem:s10+$0x10]  }
0x4cf: {  	[tilespmem:s7+$0xFFFFFFB0] =	vst v8  }
0x4d0: {  	v8 =	vld [tilespmem:s10+$0xFFFFFFD0]  }
0x4d1: {  	v17 =	vmul.f32 v18, v41;
	_ =	sdelay $0x1  }
0x4d2: {  	v10 =	vmul.f32 v20, v10;
	v16 =	vadd.f32 v16, v17  }
0x4d3: {  	v42 =	vld [tilespmem:s7+$0x20];
	v11 =	vadd.f32 v15, v11  }
0x4d4: {  	v8 =	vadd.f32 v8, v10;
	[tilespmem:s7+$0x10] =	vst v16  }
0x4d5: {  	[tilespmem:s3+$0xFFFFFFC0] =	vst v11;
	v44 =	vld [tilespmem:s10+$0x20]  }
0x4d6: {  	v43 =	vmul.f32 v13, v3;
	v45 =	vld [tilespmem:s9+$0xFFFFFFE0];
	[tilespmem:s7+$0xFFFFFFC0] =	vst v8  }
0x4d7: {  	v47 =	vld [tilespmem:s10+$0xFFFFFFE0]  }
0x4d8: {  	v46 =	vadd.f32 v12, v43;
	v15 =	vmul.f32 v42, v18  }
0x4d9: {  	v48 =	vld [tilespmem:s3+$0x30]  }
0x4da: {  	v49 =	vld [tilespmem:s7+$0x30];
	v7 =	vmul.f32 v7, v20;
	[tilespmem:s3+$0x20] =	vst v46;
	v11 =	vadd.f32 v44, v15  }
0x4db: {  	v9 =	vadd.f32 v45, v9;
	v8 =	vld [tilespmem:s9+$0x30]  }
0x4dc: {  	v50 =	vld [tilespmem:s8+$0xFFFFFFF0];
	v7 =	vadd.f32 v47, v7;
	[tilespmem:s7+$0x20] =	vst v11  }
0x4dd: {  	[tilespmem:s3+$0xFFFFFFD0] =	vst v9;
	v51 =	vld [tilespmem:s10+$0x30]  }
0x4de: {  	v3 =	vmul.f32 v48, v3;
	v52 =	vld [tilespmem:s9+$0xFFFFFFF0];
	[tilespmem:s7+$0xFFFFFFD0] =	vst v7  }
0x4df: {  	v7 =	vld [tilespmem:s10+$0xFFFFFFF0]  }
0x4e0: {  	v53 =	vmul.f32 v49, v18;
	v3 =	vadd.f32 v8, v3  }
0x4e1: {  	[tilespmem:s5+$0xFFFFFFE0] =	vst v14;
	v4 =	vadd.f32 v50, v4  }
0x4e2: {  	v6 =	vmul.f32 v6, v20;
	[tilespmem:s3+$0x30] =	vst v3;
	v3 =	vadd.f32 v51, v53  }
0x4e3: {  	[tilespmem:s6+$0xFFFFFFE0] =	vst v4;
	v54 =	vadd.f32 v52, v5  }
0x4e4: {  	[tilespmem:s7+$0x30] =	vst v3;
	v3 =	vadd.f32 v7, v6  }
0x4e5: {  	[tilespmem:s3+$0xFFFFFFE0] =	vst v54  }
0x4e6: {  	[tilespmem:s7+$0xFFFFFFE0] =	vst v3  }
0x4e7: {  	v3 =	vld [tilespmem:$0xEA40];
	_ =	sdelay $0x4  }
0x4e8: {  	v3 =	vadd.f32 $0.0e+00, v3;
	_ =	sdelay $0x1  }
0x4e9: {  	v3 =	vmax.f32 v3, $1.000000000e+00  }
0x4ea: {  	v3 =	vbroadcast v3, $0x0;
	_ =	sdelay $0x1  }
0x4eb: {  	(erf) = vrcp.f32 v3;
	_ =	sdelay $0x2  }
0x4ec: {  	v4 =	vld [tilespmem:$0x10950]  }
0x4ed: {  	v55 =	vld [tilespmem:$0xEA10]  }
0x4ee: {  	v3 =	vld [tilespmem:$0xEA00]  }
0x4ef: {  	v56 =	vld [tilespmem:$0x10960]  }
0x4f0: {  	v58 =	vld [tilespmem:$0xEA30]  }
0x4f1: {  	v57 =	vld [tilespmem:$0xEA20]  }
0x4f2: {  	v11 =	vld [tilespmem:$0x10980];
	v59 =	vpop (erf)  }
0x4f3: {  	v60 =	vld [tilespmem:$0x10970];
	v3 =	vmul.f32 v59, v3  }
0x4f4: {  	v5 =	vmul.f32 v59, v55  }
0x4f5: {  	v62 =	vmul.f32 v58, v59;
	v3 =	vadd.f32 v3, v4  }
0x4f6: {  	v61 =	vmul.f32 v57, v59;
	v5 =	vadd.f32 v56, v5  }
0x4f7: {  	v63 =	vadd.f32 v11, v62;
	[tilespmem:$0xEA00] =	vst v3  }
0x4f8: {  	v3 =	vadd.f32 v60, v61;
	[tilespmem:$0xEA10] =	vst v5  }
0x4f9: {  	s5 =	simm.s32 $0x10;
	[tilespmem:$0xEA30] =	vst v63  }
0x4fa: {  	s6 =	simm.s32 $0xC390;
	s3 =	simm.s32 $0xC340;
	s7 =	sadd.s32 $0x0, s18;
	[tilespmem:$0xEA20] =	vst v3  }
.LBB2_28:
0x4fb: {  	[hbm4b:s7+s2] =	stream.linear.scatter [tilespmem:s3], [sflag:$0x5], $0x40, $0x38;
	[tilespmem:$0x1CCE0] =	vst v63  }
0x4fc: {  	s7 =	smov.u32 s5;
	s3 =	smov.u32 s6;
	p0 =	sne.s32 s5, $0x7C0  }
.Ltmp13:
0x4fd: {  	s5 =	sadd.s32 $0x10, s5;
	(pc) =	sbr.rel @p0 .LBB2_28-.Ltmp13, $2  }
0x4fe: {  	_ =	sdelay $0x2  }
0x4ff: {  	s6 =	sadd.s32 $0x50, s6;
	s7 =	sadd.s32 s7, s18  }
0x500: {  	[hbm4b:s7+s2] =	stream.linear.scatter [tilespmem:s3], [sflag:$0x5], $0x40, $0x38;
	[tilespmem:$0x1CCE0] =	vst v63  }
0x501: {  	_ =	swait.ge [sflag:s13], $0x1F40  }
0x502: {  	[sflag:s13] =	ssyncset.done $0x0  }
0x503: {  	s30 =	rddreg [dreg:$0x11];
	[sflag:s13] =	ssyncadd.s32 $0xFFFFE0C0  }
0x504: {  	[tilespmem:s15], [sflag:$0x5] =	stream.linear.gather [spmem:s30], $0x2710, $0x38;
	[tilespmem:$0x1CCE0] =	vst v63  }
0x505: {  	_ =	swait.ge [sflag:s13], $0x2710  }
0x506: {  	[sflag:s13] =	ssyncset.done $0x0  }
0x507: {  	s31 =	rddreg [dreg:$0xe];
	[sflag:s13] =	ssyncadd.s32 $0xFFFFD8F0  }
0x508: {  	[tilespmem:s28], [sflag:$0x5] =	stream.strided.gather [hbm4b:s31+s25], $0x1F40, s26, s25, $0x38;
	[tilespmem:$0x1CCE0] =	vst v63  }
0x509: {  	_ =	swait.ge [sflag:s13], $0x1F40  }
0x50a: {  	[sflag:s13] =	ssyncset.done $0x0  }
0x50b: {  	s5 =	simm.s32 $0xC390;
	[sflag:s13] =	ssyncadd.s32 $0xFFFFE0C0  }
0x50c: {  	v3 =	vld [tilespmem:s5+$0x40];
	_ =	sdelay $0x4  }
0x50d: {  	v3 =	vadd.f32 $0.0e+00, v3;
	_ =	sdelay $0x1  }
0x50e: {  	v3 =	vmax.f32 v3, $1.000000000e+00  }
0x50f: {  	v3 =	vbroadcast v3, $0x0;
	_ =	sdelay $0x1  }
0x510: {  	(erf) = vrcp.f32 v3  }
0x511: {  	v3 =	vld [tilespmem:s5+$0xFFFFFFF0];
	_ =	sdelay $0x3  }
0x512: {  	s10 =	simm.s32 $0xEA90;
	v4 =	vld [tilespmem:s5+$0x0]  }
0x513: {  	s6 =	simm.s32 $0xC430;
	v5 =	vld [tilespmem:s10+$0x0];
	v3 =	vadd.f32 $0.0e+00, v3  }
0x514: {  	v6 =	vld [tilespmem:s6+$0x40]  }
0x515: {  	v3 =	vmax.f32 v3, $1.000000000e+00  }
0x516: {  	v3 =	vbroadcast v3, $0x0;
	v9 =	vpop (erf)  }
0x517: {  	v4 =	vmul.f32 v9, v4  }
0x518: {  	v7 =	vld [tilespmem:s5+$0xFFFFFFB0];
	(erf) = vrcp.f32 v3  }
0x519: {  	v8 =	vld [tilespmem:s5+$0xFFFFFFC0];
	v3 =	vadd.f32 v4, v5;
	v4 =	vadd.f32 $0.0e+00, v6  }
0x51a: {  	v5 =	vld [tilespmem:s5+$0x10]  }
0x51b: {  	v10 =	vld [tilespmem:s5+$0xFFFFFFD0];
	[tilespmem:s5+$0x0] =	vst v3;
	v3 =	vmax.f32 v4, $1.000000000e+00  }
0x51c: {  	v4 =	vld [tilespmem:s10+$0x10];
	v3 =	vbroadcast v3, $0x0  }
0x51d: {  	v6 =	vld [tilespmem:s6+$0xFFFFFFF0]  }
0x51e: {  	v11 =	vld [tilespmem:s5+$0xFFFFFFE0];
	(erf) = vrcp.f32 v3  }
0x51f: {  	v13 =	vld [tilespmem:s10+$0xFFFFFFC0];
	v3 =	vmul.f32 v9, v5  }
0x520: {  	v12 =	vld [tilespmem:s6+$0xFFFFFFB0]  }
0x521: {  	v14 =	vld [tilespmem:s6+$0xFFFFFFC0];
	v15 =	vpop (erf);
	v3 =	vadd.f32 v4, v3  }
0x522: {  	v6 =	vadd.f32 $0.0e+00, v6;
	v4 =	vmul.f32 v15, v7;
	v7 =	vld [tilespmem:s5+$0x20]  }
0x523: {  	v17 =	vld [tilespmem:s6+$0x0];
	[tilespmem:s5+$0x10] =	vst v3  }
0x524: {  	s8 =	simm.s32 $0xEB10;
	v3 =	vmax.f32 v6, $1.000000000e+00;
	v4 =	vadd.f32 v4, v13;
	v6 =	vld [tilespmem:s10+$0x20]  }
0x525: {  	s3 =	simm.s32 $0xC4D0;
	v13 =	vld [tilespmem:s8+$0x0];
	v3 =	vbroadcast v3, $0x0  }
0x526: {  	[tilespmem:s5+$0xFFFFFFB0] =	vst v4;
	v4 =	vld [tilespmem:s3+$0x40]  }
0x527: {  	v16 =	vld [tilespmem:s6+$0xFFFFFFE0];
	(erf) = vrcp.f32 v3;
	v7 =	vmul.f32 v7, v9;
	v18 =	vpop (erf)  }
0x528: {  	v19 =	vld [tilespmem:s3+$0xFFFFFFF0];
	v17 =	vmul.f32 v18, v17  }
0x529: {  	v3 =	vld [tilespmem:s10+$0xFFFFFFD0];
	v6 =	vadd.f32 v6, v7  }
0x52a: {  	v20 =	vld [tilespmem:s3+$0xFFFFFFB0];
	v13 =	vadd.f32 v17, v13  }
0x52b: {  	v17 =	vld [tilespmem:s6+$0x10];
	v4 =	vadd.f32 $0.0e+00, v4;
	[tilespmem:s5+$0x20] =	vst v6  }
0x52c: {  	v22 =	vld [tilespmem:s3+$0xFFFFFFC0];
	v6 =	vmul.f32 v15, v8;
	[tilespmem:s6+$0x0] =	vst v13  }
0x52d: {  	v4 =	vmax.f32 v4, $1.000000000e+00;
	v8 =	vld [tilespmem:s8+$0x10]  }
0x52e: {  	v3 =	vadd.f32 v3, v6;
	v6 =	vld [tilespmem:s8+$0xFFFFFFC0];
	v4 =	vbroadcast v4, $0x0  }
0x52f: {  	s9 =	simm.s32 $0xEB90;
	v23 =	vld [tilespmem:s3+$0xFFFFFFD0]  }
0x530: {  	s7 =	simm.s32 $0xC570;
	v25 =	vld [tilespmem:s9+$0x0];
	v13 =	vpop (erf);
	[tilespmem:s5+$0xFFFFFFC0] =	vst v3;
	(erf) = vrcp.f32 v4;
	v3 =	vmul.f32 v18, v17  }
0x531: {  	v26 =	vld [tilespmem:s7+$0x40];
	v4 =	vmul.f32 v13, v12  }
0x532: {  	v27 =	vld [tilespmem:s7+$0xFFFFFFF0];
	v3 =	vadd.f32 v8, v3;
	v8 =	vadd.f32 $0.0e+00, v19  }
0x533: {  	v4 =	vadd.f32 v4, v6;
	v6 =	vld [tilespmem:s6+$0x20]  }
0x534: {  	v19 =	vld [tilespmem:s3+$0x0];
	[tilespmem:s6+$0x10] =	vst v3;
	v3 =	vmax.f32 v8, $1.000000000e+00  }
0x535: {  	[tilespmem:s6+$0xFFFFFFB0] =	vst v4;
	v4 =	vld [tilespmem:s8+$0x20];
	v3 =	vbroadcast v3, $0x0  }
0x536: {  	v57 =	vld [tilespmem:s3+$0x10]  }
0x537: {  	v7 =	vld [tilespmem:s5+$0x30];
	(erf) = vrcp.f32 v3  }
0x538: {  	v12 =	vld [tilespmem:s10+$0xFFFFFFE0];
	v6 =	vmul.f32 v6, v18  }
0x539: {  	v5 =	vld [tilespmem:s6+$0xFFFFFFD0];
	v3 =	vpop (erf)  }
0x53a: {  	v21 =	vld [tilespmem:s10+$0x30];
	v19 =	vmul.f32 v3, v19;
	v4 =	vadd.f32 v4, v6  }
0x53b: {  	v28 =	vmul.f32 v10, v15;
	v6 =	vld [tilespmem:s6+$0x30]  }
0x53c: {  	v24 =	vld [tilespmem:s8+$0xFFFFFFD0];
	v19 =	vadd.f32 v19, v25;
	[tilespmem:s6+$0x20] =	vst v4  }
0x53d: {  	v9 =	vmul.f32 v7, v9;
	v12 =	vadd.f32 v12, v28;
	v4 =	vmul.f32 v13, v14;
	v14 =	vld [tilespmem:s8+$0x30]  }
0x53e: {  	[tilespmem:s3+$0x0] =	vst v19;
	v19 =	vld [tilespmem:s9+$0xFFFFFFC0]  }
0x53f: {  	v10 =	vld [tilespmem:s7+$0xFFFFFFC0];
	v9 =	vadd.f32 v21, v9;
	[tilespmem:s5+$0xFFFFFFD0] =	vst v12;
	v12 =	vadd.f32 $0.0e+00, v26  }
0x540: {  	v61 =	vadd.f32 $0.0e+00, v27;
	v59 =	vmul.f32 v11, v15;
	v7 =	vld [tilespmem:s7+$0xFFFFFFD0];
	v18 =	vmul.f32 v6, v18;
	v60 =	vpop (erf)  }
0x541: {  	[tilespmem:s5+$0x30] =	vst v9;
	v9 =	vmax.f32 v12, $1.000000000e+00;
	v4 =	vadd.f32 v24, v4;
	v58 =	vld [tilespmem:s9+$0x10];
	v11 =	vmul.f32 v60, v20  }
0x542: {  	v17 =	vld [tilespmem:s3+$0xFFFFFFE0];
	v12 =	vmax.f32 v61, $1.000000000e+00;
	v14 =	vadd.f32 v14, v18;
	v18 =	vbroadcast v9, $0x0  }
0x543: {  	v8 =	vld [tilespmem:s7+$0xFFFFFFB0];
	[tilespmem:s6+$0xFFFFFFC0] =	vst v4;
	v11 =	vadd.f32 v11, v19;
	v19 =	vbroadcast v12, $0x0  }
0x544: {  	v4 =	vmul.f32 v3, v57;
	v15 =	vld [tilespmem:s8+$0xFFFFFFE0];
	(erf) = vrcp.f32 v18  }
0x545: {  	v62 =	vld [tilespmem:s10+$0xFFFFFFF0];
	(erf) = vrcp.f32 v19  }
0x546: {  	v6 =	vld [tilespmem:s7+$0xFFFFFFE0];
	v24 =	vadd.f32 v58, v4  }
0x547: {  	v5 =	vmul.f32 v5, v13;
	v4 =	vmul.f32 v16, v13;
	v13 =	vld [tilespmem:s3+$0x20]  }
0x548: {  	v16 =	vld [tilespmem:s7+$0x0];
	[tilespmem:s3+$0x10] =	vst v24  }
0x549: {  	[tilespmem:s3+$0xFFFFFFB0] =	vst v11;
	v63 =	vadd.f32 v15, v5;
	v12 =	vld [tilespmem:s9+$0x20]  }
0x54a: {  	s10 =	simm.s32 $0xEC10;
	v9 =	vmul.f32 v23, v60;
	[tilespmem:s6+$0x30] =	vst v14;
	v15 =	vld [tilespmem:s9+$0xFFFFFFD0]  }
0x54b: {  	s12 =	simm.s32 $0x6;
	s24 =	simm.s32 $0xC610;
	v14 =	vadd.f32 v62, v59;
	v11 =	vmul.f32 v60, v22;
	v5 =	vmul.f32 v17, v60;
	v17 =	vld [tilespmem:s10+$0x0];
	[tilespmem:s6+$0xFFFFFFD0] =	vst v63  }
.LBB2_30:
0x54c: {  	v18 =	vld [tilespmem:s24+$0x40];
	s12 =	sadd.s32 $0x2, s12;
	v13 =	vmul.f32 v13, v3  }
0x54d: {  	v19 =	vld [tilespmem:s24+$0xFFFFFFF0];
	p0 =	slt.u32 s12, $0x7A;
	v20 =	vpop (erf);
	[tilespmem:s5+$0xFFFFFFE0] =	vst v14;
	s5 =	smov.u32 s6;
	s6 =	smov.u32 s3  }
0x54e: {  	s3 =	smov.u32 s7;
	s7 =	smov.u32 s24;
	v14 =	vld [tilespmem:s24+$0xFFFFFFB0];
	v16 =	vmul.f32 v20, v16;
	v21 =	vpop (erf);
	v12 =	vadd.f32 v12, v13  }
0x54f: {  	v13 =	vmul.f32 v21, v8;
	v8 =	vadd.f32 v15, v11;
	v11 =	vmul.f32 v21, v10;
	v15 =	vld [tilespmem:s6+$0x30]  }
0x550: {  	v22 =	vmul.f32 v7, v21;
	v21 =	vmul.f32 v6, v21;
	v6 =	vadd.f32 v16, v17;
	v16 =	vld [tilespmem:s3+$0x10];
	[tilespmem:s6+$0x20] =	vst v12  }
0x551: {  	v7 =	vadd.f32 $0.0e+00, v18;
	[tilespmem:s6+$0xFFFFFFC0] =	vst v8;
	v12 =	vld [tilespmem:s9+$0x30]  }
0x552: {  	v10 =	vadd.f32 $0.0e+00, v19;
	v17 =	vld [tilespmem:s10+$0xFFFFFFC0];
	[tilespmem:s3+$0x0] =	vst v6  }
0x553: {  	v6 =	vmax.f32 v7, $1.000000000e+00;
	v18 =	vld [tilespmem:s10+$0x10];
	v8 =	vmov v14  }
0x554: {  	v7 =	vmax.f32 v10, $1.000000000e+00;
	v10 =	vld [tilespmem:s24+$0xFFFFFFC0];
	v6 =	vbroadcast v6, $0x0;
	v14 =	vmul.f32 v15, v3;
	v3 =	vmovc v20  }
0x555: {  	v15 =	vbroadcast v7, $0x0;
	v7 =	vld [tilespmem:s24+$0xFFFFFFD0]  }
0x556: {  	v16 =	vmul.f32 v3, v16;
	(erf) = vrcp.f32 v6;
	v19 =	vld [tilespmem:s9+$0xFFFFFFE0];
	v12 =	vadd.f32 v12, v14  }
0x557: {  	v6 =	vld [tilespmem:s24+$0xFFFFFFE0];
	(erf) = vrcp.f32 v15;
	v13 =	vadd.f32 v13, v17  }
0x558: {  	v14 =	vadd.f32 v18, v16;
	[tilespmem:s6+$0x30] =	vst v12;
	v18 =	vld [tilespmem:s8+$0xFFFFFFF0];
	s8 =	smov.u32 s9;
	s9 =	smov.u32 s10  }
.Ltmp14:
0x559: {  	[tilespmem:s3+$0xFFFFFFB0] =	vst v13;
	v13 =	vld [tilespmem:s3+$0x20];
	(pc) =	sbr.rel @p0 .LBB2_30-.Ltmp14, $4  }
0x55a: {  	v16 =	vld [tilespmem:s24+$0x0];
	[tilespmem:s3+$0x10] =	vst v14  }
0x55b: {  	v12 =	vld [tilespmem:s10+$0x20];
	v14 =	vadd.f32 v19, v9;
	v9 =	vmov v22  }
0x55c: {  	s10 =	sadd.s32 $0x80, s10;
	v15 =	vld [tilespmem:s9+$0xFFFFFFD0]  }
0x55d: {  	s24 =	sadd.s32 $0xA0, s24;
	v17 =	vld [tilespmem:s10+$0x0];
	[tilespmem:s6+$0xFFFFFFD0] =	vst v14;
	v14 =	vadd.f32 v18, v4;
	v4 =	vmov v5;
	v5 =	vmov v21  }
0x55e: {  	_ = 	snop  }
0x55f: {  	v19 =	vld [tilespmem:s10+$0xFFFFFFC0];
	v18 =	vpop (erf)  }
0x560: {  	v16 =	vmul.f32 v18, v16  }
0x561: {  	v20 =	vpop (erf)  }
0x562: {  	v8 =	vmul.f32 v20, v8;
	v16 =	vadd.f32 v16, v17  }
0x563: {  	v41 =	vld [tilespmem:s7+$0x10]  }
0x564: {  	v8 =	vadd.f32 v8, v19;
	[tilespmem:s7+$0x0] =	vst v16  }
0x565: {  	v16 =	vld [tilespmem:s10+$0x10]  }
0x566: {  	[tilespmem:s7+$0xFFFFFFB0] =	vst v8  }
0x567: {  	v8 =	vld [tilespmem:s10+$0xFFFFFFD0]  }
0x568: {  	v17 =	vmul.f32 v18, v41;
	_ =	sdelay $0x1  }
0x569: {  	v10 =	vmul.f32 v20, v10;
	v16 =	vadd.f32 v16, v17  }
0x56a: {  	v42 =	vld [tilespmem:s7+$0x20];
	v11 =	vadd.f32 v15, v11  }
0x56b: {  	v8 =	vadd.f32 v8, v10;
	[tilespmem:s7+$0x10] =	vst v16  }
0x56c: {  	[tilespmem:s3+$0xFFFFFFC0] =	vst v11;
	v44 =	vld [tilespmem:s10+$0x20]  }
0x56d: {  	v43 =	vmul.f32 v13, v3;
	v45 =	vld [tilespmem:s9+$0xFFFFFFE0];
	[tilespmem:s7+$0xFFFFFFC0] =	vst v8  }
0x56e: {  	v47 =	vld [tilespmem:s10+$0xFFFFFFE0]  }
0x56f: {  	v46 =	vadd.f32 v12, v43;
	v15 =	vmul.f32 v42, v18  }
0x570: {  	v48 =	vld [tilespmem:s3+$0x30]  }
0x571: {  	v49 =	vld [tilespmem:s7+$0x30];
	v7 =	vmul.f32 v7, v20;
	[tilespmem:s3+$0x20] =	vst v46;
	v11 =	vadd.f32 v44, v15  }
0x572: {  	v9 =	vadd.f32 v45, v9;
	v8 =	vld [tilespmem:s9+$0x30]  }
0x573: {  	v50 =	vld [tilespmem:s8+$0xFFFFFFF0];
	v7 =	vadd.f32 v47, v7;
	[tilespmem:s7+$0x20] =	vst v11  }
0x574: {  	[tilespmem:s3+$0xFFFFFFD0] =	vst v9;
	v51 =	vld [tilespmem:s10+$0x30]  }
0x575: {  	v3 =	vmul.f32 v48, v3;
	v52 =	vld [tilespmem:s9+$0xFFFFFFF0];
	[tilespmem:s7+$0xFFFFFFD0] =	vst v7  }
0x576: {  	v7 =	vld [tilespmem:s10+$0xFFFFFFF0]  }
0x577: {  	v53 =	vmul.f32 v49, v18;
	v3 =	vadd.f32 v8, v3  }
0x578: {  	[tilespmem:s5+$0xFFFFFFE0] =	vst v14;
	v4 =	vadd.f32 v50, v4  }
0x579: {  	v6 =	vmul.f32 v6, v20;
	[tilespmem:s3+$0x30] =	vst v3;
	v3 =	vadd.f32 v51, v53  }
0x57a: {  	[tilespmem:s6+$0xFFFFFFE0] =	vst v4;
	v54 =	vadd.f32 v52, v5  }
0x57b: {  	[tilespmem:s7+$0x30] =	vst v3;
	v3 =	vadd.f32 v7, v6  }
0x57c: {  	[tilespmem:s3+$0xFFFFFFE0] =	vst v54  }
0x57d: {  	[tilespmem:s7+$0xFFFFFFE0] =	vst v3  }
0x57e: {  	v3 =	vld [tilespmem:$0xEA40];
	_ =	sdelay $0x4  }
0x57f: {  	v3 =	vadd.f32 $0.0e+00, v3;
	_ =	sdelay $0x1  }
0x580: {  	v3 =	vmax.f32 v3, $1.000000000e+00  }
0x581: {  	v3 =	vbroadcast v3, $0x0;
	_ =	sdelay $0x1  }
0x582: {  	(erf) = vrcp.f32 v3;
	_ =	sdelay $0x2  }
0x583: {  	v4 =	vld [tilespmem:$0x10950]  }
0x584: {  	v55 =	vld [tilespmem:$0xEA10]  }
0x585: {  	v3 =	vld [tilespmem:$0xEA00]  }
0x586: {  	v56 =	vld [tilespmem:$0x10960]  }
0x587: {  	v58 =	vld [tilespmem:$0xEA30]  }
0x588: {  	v57 =	vld [tilespmem:$0xEA20]  }
0x589: {  	v11 =	vld [tilespmem:$0x10980];
	v59 =	vpop (erf)  }
0x58a: {  	v60 =	vld [tilespmem:$0x10970];
	v3 =	vmul.f32 v59, v3  }
0x58b: {  	v5 =	vmul.f32 v59, v55  }
0x58c: {  	v62 =	vmul.f32 v58, v59;
	v3 =	vadd.f32 v3, v4  }
0x58d: {  	v61 =	vmul.f32 v57, v59;
	v5 =	vadd.f32 v56, v5  }
0x58e: {  	v63 =	vadd.f32 v11, v62;
	[tilespmem:$0xEA00] =	vst v3  }
0x58f: {  	v3 =	vadd.f32 v60, v61;
	[tilespmem:$0xEA10] =	vst v5  }
0x590: {  	s5 =	simm.s32 $0x10;
	[tilespmem:$0xEA30] =	vst v63  }
0x591: {  	s6 =	simm.s32 $0xC390;
	s3 =	simm.s32 $0xC340;
	s7 =	sadd.s32 $0x0, s20;
	[tilespmem:$0xEA20] =	vst v3  }
.LBB2_32:
0x592: {  	[hbm4b:s7+s2] =	stream.linear.scatter [tilespmem:s3], [sflag:$0x5], $0x40, $0x38;
	[tilespmem:$0x1CCE0] =	vst v63  }
0x593: {  	s7 =	smov.u32 s5;
	s3 =	smov.u32 s6;
	p0 =	sne.s32 s5, $0x7C0  }
.Ltmp15:
0x594: {  	s5 =	sadd.s32 $0x10, s5;
	(pc) =	sbr.rel @p0 .LBB2_32-.Ltmp15, $2  }
0x595: {  	_ =	sdelay $0x2  }
0x596: {  	s6 =	sadd.s32 $0x50, s6;
	s7 =	sadd.s32 s7, s20  }
0x597: {  	[hbm4b:s7+s2] =	stream.linear.scatter [tilespmem:s3], [sflag:$0x5], $0x40, $0x38;
	[tilespmem:$0x1CCE0] =	vst v63  }
0x598: {  	_ =	swait.ge [sflag:s13], $0x1F40  }
0x599: {  	s5 =	rddreg [dreg:$0x14]  }
0x59a: {  	s31 =	rddreg [dreg:$0x12];
	s5 =	sadd.s32 $0x1, s5  }
0x59b: {  	p0 =	sne.s32 s5, s31  }
.Ltmp16:
0x59c: {  	_ = 	snop;
	(pc) =	sbr.rel @p0 .LBB2_1-.Ltmp16, $3  }
0x59d: {  	_ =	sdelay $0x1  }
0x59e: {  	[sflag:s13] =	ssyncset.done $0x0  }
0x59f: {  	[sflag:s13] =	ssyncadd.s32 $0xFFFFE0C0  }
0x5a0: {  	_ =	sfence.sel $0x180000  }
0x5a1: {  	[bflag:$0x0] =	sbarrier.arrive $0xFFFF  }
0x5a2: {  	_ =	strace $0x90000047  }
0x5a3: {  	s0 =	stileid.u32;
	[bflag:$0x2] =	sbarrier.arrive $0xFFFF  }
0x5a4: {  	p0 =	sne.s32 s0, $0x0;
	s0 =	rddreg [dreg:$0x3]  }
0x5a5: {  	s0 =	sadd.s32 @!p0 $0x100000, s0  }
0x5a6: {  	[sflag:s0] =	ssyncadd.tile.s32 @!p0 $0x1;
	_ =	shalt  }
.Lfunc_end2:
_tile_overlayer_lowered:
.L_overlay_start_2:
0x5a7: {  	(tag) =	ssettag $0x2  }
0x5a8: {  	s0 =	rddreg [dreg:$0x0];
	s2 =	stileid.u32  }
0x5a9: {  	s1 =	rddreg [dreg:$0x1];
	p0 =	sne.s32 s2, $0x0  }
0x5aa: {  	s3 =	rddreg [dreg:$0x2];
	[bflag:$0x3] =	sbarrier.arrive $0xFFFF;
	s2 =	simm.s32 @!p0 $0x1C05  }
0x5ab: {  	[timem:s3], [sflag:s2] =	dma.local @!p0 [hbm:s0], s1  }
0x5ac: {  	s0 =	simm.s32 @!p0 $0x5  }
0x5ad: {  	_ =	swait.ge @!p0 [sflag:s0], s1  }
0x5ae: {  	s1 =	ssub.s32 @!p0 $0x0, s1;
	[sflag:s0] =	ssyncset.done @!p0 $0x0  }
0x5af: {  	[sflag:s0] =	ssyncadd.s32 @!p0 s1  }
0x5b0: {  	[bflag:$0x3] =	sbarrier.arrive $0xFFFF  }
0x5b1: {  	_ =	shalt  }

</sc_bundles>
